<compile_context>
chip_gen: v7x
topology: tpu7x:2x2x1
jax: 0.10.2.dev20260603
libtpu: 0.0.44.dev20260713+nightly
codegen_flags: <defaults>
</compile_context>

<pallas_src>
import functools

import jax
import jax.numpy as jnp
from jax import lax
from jax.experimental import pallas as pl
from jax.experimental.pallas import tpu as pltpu
from jax.experimental.pallas import tpu_sc as plsc

B = 16384
HIDDEN = 256
ACTIONS = 64
EMB = 16
NFIELDS = 17
CONCAT = NFIELDS * EMB
TABLE_ROWS = 25 + (NFIELDS - 1) * 10

GPB = 24
PADW = GPB * EMB
NC, NS = 2, 16
NW = NC * NS
R = B * GPB
R_PER_W = R // NW
IDX_MINOR = 128
B_PER_CHUNK = 128
CHUNK = B_PER_CHUNK * GPB
STREAMS_PER_CHUNK = CHUNK // IDX_MINOR
B_PER_W = B // NW
NCHUNK = B_PER_W // B_PER_CHUNK


def _sc_gather(flat_table, gidx_flat):
    mesh = plsc.VectorSubcoreMesh(core_axis_name="c", subcore_axis_name="s")

    @functools.partial(
        pl.kernel,
        mesh=mesh,
        out_type=jax.ShapeDtypeStruct((R, EMB), jnp.float32),
        scratch_types=[
            pltpu.VMEM((TABLE_ROWS, EMB), jnp.float32),
            pltpu.VMEM_SHARED((TABLE_ROWS, EMB), jnp.float32),
            pltpu.VMEM((R_PER_W,), jnp.int32),
            pltpu.VMEM((2, CHUNK, EMB), jnp.float32),
            pltpu.SemaphoreType.DMA,
        ],
        compiler_params=pltpu.CompilerParams(use_tc_tiling_on_sc=False),
    )
    def gather_kernel(tbl_hbm, gidx_hbm, out_hbm, tbl_v, tbl_s, idx_v, rows_v, sem):
        sid = lax.axis_index("s")
        wid = sid * NC + lax.axis_index("c")
        base = wid * R_PER_W

        @pl.when(sid == 0)
        def _stage_table():
            pltpu.sync_copy(tbl_hbm, tbl_v)
            pltpu.sync_copy(tbl_v, tbl_s)

        plsc.subcore_barrier()
        pltpu.sync_copy(gidx_hbm.at[pl.ds(base, R_PER_W)], idx_v)

        def fire(k, p):
            if k >= NCHUNK:
                return []
            return [
                pltpu.async_copy(
                    tbl_s.at[
                        idx_v.at[
                            pl.ds((k * STREAMS_PER_CHUNK + j) * IDX_MINOR, IDX_MINOR)
                        ]
                    ],
                    rows_v.at[p].at[pl.ds(j * IDX_MINOR, IDX_MINOR)],
                    sem,
                )
                for j in range(STREAMS_PER_CHUNK)
            ]

        handles = fire(0, 0)
        for k in range(NCHUNK):
            nxt = fire(k + 1, (k + 1) % 2)
            for hd in handles:
                hd.wait()
            handles = nxt
            pltpu.sync_copy(
                rows_v.at[k % 2],
                out_hbm.at[pl.ds(base + k * CHUNK, CHUNK)],
            )

    return gather_kernel(flat_table, gidx_flat)


def _mlp(emb128, W1p, b1, W2, b2, W3, b3):
    BB = 1024

    def body(e0_ref, e1_ref, e2_ref, w1_ref, b1_ref, w2_ref, b2_ref, w3_ref, b3_ref, out_ref):
        h = b1_ref[...]
        for g, eref in enumerate((e0_ref, e1_ref, e2_ref)):
            h = h + jnp.dot(
                eref[...],
                w1_ref[pl.ds(g * 128, 128), :],
                preferred_element_type=jnp.float32,
            )
        h = jnp.maximum(h, 0.0)
        h = jnp.maximum(
            jnp.dot(h, w2_ref[...], preferred_element_type=jnp.float32)
            + b2_ref[...],
            0.0,
        )
        logits = (
            jnp.dot(h, w3_ref[...], preferred_element_type=jnp.float32)
            + b3_ref[...]
        )
        m = jnp.max(logits, axis=1, keepdims=True)
        ex = jnp.exp(logits - m)
        out_ref[...] = ex / jnp.sum(ex, axis=1, keepdims=True)

    nb = B // BB
    return pl.pallas_call(
        body,
        grid=(nb,),
        in_specs=[
            pl.BlockSpec((BB, 128), lambda i: (i, 0)),
            pl.BlockSpec((BB, 128), lambda i: (i + nb, 0)),
            pl.BlockSpec((BB, 128), lambda i: (i + 2 * nb, 0)),
            pl.BlockSpec((PADW, HIDDEN), lambda i: (0, 0)),
            pl.BlockSpec((1, HIDDEN), lambda i: (0, 0)),
            pl.BlockSpec((HIDDEN, HIDDEN), lambda i: (0, 0)),
            pl.BlockSpec((1, HIDDEN), lambda i: (0, 0)),
            pl.BlockSpec((HIDDEN, ACTIONS), lambda i: (0, 0)),
            pl.BlockSpec((1, ACTIONS), lambda i: (0, 0)),
        ],
        out_specs=pl.BlockSpec((BB, ACTIONS), lambda i: (i, 0)),
        out_shape=jax.ShapeDtypeStruct((B, ACTIONS), jnp.float32),
    )(emb128, emb128, emb128, W1p, b1, W2, b2, W3, b3)


def kernel(x, table0, tables, W1, b1, W2, b2, W3, b3):
    flat_table = jnp.concatenate([table0, tables.reshape(-1, EMB)], axis=0)
    offs = jnp.concatenate(
        [
            jnp.zeros((1,), jnp.int32),
            25 + 10 * jnp.arange(NFIELDS - 1, dtype=jnp.int32),
        ]
    )
    core = x.astype(jnp.int32) + offs[None, :]
    core_pad = jnp.concatenate([core, core[:, :7]], axis=1)
    gidx = core_pad.reshape(B, 3, 8).transpose(1, 0, 2).reshape(-1)
    emb_rows = _sc_gather(flat_table, gidx)
    emb128 = emb_rows.reshape(B * PADW // 128, 128)
    W1p = jnp.concatenate([W1, jnp.zeros((PADW - CONCAT, HIDDEN), W1.dtype)])
    return _mlp(
        emb128,
        W1p,
        b1.reshape(1, HIDDEN),
        W2,
        b2.reshape(1, HIDDEN),
        W3,
        b3.reshape(1, ACTIONS),
    )

# --- scband reference (transcript-rebuilt; emitter-appended) ---
"""Pipeline reference for scband-policy-net-18605798326904 (READ-ONLY COPY).

The authoritative reference and input builder live on the scoring server;
editing this copy changes nothing except your own understanding.
"""

import jax, jax.numpy as jnp
import numpy as np

B = 16384
HIDDEN = 256
ACTIONS = 64
EMB = 16
NFIELDS = 17
CONCAT = NFIELDS * EMB  # 272


def setup_inputs(seed: int = 0) -> dict:
    key = jax.random.key(seed)
    ks = jax.random.split(key, 12)
    x = jax.random.randint(ks[0], (B, NFIELDS), 0, 10, dtype=jnp.int64)
    table0 = jax.random.normal(ks[1], (25, EMB), dtype=jnp.float32) * 0.1
    # tables 1..16 stacked: [16, 10, 16]
    tables = jax.random.normal(ks[2], (NFIELDS - 1, 10, EMB), dtype=jnp.float32) * 0.1
    W1 = jax.random.normal(ks[3], (CONCAT, HIDDEN), dtype=jnp.float32) * (2.0 / CONCAT) ** 0.5
    b1 = jnp.zeros((HIDDEN,), dtype=jnp.float32)
    W2 = jax.random.normal(ks[4], (HIDDEN, HIDDEN), dtype=jnp.float32) * (2.0 / HIDDEN) ** 0.5
    b2 = jnp.zeros((HIDDEN,), dtype=jnp.float32)
    W3 = jax.random.normal(ks[5], (HIDDEN, ACTIONS), dtype=jnp.float32) * (1.0 / HIDDEN) ** 0.5
    b3 = jnp.zeros((ACTIONS,), dtype=jnp.float32)
    return {"x": x, "table0": table0, "tables": tables, "W1": W1, "b1": b1, "W2": W2, "b2": b2, "W3": W3, "b3": b3}


def reference(x, table0, tables, W1, b1, W2, b2, W3, b3):
    embs = [jnp.take(table0, x[:, 0], axis=0)]
    for i in range(1, NFIELDS):
        embs.append(jnp.take(tables[i - 1], x[:, i], axis=0))
    h = jnp.concatenate(embs, axis=1)
    h = jax.nn.relu(h @ W1 + b1)
    h = jax.nn.relu(h @ W2 + b2)
    logits = h @ W3 + b3
    return jax.nn.softmax(logits, axis=-1)

if __name__ == "__main__":
    import jax
    _d = setup_inputs()
    print(jax.jit(kernel)(*tuple(_d.values())))

</pallas_src>

<mosaic_0001>
#map = affine_map<(d0, d1) -> (0, 0)>
#map1 = affine_map<(d0, d1) -> (0)>
module attributes {stable_mosaic.version = 14 : i64} {
  func.func @gather_kernel(%arg0: i32, %arg1: i32, %arg2: memref<185x16xf32, #tpu.memory_space<hbm>>, %arg3: memref<393216xi32, #tpu.memory_space<hbm>>, %arg4: memref<393216x16xf32, #tpu.memory_space<hbm>>, %arg5: memref<185x16xf32, #tpu.memory_space<vmem>>, %arg6: memref<185x16xf32, #tpu.memory_space<vmem_shared>>, %arg7: memref<12288xi32, #tpu.memory_space<vmem>>, %arg8: memref<2x3072x16xf32, #tpu.memory_space<vmem>>, %arg9: memref<!tpu.dma_semaphore, #tpu.memory_space<semaphore_mem>>) attributes {dimension_semantics = [#tpu.dimension_semantics<core_parallel>, #tpu.dimension_semantics<subcore_parallel>], iteration_bounds = array<i64: 2, 16>, scalar_prefetch = 0 : i64, scratch_operands = 5 : i64, tpu.core_type = #tpu.core_type<sc_vector_subcore>, window_params = [{transform_indices = #map}, {transform_indices = #map1}, {transform_indices = #map}]} {
    %mul3A = arith.constant 2 : i32
    %mul3A_0 = arith.muli %arg1, %mul3A : i32
    %add3A = arith.addi %mul3A_0, %arg0 : i32
    %mul3A_1 = arith.constant 12288 : i32
    %mul3A_2 = arith.muli %add3A, %mul3A_1 : i32
    %eq3A = arith.constant 0 : i32
    %eq3A_3 = arith.cmpi eq, %arg1, %eq3A : i32
    %convert_element_type3A = arith.extui %eq3A_3 : i1 to i32
    %cond3A = arith.constant 0 : i32
    %cond3A_4 = arith.cmpi ne, %convert_element_type3A, %cond3A : i32
    scf.if %cond3A_4 {
      "tpu.region"() ({
        %run_scoped3A_2510 = tpu.sem_alloc : memref<!tpu.dma_semaphore, #tpu.memory_space<semaphore_mem>>
        tpu.enqueue_dma source(%arg2 : memref<185x16xf32, #tpu.memory_space<hbm>>) target(%arg5 : memref<185x16xf32, #tpu.memory_space<vmem>>) target_semaphore(%run_scoped3A_2510 : memref<!tpu.dma_semaphore, #tpu.memory_space<semaphore_mem>>)
        tpu.wait_dma2 semaphore(%run_scoped3A_2510 : memref<!tpu.dma_semaphore, #tpu.memory_space<semaphore_mem>>) src(%arg2 : memref<185x16xf32, #tpu.memory_space<hbm>>) dst(%arg5 : memref<185x16xf32, #tpu.memory_space<vmem>>)
        tpu.yield
      }) : () -> ()
      "tpu.region"() ({
        %run_scoped3A_2510 = tpu.sem_alloc : memref<!tpu.dma_semaphore, #tpu.memory_space<semaphore_mem>>
        tpu.enqueue_dma source(%arg5 : memref<185x16xf32, #tpu.memory_space<vmem>>) target(%arg6 : memref<185x16xf32, #tpu.memory_space<vmem_shared>>) target_semaphore(%run_scoped3A_2510 : memref<!tpu.dma_semaphore, #tpu.memory_space<semaphore_mem>>)
        tpu.wait_dma2 semaphore(%run_scoped3A_2510 : memref<!tpu.dma_semaphore, #tpu.memory_space<semaphore_mem>>) src(%arg5 : memref<185x16xf32, #tpu.memory_space<vmem>>) dst(%arg6 : memref<185x16xf32, #tpu.memory_space<vmem_shared>>)
        tpu.yield
      }) : () -> ()
    } else {
    }
    %barrier3A = arith.constant 0 : index
    tpu.barrier barrier_id(%barrier3A)
    "tpu.region"() ({
      %run_scoped3A_2510 = tpu.sem_alloc : memref<!tpu.dma_semaphore, #tpu.memory_space<semaphore_mem>>
      %dma_start3A_2511 = tpu.memref_slice %arg3[%mul3A_2] : memref<393216xi32, #tpu.memory_space<hbm>> -> memref<12288xi32, #tpu.memory_space<hbm>>
      %dma_start3A_2512 = tpu.memref_slice %arg3[%mul3A_2] : memref<393216xi32, #tpu.memory_space<hbm>> -> memref<12288xi32, #tpu.memory_space<hbm>>
      tpu.enqueue_dma source(%dma_start3A_2512 : memref<12288xi32, #tpu.memory_space<hbm>>) target(%arg7 : memref<12288xi32, #tpu.memory_space<vmem>>) target_semaphore(%run_scoped3A_2510 : memref<!tpu.dma_semaphore, #tpu.memory_space<semaphore_mem>>)
      %dma_wait3A_2513 = tpu.memref_slice %arg3[%mul3A_2] : memref<393216xi32, #tpu.memory_space<hbm>> -> memref<12288xi32, #tpu.memory_space<hbm>>
      %dma_wait3A_2514 = tpu.memref_slice %arg3[%mul3A_2] : memref<393216xi32, #tpu.memory_space<hbm>> -> memref<12288xi32, #tpu.memory_space<hbm>>
      tpu.wait_dma2 semaphore(%run_scoped3A_2510 : memref<!tpu.dma_semaphore, #tpu.memory_space<semaphore_mem>>) src(%dma_wait3A_2514 : memref<12288xi32, #tpu.memory_space<hbm>>) dst(%arg7 : memref<12288xi32, #tpu.memory_space<vmem>>)
      tpu.yield
    }) : () -> ()
    %dma_start3A = arith.constant 0 : i32
    %dma_start3A_5 = arith.constant 0 : i32
    %dma_start3A_6 = arith.constant 0 : i32
    %dma_start3A_7 = tpu.memref_slice %arg8[%dma_start3A, %dma_start3A_5, %dma_start3A_6] : memref<2x3072x16xf32, #tpu.memory_space<vmem>> -> memref<1x3072x16xf32, #tpu.memory_space<vmem>>
    %dma_start3A_8 = tpu.memref_squeeze %dma_start3A_7 : memref<1x3072x16xf32, #tpu.memory_space<vmem>> -> memref<3072x16xf32, #tpu.memory_space<vmem>>
    %dma_start3A_9 = arith.constant 0 : i32
    %dma_start3A_10 = arith.constant 0 : i32
    %dma_start3A_11 = tpu.memref_slice %dma_start3A_8[%dma_start3A_9, %dma_start3A_10] : memref<3072x16xf32, #tpu.memory_space<vmem>> -> memref<128x16xf32, #tpu.memory_space<vmem>>
    %dma_start3A_12 = arith.constant 0 : i32
    %dma_start3A_13 = tpu.memref_slice %arg7[%dma_start3A_12] : memref<12288xi32, #tpu.memory_space<vmem>> -> memref<128xi32, #tpu.memory_space<vmem>>
    %dma_start3A_14 = arith.constant 0 : i32
    %dma_start3A_15 = arith.constant 0 : i32
    %dma_start3A_16 = tpu.memref_slice %arg6[%dma_start3A_14, %dma_start3A_15] : memref<185x16xf32, #tpu.memory_space<vmem_shared>> -> memref<185x16xf32, #tpu.memory_space<vmem_shared>>
    tpu.enqueue_indirect_dma source(%dma_start3A_16 : memref<185x16xf32, #tpu.memory_space<vmem_shared>>) target(%dma_start3A_11 : memref<128x16xf32, #tpu.memory_space<vmem>>) offsets(%dma_start3A_13 : memref<128xi32, #tpu.memory_space<vmem>>) semaphore(%arg9 : memref<!tpu.dma_semaphore, #tpu.memory_space<semaphore_mem>>)
    %dma_start3A_17 = arith.constant 0 : i32
    %dma_start3A_18 = arith.constant 0 : i32
    %dma_start3A_19 = arith.constant 0 : i32
    %dma_start3A_20 = tpu.memref_slice %arg8[%dma_start3A_17, %dma_start3A_18, %dma_start3A_19] : memref<2x3072x16xf32, #tpu.memory_space<vmem>> -> memref<1x3072x16xf32, #tpu.memory_space<vmem>>
    %dma_start3A_21 = tpu.memref_squeeze %dma_start3A_20 : memref<1x3072x16xf32, #tpu.memory_space<vmem>> -> memref<3072x16xf32, #tpu.memory_space<vmem>>
    %dma_start3A_22 = arith.constant 128 : i32
    %dma_start3A_23 = arith.constant 0 : i32
    %dma_start3A_24 = tpu.memref_slice %dma_start3A_21[%dma_start3A_22, %dma_start3A_23] : memref<3072x16xf32, #tpu.memory_space<vmem>> -> memref<128x16xf32, #tpu.memory_space<vmem>>
    %dma_start3A_25 = arith.constant 128 : i32
    %dma_start3A_26 = tpu.memref_slice %arg7[%dma_start3A_25] : memref<12288xi32, #tpu.memory_space<vmem>> -> memref<128xi32, #tpu.memory_space<vmem>>
    %dma_start3A_27 = arith.constant 0 : i32
    %dma_start3A_28 = arith.constant 0 : i32
    %dma_start3A_29 = tpu.memref_slice %arg6[%dma_start3A_27, %dma_start3A_28] : memref<185x16xf32, #tpu.memory_space<vmem_shared>> -> memref<185x16xf32, #tpu.memory_space<vmem_shared>>
    tpu.enqueue_indirect_dma source(%dma_start3A_29 : memref<185x16xf32, #tpu.memory_space<vmem_shared>>) target(%dma_start3A_24 : memref<128x16xf32, #tpu.memory_space<vmem>>) offsets(%dma_start3A_26 : memref<128xi32, #tpu.memory_space<vmem>>) semaphore(%arg9 : memref<!tpu.dma_semaphore, #tpu.memory_space<semaphore_mem>>)
    %dma_start3A_30 = arith.constant 0 : i32
    %dma_start3A_31 = arith.constant 0 : i32
    %dma_start3A_32 = arith.constant 0 : i32
    %dma_start3A_33 = tpu.memref_slice %arg8[%dma_start3A_30, %dma_start3A_31, %dma_start3A_32] : memref<2x3072x16xf32, #tpu.memory_space<vmem>> -> memref<1x3072x16xf32, #tpu.memory_space<vmem>>
    %dma_start3A_34 = tpu.memref_squeeze %dma_start3A_33 : memref<1x3072x16xf32, #tpu.memory_space<vmem>> -> memref<3072x16xf32, #tpu.memory_space<vmem>>
    %dma_start3A_35 = arith.constant 256 : i32
    %dma_start3A_36 = arith.constant 0 : i32
    %dma_start3A_37 = tpu.memref_slice %dma_start3A_34[%dma_start3A_35, %dma_start3A_36] : memref<3072x16xf32, #tpu.memory_space<vmem>> -> memref<128x16xf32, #tpu.memory_space<vmem>>
    %dma_start3A_38 = arith.constant 256 : i32
    %dma_start3A_39 = tpu.memref_slice %arg7[%dma_start3A_38] : memref<12288xi32, #tpu.memory_space<vmem>> -> memref<128xi32, #tpu.memory_space<vmem>>
    %dma_start3A_40 = arith.constant 0 : i32
    %dma_start3A_41 = arith.constant 0 : i32
    %dma_start3A_42 = tpu.memref_slice %arg6[%dma_start3A_40, %dma_start3A_41] : memref<185x16xf32, #tpu.memory_space<vmem_shared>> -> memref<185x16xf32, #tpu.memory_space<vmem_shared>>
    tpu.enqueue_indirect_dma source(%dma_start3A_42 : memref<185x16xf32, #tpu.memory_space<vmem_shared>>) target(%dma_start3A_37 : memref<128x16xf32, #tpu.memory_space<vmem>>) offsets(%dma_start3A_39 : memref<128xi32, #tpu.memory_space<vmem>>) semaphore(%arg9 : memref<!tpu.dma_semaphore, #tpu.memory_space<semaphore_mem>>)
    %dma_start3A_43 = arith.constant 0 : i32
    %dma_start3A_44 = arith.constant 0 : i32
    %dma_start3A_45 = arith.constant 0 : i32
    %dma_start3A_46 = tpu.memref_slice %arg8[%dma_start3A_43, %dma_start3A_44, %dma_start3A_45] : memref<2x3072x16xf32, #tpu.memory_space<vmem>> -> memref<1x3072x16xf32, #tpu.memory_space<vmem>>
    %dma_start3A_47 = tpu.memref_squeeze %dma_start3A_46 : memref<1x3072x16xf32, #tpu.memory_space<vmem>> -> memref<3072x16xf32, #tpu.memory_space<vmem>>
    %dma_start3A_48 = arith.constant 384 : i32
    %dma_start3A_49 = arith.constant 0 : i32
    %dma_start3A_50 = tpu.memref_slice %dma_start3A_47[%dma_start3A_48, %dma_start3A_49] : memref<3072x16xf32, #tpu.memory_space<vmem>> -> memref<128x16xf32, #tpu.memory_space<vmem>>
    %dma_start3A_51 = arith.constant 384 : i32
    %dma_start3A_52 = tpu.memref_slice %arg7[%dma_start3A_51] : memref<12288xi32, #tpu.memory_space<vmem>> -> memref<128xi32, #tpu.memory_space<vmem>>
    %dma_start3A_53 = arith.constant 0 : i32
    %dma_start3A_54 = arith.constant 0 : i32
    %dma_start3A_55 = tpu.memref_slice %arg6[%dma_start3A_53, %dma_start3A_54] : memref<185x16xf32, #tpu.memory_space<vmem_shared>> -> memref<185x16xf32, #tpu.memory_space<vmem_shared>>
    tpu.enqueue_indirect_dma source(%dma_start3A_55 : memref<185x16xf32, #tpu.memory_space<vmem_shared>>) target(%dma_start3A_50 : memref<128x16xf32, #tpu.memory_space<vmem>>) offsets(%dma_start3A_52 : memref<128xi32, #tpu.memory_space<vmem>>) semaphore(%arg9 : memref<!tpu.dma_semaphore, #tpu.memory_space<semaphore_mem>>)
    %dma_start3A_56 = arith.constant 0 : i32
    %dma_start3A_57 = arith.constant 0 : i32
    %dma_start3A_58 = arith.constant 0 : i32
    %dma_start3A_59 = tpu.memref_slice %arg8[%dma_start3A_56, %dma_start3A_57, %dma_start3A_58] : memref<2x3072x16xf32, #tpu.memory_space<vmem>> -> memref<1x3072x16xf32, #tpu.memory_space<vmem>>
    %dma_start3A_60 = tpu.memref_squeeze %dma_start3A_59 : memref<1x3072x16xf32, #tpu.memory_space<vmem>> -> memref<3072x16xf32, #tpu.memory_space<vmem>>
    %dma_start3A_61 = arith.constant 512 : i32
    %dma_start3A_62 = arith.constant 0 : i32
    %dma_start3A_63 = tpu.memref_slice %dma_start3A_60[%dma_start3A_61, %dma_start3A_62] : memref<3072x16xf32, #tpu.memory_space<vmem>> -> memref<128x16xf32, #tpu.memory_space<vmem>>
    %dma_start3A_64 = arith.constant 512 : i32
    %dma_start3A_65 = tpu.memref_slice %arg7[%dma_start3A_64] : memref<12288xi32, #tpu.memory_space<vmem>> -> memref<128xi32, #tpu.memory_space<vmem>>
    %dma_start3A_66 = arith.constant 0 : i32
    %dma_start3A_67 = arith.constant 0 : i32
    %dma_start3A_68 = tpu.memref_slice %arg6[%dma_start3A_66, %dma_start3A_67] : memref<185x16xf32, #tpu.memory_space<vmem_shared>> -> memref<185x16xf32, #tpu.memory_space<vmem_shared>>
    tpu.enqueue_indirect_dma source(%dma_start3A_68 : memref<185x16xf32, #tpu.memory_space<vmem_shared>>) target(%dma_start3A_63 : memref<128x16xf32, #tpu.memory_space<vmem>>) offsets(%dma_start3A_65 : memref<128xi32, #tpu.memory_space<vmem>>) semaphore(%arg9 : memref<!tpu.dma_semaphore, #tpu.memory_space<semaphore_mem>>)
    %dma_start3A_69 = arith.constant 0 : i32
    %dma_start3A_70 = arith.constant 0 : i32
    %dma_start3A_71 = arith.constant 0 : i32
    %dma_start3A_72 = tpu.memref_slice %arg8[%dma_start3A_69, %dma_start3A_70, %dma_start3A_71] : memref<2x3072x16xf32, #tpu.memory_space<vmem>> -> memref<1x3072x16xf32, #tpu.memory_space<vmem>>
    %dma_start3A_73 = tpu.memref_squeeze %dma_start3A_72 : memref<1x3072x16xf32, #tpu.memory_space<vmem>> -> memref<3072x16xf32, #tpu.memory_space<vmem>>
    %dma_start3A_74 = arith.constant 640 : i32
    %dma_start3A_75 = arith.constant 0 : i32
    %dma_start3A_76 = tpu.memref_slice %dma_start3A_73[%dma_start3A_74, %dma_start3A_75] : memref<3072x16xf32, #tpu.memory_space<vmem>> -> memref<128x16xf32, #tpu.memory_space<vmem>>
    %dma_start3A_77 = arith.constant 640 : i32
    %dma_start3A_78 = tpu.memref_slice %arg7[%dma_start3A_77] : memref<12288xi32, #tpu.memory_space<vmem>> -> memref<128xi32, #tpu.memory_space<vmem>>
    %dma_start3A_79 = arith.constant 0 : i32
    %dma_start3A_80 = arith.constant 0 : i32
    %dma_start3A_81 = tpu.memref_slice %arg6[%dma_start3A_79, %dma_start3A_80] : memref<185x16xf32, #tpu.memory_space<vmem_shared>> -> memref<185x16xf32, #tpu.memory_space<vmem_shared>>
    tpu.enqueue_indirect_dma source(%dma_start3A_81 : memref<185x16xf32, #tpu.memory_space<vmem_shared>>) target(%dma_start3A_76 : memref<128x16xf32, #tpu.memory_space<vmem>>) offsets(%dma_start3A_78 : memref<128xi32, #tpu.memory_space<vmem>>) semaphore(%arg9 : memref<!tpu.dma_semaphore, #tpu.memory_space<semaphore_mem>>)
    %dma_start3A_82 = arith.constant 0 : i32
    %dma_start3A_83 = arith.constant 0 : i32
    %dma_start3A_84 = arith.constant 0 : i32
    %dma_start3A_85 = tpu.memref_slice %arg8[%dma_start3A_82, %dma_start3A_83, %dma_start3A_84] : memref<2x3072x16xf32, #tpu.memory_space<vmem>> -> memref<1x3072x16xf32, #tpu.memory_space<vmem>>
    %dma_start3A_86 = tpu.memref_squeeze %dma_start3A_85 : memref<1x3072x16xf32, #tpu.memory_space<vmem>> -> memref<3072x16xf32, #tpu.memory_space<vmem>>
    %dma_start3A_87 = arith.constant 768 : i32
    %dma_start3A_88 = arith.constant 0 : i32
    %dma_start3A_89 = tpu.memref_slice %dma_start3A_86[%dma_start3A_87, %dma_start3A_88] : memref<3072x16xf32, #tpu.memory_space<vmem>> -> memref<128x16xf32, #tpu.memory_space<vmem>>
    %dma_start3A_90 = arith.constant 768 : i32
    %dma_start3A_91 = tpu.memref_slice %arg7[%dma_start3A_90] : memref<12288xi32, #tpu.memory_space<vmem>> -> memref<128xi32, #tpu.memory_space<vmem>>
    %dma_start3A_92 = arith.constant 0 : i32
    %dma_start3A_93 = arith.constant 0 : i32
    %dma_start3A_94 = tpu.memref_slice %arg6[%dma_start3A_92, %dma_start3A_93] : memref<185x16xf32, #tpu.memory_space<vmem_shared>> -> memref<185x16xf32, #tpu.memory_space<vmem_shared>>
    tpu.enqueue_indirect_dma source(%dma_start3A_94 : memref<185x16xf32, #tpu.memory_space<vmem_shared>>) target(%dma_start3A_89 : memref<128x16xf32, #tpu.memory_space<vmem>>) offsets(%dma_start3A_91 : memref<128xi32, #tpu.memory_space<vmem>>) semaphore(%arg9 : memref<!tpu.dma_semaphore, #tpu.memory_space<semaphore_mem>>)
    %dma_start3A_95 = arith.constant 0 : i32
    %dma_start3A_96 = arith.constant 0 : i32
    %dma_start3A_97 = arith.constant 0 : i32
    %dma_start3A_98 = tpu.memref_slice %arg8[%dma_start3A_95, %dma_start3A_96, %dma_start3A_97] : memref<2x3072x16xf32, #tpu.memory_space<vmem>> -> memref<1x3072x16xf32, #tpu.memory_space<vmem>>
    %dma_start3A_99 = tpu.memref_squeeze %dma_start3A_98 : memref<1x3072x16xf32, #tpu.memory_space<vmem>> -> memref<3072x16xf32, #tpu.memory_space<vmem>>
    %dma_start3A_100 = arith.constant 896 : i32
    %dma_start3A_101 = arith.constant 0 : i32
    %dma_start3A_102 = tpu.memref_slice %dma_start3A_99[%dma_start3A_100, %dma_start3A_101] : memref<3072x16xf32, #tpu.memory_space<vmem>> -> memref<128x16xf32, #tpu.memory_space<vmem>>
    %dma_start3A_103 = arith.constant 896 : i32
    %dma_start3A_104 = tpu.memref_slice %arg7[%dma_start3A_103] : memref<12288xi32, #tpu.memory_space<vmem>> -> memref<128xi32, #tpu.memory_space<vmem>>
    %dma_start3A_105 = arith.constant 0 : i32
    %dma_start3A_106 = arith.constant 0 : i32
    %dma_start3A_107 = tpu.memref_slice %arg6[%dma_start3A_105, %dma_start3A_106] : memref<185x16xf32, #tpu.memory_space<vmem_shared>> -> memref<185x16xf32, #tpu.memory_space<vmem_shared>>
    tpu.enqueue_indirect_dma source(%dma_start3A_107 : memref<185x16xf32, #tpu.memory_space<vmem_shared>>) target(%dma_start3A_102 : memref<128x16xf32, #tpu.memory_space<vmem>>) offsets(%dma_start3A_104 : memref<128xi32, #tpu.memory_space<vmem>>) semaphore(%arg9 : memref<!tpu.dma_semaphore, #tpu.memory_space<semaphore_mem>>)
    %dma_start3A_108 = arith.constant 0 : i32
    %dma_start3A_109 = arith.constant 0 : i32
    %dma_start3A_110 = arith.constant 0 : i32
    %dma_start3A_111 = tpu.memref_slice %arg8[%dma_start3A_108, %dma_start3A_109, %dma_start3A_110] : memref<2x3072x16xf32, #tpu.memory_space<vmem>> -> memref<1x3072x16xf32, #tpu.memory_space<vmem>>
    %dma_start3A_112 = tpu.memref_squeeze %dma_start3A_111 : memref<1x3072x16xf32, #tpu.memory_space<vmem>> -> memref<3072x16xf32, #tpu.memory_space<vmem>>
    %dma_start3A_113 = arith.constant 1024 : i32
    %dma_start3A_114 = arith.constant 0 : i32
    %dma_start3A_115 = tpu.memref_slice %dma_start3A_112[%dma_start3A_113, %dma_start3A_114] : memref<3072x16xf32, #tpu.memory_space<vmem>> -> memref<128x16xf32, #tpu.memory_space<vmem>>
    %dma_start3A_116 = arith.constant 1024 : i32
    %dma_start3A_117 = tpu.memref_slice %arg7[%dma_start3A_116] : memref<12288xi32, #tpu.memory_space<vmem>> -> memref<128xi32, #tpu.memory_space<vmem>>
    %dma_start3A_118 = arith.constant 0 : i32
    %dma_start3A_119 = arith.constant 0 : i32
    %dma_start3A_120 = tpu.memref_slice %arg6[%dma_start3A_118, %dma_start3A_119] : memref<185x16xf32, #tpu.memory_space<vmem_shared>> -> memref<185x16xf32, #tpu.memory_space<vmem_shared>>
    tpu.enqueue_indirect_dma source(%dma_start3A_120 : memref<185x16xf32, #tpu.memory_space<vmem_shared>>) target(%dma_start3A_115 : memref<128x16xf32, #tpu.memory_space<vmem>>) offsets(%dma_start3A_117 : memref<128xi32, #tpu.memory_space<vmem>>) semaphore(%arg9 : memref<!tpu.dma_semaphore, #tpu.memory_space<semaphore_mem>>)
    %dma_start3A_121 = arith.constant 0 : i32
    %dma_start3A_122 = arith.constant 0 : i32
    %dma_start3A_123 = arith.constant 0 : i32
    %dma_start3A_124 = tpu.memref_slice %arg8[%dma_start3A_121, %dma_start3A_122, %dma_start3A_123] : memref<2x3072x16xf32, #tpu.memory_space<vmem>> -> memref<1x3072x16xf32, #tpu.memory_space<vmem>>
    %dma_start3A_125 = tpu.memref_squeeze %dma_start3A_124 : memref<1x3072x16xf32, #tpu.memory_space<vmem>> -> memref<3072x16xf32, #tpu.memory_space<vmem>>
    %dma_start3A_126 = arith.constant 1152 : i32
    %dma_start3A_127 = arith.constant 0 : i32
    %dma_start3A_128 = tpu.memref_slice %dma_start3A_125[%dma_start3A_126, %dma_start3A_127] : memref<3072x16xf32, #tpu.memory_space<vmem>> -> memref<128x16xf32, #tpu.memory_space<vmem>>
    %dma_start3A_129 = arith.constant 1152 : i32
    %dma_start3A_130 = tpu.memref_slice %arg7[%dma_start3A_129] : memref<12288xi32, #tpu.memory_space<vmem>> -> memref<128xi32, #tpu.memory_space<vmem>>
    %dma_start3A_131 = arith.constant 0 : i32
    %dma_start3A_132 = arith.constant 0 : i32
    %dma_start3A_133 = tpu.memref_slice %arg6[%dma_start3A_131, %dma_start3A_132] : memref<185x16xf32, #tpu.memory_space<vmem_shared>> -> memref<185x16xf32, #tpu.memory_space<vmem_shared>>
    tpu.enqueue_indirect_dma source(%dma_start3A_133 : memref<185x16xf32, #tpu.memory_space<vmem_shared>>) target(%dma_start3A_128 : memref<128x16xf32, #tpu.memory_space<vmem>>) offsets(%dma_start3A_130 : memref<128xi32, #tpu.memory_space<vmem>>) semaphore(%arg9 : memref<!tpu.dma_semaphore, #tpu.memory_space<semaphore_mem>>)
    %dma_start3A_134 = arith.constant 0 : i32
    %dma_start3A_135 = arith.constant 0 : i32
    %dma_start3A_136 = arith.constant 0 : i32
    %dma_start3A_137 = tpu.memref_slice %arg8[%dma_start3A_134, %dma_start3A_135, %dma_start3A_136] : memref<2x3072x16xf32, #tpu.memory_space<vmem>> -> memref<1x3072x16xf32, #tpu.memory_space<vmem>>
    %dma_start3A_138 = tpu.memref_squeeze %dma_start3A_137 : memref<1x3072x16xf32, #tpu.memory_space<vmem>> -> memref<3072x16xf32, #tpu.memory_space<vmem>>
    %dma_start3A_139 = arith.constant 1280 : i32
    %dma_start3A_140 = arith.constant 0 : i32
    %dma_start3A_141 = tpu.memref_slice %dma_start3A_138[%dma_start3A_139, %dma_start3A_140] : memref<3072x16xf32, #tpu.memory_space<vmem>> -> memref<128x16xf32, #tpu.memory_space<vmem>>
    %dma_start3A_142 = arith.constant 1280 : i32
    %dma_start3A_143 = tpu.memref_slice %arg7[%dma_start3A_142] : memref<12288xi32, #tpu.memory_space<vmem>> -> memref<128xi32, #tpu.memory_space<vmem>>
    %dma_start3A_144 = arith.constant 0 : i32
    %dma_start3A_145 = arith.constant 0 : i32
    %dma_start3A_146 = tpu.memref_slice %arg6[%dma_start3A_144, %dma_start3A_145] : memref<185x16xf32, #tpu.memory_space<vmem_shared>> -> memref<185x16xf32, #tpu.memory_space<vmem_shared>>
    tpu.enqueue_indirect_dma source(%dma_start3A_146 : memref<185x16xf32, #tpu.memory_space<vmem_shared>>) target(%dma_start3A_141 : memref<128x16xf32, #tpu.memory_space<vmem>>) offsets(%dma_start3A_143 : memref<128xi32, #tpu.memory_space<vmem>>) semaphore(%arg9 : memref<!tpu.dma_semaphore, #tpu.memory_space<semaphore_mem>>)
    %dma_start3A_147 = arith.constant 0 : i32
    %dma_start3A_148 = arith.constant 0 : i32
    %dma_start3A_149 = arith.constant 0 : i32
    %dma_start3A_150 = tpu.memref_slice %arg8[%dma_start3A_147, %dma_start3A_148, %dma_start3A_149] : memref<2x3072x16xf32, #tpu.memory_space<vmem>> -> memref<1x3072x16xf32, #tpu.memory_space<vmem>>
    %dma_start3A_151 = tpu.memref_squeeze %dma_start3A_150 : memref<1x3072x16xf32, #tpu.memory_space<vmem>> -> memref<3072x16xf32, #tpu.memory_space<vmem>>
    %dma_start3A_152 = arith.constant 1408 : i32
    %dma_start3A_153 = arith.constant 0 : i32
    %dma_start3A_154 = tpu.memref_slice %dma_start3A_151[%dma_start3A_152, %dma_start3A_153] : memref<3072x16xf32, #tpu.memory_space<vmem>> -> memref<128x16xf32, #tpu.memory_space<vmem>>
    %dma_start3A_155 = arith.constant 1408 : i32
    %dma_start3A_156 = tpu.memref_slice %arg7[%dma_start3A_155] : memref<12288xi32, #tpu.memory_space<vmem>> -> memref<128xi32, #tpu.memory_space<vmem>>
    %dma_start3A_157 = arith.constant 0 : i32
    %dma_start3A_158 = arith.constant 0 : i32
    %dma_start3A_159 = tpu.memref_slice %arg6[%dma_start3A_157, %dma_start3A_158] : memref<185x16xf32, #tpu.memory_space<vmem_shared>> -> memref<185x16xf32, #tpu.memory_space<vmem_shared>>
    tpu.enqueue_indirect_dma source(%dma_start3A_159 : memref<185x16xf32, #tpu.memory_space<vmem_shared>>) target(%dma_start3A_154 : memref<128x16xf32, #tpu.memory_space<vmem>>) offsets(%dma_start3A_156 : memref<128xi32, #tpu.memory_space<vmem>>) semaphore(%arg9 : memref<!tpu.dma_semaphore, #tpu.memory_space<semaphore_mem>>)
    %dma_start3A_160 = arith.constant 0 : i32
    %dma_start3A_161 = arith.constant 0 : i32
    %dma_start3A_162 = arith.constant 0 : i32
    %dma_start3A_163 = tpu.memref_slice %arg8[%dma_start3A_160, %dma_start3A_161, %dma_start3A_162] : memref<2x3072x16xf32, #tpu.memory_space<vmem>> -> memref<1x3072x16xf32, #tpu.memory_space<vmem>>
    %dma_start3A_164 = tpu.memref_squeeze %dma_start3A_163 : memref<1x3072x16xf32, #tpu.memory_space<vmem>> -> memref<3072x16xf32, #tpu.memory_space<vmem>>
    %dma_start3A_165 = arith.constant 1536 : i32
    %dma_start3A_166 = arith.constant 0 : i32
    %dma_start3A_167 = tpu.memref_slice %dma_start3A_164[%dma_start3A_165, %dma_start3A_166] : memref<3072x16xf32, #tpu.memory_space<vmem>> -> memref<128x16xf32, #tpu.memory_space<vmem>>
    %dma_start3A_168 = arith.constant 1536 : i32
    %dma_start3A_169 = tpu.memref_slice %arg7[%dma_start3A_168] : memref<12288xi32, #tpu.memory_space<vmem>> -> memref<128xi32, #tpu.memory_space<vmem>>
    %dma_start3A_170 = arith.constant 0 : i32
    %dma_start3A_171 = arith.constant 0 : i32
    %dma_start3A_172 = tpu.memref_slice %arg6[%dma_start3A_170, %dma_start3A_171] : memref<185x16xf32, #tpu.memory_space<vmem_shared>> -> memref<185x16xf32, #tpu.memory_space<vmem_shared>>
    tpu.enqueue_indirect_dma source(%dma_start3A_172 : memref<185x16xf32, #tpu.memory_space<vmem_shared>>) target(%dma_start3A_167 : memref<128x16xf32, #tpu.memory_space<vmem>>) offsets(%dma_start3A_169 : memref<128xi32, #tpu.memory_space<vmem>>) semaphore(%arg9 : memref<!tpu.dma_semaphore, #tpu.memory_space<semaphore_mem>>)
    %dma_start3A_173 = arith.constant 0 : i32
    %dma_start3A_174 = arith.constant 0 : i32
    %dma_start3A_175 = arith.constant 0 : i32
    %dma_start3A_176 = tpu.memref_slice %arg8[%dma_start3A_173, %dma_start3A_174, %dma_start3A_175] : memref<2x3072x16xf32, #tpu.memory_space<vmem>> -> memref<1x3072x16xf32, #tpu.memory_space<vmem>>
    %dma_start3A_177 = tpu.memref_squeeze %dma_start3A_176 : memref<1x3072x16xf32, #tpu.memory_space<vmem>> -> memref<3072x16xf32, #tpu.memory_space<vmem>>
    %dma_start3A_178 = arith.constant 1664 : i32
    %dma_start3A_179 = arith.constant 0 : i32
    %dma_start3A_180 = tpu.memref_slice %dma_start3A_177[%dma_start3A_178, %dma_start3A_179] : memref<3072x16xf32, #tpu.memory_space<vmem>> -> memref<128x16xf32, #tpu.memory_space<vmem>>
    %dma_start3A_181 = arith.constant 1664 : i32
    %dma_start3A_182 = tpu.memref_slice %arg7[%dma_start3A_181] : memref<12288xi32, #tpu.memory_space<vmem>> -> memref<128xi32, #tpu.memory_space<vmem>>
    %dma_start3A_183 = arith.constant 0 : i32
    %dma_start3A_184 = arith.constant 0 : i32
    %dma_start3A_185 = tpu.memref_slice %arg6[%dma_start3A_183, %dma_start3A_184] : memref<185x16xf32, #tpu.memory_space<vmem_shared>> -> memref<185x16xf32, #tpu.memory_space<vmem_shared>>
    tpu.enqueue_indirect_dma source(%dma_start3A_185 : memref<185x16xf32, #tpu.memory_space<vmem_shared>>) target(%dma_start3A_180 : memref<128x16xf32, #tpu.memory_space<vmem>>) offsets(%dma_start3A_182 : memref<128xi32, #tpu.memory_space<vmem>>) semaphore(%arg9 : memref<!tpu.dma_semaphore, #tpu.memory_space<semaphore_mem>>)
    %dma_start3A_186 = arith.constant 0 : i32
    %dma_start3A_187 = arith.constant 0 : i32
    %dma_start3A_188 = arith.constant 0 : i32
    %dma_start3A_189 = tpu.memref_slice %arg8[%dma_start3A_186, %dma_start3A_187, %dma_start3A_188] : memref<2x3072x16xf32, #tpu.memory_space<vmem>> -> memref<1x3072x16xf32, #tpu.memory_space<vmem>>
    %dma_start3A_190 = tpu.memref_squeeze %dma_start3A_189 : memref<1x3072x16xf32, #tpu.memory_space<vmem>> -> memref<3072x16xf32, #tpu.memory_space<vmem>>
    %dma_start3A_191 = arith.constant 1792 : i32
    %dma_start3A_192 = arith.constant 0 : i32
    %dma_start3A_193 = tpu.memref_slice %dma_start3A_190[%dma_start3A_191, %dma_start3A_192] : memref<3072x16xf32, #tpu.memory_space<vmem>> -> memref<128x16xf32, #tpu.memory_space<vmem>>
    %dma_start3A_194 = arith.constant 1792 : i32
    %dma_start3A_195 = tpu.memref_slice %arg7[%dma_start3A_194] : memref<12288xi32, #tpu.memory_space<vmem>> -> memref<128xi32, #tpu.memory_space<vmem>>
    %dma_start3A_196 = arith.constant 0 : i32
    %dma_start3A_197 = arith.constant 0 : i32
    %dma_start3A_198 = tpu.memref_slice %arg6[%dma_start3A_196, %dma_start3A_197] : memref<185x16xf32, #tpu.memory_space<vmem_shared>> -> memref<185x16xf32, #tpu.memory_space<vmem_shared>>
    tpu.enqueue_indirect_dma source(%dma_start3A_198 : memref<185x16xf32, #tpu.memory_space<vmem_shared>>) target(%dma_start3A_193 : memref<128x16xf32, #tpu.memory_space<vmem>>) offsets(%dma_start3A_195 : memref<128xi32, #tpu.memory_space<vmem>>) semaphore(%arg9 : memref<!tpu.dma_semaphore, #tpu.memory_space<semaphore_mem>>)
    %dma_start3A_199 = arith.constant 0 : i32
    %dma_start3A_200 = arith.constant 0 : i32
    %dma_start3A_201 = arith.constant 0 : i32
    %dma_start3A_202 = tpu.memref_slice %arg8[%dma_start3A_199, %dma_start3A_200, %dma_start3A_201] : memref<2x3072x16xf32, #tpu.memory_space<vmem>> -> memref<1x3072x16xf32, #tpu.memory_space<vmem>>
    %dma_start3A_203 = tpu.memref_squeeze %dma_start3A_202 : memref<1x3072x16xf32, #tpu.memory_space<vmem>> -> memref<3072x16xf32, #tpu.memory_space<vmem>>
    %dma_start3A_204 = arith.constant 1920 : i32
    %dma_start3A_205 = arith.constant 0 : i32
    %dma_start3A_206 = tpu.memref_slice %dma_start3A_203[%dma_start3A_204, %dma_start3A_205] : memref<3072x16xf32, #tpu.memory_space<vmem>> -> memref<128x16xf32, #tpu.memory_space<vmem>>
    %dma_start3A_207 = arith.constant 1920 : i32
    %dma_start3A_208 = tpu.memref_slice %arg7[%dma_start3A_207] : memref<12288xi32, #tpu.memory_space<vmem>> -> memref<128xi32, #tpu.memory_space<vmem>>
    %dma_start3A_209 = arith.constant 0 : i32
    %dma_start3A_210 = arith.constant 0 : i32
    %dma_start3A_211 = tpu.memref_slice %arg6[%dma_start3A_209, %dma_start3A_210] : memref<185x16xf32, #tpu.memory_space<vmem_shared>> -> memref<185x16xf32, #tpu.memory_space<vmem_shared>>
    tpu.enqueue_indirect_dma source(%dma_start3A_211 : memref<185x16xf32, #tpu.memory_space<vmem_shared>>) target(%dma_start3A_206 : memref<128x16xf32, #tpu.memory_space<vmem>>) offsets(%dma_start3A_208 : memref<128xi32, #tpu.memory_space<vmem>>) semaphore(%arg9 : memref<!tpu.dma_semaphore, #tpu.memory_space<semaphore_mem>>)
    %dma_start3A_212 = arith.constant 0 : i32
    %dma_start3A_213 = arith.constant 0 : i32
    %dma_start3A_214 = arith.constant 0 : i32
    %dma_start3A_215 = tpu.memref_slice %arg8[%dma_start3A_212, %dma_start3A_213, %dma_start3A_214] : memref<2x3072x16xf32, #tpu.memory_space<vmem>> -> memref<1x3072x16xf32, #tpu.memory_space<vmem>>
    %dma_start3A_216 = tpu.memref_squeeze %dma_start3A_215 : memref<1x3072x16xf32, #tpu.memory_space<vmem>> -> memref<3072x16xf32, #tpu.memory_space<vmem>>
    %dma_start3A_217 = arith.constant 2048 : i32
    %dma_start3A_218 = arith.constant 0 : i32
    %dma_start3A_219 = tpu.memref_slice %dma_start3A_216[%dma_start3A_217, %dma_start3A_218] : memref<3072x16xf32, #tpu.memory_space<vmem>> -> memref<128x16xf32, #tpu.memory_space<vmem>>
    %dma_start3A_220 = arith.constant 2048 : i32
    %dma_start3A_221 = tpu.memref_slice %arg7[%dma_start3A_220] : memref<12288xi32, #tpu.memory_space<vmem>> -> memref<128xi32, #tpu.memory_space<vmem>>
    %dma_start3A_222 = arith.constant 0 : i32
    %dma_start3A_223 = arith.constant 0 : i32
    %dma_start3A_224 = tpu.memref_slice %arg6[%dma_start3A_222, %dma_start3A_223] : memref<185x16xf32, #tpu.memory_space<vmem_shared>> -> memref<185x16xf32, #tpu.memory_space<vmem_shared>>
    tpu.enqueue_indirect_dma source(%dma_start3A_224 : memref<185x16xf32, #tpu.memory_space<vmem_shared>>) target(%dma_start3A_219 : memref<128x16xf32, #tpu.memory_space<vmem>>) offsets(%dma_start3A_221 : memref<128xi32, #tpu.memory_space<vmem>>) semaphore(%arg9 : memref<!tpu.dma_semaphore, #tpu.memory_space<semaphore_mem>>)
    %dma_start3A_225 = arith.constant 0 : i32
    %dma_start3A_226 = arith.constant 0 : i32
    %dma_start3A_227 = arith.constant 0 : i32
    %dma_start3A_228 = tpu.memref_slice %arg8[%dma_start3A_225, %dma_start3A_226, %dma_start3A_227] : memref<2x3072x16xf32, #tpu.memory_space<vmem>> -> memref<1x3072x16xf32, #tpu.memory_space<vmem>>
    %dma_start3A_229 = tpu.memref_squeeze %dma_start3A_228 : memref<1x3072x16xf32, #tpu.memory_space<vmem>> -> memref<3072x16xf32, #tpu.memory_space<vmem>>
    %dma_start3A_230 = arith.constant 2176 : i32
    %dma_start3A_231 = arith.constant 0 : i32
    %dma_start3A_232 = tpu.memref_slice %dma_start3A_229[%dma_start3A_230, %dma_start3A_231] : memref<3072x16xf32, #tpu.memory_space<vmem>> -> memref<128x16xf32, #tpu.memory_space<vmem>>
    %dma_start3A_233 = arith.constant 2176 : i32
    %dma_start3A_234 = tpu.memref_slice %arg7[%dma_start3A_233] : memref<12288xi32, #tpu.memory_space<vmem>> -> memref<128xi32, #tpu.memory_space<vmem>>
    %dma_start3A_235 = arith.constant 0 : i32
    %dma_start3A_236 = arith.constant 0 : i32
    %dma_start3A_237 = tpu.memref_slice %arg6[%dma_start3A_235, %dma_start3A_236] : memref<185x16xf32, #tpu.memory_space<vmem_shared>> -> memref<185x16xf32, #tpu.memory_space<vmem_shared>>
    tpu.enqueue_indirect_dma source(%dma_start3A_237 : memref<185x16xf32, #tpu.memory_space<vmem_shared>>) target(%dma_start3A_232 : memref<128x16xf32, #tpu.memory_space<vmem>>) offsets(%dma_start3A_234 : memref<128xi32, #tpu.memory_space<vmem>>) semaphore(%arg9 : memref<!tpu.dma_semaphore, #tpu.memory_space<semaphore_mem>>)
    %dma_start3A_238 = arith.constant 0 : i32
    %dma_start3A_239 = arith.constant 0 : i32
    %dma_start3A_240 = arith.constant 0 : i32
    %dma_start3A_241 = tpu.memref_slice %arg8[%dma_start3A_238, %dma_start3A_239, %dma_start3A_240] : memref<2x3072x16xf32, #tpu.memory_space<vmem>> -> memref<1x3072x16xf32, #tpu.memory_space<vmem>>
    %dma_start3A_242 = tpu.memref_squeeze %dma_start3A_241 : memref<1x3072x16xf32, #tpu.memory_space<vmem>> -> memref<3072x16xf32, #tpu.memory_space<vmem>>
    %dma_start3A_243 = arith.constant 2304 : i32
    %dma_start3A_244 = arith.constant 0 : i32
    %dma_start3A_245 = tpu.memref_slice %dma_start3A_242[%dma_start3A_243, %dma_start3A_244] : memref<3072x16xf32, #tpu.memory_space<vmem>> -> memref<128x16xf32, #tpu.memory_space<vmem>>
    %dma_start3A_246 = arith.constant 2304 : i32
    %dma_start3A_247 = tpu.memref_slice %arg7[%dma_start3A_246] : memref<12288xi32, #tpu.memory_space<vmem>> -> memref<128xi32, #tpu.memory_space<vmem>>
    %dma_start3A_248 = arith.constant 0 : i32
    %dma_start3A_249 = arith.constant 0 : i32
    %dma_start3A_250 = tpu.memref_slice %arg6[%dma_start3A_248, %dma_start3A_249] : memref<185x16xf32, #tpu.memory_space<vmem_shared>> -> memref<185x16xf32, #tpu.memory_space<vmem_shared>>
    tpu.enqueue_indirect_dma source(%dma_start3A_250 : memref<185x16xf32, #tpu.memory_space<vmem_shared>>) target(%dma_start3A_245 : memref<128x16xf32, #tpu.memory_space<vmem>>) offsets(%dma_start3A_247 : memref<128xi32, #tpu.memory_space<vmem>>) semaphore(%arg9 : memref<!tpu.dma_semaphore, #tpu.memory_space<semaphore_mem>>)
    %dma_start3A_251 = arith.constant 0 : i32
    %dma_start3A_252 = arith.constant 0 : i32
    %dma_start3A_253 = arith.constant 0 : i32
    %dma_start3A_254 = tpu.memref_slice %arg8[%dma_start3A_251, %dma_start3A_252, %dma_start3A_253] : memref<2x3072x16xf32, #tpu.memory_space<vmem>> -> memref<1x3072x16xf32, #tpu.memory_space<vmem>>
    %dma_start3A_255 = tpu.memref_squeeze %dma_start3A_254 : memref<1x3072x16xf32, #tpu.memory_space<vmem>> -> memref<3072x16xf32, #tpu.memory_space<vmem>>
    %dma_start3A_256 = arith.constant 2432 : i32
    %dma_start3A_257 = arith.constant 0 : i32
    %dma_start3A_258 = tpu.memref_slice %dma_start3A_255[%dma_start3A_256, %dma_start3A_257] : memref<3072x16xf32, #tpu.memory_space<vmem>> -> memref<128x16xf32, #tpu.memory_space<vmem>>
    %dma_start3A_259 = arith.constant 2432 : i32
    %dma_start3A_260 = tpu.memref_slice %arg7[%dma_start3A_259] : memref<12288xi32, #tpu.memory_space<vmem>> -> memref<128xi32, #tpu.memory_space<vmem>>
    %dma_start3A_261 = arith.constant 0 : i32
    %dma_start3A_262 = arith.constant 0 : i32
    %dma_start3A_263 = tpu.memref_slice %arg6[%dma_start3A_261, %dma_start3A_262] : memref<185x16xf32, #tpu.memory_space<vmem_shared>> -> memref<185x16xf32, #tpu.memory_space<vmem_shared>>
    tpu.enqueue_indirect_dma source(%dma_start3A_263 : memref<185x16xf32, #tpu.memory_space<vmem_shared>>) target(%dma_start3A_258 : memref<128x16xf32, #tpu.memory_space<vmem>>) offsets(%dma_start3A_260 : memref<128xi32, #tpu.memory_space<vmem>>) semaphore(%arg9 : memref<!tpu.dma_semaphore, #tpu.memory_space<semaphore_mem>>)
    %dma_start3A_264 = arith.constant 0 : i32
    %dma_start3A_265 = arith.constant 0 : i32
    %dma_start3A_266 = arith.constant 0 : i32
    %dma_start3A_267 = tpu.memref_slice %arg8[%dma_start3A_264, %dma_start3A_265, %dma_start3A_266] : memref<2x3072x16xf32, #tpu.memory_space<vmem>> -> memref<1x3072x16xf32, #tpu.memory_space<vmem>>
    %dma_start3A_268 = tpu.memref_squeeze %dma_start3A_267 : memref<1x3072x16xf32, #tpu.memory_space<vmem>> -> memref<3072x16xf32, #tpu.memory_space<vmem>>
    %dma_start3A_269 = arith.constant 2560 : i32
    %dma_start3A_270 = arith.constant 0 : i32
    %dma_start3A_271 = tpu.memref_slice %dma_start3A_268[%dma_start3A_269, %dma_start3A_270] : memref<3072x16xf32, #tpu.memory_space<vmem>> -> memref<128x16xf32, #tpu.memory_space<vmem>>
    %dma_start3A_272 = arith.constant 2560 : i32
    %dma_start3A_273 = tpu.memref_slice %arg7[%dma_start3A_272] : memref<12288xi32, #tpu.memory_space<vmem>> -> memref<128xi32, #tpu.memory_space<vmem>>
    %dma_start3A_274 = arith.constant 0 : i32
    %dma_start3A_275 = arith.constant 0 : i32
    %dma_start3A_276 = tpu.memref_slice %arg6[%dma_start3A_274, %dma_start3A_275] : memref<185x16xf32, #tpu.memory_space<vmem_shared>> -> memref<185x16xf32, #tpu.memory_space<vmem_shared>>
    tpu.enqueue_indirect_dma source(%dma_start3A_276 : memref<185x16xf32, #tpu.memory_space<vmem_shared>>) target(%dma_start3A_271 : memref<128x16xf32, #tpu.memory_space<vmem>>) offsets(%dma_start3A_273 : memref<128xi32, #tpu.memory_space<vmem>>) semaphore(%arg9 : memref<!tpu.dma_semaphore, #tpu.memory_space<semaphore_mem>>)
    %dma_start3A_277 = arith.constant 0 : i32
    %dma_start3A_278 = arith.constant 0 : i32
    %dma_start3A_279 = arith.constant 0 : i32
    %dma_start3A_280 = tpu.memref_slice %arg8[%dma_start3A_277, %dma_start3A_278, %dma_start3A_279] : memref<2x3072x16xf32, #tpu.memory_space<vmem>> -> memref<1x3072x16xf32, #tpu.memory_space<vmem>>
    %dma_start3A_281 = tpu.memref_squeeze %dma_start3A_280 : memref<1x3072x16xf32, #tpu.memory_space<vmem>> -> memref<3072x16xf32, #tpu.memory_space<vmem>>
    %dma_start3A_282 = arith.constant 2688 : i32
    %dma_start3A_283 = arith.constant 0 : i32
    %dma_start3A_284 = tpu.memref_slice %dma_start3A_281[%dma_start3A_282, %dma_start3A_283] : memref<3072x16xf32, #tpu.memory_space<vmem>> -> memref<128x16xf32, #tpu.memory_space<vmem>>
    %dma_start3A_285 = arith.constant 2688 : i32
    %dma_start3A_286 = tpu.memref_slice %arg7[%dma_start3A_285] : memref<12288xi32, #tpu.memory_space<vmem>> -> memref<128xi32, #tpu.memory_space<vmem>>
    %dma_start3A_287 = arith.constant 0 : i32
    %dma_start3A_288 = arith.constant 0 : i32
    %dma_start3A_289 = tpu.memref_slice %arg6[%dma_start3A_287, %dma_start3A_288] : memref<185x16xf32, #tpu.memory_space<vmem_shared>> -> memref<185x16xf32, #tpu.memory_space<vmem_shared>>
    tpu.enqueue_indirect_dma source(%dma_start3A_289 : memref<185x16xf32, #tpu.memory_space<vmem_shared>>) target(%dma_start3A_284 : memref<128x16xf32, #tpu.memory_space<vmem>>) offsets(%dma_start3A_286 : memref<128xi32, #tpu.memory_space<vmem>>) semaphore(%arg9 : memref<!tpu.dma_semaphore, #tpu.memory_space<semaphore_mem>>)
    %dma_start3A_290 = arith.constant 0 : i32
    %dma_start3A_291 = arith.constant 0 : i32
    %dma_start3A_292 = arith.constant 0 : i32
    %dma_start3A_293 = tpu.memref_slice %arg8[%dma_start3A_290, %dma_start3A_291, %dma_start3A_292] : memref<2x3072x16xf32, #tpu.memory_space<vmem>> -> memref<1x3072x16xf32, #tpu.memory_space<vmem>>
    %dma_start3A_294 = tpu.memref_squeeze %dma_start3A_293 : memref<1x3072x16xf32, #tpu.memory_space<vmem>> -> memref<3072x16xf32, #tpu.memory_space<vmem>>
    %dma_start3A_295 = arith.constant 2816 : i32
    %dma_start3A_296 = arith.constant 0 : i32
    %dma_start3A_297 = tpu.memref_slice %dma_start3A_294[%dma_start3A_295, %dma_start3A_296] : memref<3072x16xf32, #tpu.memory_space<vmem>> -> memref<128x16xf32, #tpu.memory_space<vmem>>
    %dma_start3A_298 = arith.constant 2816 : i32
    %dma_start3A_299 = tpu.memref_slice %arg7[%dma_start3A_298] : memref<12288xi32, #tpu.memory_space<vmem>> -> memref<128xi32, #tpu.memory_space<vmem>>
    %dma_start3A_300 = arith.constant 0 : i32
    %dma_start3A_301 = arith.constant 0 : i32
    %dma_start3A_302 = tpu.memref_slice %arg6[%dma_start3A_300, %dma_start3A_301] : memref<185x16xf32, #tpu.memory_space<vmem_shared>> -> memref<185x16xf32, #tpu.memory_space<vmem_shared>>
    tpu.enqueue_indirect_dma source(%dma_start3A_302 : memref<185x16xf32, #tpu.memory_space<vmem_shared>>) target(%dma_start3A_297 : memref<128x16xf32, #tpu.memory_space<vmem>>) offsets(%dma_start3A_299 : memref<128xi32, #tpu.memory_space<vmem>>) semaphore(%arg9 : memref<!tpu.dma_semaphore, #tpu.memory_space<semaphore_mem>>)
    %dma_start3A_303 = arith.constant 0 : i32
    %dma_start3A_304 = arith.constant 0 : i32
    %dma_start3A_305 = arith.constant 0 : i32
    %dma_start3A_306 = tpu.memref_slice %arg8[%dma_start3A_303, %dma_start3A_304, %dma_start3A_305] : memref<2x3072x16xf32, #tpu.memory_space<vmem>> -> memref<1x3072x16xf32, #tpu.memory_space<vmem>>
    %dma_start3A_307 = tpu.memref_squeeze %dma_start3A_306 : memref<1x3072x16xf32, #tpu.memory_space<vmem>> -> memref<3072x16xf32, #tpu.memory_space<vmem>>
    %dma_start3A_308 = arith.constant 2944 : i32
    %dma_start3A_309 = arith.constant 0 : i32
    %dma_start3A_310 = tpu.memref_slice %dma_start3A_307[%dma_start3A_308, %dma_start3A_309] : memref<3072x16xf32, #tpu.memory_space<vmem>> -> memref<128x16xf32, #tpu.memory_space<vmem>>
    %dma_start3A_311 = arith.constant 2944 : i32
    %dma_start3A_312 = tpu.memref_slice %arg7[%dma_start3A_311] : memref<12288xi32, #tpu.memory_space<vmem>> -> memref<128xi32, #tpu.memory_space<vmem>>
    %dma_start3A_313 = arith.constant 0 : i32
    %dma_start3A_314 = arith.constant 0 : i32
    %dma_start3A_315 = tpu.memref_slice %arg6[%dma_start3A_313, %dma_start3A_314] : memref<185x16xf32, #tpu.memory_space<vmem_shared>> -> memref<185x16xf32, #tpu.memory_space<vmem_shared>>
    tpu.enqueue_indirect_dma source(%dma_start3A_315 : memref<185x16xf32, #tpu.memory_space<vmem_shared>>) target(%dma_start3A_310 : memref<128x16xf32, #tpu.memory_space<vmem>>) offsets(%dma_start3A_312 : memref<128xi32, #tpu.memory_space<vmem>>) semaphore(%arg9 : memref<!tpu.dma_semaphore, #tpu.memory_space<semaphore_mem>>)
    %dma_start3A_316 = arith.constant 1 : i32
    %dma_start3A_317 = arith.constant 0 : i32
    %dma_start3A_318 = arith.constant 0 : i32
    %dma_start3A_319 = tpu.memref_slice %arg8[%dma_start3A_316, %dma_start3A_317, %dma_start3A_318] : memref<2x3072x16xf32, #tpu.memory_space<vmem>> -> memref<1x3072x16xf32, #tpu.memory_space<vmem>>
    %dma_start3A_320 = tpu.memref_squeeze %dma_start3A_319 : memref<1x3072x16xf32, #tpu.memory_space<vmem>> -> memref<3072x16xf32, #tpu.memory_space<vmem>>
    %dma_start3A_321 = arith.constant 0 : i32
    %dma_start3A_322 = arith.constant 0 : i32
    %dma_start3A_323 = tpu.memref_slice %dma_start3A_320[%dma_start3A_321, %dma_start3A_322] : memref<3072x16xf32, #tpu.memory_space<vmem>> -> memref<128x16xf32, #tpu.memory_space<vmem>>
    %dma_start3A_324 = arith.constant 3072 : i32
    %dma_start3A_325 = tpu.memref_slice %arg7[%dma_start3A_324] : memref<12288xi32, #tpu.memory_space<vmem>> -> memref<128xi32, #tpu.memory_space<vmem>>
    %dma_start3A_326 = arith.constant 0 : i32
    %dma_start3A_327 = arith.constant 0 : i32
    %dma_start3A_328 = tpu.memref_slice %arg6[%dma_start3A_326, %dma_start3A_327] : memref<185x16xf32, #tpu.memory_space<vmem_shared>> -> memref<185x16xf32, #tpu.memory_space<vmem_shared>>
    tpu.enqueue_indirect_dma source(%dma_start3A_328 : memref<185x16xf32, #tpu.memory_space<vmem_shared>>) target(%dma_start3A_323 : memref<128x16xf32, #tpu.memory_space<vmem>>) offsets(%dma_start3A_325 : memref<128xi32, #tpu.memory_space<vmem>>) semaphore(%arg9 : memref<!tpu.dma_semaphore, #tpu.memory_space<semaphore_mem>>)
    %dma_start3A_329 = arith.constant 1 : i32
    %dma_start3A_330 = arith.constant 0 : i32
    %dma_start3A_331 = arith.constant 0 : i32
    %dma_start3A_332 = tpu.memref_slice %arg8[%dma_start3A_329, %dma_start3A_330, %dma_start3A_331] : memref<2x3072x16xf32, #tpu.memory_space<vmem>> -> memref<1x3072x16xf32, #tpu.memory_space<vmem>>
    %dma_start3A_333 = tpu.memref_squeeze %dma_start3A_332 : memref<1x3072x16xf32, #tpu.memory_space<vmem>> -> memref<3072x16xf32, #tpu.memory_space<vmem>>
    %dma_start3A_334 = arith.constant 128 : i32
    %dma_start3A_335 = arith.constant 0 : i32
    %dma_start3A_336 = tpu.memref_slice %dma_start3A_333[%dma_start3A_334, %dma_start3A_335] : memref<3072x16xf32, #tpu.memory_space<vmem>> -> memref<128x16xf32, #tpu.memory_space<vmem>>
    %dma_start3A_337 = arith.constant 3200 : i32
    %dma_start3A_338 = tpu.memref_slice %arg7[%dma_start3A_337] : memref<12288xi32, #tpu.memory_space<vmem>> -> memref<128xi32, #tpu.memory_space<vmem>>
    %dma_start3A_339 = arith.constant 0 : i32
    %dma_start3A_340 = arith.constant 0 : i32
    %dma_start3A_341 = tpu.memref_slice %arg6[%dma_start3A_339, %dma_start3A_340] : memref<185x16xf32, #tpu.memory_space<vmem_shared>> -> memref<185x16xf32, #tpu.memory_space<vmem_shared>>
    tpu.enqueue_indirect_dma source(%dma_start3A_341 : memref<185x16xf32, #tpu.memory_space<vmem_shared>>) target(%dma_start3A_336 : memref<128x16xf32, #tpu.memory_space<vmem>>) offsets(%dma_start3A_338 : memref<128xi32, #tpu.memory_space<vmem>>) semaphore(%arg9 : memref<!tpu.dma_semaphore, #tpu.memory_space<semaphore_mem>>)
    %dma_start3A_342 = arith.constant 1 : i32
    %dma_start3A_343 = arith.constant 0 : i32
    %dma_start3A_344 = arith.constant 0 : i32
    %dma_start3A_345 = tpu.memref_slice %arg8[%dma_start3A_342, %dma_start3A_343, %dma_start3A_344] : memref<2x3072x16xf32, #tpu.memory_space<vmem>> -> memref<1x3072x16xf32, #tpu.memory_space<vmem>>
    %dma_start3A_346 = tpu.memref_squeeze %dma_start3A_345 : memref<1x3072x16xf32, #tpu.memory_space<vmem>> -> memref<3072x16xf32, #tpu.memory_space<vmem>>
    %dma_start3A_347 = arith.constant 256 : i32
    %dma_start3A_348 = arith.constant 0 : i32
    %dma_start3A_349 = tpu.memref_slice %dma_start3A_346[%dma_start3A_347, %dma_start3A_348] : memref<3072x16xf32, #tpu.memory_space<vmem>> -> memref<128x16xf32, #tpu.memory_space<vmem>>
    %dma_start3A_350 = arith.constant 3328 : i32
    %dma_start3A_351 = tpu.memref_slice %arg7[%dma_start3A_350] : memref<12288xi32, #tpu.memory_space<vmem>> -> memref<128xi32, #tpu.memory_space<vmem>>
    %dma_start3A_352 = arith.constant 0 : i32
    %dma_start3A_353 = arith.constant 0 : i32
    %dma_start3A_354 = tpu.memref_slice %arg6[%dma_start3A_352, %dma_start3A_353] : memref<185x16xf32, #tpu.memory_space<vmem_shared>> -> memref<185x16xf32, #tpu.memory_space<vmem_shared>>
    tpu.enqueue_indirect_dma source(%dma_start3A_354 : memref<185x16xf32, #tpu.memory_space<vmem_shared>>) target(%dma_start3A_349 : memref<128x16xf32, #tpu.memory_space<vmem>>) offsets(%dma_start3A_351 : memref<128xi32, #tpu.memory_space<vmem>>) semaphore(%arg9 : memref<!tpu.dma_semaphore, #tpu.memory_space<semaphore_mem>>)
    %dma_start3A_355 = arith.constant 1 : i32
    %dma_start3A_356 = arith.constant 0 : i32
    %dma_start3A_357 = arith.constant 0 : i32
    %dma_start3A_358 = tpu.memref_slice %arg8[%dma_start3A_355, %dma_start3A_356, %dma_start3A_357] : memref<2x3072x16xf32, #tpu.memory_space<vmem>> -> memref<1x3072x16xf32, #tpu.memory_space<vmem>>
    %dma_start3A_359 = tpu.memref_squeeze %dma_start3A_358 : memref<1x3072x16xf32, #tpu.memory_space<vmem>> -> memref<3072x16xf32, #tpu.memory_space<vmem>>
    %dma_start3A_360 = arith.constant 384 : i32
    %dma_start3A_361 = arith.constant 0 : i32
    %dma_start3A_362 = tpu.memref_slice %dma_start3A_359[%dma_start3A_360, %dma_start3A_361] : memref<3072x16xf32, #tpu.memory_space<vmem>> -> memref<128x16xf32, #tpu.memory_space<vmem>>
    %dma_start3A_363 = arith.constant 3456 : i32
    %dma_start3A_364 = tpu.memref_slice %arg7[%dma_start3A_363] : memref<12288xi32, #tpu.memory_space<vmem>> -> memref<128xi32, #tpu.memory_space<vmem>>
    %dma_start3A_365 = arith.constant 0 : i32
    %dma_start3A_366 = arith.constant 0 : i32
    %dma_start3A_367 = tpu.memref_slice %arg6[%dma_start3A_365, %dma_start3A_366] : memref<185x16xf32, #tpu.memory_space<vmem_shared>> -> memref<185x16xf32, #tpu.memory_space<vmem_shared>>
    tpu.enqueue_indirect_dma source(%dma_start3A_367 : memref<185x16xf32, #tpu.memory_space<vmem_shared>>) target(%dma_start3A_362 : memref<128x16xf32, #tpu.memory_space<vmem>>) offsets(%dma_start3A_364 : memref<128xi32, #tpu.memory_space<vmem>>) semaphore(%arg9 : memref<!tpu.dma_semaphore, #tpu.memory_space<semaphore_mem>>)
    %dma_start3A_368 = arith.constant 1 : i32
    %dma_start3A_369 = arith.constant 0 : i32
    %dma_start3A_370 = arith.constant 0 : i32
    %dma_start3A_371 = tpu.memref_slice %arg8[%dma_start3A_368, %dma_start3A_369, %dma_start3A_370] : memref<2x3072x16xf32, #tpu.memory_space<vmem>> -> memref<1x3072x16xf32, #tpu.memory_space<vmem>>
    %dma_start3A_372 = tpu.memref_squeeze %dma_start3A_371 : memref<1x3072x16xf32, #tpu.memory_space<vmem>> -> memref<3072x16xf32, #tpu.memory_space<vmem>>
    %dma_start3A_373 = arith.constant 512 : i32
    %dma_start3A_374 = arith.constant 0 : i32
    %dma_start3A_375 = tpu.memref_slice %dma_start3A_372[%dma_start3A_373, %dma_start3A_374] : memref<3072x16xf32, #tpu.memory_space<vmem>> -> memref<128x16xf32, #tpu.memory_space<vmem>>
    %dma_start3A_376 = arith.constant 3584 : i32
    %dma_start3A_377 = tpu.memref_slice %arg7[%dma_start3A_376] : memref<12288xi32, #tpu.memory_space<vmem>> -> memref<128xi32, #tpu.memory_space<vmem>>
    %dma_start3A_378 = arith.constant 0 : i32
    %dma_start3A_379 = arith.constant 0 : i32
    %dma_start3A_380 = tpu.memref_slice %arg6[%dma_start3A_378, %dma_start3A_379] : memref<185x16xf32, #tpu.memory_space<vmem_shared>> -> memref<185x16xf32, #tpu.memory_space<vmem_shared>>
    tpu.enqueue_indirect_dma source(%dma_start3A_380 : memref<185x16xf32, #tpu.memory_space<vmem_shared>>) target(%dma_start3A_375 : memref<128x16xf32, #tpu.memory_space<vmem>>) offsets(%dma_start3A_377 : memref<128xi32, #tpu.memory_space<vmem>>) semaphore(%arg9 : memref<!tpu.dma_semaphore, #tpu.memory_space<semaphore_mem>>)
    %dma_start3A_381 = arith.constant 1 : i32
    %dma_start3A_382 = arith.constant 0 : i32
    %dma_start3A_383 = arith.constant 0 : i32
    %dma_start3A_384 = tpu.memref_slice %arg8[%dma_start3A_381, %dma_start3A_382, %dma_start3A_383] : memref<2x3072x16xf32, #tpu.memory_space<vmem>> -> memref<1x3072x16xf32, #tpu.memory_space<vmem>>
    %dma_start3A_385 = tpu.memref_squeeze %dma_start3A_384 : memref<1x3072x16xf32, #tpu.memory_space<vmem>> -> memref<3072x16xf32, #tpu.memory_space<vmem>>
    %dma_start3A_386 = arith.constant 640 : i32
    %dma_start3A_387 = arith.constant 0 : i32
    %dma_start3A_388 = tpu.memref_slice %dma_start3A_385[%dma_start3A_386, %dma_start3A_387] : memref<3072x16xf32, #tpu.memory_space<vmem>> -> memref<128x16xf32, #tpu.memory_space<vmem>>
    %dma_start3A_389 = arith.constant 3712 : i32
    %dma_start3A_390 = tpu.memref_slice %arg7[%dma_start3A_389] : memref<12288xi32, #tpu.memory_space<vmem>> -> memref<128xi32, #tpu.memory_space<vmem>>
    %dma_start3A_391 = arith.constant 0 : i32
    %dma_start3A_392 = arith.constant 0 : i32
    %dma_start3A_393 = tpu.memref_slice %arg6[%dma_start3A_391, %dma_start3A_392] : memref<185x16xf32, #tpu.memory_space<vmem_shared>> -> memref<185x16xf32, #tpu.memory_space<vmem_shared>>
    tpu.enqueue_indirect_dma source(%dma_start3A_393 : memref<185x16xf32, #tpu.memory_space<vmem_shared>>) target(%dma_start3A_388 : memref<128x16xf32, #tpu.memory_space<vmem>>) offsets(%dma_start3A_390 : memref<128xi32, #tpu.memory_space<vmem>>) semaphore(%arg9 : memref<!tpu.dma_semaphore, #tpu.memory_space<semaphore_mem>>)
    %dma_start3A_394 = arith.constant 1 : i32
    %dma_start3A_395 = arith.constant 0 : i32
    %dma_start3A_396 = arith.constant 0 : i32
    %dma_start3A_397 = tpu.memref_slice %arg8[%dma_start3A_394, %dma_start3A_395, %dma_start3A_396] : memref<2x3072x16xf32, #tpu.memory_space<vmem>> -> memref<1x3072x16xf32, #tpu.memory_space<vmem>>
    %dma_start3A_398 = tpu.memref_squeeze %dma_start3A_397 : memref<1x3072x16xf32, #tpu.memory_space<vmem>> -> memref<3072x16xf32, #tpu.memory_space<vmem>>
    %dma_start3A_399 = arith.constant 768 : i32
    %dma_start3A_400 = arith.constant 0 : i32
    %dma_start3A_401 = tpu.memref_slice %dma_start3A_398[%dma_start3A_399, %dma_start3A_400] : memref<3072x16xf32, #tpu.memory_space<vmem>> -> memref<128x16xf32, #tpu.memory_space<vmem>>
    %dma_start3A_402 = arith.constant 3840 : i32
    %dma_start3A_403 = tpu.memref_slice %arg7[%dma_start3A_402] : memref<12288xi32, #tpu.memory_space<vmem>> -> memref<128xi32, #tpu.memory_space<vmem>>
    %dma_start3A_404 = arith.constant 0 : i32
    %dma_start3A_405 = arith.constant 0 : i32
    %dma_start3A_406 = tpu.memref_slice %arg6[%dma_start3A_404, %dma_start3A_405] : memref<185x16xf32, #tpu.memory_space<vmem_shared>> -> memref<185x16xf32, #tpu.memory_space<vmem_shared>>
    tpu.enqueue_indirect_dma source(%dma_start3A_406 : memref<185x16xf32, #tpu.memory_space<vmem_shared>>) target(%dma_start3A_401 : memref<128x16xf32, #tpu.memory_space<vmem>>) offsets(%dma_start3A_403 : memref<128xi32, #tpu.memory_space<vmem>>) semaphore(%arg9 : memref<!tpu.dma_semaphore, #tpu.memory_space<semaphore_mem>>)
    %dma_start3A_407 = arith.constant 1 : i32
    %dma_start3A_408 = arith.constant 0 : i32
    %dma_start3A_409 = arith.constant 0 : i32
    %dma_start3A_410 = tpu.memref_slice %arg8[%dma_start3A_407, %dma_start3A_408, %dma_start3A_409] : memref<2x3072x16xf32, #tpu.memory_space<vmem>> -> memref<1x3072x16xf32, #tpu.memory_space<vmem>>
    %dma_start3A_411 = tpu.memref_squeeze %dma_start3A_410 : memref<1x3072x16xf32, #tpu.memory_space<vmem>> -> memref<3072x16xf32, #tpu.memory_space<vmem>>
    %dma_start3A_412 = arith.constant 896 : i32
    %dma_start3A_413 = arith.constant 0 : i32
    %dma_start3A_414 = tpu.memref_slice %dma_start3A_411[%dma_start3A_412, %dma_start3A_413] : memref<3072x16xf32, #tpu.memory_space<vmem>> -> memref<128x16xf32, #tpu.memory_space<vmem>>
    %dma_start3A_415 = arith.constant 3968 : i32
    %dma_start3A_416 = tpu.memref_slice %arg7[%dma_start3A_415] : memref<12288xi32, #tpu.memory_space<vmem>> -> memref<128xi32, #tpu.memory_space<vmem>>
    %dma_start3A_417 = arith.constant 0 : i32
    %dma_start3A_418 = arith.constant 0 : i32
    %dma_start3A_419 = tpu.memref_slice %arg6[%dma_start3A_417, %dma_start3A_418] : memref<185x16xf32, #tpu.memory_space<vmem_shared>> -> memref<185x16xf32, #tpu.memory_space<vmem_shared>>
    tpu.enqueue_indirect_dma source(%dma_start3A_419 : memref<185x16xf32, #tpu.memory_space<vmem_shared>>) target(%dma_start3A_414 : memref<128x16xf32, #tpu.memory_space<vmem>>) offsets(%dma_start3A_416 : memref<128xi32, #tpu.memory_space<vmem>>) semaphore(%arg9 : memref<!tpu.dma_semaphore, #tpu.memory_space<semaphore_mem>>)
    %dma_start3A_420 = arith.constant 1 : i32
    %dma_start3A_421 = arith.constant 0 : i32
    %dma_start3A_422 = arith.constant 0 : i32
    %dma_start3A_423 = tpu.memref_slice %arg8[%dma_start3A_420, %dma_start3A_421, %dma_start3A_422] : memref<2x3072x16xf32, #tpu.memory_space<vmem>> -> memref<1x3072x16xf32, #tpu.memory_space<vmem>>
    %dma_start3A_424 = tpu.memref_squeeze %dma_start3A_423 : memref<1x3072x16xf32, #tpu.memory_space<vmem>> -> memref<3072x16xf32, #tpu.memory_space<vmem>>
    %dma_start3A_425 = arith.constant 1024 : i32
    %dma_start3A_426 = arith.constant 0 : i32
    %dma_start3A_427 = tpu.memref_slice %dma_start3A_424[%dma_start3A_425, %dma_start3A_426] : memref<3072x16xf32, #tpu.memory_space<vmem>> -> memref<128x16xf32, #tpu.memory_space<vmem>>
    %dma_start3A_428 = arith.constant 4096 : i32
    %dma_start3A_429 = tpu.memref_slice %arg7[%dma_start3A_428] : memref<12288xi32, #tpu.memory_space<vmem>> -> memref<128xi32, #tpu.memory_space<vmem>>
    %dma_start3A_430 = arith.constant 0 : i32
    %dma_start3A_431 = arith.constant 0 : i32
    %dma_start3A_432 = tpu.memref_slice %arg6[%dma_start3A_430, %dma_start3A_431] : memref<185x16xf32, #tpu.memory_space<vmem_shared>> -> memref<185x16xf32, #tpu.memory_space<vmem_shared>>
    tpu.enqueue_indirect_dma source(%dma_start3A_432 : memref<185x16xf32, #tpu.memory_space<vmem_shared>>) target(%dma_start3A_427 : memref<128x16xf32, #tpu.memory_space<vmem>>) offsets(%dma_start3A_429 : memref<128xi32, #tpu.memory_space<vmem>>) semaphore(%arg9 : memref<!tpu.dma_semaphore, #tpu.memory_space<semaphore_mem>>)
    %dma_start3A_433 = arith.constant 1 : i32
    %dma_start3A_434 = arith.constant 0 : i32
    %dma_start3A_435 = arith.constant 0 : i32
    %dma_start3A_436 = tpu.memref_slice %arg8[%dma_start3A_433, %dma_start3A_434, %dma_start3A_435] : memref<2x3072x16xf32, #tpu.memory_space<vmem>> -> memref<1x3072x16xf32, #tpu.memory_space<vmem>>
    %dma_start3A_437 = tpu.memref_squeeze %dma_start3A_436 : memref<1x3072x16xf32, #tpu.memory_space<vmem>> -> memref<3072x16xf32, #tpu.memory_space<vmem>>
    %dma_start3A_438 = arith.constant 1152 : i32
    %dma_start3A_439 = arith.constant 0 : i32
    %dma_start3A_440 = tpu.memref_slice %dma_start3A_437[%dma_start3A_438, %dma_start3A_439] : memref<3072x16xf32, #tpu.memory_space<vmem>> -> memref<128x16xf32, #tpu.memory_space<vmem>>
    %dma_start3A_441 = arith.constant 4224 : i32
    %dma_start3A_442 = tpu.memref_slice %arg7[%dma_start3A_441] : memref<12288xi32, #tpu.memory_space<vmem>> -> memref<128xi32, #tpu.memory_space<vmem>>
    %dma_start3A_443 = arith.constant 0 : i32
    %dma_start3A_444 = arith.constant 0 : i32
    %dma_start3A_445 = tpu.memref_slice %arg6[%dma_start3A_443, %dma_start3A_444] : memref<185x16xf32, #tpu.memory_space<vmem_shared>> -> memref<185x16xf32, #tpu.memory_space<vmem_shared>>
    tpu.enqueue_indirect_dma source(%dma_start3A_445 : memref<185x16xf32, #tpu.memory_space<vmem_shared>>) target(%dma_start3A_440 : memref<128x16xf32, #tpu.memory_space<vmem>>) offsets(%dma_start3A_442 : memref<128xi32, #tpu.memory_space<vmem>>) semaphore(%arg9 : memref<!tpu.dma_semaphore, #tpu.memory_space<semaphore_mem>>)
    %dma_start3A_446 = arith.constant 1 : i32
    %dma_start3A_447 = arith.constant 0 : i32
    %dma_start3A_448 = arith.constant 0 : i32
    %dma_start3A_449 = tpu.memref_slice %arg8[%dma_start3A_446, %dma_start3A_447, %dma_start3A_448] : memref<2x3072x16xf32, #tpu.memory_space<vmem>> -> memref<1x3072x16xf32, #tpu.memory_space<vmem>>
    %dma_start3A_450 = tpu.memref_squeeze %dma_start3A_449 : memref<1x3072x16xf32, #tpu.memory_space<vmem>> -> memref<3072x16xf32, #tpu.memory_space<vmem>>
    %dma_start3A_451 = arith.constant 1280 : i32
    %dma_start3A_452 = arith.constant 0 : i32
    %dma_start3A_453 = tpu.memref_slice %dma_start3A_450[%dma_start3A_451, %dma_start3A_452] : memref<3072x16xf32, #tpu.memory_space<vmem>> -> memref<128x16xf32, #tpu.memory_space<vmem>>
    %dma_start3A_454 = arith.constant 4352 : i32
    %dma_start3A_455 = tpu.memref_slice %arg7[%dma_start3A_454] : memref<12288xi32, #tpu.memory_space<vmem>> -> memref<128xi32, #tpu.memory_space<vmem>>
    %dma_start3A_456 = arith.constant 0 : i32
    %dma_start3A_457 = arith.constant 0 : i32
    %dma_start3A_458 = tpu.memref_slice %arg6[%dma_start3A_456, %dma_start3A_457] : memref<185x16xf32, #tpu.memory_space<vmem_shared>> -> memref<185x16xf32, #tpu.memory_space<vmem_shared>>
    tpu.enqueue_indirect_dma source(%dma_start3A_458 : memref<185x16xf32, #tpu.memory_space<vmem_shared>>) target(%dma_start3A_453 : memref<128x16xf32, #tpu.memory_space<vmem>>) offsets(%dma_start3A_455 : memref<128xi32, #tpu.memory_space<vmem>>) semaphore(%arg9 : memref<!tpu.dma_semaphore, #tpu.memory_space<semaphore_mem>>)
    %dma_start3A_459 = arith.constant 1 : i32
    %dma_start3A_460 = arith.constant 0 : i32
    %dma_start3A_461 = arith.constant 0 : i32
    %dma_start3A_462 = tpu.memref_slice %arg8[%dma_start3A_459, %dma_start3A_460, %dma_start3A_461] : memref<2x3072x16xf32, #tpu.memory_space<vmem>> -> memref<1x3072x16xf32, #tpu.memory_space<vmem>>
    %dma_start3A_463 = tpu.memref_squeeze %dma_start3A_462 : memref<1x3072x16xf32, #tpu.memory_space<vmem>> -> memref<3072x16xf32, #tpu.memory_space<vmem>>
    %dma_start3A_464 = arith.constant 1408 : i32
    %dma_start3A_465 = arith.constant 0 : i32
    %dma_start3A_466 = tpu.memref_slice %dma_start3A_463[%dma_start3A_464, %dma_start3A_465] : memref<3072x16xf32, #tpu.memory_space<vmem>> -> memref<128x16xf32, #tpu.memory_space<vmem>>
    %dma_start3A_467 = arith.constant 4480 : i32
    %dma_start3A_468 = tpu.memref_slice %arg7[%dma_start3A_467] : memref<12288xi32, #tpu.memory_space<vmem>> -> memref<128xi32, #tpu.memory_space<vmem>>
    %dma_start3A_469 = arith.constant 0 : i32
    %dma_start3A_470 = arith.constant 0 : i32
    %dma_start3A_471 = tpu.memref_slice %arg6[%dma_start3A_469, %dma_start3A_470] : memref<185x16xf32, #tpu.memory_space<vmem_shared>> -> memref<185x16xf32, #tpu.memory_space<vmem_shared>>
    tpu.enqueue_indirect_dma source(%dma_start3A_471 : memref<185x16xf32, #tpu.memory_space<vmem_shared>>) target(%dma_start3A_466 : memref<128x16xf32, #tpu.memory_space<vmem>>) offsets(%dma_start3A_468 : memref<128xi32, #tpu.memory_space<vmem>>) semaphore(%arg9 : memref<!tpu.dma_semaphore, #tpu.memory_space<semaphore_mem>>)
    %dma_start3A_472 = arith.constant 1 : i32
    %dma_start3A_473 = arith.constant 0 : i32
    %dma_start3A_474 = arith.constant 0 : i32
    %dma_start3A_475 = tpu.memref_slice %arg8[%dma_start3A_472, %dma_start3A_473, %dma_start3A_474] : memref<2x3072x16xf32, #tpu.memory_space<vmem>> -> memref<1x3072x16xf32, #tpu.memory_space<vmem>>
    %dma_start3A_476 = tpu.memref_squeeze %dma_start3A_475 : memref<1x3072x16xf32, #tpu.memory_space<vmem>> -> memref<3072x16xf32, #tpu.memory_space<vmem>>
    %dma_start3A_477 = arith.constant 1536 : i32
    %dma_start3A_478 = arith.constant 0 : i32
    %dma_start3A_479 = tpu.memref_slice %dma_start3A_476[%dma_start3A_477, %dma_start3A_478] : memref<3072x16xf32, #tpu.memory_space<vmem>> -> memref<128x16xf32, #tpu.memory_space<vmem>>
    %dma_start3A_480 = arith.constant 4608 : i32
    %dma_start3A_481 = tpu.memref_slice %arg7[%dma_start3A_480] : memref<12288xi32, #tpu.memory_space<vmem>> -> memref<128xi32, #tpu.memory_space<vmem>>
    %dma_start3A_482 = arith.constant 0 : i32
    %dma_start3A_483 = arith.constant 0 : i32
    %dma_start3A_484 = tpu.memref_slice %arg6[%dma_start3A_482, %dma_start3A_483] : memref<185x16xf32, #tpu.memory_space<vmem_shared>> -> memref<185x16xf32, #tpu.memory_space<vmem_shared>>
    tpu.enqueue_indirect_dma source(%dma_start3A_484 : memref<185x16xf32, #tpu.memory_space<vmem_shared>>) target(%dma_start3A_479 : memref<128x16xf32, #tpu.memory_space<vmem>>) offsets(%dma_start3A_481 : memref<128xi32, #tpu.memory_space<vmem>>) semaphore(%arg9 : memref<!tpu.dma_semaphore, #tpu.memory_space<semaphore_mem>>)
    %dma_start3A_485 = arith.constant 1 : i32
    %dma_start3A_486 = arith.constant 0 : i32
    %dma_start3A_487 = arith.constant 0 : i32
    %dma_start3A_488 = tpu.memref_slice %arg8[%dma_start3A_485, %dma_start3A_486, %dma_start3A_487] : memref<2x3072x16xf32, #tpu.memory_space<vmem>> -> memref<1x3072x16xf32, #tpu.memory_space<vmem>>
    %dma_start3A_489 = tpu.memref_squeeze %dma_start3A_488 : memref<1x3072x16xf32, #tpu.memory_space<vmem>> -> memref<3072x16xf32, #tpu.memory_space<vmem>>
    %dma_start3A_490 = arith.constant 1664 : i32
    %dma_start3A_491 = arith.constant 0 : i32
    %dma_start3A_492 = tpu.memref_slice %dma_start3A_489[%dma_start3A_490, %dma_start3A_491] : memref<3072x16xf32, #tpu.memory_space<vmem>> -> memref<128x16xf32, #tpu.memory_space<vmem>>
    %dma_start3A_493 = arith.constant 4736 : i32
    %dma_start3A_494 = tpu.memref_slice %arg7[%dma_start3A_493] : memref<12288xi32, #tpu.memory_space<vmem>> -> memref<128xi32, #tpu.memory_space<vmem>>
    %dma_start3A_495 = arith.constant 0 : i32
    %dma_start3A_496 = arith.constant 0 : i32
    %dma_start3A_497 = tpu.memref_slice %arg6[%dma_start3A_495, %dma_start3A_496] : memref<185x16xf32, #tpu.memory_space<vmem_shared>> -> memref<185x16xf32, #tpu.memory_space<vmem_shared>>
    tpu.enqueue_indirect_dma source(%dma_start3A_497 : memref<185x16xf32, #tpu.memory_space<vmem_shared>>) target(%dma_start3A_492 : memref<128x16xf32, #tpu.memory_space<vmem>>) offsets(%dma_start3A_494 : memref<128xi32, #tpu.memory_space<vmem>>) semaphore(%arg9 : memref<!tpu.dma_semaphore, #tpu.memory_space<semaphore_mem>>)
    %dma_start3A_498 = arith.constant 1 : i32
    %dma_start3A_499 = arith.constant 0 : i32
    %dma_start3A_500 = arith.constant 0 : i32
    %dma_start3A_501 = tpu.memref_slice %arg8[%dma_start3A_498, %dma_start3A_499, %dma_start3A_500] : memref<2x3072x16xf32, #tpu.memory_space<vmem>> -> memref<1x3072x16xf32, #tpu.memory_space<vmem>>
    %dma_start3A_502 = tpu.memref_squeeze %dma_start3A_501 : memref<1x3072x16xf32, #tpu.memory_space<vmem>> -> memref<3072x16xf32, #tpu.memory_space<vmem>>
    %dma_start3A_503 = arith.constant 1792 : i32
    %dma_start3A_504 = arith.constant 0 : i32
    %dma_start3A_505 = tpu.memref_slice %dma_start3A_502[%dma_start3A_503, %dma_start3A_504] : memref<3072x16xf32, #tpu.memory_space<vmem>> -> memref<128x16xf32, #tpu.memory_space<vmem>>
    %dma_start3A_506 = arith.constant 4864 : i32
    %dma_start3A_507 = tpu.memref_slice %arg7[%dma_start3A_506] : memref<12288xi32, #tpu.memory_space<vmem>> -> memref<128xi32, #tpu.memory_space<vmem>>
    %dma_start3A_508 = arith.constant 0 : i32
    %dma_start3A_509 = arith.constant 0 : i32
    %dma_start3A_510 = tpu.memref_slice %arg6[%dma_start3A_508, %dma_start3A_509] : memref<185x16xf32, #tpu.memory_space<vmem_shared>> -> memref<185x16xf32, #tpu.memory_space<vmem_shared>>
    tpu.enqueue_indirect_dma source(%dma_start3A_510 : memref<185x16xf32, #tpu.memory_space<vmem_shared>>) target(%dma_start3A_505 : memref<128x16xf32, #tpu.memory_space<vmem>>) offsets(%dma_start3A_507 : memref<128xi32, #tpu.memory_space<vmem>>) semaphore(%arg9 : memref<!tpu.dma_semaphore, #tpu.memory_space<semaphore_mem>>)
    %dma_start3A_511 = arith.constant 1 : i32
    %dma_start3A_512 = arith.constant 0 : i32
    %dma_start3A_513 = arith.constant 0 : i32
    %dma_start3A_514 = tpu.memref_slice %arg8[%dma_start3A_511, %dma_start3A_512, %dma_start3A_513] : memref<2x3072x16xf32, #tpu.memory_space<vmem>> -> memref<1x3072x16xf32, #tpu.memory_space<vmem>>
    %dma_start3A_515 = tpu.memref_squeeze %dma_start3A_514 : memref<1x3072x16xf32, #tpu.memory_space<vmem>> -> memref<3072x16xf32, #tpu.memory_space<vmem>>
    %dma_start3A_516 = arith.constant 1920 : i32
    %dma_start3A_517 = arith.constant 0 : i32
    %dma_start3A_518 = tpu.memref_slice %dma_start3A_515[%dma_start3A_516, %dma_start3A_517] : memref<3072x16xf32, #tpu.memory_space<vmem>> -> memref<128x16xf32, #tpu.memory_space<vmem>>
    %dma_start3A_519 = arith.constant 4992 : i32
    %dma_start3A_520 = tpu.memref_slice %arg7[%dma_start3A_519] : memref<12288xi32, #tpu.memory_space<vmem>> -> memref<128xi32, #tpu.memory_space<vmem>>
    %dma_start3A_521 = arith.constant 0 : i32
    %dma_start3A_522 = arith.constant 0 : i32
    %dma_start3A_523 = tpu.memref_slice %arg6[%dma_start3A_521, %dma_start3A_522] : memref<185x16xf32, #tpu.memory_space<vmem_shared>> -> memref<185x16xf32, #tpu.memory_space<vmem_shared>>
    tpu.enqueue_indirect_dma source(%dma_start3A_523 : memref<185x16xf32, #tpu.memory_space<vmem_shared>>) target(%dma_start3A_518 : memref<128x16xf32, #tpu.memory_space<vmem>>) offsets(%dma_start3A_520 : memref<128xi32, #tpu.memory_space<vmem>>) semaphore(%arg9 : memref<!tpu.dma_semaphore, #tpu.memory_space<semaphore_mem>>)
    %dma_start3A_524 = arith.constant 1 : i32
    %dma_start3A_525 = arith.constant 0 : i32
    %dma_start3A_526 = arith.constant 0 : i32
    %dma_start3A_527 = tpu.memref_slice %arg8[%dma_start3A_524, %dma_start3A_525, %dma_start3A_526] : memref<2x3072x16xf32, #tpu.memory_space<vmem>> -> memref<1x3072x16xf32, #tpu.memory_space<vmem>>
    %dma_start3A_528 = tpu.memref_squeeze %dma_start3A_527 : memref<1x3072x16xf32, #tpu.memory_space<vmem>> -> memref<3072x16xf32, #tpu.memory_space<vmem>>
    %dma_start3A_529 = arith.constant 2048 : i32
    %dma_start3A_530 = arith.constant 0 : i32
    %dma_start3A_531 = tpu.memref_slice %dma_start3A_528[%dma_start3A_529, %dma_start3A_530] : memref<3072x16xf32, #tpu.memory_space<vmem>> -> memref<128x16xf32, #tpu.memory_space<vmem>>
    %dma_start3A_532 = arith.constant 5120 : i32
    %dma_start3A_533 = tpu.memref_slice %arg7[%dma_start3A_532] : memref<12288xi32, #tpu.memory_space<vmem>> -> memref<128xi32, #tpu.memory_space<vmem>>
    %dma_start3A_534 = arith.constant 0 : i32
    %dma_start3A_535 = arith.constant 0 : i32
    %dma_start3A_536 = tpu.memref_slice %arg6[%dma_start3A_534, %dma_start3A_535] : memref<185x16xf32, #tpu.memory_space<vmem_shared>> -> memref<185x16xf32, #tpu.memory_space<vmem_shared>>
    tpu.enqueue_indirect_dma source(%dma_start3A_536 : memref<185x16xf32, #tpu.memory_space<vmem_shared>>) target(%dma_start3A_531 : memref<128x16xf32, #tpu.memory_space<vmem>>) offsets(%dma_start3A_533 : memref<128xi32, #tpu.memory_space<vmem>>) semaphore(%arg9 : memref<!tpu.dma_semaphore, #tpu.memory_space<semaphore_mem>>)
    %dma_start3A_537 = arith.constant 1 : i32
    %dma_start3A_538 = arith.constant 0 : i32
    %dma_start3A_539 = arith.constant 0 : i32
    %dma_start3A_540 = tpu.memref_slice %arg8[%dma_start3A_537, %dma_start3A_538, %dma_start3A_539] : memref<2x3072x16xf32, #tpu.memory_space<vmem>> -> memref<1x3072x16xf32, #tpu.memory_space<vmem>>
    %dma_start3A_541 = tpu.memref_squeeze %dma_start3A_540 : memref<1x3072x16xf32, #tpu.memory_space<vmem>> -> memref<3072x16xf32, #tpu.memory_space<vmem>>
    %dma_start3A_542 = arith.constant 2176 : i32
    %dma_start3A_543 = arith.constant 0 : i32
    %dma_start3A_544 = tpu.memref_slice %dma_start3A_541[%dma_start3A_542, %dma_start3A_543] : memref<3072x16xf32, #tpu.memory_space<vmem>> -> memref<128x16xf32, #tpu.memory_space<vmem>>
    %dma_start3A_545 = arith.constant 5248 : i32
    %dma_start3A_546 = tpu.memref_slice %arg7[%dma_start3A_545] : memref<12288xi32, #tpu.memory_space<vmem>> -> memref<128xi32, #tpu.memory_space<vmem>>
    %dma_start3A_547 = arith.constant 0 : i32
    %dma_start3A_548 = arith.constant 0 : i32
    %dma_start3A_549 = tpu.memref_slice %arg6[%dma_start3A_547, %dma_start3A_548] : memref<185x16xf32, #tpu.memory_space<vmem_shared>> -> memref<185x16xf32, #tpu.memory_space<vmem_shared>>
    tpu.enqueue_indirect_dma source(%dma_start3A_549 : memref<185x16xf32, #tpu.memory_space<vmem_shared>>) target(%dma_start3A_544 : memref<128x16xf32, #tpu.memory_space<vmem>>) offsets(%dma_start3A_546 : memref<128xi32, #tpu.memory_space<vmem>>) semaphore(%arg9 : memref<!tpu.dma_semaphore, #tpu.memory_space<semaphore_mem>>)
    %dma_start3A_550 = arith.constant 1 : i32
    %dma_start3A_551 = arith.constant 0 : i32
    %dma_start3A_552 = arith.constant 0 : i32
    %dma_start3A_553 = tpu.memref_slice %arg8[%dma_start3A_550, %dma_start3A_551, %dma_start3A_552] : memref<2x3072x16xf32, #tpu.memory_space<vmem>> -> memref<1x3072x16xf32, #tpu.memory_space<vmem>>
    %dma_start3A_554 = tpu.memref_squeeze %dma_start3A_553 : memref<1x3072x16xf32, #tpu.memory_space<vmem>> -> memref<3072x16xf32, #tpu.memory_space<vmem>>
    %dma_start3A_555 = arith.constant 2304 : i32
    %dma_start3A_556 = arith.constant 0 : i32
    %dma_start3A_557 = tpu.memref_slice %dma_start3A_554[%dma_start3A_555, %dma_start3A_556] : memref<3072x16xf32, #tpu.memory_space<vmem>> -> memref<128x16xf32, #tpu.memory_space<vmem>>
    %dma_start3A_558 = arith.constant 5376 : i32
    %dma_start3A_559 = tpu.memref_slice %arg7[%dma_start3A_558] : memref<12288xi32, #tpu.memory_space<vmem>> -> memref<128xi32, #tpu.memory_space<vmem>>
    %dma_start3A_560 = arith.constant 0 : i32
    %dma_start3A_561 = arith.constant 0 : i32
    %dma_start3A_562 = tpu.memref_slice %arg6[%dma_start3A_560, %dma_start3A_561] : memref<185x16xf32, #tpu.memory_space<vmem_shared>> -> memref<185x16xf32, #tpu.memory_space<vmem_shared>>
    tpu.enqueue_indirect_dma source(%dma_start3A_562 : memref<185x16xf32, #tpu.memory_space<vmem_shared>>) target(%dma_start3A_557 : memref<128x16xf32, #tpu.memory_space<vmem>>) offsets(%dma_start3A_559 : memref<128xi32, #tpu.memory_space<vmem>>) semaphore(%arg9 : memref<!tpu.dma_semaphore, #tpu.memory_space<semaphore_mem>>)
    %dma_start3A_563 = arith.constant 1 : i32
    %dma_start3A_564 = arith.constant 0 : i32
    %dma_start3A_565 = arith.constant 0 : i32
    %dma_start3A_566 = tpu.memref_slice %arg8[%dma_start3A_563, %dma_start3A_564, %dma_start3A_565] : memref<2x3072x16xf32, #tpu.memory_space<vmem>> -> memref<1x3072x16xf32, #tpu.memory_space<vmem>>
    %dma_start3A_567 = tpu.memref_squeeze %dma_start3A_566 : memref<1x3072x16xf32, #tpu.memory_space<vmem>> -> memref<3072x16xf32, #tpu.memory_space<vmem>>
    %dma_start3A_568 = arith.constant 2432 : i32
    %dma_start3A_569 = arith.constant 0 : i32
    %dma_start3A_570 = tpu.memref_slice %dma_start3A_567[%dma_start3A_568, %dma_start3A_569] : memref<3072x16xf32, #tpu.memory_space<vmem>> -> memref<128x16xf32, #tpu.memory_space<vmem>>
    %dma_start3A_571 = arith.constant 5504 : i32
    %dma_start3A_572 = tpu.memref_slice %arg7[%dma_start3A_571] : memref<12288xi32, #tpu.memory_space<vmem>> -> memref<128xi32, #tpu.memory_space<vmem>>
    %dma_start3A_573 = arith.constant 0 : i32
    %dma_start3A_574 = arith.constant 0 : i32
    %dma_start3A_575 = tpu.memref_slice %arg6[%dma_start3A_573, %dma_start3A_574] : memref<185x16xf32, #tpu.memory_space<vmem_shared>> -> memref<185x16xf32, #tpu.memory_space<vmem_shared>>
    tpu.enqueue_indirect_dma source(%dma_start3A_575 : memref<185x16xf32, #tpu.memory_space<vmem_shared>>) target(%dma_start3A_570 : memref<128x16xf32, #tpu.memory_space<vmem>>) offsets(%dma_start3A_572 : memref<128xi32, #tpu.memory_space<vmem>>) semaphore(%arg9 : memref<!tpu.dma_semaphore, #tpu.memory_space<semaphore_mem>>)
    %dma_start3A_576 = arith.constant 1 : i32
    %dma_start3A_577 = arith.constant 0 : i32
    %dma_start3A_578 = arith.constant 0 : i32
    %dma_start3A_579 = tpu.memref_slice %arg8[%dma_start3A_576, %dma_start3A_577, %dma_start3A_578] : memref<2x3072x16xf32, #tpu.memory_space<vmem>> -> memref<1x3072x16xf32, #tpu.memory_space<vmem>>
    %dma_start3A_580 = tpu.memref_squeeze %dma_start3A_579 : memref<1x3072x16xf32, #tpu.memory_space<vmem>> -> memref<3072x16xf32, #tpu.memory_space<vmem>>
    %dma_start3A_581 = arith.constant 2560 : i32
    %dma_start3A_582 = arith.constant 0 : i32
    %dma_start3A_583 = tpu.memref_slice %dma_start3A_580[%dma_start3A_581, %dma_start3A_582] : memref<3072x16xf32, #tpu.memory_space<vmem>> -> memref<128x16xf32, #tpu.memory_space<vmem>>
    %dma_start3A_584 = arith.constant 5632 : i32
    %dma_start3A_585 = tpu.memref_slice %arg7[%dma_start3A_584] : memref<12288xi32, #tpu.memory_space<vmem>> -> memref<128xi32, #tpu.memory_space<vmem>>
    %dma_start3A_586 = arith.constant 0 : i32
    %dma_start3A_587 = arith.constant 0 : i32
    %dma_start3A_588 = tpu.memref_slice %arg6[%dma_start3A_586, %dma_start3A_587] : memref<185x16xf32, #tpu.memory_space<vmem_shared>> -> memref<185x16xf32, #tpu.memory_space<vmem_shared>>
    tpu.enqueue_indirect_dma source(%dma_start3A_588 : memref<185x16xf32, #tpu.memory_space<vmem_shared>>) target(%dma_start3A_583 : memref<128x16xf32, #tpu.memory_space<vmem>>) offsets(%dma_start3A_585 : memref<128xi32, #tpu.memory_space<vmem>>) semaphore(%arg9 : memref<!tpu.dma_semaphore, #tpu.memory_space<semaphore_mem>>)
    %dma_start3A_589 = arith.constant 1 : i32
    %dma_start3A_590 = arith.constant 0 : i32
    %dma_start3A_591 = arith.constant 0 : i32
    %dma_start3A_592 = tpu.memref_slice %arg8[%dma_start3A_589, %dma_start3A_590, %dma_start3A_591] : memref<2x3072x16xf32, #tpu.memory_space<vmem>> -> memref<1x3072x16xf32, #tpu.memory_space<vmem>>
    %dma_start3A_593 = tpu.memref_squeeze %dma_start3A_592 : memref<1x3072x16xf32, #tpu.memory_space<vmem>> -> memref<3072x16xf32, #tpu.memory_space<vmem>>
    %dma_start3A_594 = arith.constant 2688 : i32
    %dma_start3A_595 = arith.constant 0 : i32
    %dma_start3A_596 = tpu.memref_slice %dma_start3A_593[%dma_start3A_594, %dma_start3A_595] : memref<3072x16xf32, #tpu.memory_space<vmem>> -> memref<128x16xf32, #tpu.memory_space<vmem>>
    %dma_start3A_597 = arith.constant 5760 : i32
    %dma_start3A_598 = tpu.memref_slice %arg7[%dma_start3A_597] : memref<12288xi32, #tpu.memory_space<vmem>> -> memref<128xi32, #tpu.memory_space<vmem>>
    %dma_start3A_599 = arith.constant 0 : i32
    %dma_start3A_600 = arith.constant 0 : i32
    %dma_start3A_601 = tpu.memref_slice %arg6[%dma_start3A_599, %dma_start3A_600] : memref<185x16xf32, #tpu.memory_space<vmem_shared>> -> memref<185x16xf32, #tpu.memory_space<vmem_shared>>
    tpu.enqueue_indirect_dma source(%dma_start3A_601 : memref<185x16xf32, #tpu.memory_space<vmem_shared>>) target(%dma_start3A_596 : memref<128x16xf32, #tpu.memory_space<vmem>>) offsets(%dma_start3A_598 : memref<128xi32, #tpu.memory_space<vmem>>) semaphore(%arg9 : memref<!tpu.dma_semaphore, #tpu.memory_space<semaphore_mem>>)
    %dma_start3A_602 = arith.constant 1 : i32
    %dma_start3A_603 = arith.constant 0 : i32
    %dma_start3A_604 = arith.constant 0 : i32
    %dma_start3A_605 = tpu.memref_slice %arg8[%dma_start3A_602, %dma_start3A_603, %dma_start3A_604] : memref<2x3072x16xf32, #tpu.memory_space<vmem>> -> memref<1x3072x16xf32, #tpu.memory_space<vmem>>
    %dma_start3A_606 = tpu.memref_squeeze %dma_start3A_605 : memref<1x3072x16xf32, #tpu.memory_space<vmem>> -> memref<3072x16xf32, #tpu.memory_space<vmem>>
    %dma_start3A_607 = arith.constant 2816 : i32
    %dma_start3A_608 = arith.constant 0 : i32
    %dma_start3A_609 = tpu.memref_slice %dma_start3A_606[%dma_start3A_607, %dma_start3A_608] : memref<3072x16xf32, #tpu.memory_space<vmem>> -> memref<128x16xf32, #tpu.memory_space<vmem>>
    %dma_start3A_610 = arith.constant 5888 : i32
    %dma_start3A_611 = tpu.memref_slice %arg7[%dma_start3A_610] : memref<12288xi32, #tpu.memory_space<vmem>> -> memref<128xi32, #tpu.memory_space<vmem>>
    %dma_start3A_612 = arith.constant 0 : i32
    %dma_start3A_613 = arith.constant 0 : i32
    %dma_start3A_614 = tpu.memref_slice %arg6[%dma_start3A_612, %dma_start3A_613] : memref<185x16xf32, #tpu.memory_space<vmem_shared>> -> memref<185x16xf32, #tpu.memory_space<vmem_shared>>
    tpu.enqueue_indirect_dma source(%dma_start3A_614 : memref<185x16xf32, #tpu.memory_space<vmem_shared>>) target(%dma_start3A_609 : memref<128x16xf32, #tpu.memory_space<vmem>>) offsets(%dma_start3A_611 : memref<128xi32, #tpu.memory_space<vmem>>) semaphore(%arg9 : memref<!tpu.dma_semaphore, #tpu.memory_space<semaphore_mem>>)
    %dma_start3A_615 = arith.constant 1 : i32
    %dma_start3A_616 = arith.constant 0 : i32
    %dma_start3A_617 = arith.constant 0 : i32
    %dma_start3A_618 = tpu.memref_slice %arg8[%dma_start3A_615, %dma_start3A_616, %dma_start3A_617] : memref<2x3072x16xf32, #tpu.memory_space<vmem>> -> memref<1x3072x16xf32, #tpu.memory_space<vmem>>
    %dma_start3A_619 = tpu.memref_squeeze %dma_start3A_618 : memref<1x3072x16xf32, #tpu.memory_space<vmem>> -> memref<3072x16xf32, #tpu.memory_space<vmem>>
    %dma_start3A_620 = arith.constant 2944 : i32
    %dma_start3A_621 = arith.constant 0 : i32
    %dma_start3A_622 = tpu.memref_slice %dma_start3A_619[%dma_start3A_620, %dma_start3A_621] : memref<3072x16xf32, #tpu.memory_space<vmem>> -> memref<128x16xf32, #tpu.memory_space<vmem>>
    %dma_start3A_623 = arith.constant 6016 : i32
    %dma_start3A_624 = tpu.memref_slice %arg7[%dma_start3A_623] : memref<12288xi32, #tpu.memory_space<vmem>> -> memref<128xi32, #tpu.memory_space<vmem>>
    %dma_start3A_625 = arith.constant 0 : i32
    %dma_start3A_626 = arith.constant 0 : i32
    %dma_start3A_627 = tpu.memref_slice %arg6[%dma_start3A_625, %dma_start3A_626] : memref<185x16xf32, #tpu.memory_space<vmem_shared>> -> memref<185x16xf32, #tpu.memory_space<vmem_shared>>
    tpu.enqueue_indirect_dma source(%dma_start3A_627 : memref<185x16xf32, #tpu.memory_space<vmem_shared>>) target(%dma_start3A_622 : memref<128x16xf32, #tpu.memory_space<vmem>>) offsets(%dma_start3A_624 : memref<128xi32, #tpu.memory_space<vmem>>) semaphore(%arg9 : memref<!tpu.dma_semaphore, #tpu.memory_space<semaphore_mem>>)
    %dma_wait3A = arith.constant 0 : i32
    %dma_wait3A_628 = arith.constant 0 : i32
    %dma_wait3A_629 = arith.constant 0 : i32
    %dma_wait3A_630 = tpu.memref_slice %arg8[%dma_wait3A, %dma_wait3A_628, %dma_wait3A_629] : memref<2x3072x16xf32, #tpu.memory_space<vmem>> -> memref<1x3072x16xf32, #tpu.memory_space<vmem>>
    %dma_wait3A_631 = tpu.memref_squeeze %dma_wait3A_630 : memref<1x3072x16xf32, #tpu.memory_space<vmem>> -> memref<3072x16xf32, #tpu.memory_space<vmem>>
    %dma_wait3A_632 = arith.constant 0 : i32
    %dma_wait3A_633 = arith.constant 0 : i32
    %dma_wait3A_634 = tpu.memref_slice %dma_wait3A_631[%dma_wait3A_632, %dma_wait3A_633] : memref<3072x16xf32, #tpu.memory_space<vmem>> -> memref<128x16xf32, #tpu.memory_space<vmem>>
    %dma_wait3A_635 = arith.constant 0 : i32
    %dma_wait3A_636 = tpu.memref_slice %arg7[%dma_wait3A_635] : memref<12288xi32, #tpu.memory_space<vmem>> -> memref<128xi32, #tpu.memory_space<vmem>>
    %dma_wait3A_637 = arith.constant 0 : i32
    %dma_wait3A_638 = arith.constant 0 : i32
    %dma_wait3A_639 = tpu.memref_slice %arg6[%dma_wait3A_637, %dma_wait3A_638] : memref<185x16xf32, #tpu.memory_space<vmem_shared>> -> memref<185x16xf32, #tpu.memory_space<vmem_shared>>
    tpu.wait_indirect_dma semaphore(%arg9 : memref<!tpu.dma_semaphore, #tpu.memory_space<semaphore_mem>>) src(%dma_wait3A_639 : memref<185x16xf32, #tpu.memory_space<vmem_shared>>) dst(%dma_wait3A_634 : memref<128x16xf32, #tpu.memory_space<vmem>>)
    %dma_wait3A_640 = arith.constant 0 : i32
    %dma_wait3A_641 = arith.constant 0 : i32
    %dma_wait3A_642 = arith.constant 0 : i32
    %dma_wait3A_643 = tpu.memref_slice %arg8[%dma_wait3A_640, %dma_wait3A_641, %dma_wait3A_642] : memref<2x3072x16xf32, #tpu.memory_space<vmem>> -> memref<1x3072x16xf32, #tpu.memory_space<vmem>>
    %dma_wait3A_644 = tpu.memref_squeeze %dma_wait3A_643 : memref<1x3072x16xf32, #tpu.memory_space<vmem>> -> memref<3072x16xf32, #tpu.memory_space<vmem>>
    %dma_wait3A_645 = arith.constant 128 : i32
    %dma_wait3A_646 = arith.constant 0 : i32
    %dma_wait3A_647 = tpu.memref_slice %dma_wait3A_644[%dma_wait3A_645, %dma_wait3A_646] : memref<3072x16xf32, #tpu.memory_space<vmem>> -> memref<128x16xf32, #tpu.memory_space<vmem>>
    %dma_wait3A_648 = arith.constant 128 : i32
    %dma_wait3A_649 = tpu.memref_slice %arg7[%dma_wait3A_648] : memref<12288xi32, #tpu.memory_space<vmem>> -> memref<128xi32, #tpu.memory_space<vmem>>
    %dma_wait3A_650 = arith.constant 0 : i32
    %dma_wait3A_651 = arith.constant 0 : i32
    %dma_wait3A_652 = tpu.memref_slice %arg6[%dma_wait3A_650, %dma_wait3A_651] : memref<185x16xf32, #tpu.memory_space<vmem_shared>> -> memref<185x16xf32, #tpu.memory_space<vmem_shared>>
    tpu.wait_indirect_dma semaphore(%arg9 : memref<!tpu.dma_semaphore, #tpu.memory_space<semaphore_mem>>) src(%dma_wait3A_652 : memref<185x16xf32, #tpu.memory_space<vmem_shared>>) dst(%dma_wait3A_647 : memref<128x16xf32, #tpu.memory_space<vmem>>)
    %dma_wait3A_653 = arith.constant 0 : i32
    %dma_wait3A_654 = arith.constant 0 : i32
    %dma_wait3A_655 = arith.constant 0 : i32
    %dma_wait3A_656 = tpu.memref_slice %arg8[%dma_wait3A_653, %dma_wait3A_654, %dma_wait3A_655] : memref<2x3072x16xf32, #tpu.memory_space<vmem>> -> memref<1x3072x16xf32, #tpu.memory_space<vmem>>
    %dma_wait3A_657 = tpu.memref_squeeze %dma_wait3A_656 : memref<1x3072x16xf32, #tpu.memory_space<vmem>> -> memref<3072x16xf32, #tpu.memory_space<vmem>>
    %dma_wait3A_658 = arith.constant 256 : i32
    %dma_wait3A_659 = arith.constant 0 : i32
    %dma_wait3A_660 = tpu.memref_slice %dma_wait3A_657[%dma_wait3A_658, %dma_wait3A_659] : memref<3072x16xf32, #tpu.memory_space<vmem>> -> memref<128x16xf32, #tpu.memory_space<vmem>>
    %dma_wait3A_661 = arith.constant 256 : i32
    %dma_wait3A_662 = tpu.memref_slice %arg7[%dma_wait3A_661] : memref<12288xi32, #tpu.memory_space<vmem>> -> memref<128xi32, #tpu.memory_space<vmem>>
    %dma_wait3A_663 = arith.constant 0 : i32
    %dma_wait3A_664 = arith.constant 0 : i32
    %dma_wait3A_665 = tpu.memref_slice %arg6[%dma_wait3A_663, %dma_wait3A_664] : memref<185x16xf32, #tpu.memory_space<vmem_shared>> -> memref<185x16xf32, #tpu.memory_space<vmem_shared>>
    tpu.wait_indirect_dma semaphore(%arg9 : memref<!tpu.dma_semaphore, #tpu.memory_space<semaphore_mem>>) src(%dma_wait3A_665 : memref<185x16xf32, #tpu.memory_space<vmem_shared>>) dst(%dma_wait3A_660 : memref<128x16xf32, #tpu.memory_space<vmem>>)
    %dma_wait3A_666 = arith.constant 0 : i32
    %dma_wait3A_667 = arith.constant 0 : i32
    %dma_wait3A_668 = arith.constant 0 : i32
    %dma_wait3A_669 = tpu.memref_slice %arg8[%dma_wait3A_666, %dma_wait3A_667, %dma_wait3A_668] : memref<2x3072x16xf32, #tpu.memory_space<vmem>> -> memref<1x3072x16xf32, #tpu.memory_space<vmem>>
    %dma_wait3A_670 = tpu.memref_squeeze %dma_wait3A_669 : memref<1x3072x16xf32, #tpu.memory_space<vmem>> -> memref<3072x16xf32, #tpu.memory_space<vmem>>
    %dma_wait3A_671 = arith.constant 384 : i32
    %dma_wait3A_672 = arith.constant 0 : i32
    %dma_wait3A_673 = tpu.memref_slice %dma_wait3A_670[%dma_wait3A_671, %dma_wait3A_672] : memref<3072x16xf32, #tpu.memory_space<vmem>> -> memref<128x16xf32, #tpu.memory_space<vmem>>
    %dma_wait3A_674 = arith.constant 384 : i32
    %dma_wait3A_675 = tpu.memref_slice %arg7[%dma_wait3A_674] : memref<12288xi32, #tpu.memory_space<vmem>> -> memref<128xi32, #tpu.memory_space<vmem>>
    %dma_wait3A_676 = arith.constant 0 : i32
    %dma_wait3A_677 = arith.constant 0 : i32
    %dma_wait3A_678 = tpu.memref_slice %arg6[%dma_wait3A_676, %dma_wait3A_677] : memref<185x16xf32, #tpu.memory_space<vmem_shared>> -> memref<185x16xf32, #tpu.memory_space<vmem_shared>>
    tpu.wait_indirect_dma semaphore(%arg9 : memref<!tpu.dma_semaphore, #tpu.memory_space<semaphore_mem>>) src(%dma_wait3A_678 : memref<185x16xf32, #tpu.memory_space<vmem_shared>>) dst(%dma_wait3A_673 : memref<128x16xf32, #tpu.memory_space<vmem>>)
    %dma_wait3A_679 = arith.constant 0 : i32
    %dma_wait3A_680 = arith.constant 0 : i32
    %dma_wait3A_681 = arith.constant 0 : i32
    %dma_wait3A_682 = tpu.memref_slice %arg8[%dma_wait3A_679, %dma_wait3A_680, %dma_wait3A_681] : memref<2x3072x16xf32, #tpu.memory_space<vmem>> -> memref<1x3072x16xf32, #tpu.memory_space<vmem>>
    %dma_wait3A_683 = tpu.memref_squeeze %dma_wait3A_682 : memref<1x3072x16xf32, #tpu.memory_space<vmem>> -> memref<3072x16xf32, #tpu.memory_space<vmem>>
    %dma_wait3A_684 = arith.constant 512 : i32
    %dma_wait3A_685 = arith.constant 0 : i32
    %dma_wait3A_686 = tpu.memref_slice %dma_wait3A_683[%dma_wait3A_684, %dma_wait3A_685] : memref<3072x16xf32, #tpu.memory_space<vmem>> -> memref<128x16xf32, #tpu.memory_space<vmem>>
    %dma_wait3A_687 = arith.constant 512 : i32
    %dma_wait3A_688 = tpu.memref_slice %arg7[%dma_wait3A_687] : memref<12288xi32, #tpu.memory_space<vmem>> -> memref<128xi32, #tpu.memory_space<vmem>>
    %dma_wait3A_689 = arith.constant 0 : i32
    %dma_wait3A_690 = arith.constant 0 : i32
    %dma_wait3A_691 = tpu.memref_slice %arg6[%dma_wait3A_689, %dma_wait3A_690] : memref<185x16xf32, #tpu.memory_space<vmem_shared>> -> memref<185x16xf32, #tpu.memory_space<vmem_shared>>
    tpu.wait_indirect_dma semaphore(%arg9 : memref<!tpu.dma_semaphore, #tpu.memory_space<semaphore_mem>>) src(%dma_wait3A_691 : memref<185x16xf32, #tpu.memory_space<vmem_shared>>) dst(%dma_wait3A_686 : memref<128x16xf32, #tpu.memory_space<vmem>>)
    %dma_wait3A_692 = arith.constant 0 : i32
    %dma_wait3A_693 = arith.constant 0 : i32
    %dma_wait3A_694 = arith.constant 0 : i32
    %dma_wait3A_695 = tpu.memref_slice %arg8[%dma_wait3A_692, %dma_wait3A_693, %dma_wait3A_694] : memref<2x3072x16xf32, #tpu.memory_space<vmem>> -> memref<1x3072x16xf32, #tpu.memory_space<vmem>>
    %dma_wait3A_696 = tpu.memref_squeeze %dma_wait3A_695 : memref<1x3072x16xf32, #tpu.memory_space<vmem>> -> memref<3072x16xf32, #tpu.memory_space<vmem>>
    %dma_wait3A_697 = arith.constant 640 : i32
    %dma_wait3A_698 = arith.constant 0 : i32
    %dma_wait3A_699 = tpu.memref_slice %dma_wait3A_696[%dma_wait3A_697, %dma_wait3A_698] : memref<3072x16xf32, #tpu.memory_space<vmem>> -> memref<128x16xf32, #tpu.memory_space<vmem>>
    %dma_wait3A_700 = arith.constant 640 : i32
    %dma_wait3A_701 = tpu.memref_slice %arg7[%dma_wait3A_700] : memref<12288xi32, #tpu.memory_space<vmem>> -> memref<128xi32, #tpu.memory_space<vmem>>
    %dma_wait3A_702 = arith.constant 0 : i32
    %dma_wait3A_703 = arith.constant 0 : i32
    %dma_wait3A_704 = tpu.memref_slice %arg6[%dma_wait3A_702, %dma_wait3A_703] : memref<185x16xf32, #tpu.memory_space<vmem_shared>> -> memref<185x16xf32, #tpu.memory_space<vmem_shared>>
    tpu.wait_indirect_dma semaphore(%arg9 : memref<!tpu.dma_semaphore, #tpu.memory_space<semaphore_mem>>) src(%dma_wait3A_704 : memref<185x16xf32, #tpu.memory_space<vmem_shared>>) dst(%dma_wait3A_699 : memref<128x16xf32, #tpu.memory_space<vmem>>)
    %dma_wait3A_705 = arith.constant 0 : i32
    %dma_wait3A_706 = arith.constant 0 : i32
    %dma_wait3A_707 = arith.constant 0 : i32
    %dma_wait3A_708 = tpu.memref_slice %arg8[%dma_wait3A_705, %dma_wait3A_706, %dma_wait3A_707] : memref<2x3072x16xf32, #tpu.memory_space<vmem>> -> memref<1x3072x16xf32, #tpu.memory_space<vmem>>
    %dma_wait3A_709 = tpu.memref_squeeze %dma_wait3A_708 : memref<1x3072x16xf32, #tpu.memory_space<vmem>> -> memref<3072x16xf32, #tpu.memory_space<vmem>>
    %dma_wait3A_710 = arith.constant 768 : i32
    %dma_wait3A_711 = arith.constant 0 : i32
    %dma_wait3A_712 = tpu.memref_slice %dma_wait3A_709[%dma_wait3A_710, %dma_wait3A_711] : memref<3072x16xf32, #tpu.memory_space<vmem>> -> memref<128x16xf32, #tpu.memory_space<vmem>>
    %dma_wait3A_713 = arith.constant 768 : i32
    %dma_wait3A_714 = tpu.memref_slice %arg7[%dma_wait3A_713] : memref<12288xi32, #tpu.memory_space<vmem>> -> memref<128xi32, #tpu.memory_space<vmem>>
    %dma_wait3A_715 = arith.constant 0 : i32
    %dma_wait3A_716 = arith.constant 0 : i32
    %dma_wait3A_717 = tpu.memref_slice %arg6[%dma_wait3A_715, %dma_wait3A_716] : memref<185x16xf32, #tpu.memory_space<vmem_shared>> -> memref<185x16xf32, #tpu.memory_space<vmem_shared>>
    tpu.wait_indirect_dma semaphore(%arg9 : memref<!tpu.dma_semaphore, #tpu.memory_space<semaphore_mem>>) src(%dma_wait3A_717 : memref<185x16xf32, #tpu.memory_space<vmem_shared>>) dst(%dma_wait3A_712 : memref<128x16xf32, #tpu.memory_space<vmem>>)
    %dma_wait3A_718 = arith.constant 0 : i32
    %dma_wait3A_719 = arith.constant 0 : i32
    %dma_wait3A_720 = arith.constant 0 : i32
    %dma_wait3A_721 = tpu.memref_slice %arg8[%dma_wait3A_718, %dma_wait3A_719, %dma_wait3A_720] : memref<2x3072x16xf32, #tpu.memory_space<vmem>> -> memref<1x3072x16xf32, #tpu.memory_space<vmem>>
    %dma_wait3A_722 = tpu.memref_squeeze %dma_wait3A_721 : memref<1x3072x16xf32, #tpu.memory_space<vmem>> -> memref<3072x16xf32, #tpu.memory_space<vmem>>
    %dma_wait3A_723 = arith.constant 896 : i32
    %dma_wait3A_724 = arith.constant 0 : i32
    %dma_wait3A_725 = tpu.memref_slice %dma_wait3A_722[%dma_wait3A_723, %dma_wait3A_724] : memref<3072x16xf32, #tpu.memory_space<vmem>> -> memref<128x16xf32, #tpu.memory_space<vmem>>
    %dma_wait3A_726 = arith.constant 896 : i32
    %dma_wait3A_727 = tpu.memref_slice %arg7[%dma_wait3A_726] : memref<12288xi32, #tpu.memory_space<vmem>> -> memref<128xi32, #tpu.memory_space<vmem>>
    %dma_wait3A_728 = arith.constant 0 : i32
    %dma_wait3A_729 = arith.constant 0 : i32
    %dma_wait3A_730 = tpu.memref_slice %arg6[%dma_wait3A_728, %dma_wait3A_729] : memref<185x16xf32, #tpu.memory_space<vmem_shared>> -> memref<185x16xf32, #tpu.memory_space<vmem_shared>>
    tpu.wait_indirect_dma semaphore(%arg9 : memref<!tpu.dma_semaphore, #tpu.memory_space<semaphore_mem>>) src(%dma_wait3A_730 : memref<185x16xf32, #tpu.memory_space<vmem_shared>>) dst(%dma_wait3A_725 : memref<128x16xf32, #tpu.memory_space<vmem>>)
    %dma_wait3A_731 = arith.constant 0 : i32
    %dma_wait3A_732 = arith.constant 0 : i32
    %dma_wait3A_733 = arith.constant 0 : i32
    %dma_wait3A_734 = tpu.memref_slice %arg8[%dma_wait3A_731, %dma_wait3A_732, %dma_wait3A_733] : memref<2x3072x16xf32, #tpu.memory_space<vmem>> -> memref<1x3072x16xf32, #tpu.memory_space<vmem>>
    %dma_wait3A_735 = tpu.memref_squeeze %dma_wait3A_734 : memref<1x3072x16xf32, #tpu.memory_space<vmem>> -> memref<3072x16xf32, #tpu.memory_space<vmem>>
    %dma_wait3A_736 = arith.constant 1024 : i32
    %dma_wait3A_737 = arith.constant 0 : i32
    %dma_wait3A_738 = tpu.memref_slice %dma_wait3A_735[%dma_wait3A_736, %dma_wait3A_737] : memref<3072x16xf32, #tpu.memory_space<vmem>> -> memref<128x16xf32, #tpu.memory_space<vmem>>
    %dma_wait3A_739 = arith.constant 1024 : i32
    %dma_wait3A_740 = tpu.memref_slice %arg7[%dma_wait3A_739] : memref<12288xi32, #tpu.memory_space<vmem>> -> memref<128xi32, #tpu.memory_space<vmem>>
    %dma_wait3A_741 = arith.constant 0 : i32
    %dma_wait3A_742 = arith.constant 0 : i32
    %dma_wait3A_743 = tpu.memref_slice %arg6[%dma_wait3A_741, %dma_wait3A_742] : memref<185x16xf32, #tpu.memory_space<vmem_shared>> -> memref<185x16xf32, #tpu.memory_space<vmem_shared>>
    tpu.wait_indirect_dma semaphore(%arg9 : memref<!tpu.dma_semaphore, #tpu.memory_space<semaphore_mem>>) src(%dma_wait3A_743 : memref<185x16xf32, #tpu.memory_space<vmem_shared>>) dst(%dma_wait3A_738 : memref<128x16xf32, #tpu.memory_space<vmem>>)
    %dma_wait3A_744 = arith.constant 0 : i32
    %dma_wait3A_745 = arith.constant 0 : i32
    %dma_wait3A_746 = arith.constant 0 : i32
    %dma_wait3A_747 = tpu.memref_slice %arg8[%dma_wait3A_744, %dma_wait3A_745, %dma_wait3A_746] : memref<2x3072x16xf32, #tpu.memory_space<vmem>> -> memref<1x3072x16xf32, #tpu.memory_space<vmem>>
    %dma_wait3A_748 = tpu.memref_squeeze %dma_wait3A_747 : memref<1x3072x16xf32, #tpu.memory_space<vmem>> -> memref<3072x16xf32, #tpu.memory_space<vmem>>
    %dma_wait3A_749 = arith.constant 1152 : i32
    %dma_wait3A_750 = arith.constant 0 : i32
    %dma_wait3A_751 = tpu.memref_slice %dma_wait3A_748[%dma_wait3A_749, %dma_wait3A_750] : memref<3072x16xf32, #tpu.memory_space<vmem>> -> memref<128x16xf32, #tpu.memory_space<vmem>>
    %dma_wait3A_752 = arith.constant 1152 : i32
    %dma_wait3A_753 = tpu.memref_slice %arg7[%dma_wait3A_752] : memref<12288xi32, #tpu.memory_space<vmem>> -> memref<128xi32, #tpu.memory_space<vmem>>
    %dma_wait3A_754 = arith.constant 0 : i32
    %dma_wait3A_755 = arith.constant 0 : i32
    %dma_wait3A_756 = tpu.memref_slice %arg6[%dma_wait3A_754, %dma_wait3A_755] : memref<185x16xf32, #tpu.memory_space<vmem_shared>> -> memref<185x16xf32, #tpu.memory_space<vmem_shared>>
    tpu.wait_indirect_dma semaphore(%arg9 : memref<!tpu.dma_semaphore, #tpu.memory_space<semaphore_mem>>) src(%dma_wait3A_756 : memref<185x16xf32, #tpu.memory_space<vmem_shared>>) dst(%dma_wait3A_751 : memref<128x16xf32, #tpu.memory_space<vmem>>)
    %dma_wait3A_757 = arith.constant 0 : i32
    %dma_wait3A_758 = arith.constant 0 : i32
    %dma_wait3A_759 = arith.constant 0 : i32
    %dma_wait3A_760 = tpu.memref_slice %arg8[%dma_wait3A_757, %dma_wait3A_758, %dma_wait3A_759] : memref<2x3072x16xf32, #tpu.memory_space<vmem>> -> memref<1x3072x16xf32, #tpu.memory_space<vmem>>
    %dma_wait3A_761 = tpu.memref_squeeze %dma_wait3A_760 : memref<1x3072x16xf32, #tpu.memory_space<vmem>> -> memref<3072x16xf32, #tpu.memory_space<vmem>>
    %dma_wait3A_762 = arith.constant 1280 : i32
    %dma_wait3A_763 = arith.constant 0 : i32
    %dma_wait3A_764 = tpu.memref_slice %dma_wait3A_761[%dma_wait3A_762, %dma_wait3A_763] : memref<3072x16xf32, #tpu.memory_space<vmem>> -> memref<128x16xf32, #tpu.memory_space<vmem>>
    %dma_wait3A_765 = arith.constant 1280 : i32
    %dma_wait3A_766 = tpu.memref_slice %arg7[%dma_wait3A_765] : memref<12288xi32, #tpu.memory_space<vmem>> -> memref<128xi32, #tpu.memory_space<vmem>>
    %dma_wait3A_767 = arith.constant 0 : i32
    %dma_wait3A_768 = arith.constant 0 : i32
    %dma_wait3A_769 = tpu.memref_slice %arg6[%dma_wait3A_767, %dma_wait3A_768] : memref<185x16xf32, #tpu.memory_space<vmem_shared>> -> memref<185x16xf32, #tpu.memory_space<vmem_shared>>
    tpu.wait_indirect_dma semaphore(%arg9 : memref<!tpu.dma_semaphore, #tpu.memory_space<semaphore_mem>>) src(%dma_wait3A_769 : memref<185x16xf32, #tpu.memory_space<vmem_shared>>) dst(%dma_wait3A_764 : memref<128x16xf32, #tpu.memory_space<vmem>>)
    %dma_wait3A_770 = arith.constant 0 : i32
    %dma_wait3A_771 = arith.constant 0 : i32
    %dma_wait3A_772 = arith.constant 0 : i32
    %dma_wait3A_773 = tpu.memref_slice %arg8[%dma_wait3A_770, %dma_wait3A_771, %dma_wait3A_772] : memref<2x3072x16xf32, #tpu.memory_space<vmem>> -> memref<1x3072x16xf32, #tpu.memory_space<vmem>>
    %dma_wait3A_774 = tpu.memref_squeeze %dma_wait3A_773 : memref<1x3072x16xf32, #tpu.memory_space<vmem>> -> memref<3072x16xf32, #tpu.memory_space<vmem>>
    %dma_wait3A_775 = arith.constant 1408 : i32
    %dma_wait3A_776 = arith.constant 0 : i32
    %dma_wait3A_777 = tpu.memref_slice %dma_wait3A_774[%dma_wait3A_775, %dma_wait3A_776] : memref<3072x16xf32, #tpu.memory_space<vmem>> -> memref<128x16xf32, #tpu.memory_space<vmem>>
    %dma_wait3A_778 = arith.constant 1408 : i32
    %dma_wait3A_779 = tpu.memref_slice %arg7[%dma_wait3A_778] : memref<12288xi32, #tpu.memory_space<vmem>> -> memref<128xi32, #tpu.memory_space<vmem>>
    %dma_wait3A_780 = arith.constant 0 : i32
    %dma_wait3A_781 = arith.constant 0 : i32
    %dma_wait3A_782 = tpu.memref_slice %arg6[%dma_wait3A_780, %dma_wait3A_781] : memref<185x16xf32, #tpu.memory_space<vmem_shared>> -> memref<185x16xf32, #tpu.memory_space<vmem_shared>>
    tpu.wait_indirect_dma semaphore(%arg9 : memref<!tpu.dma_semaphore, #tpu.memory_space<semaphore_mem>>) src(%dma_wait3A_782 : memref<185x16xf32, #tpu.memory_space<vmem_shared>>) dst(%dma_wait3A_777 : memref<128x16xf32, #tpu.memory_space<vmem>>)
    %dma_wait3A_783 = arith.constant 0 : i32
    %dma_wait3A_784 = arith.constant 0 : i32
    %dma_wait3A_785 = arith.constant 0 : i32
    %dma_wait3A_786 = tpu.memref_slice %arg8[%dma_wait3A_783, %dma_wait3A_784, %dma_wait3A_785] : memref<2x3072x16xf32, #tpu.memory_space<vmem>> -> memref<1x3072x16xf32, #tpu.memory_space<vmem>>
    %dma_wait3A_787 = tpu.memref_squeeze %dma_wait3A_786 : memref<1x3072x16xf32, #tpu.memory_space<vmem>> -> memref<3072x16xf32, #tpu.memory_space<vmem>>
    %dma_wait3A_788 = arith.constant 1536 : i32
    %dma_wait3A_789 = arith.constant 0 : i32
    %dma_wait3A_790 = tpu.memref_slice %dma_wait3A_787[%dma_wait3A_788, %dma_wait3A_789] : memref<3072x16xf32, #tpu.memory_space<vmem>> -> memref<128x16xf32, #tpu.memory_space<vmem>>
    %dma_wait3A_791 = arith.constant 1536 : i32
    %dma_wait3A_792 = tpu.memref_slice %arg7[%dma_wait3A_791] : memref<12288xi32, #tpu.memory_space<vmem>> -> memref<128xi32, #tpu.memory_space<vmem>>
    %dma_wait3A_793 = arith.constant 0 : i32
    %dma_wait3A_794 = arith.constant 0 : i32
    %dma_wait3A_795 = tpu.memref_slice %arg6[%dma_wait3A_793, %dma_wait3A_794] : memref<185x16xf32, #tpu.memory_space<vmem_shared>> -> memref<185x16xf32, #tpu.memory_space<vmem_shared>>
    tpu.wait_indirect_dma semaphore(%arg9 : memref<!tpu.dma_semaphore, #tpu.memory_space<semaphore_mem>>) src(%dma_wait3A_795 : memref<185x16xf32, #tpu.memory_space<vmem_shared>>) dst(%dma_wait3A_790 : memref<128x16xf32, #tpu.memory_space<vmem>>)
    %dma_wait3A_796 = arith.constant 0 : i32
    %dma_wait3A_797 = arith.constant 0 : i32
    %dma_wait3A_798 = arith.constant 0 : i32
    %dma_wait3A_799 = tpu.memref_slice %arg8[%dma_wait3A_796, %dma_wait3A_797, %dma_wait3A_798] : memref<2x3072x16xf32, #tpu.memory_space<vmem>> -> memref<1x3072x16xf32, #tpu.memory_space<vmem>>
    %dma_wait3A_800 = tpu.memref_squeeze %dma_wait3A_799 : memref<1x3072x16xf32, #tpu.memory_space<vmem>> -> memref<3072x16xf32, #tpu.memory_space<vmem>>
    %dma_wait3A_801 = arith.constant 1664 : i32
    %dma_wait3A_802 = arith.constant 0 : i32
    %dma_wait3A_803 = tpu.memref_slice %dma_wait3A_800[%dma_wait3A_801, %dma_wait3A_802] : memref<3072x16xf32, #tpu.memory_space<vmem>> -> memref<128x16xf32, #tpu.memory_space<vmem>>
    %dma_wait3A_804 = arith.constant 1664 : i32
    %dma_wait3A_805 = tpu.memref_slice %arg7[%dma_wait3A_804] : memref<12288xi32, #tpu.memory_space<vmem>> -> memref<128xi32, #tpu.memory_space<vmem>>
    %dma_wait3A_806 = arith.constant 0 : i32
    %dma_wait3A_807 = arith.constant 0 : i32
    %dma_wait3A_808 = tpu.memref_slice %arg6[%dma_wait3A_806, %dma_wait3A_807] : memref<185x16xf32, #tpu.memory_space<vmem_shared>> -> memref<185x16xf32, #tpu.memory_space<vmem_shared>>
    tpu.wait_indirect_dma semaphore(%arg9 : memref<!tpu.dma_semaphore, #tpu.memory_space<semaphore_mem>>) src(%dma_wait3A_808 : memref<185x16xf32, #tpu.memory_space<vmem_shared>>) dst(%dma_wait3A_803 : memref<128x16xf32, #tpu.memory_space<vmem>>)
    %dma_wait3A_809 = arith.constant 0 : i32
    %dma_wait3A_810 = arith.constant 0 : i32
    %dma_wait3A_811 = arith.constant 0 : i32
    %dma_wait3A_812 = tpu.memref_slice %arg8[%dma_wait3A_809, %dma_wait3A_810, %dma_wait3A_811] : memref<2x3072x16xf32, #tpu.memory_space<vmem>> -> memref<1x3072x16xf32, #tpu.memory_space<vmem>>
    %dma_wait3A_813 = tpu.memref_squeeze %dma_wait3A_812 : memref<1x3072x16xf32, #tpu.memory_space<vmem>> -> memref<3072x16xf32, #tpu.memory_space<vmem>>
    %dma_wait3A_814 = arith.constant 1792 : i32
    %dma_wait3A_815 = arith.constant 0 : i32
    %dma_wait3A_816 = tpu.memref_slice %dma_wait3A_813[%dma_wait3A_814, %dma_wait3A_815] : memref<3072x16xf32, #tpu.memory_space<vmem>> -> memref<128x16xf32, #tpu.memory_space<vmem>>
    %dma_wait3A_817 = arith.constant 1792 : i32
    %dma_wait3A_818 = tpu.memref_slice %arg7[%dma_wait3A_817] : memref<12288xi32, #tpu.memory_space<vmem>> -> memref<128xi32, #tpu.memory_space<vmem>>
    %dma_wait3A_819 = arith.constant 0 : i32
    %dma_wait3A_820 = arith.constant 0 : i32
    %dma_wait3A_821 = tpu.memref_slice %arg6[%dma_wait3A_819, %dma_wait3A_820] : memref<185x16xf32, #tpu.memory_space<vmem_shared>> -> memref<185x16xf32, #tpu.memory_space<vmem_shared>>
    tpu.wait_indirect_dma semaphore(%arg9 : memref<!tpu.dma_semaphore, #tpu.memory_space<semaphore_mem>>) src(%dma_wait3A_821 : memref<185x16xf32, #tpu.memory_space<vmem_shared>>) dst(%dma_wait3A_816 : memref<128x16xf32, #tpu.memory_space<vmem>>)
    %dma_wait3A_822 = arith.constant 0 : i32
    %dma_wait3A_823 = arith.constant 0 : i32
    %dma_wait3A_824 = arith.constant 0 : i32
    %dma_wait3A_825 = tpu.memref_slice %arg8[%dma_wait3A_822, %dma_wait3A_823, %dma_wait3A_824] : memref<2x3072x16xf32, #tpu.memory_space<vmem>> -> memref<1x3072x16xf32, #tpu.memory_space<vmem>>
    %dma_wait3A_826 = tpu.memref_squeeze %dma_wait3A_825 : memref<1x3072x16xf32, #tpu.memory_space<vmem>> -> memref<3072x16xf32, #tpu.memory_space<vmem>>
    %dma_wait3A_827 = arith.constant 1920 : i32
    %dma_wait3A_828 = arith.constant 0 : i32
    %dma_wait3A_829 = tpu.memref_slice %dma_wait3A_826[%dma_wait3A_827, %dma_wait3A_828] : memref<3072x16xf32, #tpu.memory_space<vmem>> -> memref<128x16xf32, #tpu.memory_space<vmem>>
    %dma_wait3A_830 = arith.constant 1920 : i32
    %dma_wait3A_831 = tpu.memref_slice %arg7[%dma_wait3A_830] : memref<12288xi32, #tpu.memory_space<vmem>> -> memref<128xi32, #tpu.memory_space<vmem>>
    %dma_wait3A_832 = arith.constant 0 : i32
    %dma_wait3A_833 = arith.constant 0 : i32
    %dma_wait3A_834 = tpu.memref_slice %arg6[%dma_wait3A_832, %dma_wait3A_833] : memref<185x16xf32, #tpu.memory_space<vmem_shared>> -> memref<185x16xf32, #tpu.memory_space<vmem_shared>>
    tpu.wait_indirect_dma semaphore(%arg9 : memref<!tpu.dma_semaphore, #tpu.memory_space<semaphore_mem>>) src(%dma_wait3A_834 : memref<185x16xf32, #tpu.memory_space<vmem_shared>>) dst(%dma_wait3A_829 : memref<128x16xf32, #tpu.memory_space<vmem>>)
    %dma_wait3A_835 = arith.constant 0 : i32
    %dma_wait3A_836 = arith.constant 0 : i32
    %dma_wait3A_837 = arith.constant 0 : i32
    %dma_wait3A_838 = tpu.memref_slice %arg8[%dma_wait3A_835, %dma_wait3A_836, %dma_wait3A_837] : memref<2x3072x16xf32, #tpu.memory_space<vmem>> -> memref<1x3072x16xf32, #tpu.memory_space<vmem>>
    %dma_wait3A_839 = tpu.memref_squeeze %dma_wait3A_838 : memref<1x3072x16xf32, #tpu.memory_space<vmem>> -> memref<3072x16xf32, #tpu.memory_space<vmem>>
    %dma_wait3A_840 = arith.constant 2048 : i32
    %dma_wait3A_841 = arith.constant 0 : i32
    %dma_wait3A_842 = tpu.memref_slice %dma_wait3A_839[%dma_wait3A_840, %dma_wait3A_841] : memref<3072x16xf32, #tpu.memory_space<vmem>> -> memref<128x16xf32, #tpu.memory_space<vmem>>
    %dma_wait3A_843 = arith.constant 2048 : i32
    %dma_wait3A_844 = tpu.memref_slice %arg7[%dma_wait3A_843] : memref<12288xi32, #tpu.memory_space<vmem>> -> memref<128xi32, #tpu.memory_space<vmem>>
    %dma_wait3A_845 = arith.constant 0 : i32
    %dma_wait3A_846 = arith.constant 0 : i32
    %dma_wait3A_847 = tpu.memref_slice %arg6[%dma_wait3A_845, %dma_wait3A_846] : memref<185x16xf32, #tpu.memory_space<vmem_shared>> -> memref<185x16xf32, #tpu.memory_space<vmem_shared>>
    tpu.wait_indirect_dma semaphore(%arg9 : memref<!tpu.dma_semaphore, #tpu.memory_space<semaphore_mem>>) src(%dma_wait3A_847 : memref<185x16xf32, #tpu.memory_space<vmem_shared>>) dst(%dma_wait3A_842 : memref<128x16xf32, #tpu.memory_space<vmem>>)
    %dma_wait3A_848 = arith.constant 0 : i32
    %dma_wait3A_849 = arith.constant 0 : i32
    %dma_wait3A_850 = arith.constant 0 : i32
    %dma_wait3A_851 = tpu.memref_slice %arg8[%dma_wait3A_848, %dma_wait3A_849, %dma_wait3A_850] : memref<2x3072x16xf32, #tpu.memory_space<vmem>> -> memref<1x3072x16xf32, #tpu.memory_space<vmem>>
    %dma_wait3A_852 = tpu.memref_squeeze %dma_wait3A_851 : memref<1x3072x16xf32, #tpu.memory_space<vmem>> -> memref<3072x16xf32, #tpu.memory_space<vmem>>
    %dma_wait3A_853 = arith.constant 2176 : i32
    %dma_wait3A_854 = arith.constant 0 : i32
    %dma_wait3A_855 = tpu.memref_slice %dma_wait3A_852[%dma_wait3A_853, %dma_wait3A_854] : memref<3072x16xf32, #tpu.memory_space<vmem>> -> memref<128x16xf32, #tpu.memory_space<vmem>>
    %dma_wait3A_856 = arith.constant 2176 : i32
    %dma_wait3A_857 = tpu.memref_slice %arg7[%dma_wait3A_856] : memref<12288xi32, #tpu.memory_space<vmem>> -> memref<128xi32, #tpu.memory_space<vmem>>
    %dma_wait3A_858 = arith.constant 0 : i32
    %dma_wait3A_859 = arith.constant 0 : i32
    %dma_wait3A_860 = tpu.memref_slice %arg6[%dma_wait3A_858, %dma_wait3A_859] : memref<185x16xf32, #tpu.memory_space<vmem_shared>> -> memref<185x16xf32, #tpu.memory_space<vmem_shared>>
    tpu.wait_indirect_dma semaphore(%arg9 : memref<!tpu.dma_semaphore, #tpu.memory_space<semaphore_mem>>) src(%dma_wait3A_860 : memref<185x16xf32, #tpu.memory_space<vmem_shared>>) dst(%dma_wait3A_855 : memref<128x16xf32, #tpu.memory_space<vmem>>)
    %dma_wait3A_861 = arith.constant 0 : i32
    %dma_wait3A_862 = arith.constant 0 : i32
    %dma_wait3A_863 = arith.constant 0 : i32
    %dma_wait3A_864 = tpu.memref_slice %arg8[%dma_wait3A_861, %dma_wait3A_862, %dma_wait3A_863] : memref<2x3072x16xf32, #tpu.memory_space<vmem>> -> memref<1x3072x16xf32, #tpu.memory_space<vmem>>
    %dma_wait3A_865 = tpu.memref_squeeze %dma_wait3A_864 : memref<1x3072x16xf32, #tpu.memory_space<vmem>> -> memref<3072x16xf32, #tpu.memory_space<vmem>>
    %dma_wait3A_866 = arith.constant 2304 : i32
    %dma_wait3A_867 = arith.constant 0 : i32
    %dma_wait3A_868 = tpu.memref_slice %dma_wait3A_865[%dma_wait3A_866, %dma_wait3A_867] : memref<3072x16xf32, #tpu.memory_space<vmem>> -> memref<128x16xf32, #tpu.memory_space<vmem>>
    %dma_wait3A_869 = arith.constant 2304 : i32
    %dma_wait3A_870 = tpu.memref_slice %arg7[%dma_wait3A_869] : memref<12288xi32, #tpu.memory_space<vmem>> -> memref<128xi32, #tpu.memory_space<vmem>>
    %dma_wait3A_871 = arith.constant 0 : i32
    %dma_wait3A_872 = arith.constant 0 : i32
    %dma_wait3A_873 = tpu.memref_slice %arg6[%dma_wait3A_871, %dma_wait3A_872] : memref<185x16xf32, #tpu.memory_space<vmem_shared>> -> memref<185x16xf32, #tpu.memory_space<vmem_shared>>
    tpu.wait_indirect_dma semaphore(%arg9 : memref<!tpu.dma_semaphore, #tpu.memory_space<semaphore_mem>>) src(%dma_wait3A_873 : memref<185x16xf32, #tpu.memory_space<vmem_shared>>) dst(%dma_wait3A_868 : memref<128x16xf32, #tpu.memory_space<vmem>>)
    %dma_wait3A_874 = arith.constant 0 : i32
    %dma_wait3A_875 = arith.constant 0 : i32
    %dma_wait3A_876 = arith.constant 0 : i32
    %dma_wait3A_877 = tpu.memref_slice %arg8[%dma_wait3A_874, %dma_wait3A_875, %dma_wait3A_876] : memref<2x3072x16xf32, #tpu.memory_space<vmem>> -> memref<1x3072x16xf32, #tpu.memory_space<vmem>>
    %dma_wait3A_878 = tpu.memref_squeeze %dma_wait3A_877 : memref<1x3072x16xf32, #tpu.memory_space<vmem>> -> memref<3072x16xf32, #tpu.memory_space<vmem>>
    %dma_wait3A_879 = arith.constant 2432 : i32
    %dma_wait3A_880 = arith.constant 0 : i32
    %dma_wait3A_881 = tpu.memref_slice %dma_wait3A_878[%dma_wait3A_879, %dma_wait3A_880] : memref<3072x16xf32, #tpu.memory_space<vmem>> -> memref<128x16xf32, #tpu.memory_space<vmem>>
    %dma_wait3A_882 = arith.constant 2432 : i32
    %dma_wait3A_883 = tpu.memref_slice %arg7[%dma_wait3A_882] : memref<12288xi32, #tpu.memory_space<vmem>> -> memref<128xi32, #tpu.memory_space<vmem>>
    %dma_wait3A_884 = arith.constant 0 : i32
    %dma_wait3A_885 = arith.constant 0 : i32
    %dma_wait3A_886 = tpu.memref_slice %arg6[%dma_wait3A_884, %dma_wait3A_885] : memref<185x16xf32, #tpu.memory_space<vmem_shared>> -> memref<185x16xf32, #tpu.memory_space<vmem_shared>>
    tpu.wait_indirect_dma semaphore(%arg9 : memref<!tpu.dma_semaphore, #tpu.memory_space<semaphore_mem>>) src(%dma_wait3A_886 : memref<185x16xf32, #tpu.memory_space<vmem_shared>>) dst(%dma_wait3A_881 : memref<128x16xf32, #tpu.memory_space<vmem>>)
    %dma_wait3A_887 = arith.constant 0 : i32
    %dma_wait3A_888 = arith.constant 0 : i32
    %dma_wait3A_889 = arith.constant 0 : i32
    %dma_wait3A_890 = tpu.memref_slice %arg8[%dma_wait3A_887, %dma_wait3A_888, %dma_wait3A_889] : memref<2x3072x16xf32, #tpu.memory_space<vmem>> -> memref<1x3072x16xf32, #tpu.memory_space<vmem>>
    %dma_wait3A_891 = tpu.memref_squeeze %dma_wait3A_890 : memref<1x3072x16xf32, #tpu.memory_space<vmem>> -> memref<3072x16xf32, #tpu.memory_space<vmem>>
    %dma_wait3A_892 = arith.constant 2560 : i32
    %dma_wait3A_893 = arith.constant 0 : i32
    %dma_wait3A_894 = tpu.memref_slice %dma_wait3A_891[%dma_wait3A_892, %dma_wait3A_893] : memref<3072x16xf32, #tpu.memory_space<vmem>> -> memref<128x16xf32, #tpu.memory_space<vmem>>
    %dma_wait3A_895 = arith.constant 2560 : i32
    %dma_wait3A_896 = tpu.memref_slice %arg7[%dma_wait3A_895] : memref<12288xi32, #tpu.memory_space<vmem>> -> memref<128xi32, #tpu.memory_space<vmem>>
    %dma_wait3A_897 = arith.constant 0 : i32
    %dma_wait3A_898 = arith.constant 0 : i32
    %dma_wait3A_899 = tpu.memref_slice %arg6[%dma_wait3A_897, %dma_wait3A_898] : memref<185x16xf32, #tpu.memory_space<vmem_shared>> -> memref<185x16xf32, #tpu.memory_space<vmem_shared>>
    tpu.wait_indirect_dma semaphore(%arg9 : memref<!tpu.dma_semaphore, #tpu.memory_space<semaphore_mem>>) src(%dma_wait3A_899 : memref<185x16xf32, #tpu.memory_space<vmem_shared>>) dst(%dma_wait3A_894 : memref<128x16xf32, #tpu.memory_space<vmem>>)
    %dma_wait3A_900 = arith.constant 0 : i32
    %dma_wait3A_901 = arith.constant 0 : i32
    %dma_wait3A_902 = arith.constant 0 : i32
    %dma_wait3A_903 = tpu.memref_slice %arg8[%dma_wait3A_900, %dma_wait3A_901, %dma_wait3A_902] : memref<2x3072x16xf32, #tpu.memory_space<vmem>> -> memref<1x3072x16xf32, #tpu.memory_space<vmem>>
    %dma_wait3A_904 = tpu.memref_squeeze %dma_wait3A_903 : memref<1x3072x16xf32, #tpu.memory_space<vmem>> -> memref<3072x16xf32, #tpu.memory_space<vmem>>
    %dma_wait3A_905 = arith.constant 2688 : i32
    %dma_wait3A_906 = arith.constant 0 : i32
    %dma_wait3A_907 = tpu.memref_slice %dma_wait3A_904[%dma_wait3A_905, %dma_wait3A_906] : memref<3072x16xf32, #tpu.memory_space<vmem>> -> memref<128x16xf32, #tpu.memory_space<vmem>>
    %dma_wait3A_908 = arith.constant 2688 : i32
    %dma_wait3A_909 = tpu.memref_slice %arg7[%dma_wait3A_908] : memref<12288xi32, #tpu.memory_space<vmem>> -> memref<128xi32, #tpu.memory_space<vmem>>
    %dma_wait3A_910 = arith.constant 0 : i32
    %dma_wait3A_911 = arith.constant 0 : i32
    %dma_wait3A_912 = tpu.memref_slice %arg6[%dma_wait3A_910, %dma_wait3A_911] : memref<185x16xf32, #tpu.memory_space<vmem_shared>> -> memref<185x16xf32, #tpu.memory_space<vmem_shared>>
    tpu.wait_indirect_dma semaphore(%arg9 : memref<!tpu.dma_semaphore, #tpu.memory_space<semaphore_mem>>) src(%dma_wait3A_912 : memref<185x16xf32, #tpu.memory_space<vmem_shared>>) dst(%dma_wait3A_907 : memref<128x16xf32, #tpu.memory_space<vmem>>)
    %dma_wait3A_913 = arith.constant 0 : i32
    %dma_wait3A_914 = arith.constant 0 : i32
    %dma_wait3A_915 = arith.constant 0 : i32
    %dma_wait3A_916 = tpu.memref_slice %arg8[%dma_wait3A_913, %dma_wait3A_914, %dma_wait3A_915] : memref<2x3072x16xf32, #tpu.memory_space<vmem>> -> memref<1x3072x16xf32, #tpu.memory_space<vmem>>
    %dma_wait3A_917 = tpu.memref_squeeze %dma_wait3A_916 : memref<1x3072x16xf32, #tpu.memory_space<vmem>> -> memref<3072x16xf32, #tpu.memory_space<vmem>>
    %dma_wait3A_918 = arith.constant 2816 : i32
    %dma_wait3A_919 = arith.constant 0 : i32
    %dma_wait3A_920 = tpu.memref_slice %dma_wait3A_917[%dma_wait3A_918, %dma_wait3A_919] : memref<3072x16xf32, #tpu.memory_space<vmem>> -> memref<128x16xf32, #tpu.memory_space<vmem>>
    %dma_wait3A_921 = arith.constant 2816 : i32
    %dma_wait3A_922 = tpu.memref_slice %arg7[%dma_wait3A_921] : memref<12288xi32, #tpu.memory_space<vmem>> -> memref<128xi32, #tpu.memory_space<vmem>>
    %dma_wait3A_923 = arith.constant 0 : i32
    %dma_wait3A_924 = arith.constant 0 : i32
    %dma_wait3A_925 = tpu.memref_slice %arg6[%dma_wait3A_923, %dma_wait3A_924] : memref<185x16xf32, #tpu.memory_space<vmem_shared>> -> memref<185x16xf32, #tpu.memory_space<vmem_shared>>
    tpu.wait_indirect_dma semaphore(%arg9 : memref<!tpu.dma_semaphore, #tpu.memory_space<semaphore_mem>>) src(%dma_wait3A_925 : memref<185x16xf32, #tpu.memory_space<vmem_shared>>) dst(%dma_wait3A_920 : memref<128x16xf32, #tpu.memory_space<vmem>>)
    %dma_wait3A_926 = arith.constant 0 : i32
    %dma_wait3A_927 = arith.constant 0 : i32
    %dma_wait3A_928 = arith.constant 0 : i32
    %dma_wait3A_929 = tpu.memref_slice %arg8[%dma_wait3A_926, %dma_wait3A_927, %dma_wait3A_928] : memref<2x3072x16xf32, #tpu.memory_space<vmem>> -> memref<1x3072x16xf32, #tpu.memory_space<vmem>>
    %dma_wait3A_930 = tpu.memref_squeeze %dma_wait3A_929 : memref<1x3072x16xf32, #tpu.memory_space<vmem>> -> memref<3072x16xf32, #tpu.memory_space<vmem>>
    %dma_wait3A_931 = arith.constant 2944 : i32
    %dma_wait3A_932 = arith.constant 0 : i32
    %dma_wait3A_933 = tpu.memref_slice %dma_wait3A_930[%dma_wait3A_931, %dma_wait3A_932] : memref<3072x16xf32, #tpu.memory_space<vmem>> -> memref<128x16xf32, #tpu.memory_space<vmem>>
    %dma_wait3A_934 = arith.constant 2944 : i32
    %dma_wait3A_935 = tpu.memref_slice %arg7[%dma_wait3A_934] : memref<12288xi32, #tpu.memory_space<vmem>> -> memref<128xi32, #tpu.memory_space<vmem>>
    %dma_wait3A_936 = arith.constant 0 : i32
    %dma_wait3A_937 = arith.constant 0 : i32
    %dma_wait3A_938 = tpu.memref_slice %arg6[%dma_wait3A_936, %dma_wait3A_937] : memref<185x16xf32, #tpu.memory_space<vmem_shared>> -> memref<185x16xf32, #tpu.memory_space<vmem_shared>>
    tpu.wait_indirect_dma semaphore(%arg9 : memref<!tpu.dma_semaphore, #tpu.memory_space<semaphore_mem>>) src(%dma_wait3A_938 : memref<185x16xf32, #tpu.memory_space<vmem_shared>>) dst(%dma_wait3A_933 : memref<128x16xf32, #tpu.memory_space<vmem>>)
    %add3A_939 = arith.constant 0 : i32
    %add3A_940 = arith.addi %mul3A_2, %add3A_939 : i32
    %run_scoped3A = arith.constant 0 : i32
    "tpu.region"() ({
      %run_scoped3A_2510 = tpu.sem_alloc : memref<!tpu.dma_semaphore, #tpu.memory_space<semaphore_mem>>
      %dma_start3A_2511 = arith.constant 0 : i32
      %dma_start3A_2512 = arith.constant 0 : i32
      %dma_start3A_2513 = tpu.memref_slice %arg8[%run_scoped3A, %dma_start3A_2511, %dma_start3A_2512] : memref<2x3072x16xf32, #tpu.memory_space<vmem>> -> memref<1x3072x16xf32, #tpu.memory_space<vmem>>
      %dma_start3A_2514 = tpu.memref_squeeze %dma_start3A_2513 : memref<1x3072x16xf32, #tpu.memory_space<vmem>> -> memref<3072x16xf32, #tpu.memory_space<vmem>>
      %dma_start3A_2515 = arith.constant 0 : i32
      %dma_start3A_2516 = tpu.memref_slice %arg4[%add3A_940, %dma_start3A_2515] : memref<393216x16xf32, #tpu.memory_space<hbm>> -> memref<3072x16xf32, #tpu.memory_space<hbm>>
      %dma_start3A_2517 = arith.constant 0 : i32
      %dma_start3A_2518 = tpu.memref_slice %arg4[%add3A_940, %dma_start3A_2517] : memref<393216x16xf32, #tpu.memory_space<hbm>> -> memref<3072x16xf32, #tpu.memory_space<hbm>>
      %dma_start3A_2519 = arith.constant 0 : i32
      %dma_start3A_2520 = arith.constant 0 : i32
      %dma_start3A_2521 = tpu.memref_slice %arg8[%run_scoped3A, %dma_start3A_2519, %dma_start3A_2520] : memref<2x3072x16xf32, #tpu.memory_space<vmem>> -> memref<1x3072x16xf32, #tpu.memory_space<vmem>>
      %dma_start3A_2522 = tpu.memref_squeeze %dma_start3A_2521 : memref<1x3072x16xf32, #tpu.memory_space<vmem>> -> memref<3072x16xf32, #tpu.memory_space<vmem>>
      tpu.enqueue_dma source(%dma_start3A_2522 : memref<3072x16xf32, #tpu.memory_space<vmem>>) target(%dma_start3A_2518 : memref<3072x16xf32, #tpu.memory_space<hbm>>) target_semaphore(%run_scoped3A_2510 : memref<!tpu.dma_semaphore, #tpu.memory_space<semaphore_mem>>)
      %dma_wait3A_2523 = arith.constant 0 : i32
      %dma_wait3A_2524 = arith.constant 0 : i32
      %dma_wait3A_2525 = tpu.memref_slice %arg8[%run_scoped3A, %dma_wait3A_2523, %dma_wait3A_2524] : memref<2x3072x16xf32, #tpu.memory_space<vmem>> -> memref<1x3072x16xf32, #tpu.memory_space<vmem>>
      %dma_wait3A_2526 = tpu.memref_squeeze %dma_wait3A_2525 : memref<1x3072x16xf32, #tpu.memory_space<vmem>> -> memref<3072x16xf32, #tpu.memory_space<vmem>>
      %dma_wait3A_2527 = arith.constant 0 : i32
      %dma_wait3A_2528 = tpu.memref_slice %arg4[%add3A_940, %dma_wait3A_2527] : memref<393216x16xf32, #tpu.memory_space<hbm>> -> memref<3072x16xf32, #tpu.memory_space<hbm>>
      %dma_wait3A_2529 = arith.constant 0 : i32
      %dma_wait3A_2530 = tpu.memref_slice %arg4[%add3A_940, %dma_wait3A_2529] : memref<393216x16xf32, #tpu.memory_space<hbm>> -> memref<3072x16xf32, #tpu.memory_space<hbm>>
      %dma_wait3A_2531 = arith.constant 0 : i32
      %dma_wait3A_2532 = arith.constant 0 : i32
      %dma_wait3A_2533 = tpu.memref_slice %arg8[%run_scoped3A, %dma_wait3A_2531, %dma_wait3A_2532] : memref<2x3072x16xf32, #tpu.memory_space<vmem>> -> memref<1x3072x16xf32, #tpu.memory_space<vmem>>
      %dma_wait3A_2534 = tpu.memref_squeeze %dma_wait3A_2533 : memref<1x3072x16xf32, #tpu.memory_space<vmem>> -> memref<3072x16xf32, #tpu.memory_space<vmem>>
      tpu.wait_dma2 semaphore(%run_scoped3A_2510 : memref<!tpu.dma_semaphore, #tpu.memory_space<semaphore_mem>>) src(%dma_wait3A_2534 : memref<3072x16xf32, #tpu.memory_space<vmem>>) dst(%dma_wait3A_2530 : memref<3072x16xf32, #tpu.memory_space<hbm>>)
      tpu.yield
    }) : () -> ()
    %dma_start3A_941 = arith.constant 0 : i32
    %dma_start3A_942 = arith.constant 0 : i32
    %dma_start3A_943 = arith.constant 0 : i32
    %dma_start3A_944 = tpu.memref_slice %arg8[%dma_start3A_941, %dma_start3A_942, %dma_start3A_943] : memref<2x3072x16xf32, #tpu.memory_space<vmem>> -> memref<1x3072x16xf32, #tpu.memory_space<vmem>>
    %dma_start3A_945 = tpu.memref_squeeze %dma_start3A_944 : memref<1x3072x16xf32, #tpu.memory_space<vmem>> -> memref<3072x16xf32, #tpu.memory_space<vmem>>
    %dma_start3A_946 = arith.constant 0 : i32
    %dma_start3A_947 = arith.constant 0 : i32
    %dma_start3A_948 = tpu.memref_slice %dma_start3A_945[%dma_start3A_946, %dma_start3A_947] : memref<3072x16xf32, #tpu.memory_space<vmem>> -> memref<128x16xf32, #tpu.memory_space<vmem>>
    %dma_start3A_949 = arith.constant 6144 : i32
    %dma_start3A_950 = tpu.memref_slice %arg7[%dma_start3A_949] : memref<12288xi32, #tpu.memory_space<vmem>> -> memref<128xi32, #tpu.memory_space<vmem>>
    %dma_start3A_951 = arith.constant 0 : i32
    %dma_start3A_952 = arith.constant 0 : i32
    %dma_start3A_953 = tpu.memref_slice %arg6[%dma_start3A_951, %dma_start3A_952] : memref<185x16xf32, #tpu.memory_space<vmem_shared>> -> memref<185x16xf32, #tpu.memory_space<vmem_shared>>
    tpu.enqueue_indirect_dma source(%dma_start3A_953 : memref<185x16xf32, #tpu.memory_space<vmem_shared>>) target(%dma_start3A_948 : memref<128x16xf32, #tpu.memory_space<vmem>>) offsets(%dma_start3A_950 : memref<128xi32, #tpu.memory_space<vmem>>) semaphore(%arg9 : memref<!tpu.dma_semaphore, #tpu.memory_space<semaphore_mem>>)
    %dma_start3A_954 = arith.constant 0 : i32
    %dma_start3A_955 = arith.constant 0 : i32
    %dma_start3A_956 = arith.constant 0 : i32
    %dma_start3A_957 = tpu.memref_slice %arg8[%dma_start3A_954, %dma_start3A_955, %dma_start3A_956] : memref<2x3072x16xf32, #tpu.memory_space<vmem>> -> memref<1x3072x16xf32, #tpu.memory_space<vmem>>
    %dma_start3A_958 = tpu.memref_squeeze %dma_start3A_957 : memref<1x3072x16xf32, #tpu.memory_space<vmem>> -> memref<3072x16xf32, #tpu.memory_space<vmem>>
    %dma_start3A_959 = arith.constant 128 : i32
    %dma_start3A_960 = arith.constant 0 : i32
    %dma_start3A_961 = tpu.memref_slice %dma_start3A_958[%dma_start3A_959, %dma_start3A_960] : memref<3072x16xf32, #tpu.memory_space<vmem>> -> memref<128x16xf32, #tpu.memory_space<vmem>>
    %dma_start3A_962 = arith.constant 6272 : i32
    %dma_start3A_963 = tpu.memref_slice %arg7[%dma_start3A_962] : memref<12288xi32, #tpu.memory_space<vmem>> -> memref<128xi32, #tpu.memory_space<vmem>>
    %dma_start3A_964 = arith.constant 0 : i32
    %dma_start3A_965 = arith.constant 0 : i32
    %dma_start3A_966 = tpu.memref_slice %arg6[%dma_start3A_964, %dma_start3A_965] : memref<185x16xf32, #tpu.memory_space<vmem_shared>> -> memref<185x16xf32, #tpu.memory_space<vmem_shared>>
    tpu.enqueue_indirect_dma source(%dma_start3A_966 : memref<185x16xf32, #tpu.memory_space<vmem_shared>>) target(%dma_start3A_961 : memref<128x16xf32, #tpu.memory_space<vmem>>) offsets(%dma_start3A_963 : memref<128xi32, #tpu.memory_space<vmem>>) semaphore(%arg9 : memref<!tpu.dma_semaphore, #tpu.memory_space<semaphore_mem>>)
    %dma_start3A_967 = arith.constant 0 : i32
    %dma_start3A_968 = arith.constant 0 : i32
    %dma_start3A_969 = arith.constant 0 : i32
    %dma_start3A_970 = tpu.memref_slice %arg8[%dma_start3A_967, %dma_start3A_968, %dma_start3A_969] : memref<2x3072x16xf32, #tpu.memory_space<vmem>> -> memref<1x3072x16xf32, #tpu.memory_space<vmem>>
    %dma_start3A_971 = tpu.memref_squeeze %dma_start3A_970 : memref<1x3072x16xf32, #tpu.memory_space<vmem>> -> memref<3072x16xf32, #tpu.memory_space<vmem>>
    %dma_start3A_972 = arith.constant 256 : i32
    %dma_start3A_973 = arith.constant 0 : i32
    %dma_start3A_974 = tpu.memref_slice %dma_start3A_971[%dma_start3A_972, %dma_start3A_973] : memref<3072x16xf32, #tpu.memory_space<vmem>> -> memref<128x16xf32, #tpu.memory_space<vmem>>
    %dma_start3A_975 = arith.constant 6400 : i32
    %dma_start3A_976 = tpu.memref_slice %arg7[%dma_start3A_975] : memref<12288xi32, #tpu.memory_space<vmem>> -> memref<128xi32, #tpu.memory_space<vmem>>
    %dma_start3A_977 = arith.constant 0 : i32
    %dma_start3A_978 = arith.constant 0 : i32
    %dma_start3A_979 = tpu.memref_slice %arg6[%dma_start3A_977, %dma_start3A_978] : memref<185x16xf32, #tpu.memory_space<vmem_shared>> -> memref<185x16xf32, #tpu.memory_space<vmem_shared>>
    tpu.enqueue_indirect_dma source(%dma_start3A_979 : memref<185x16xf32, #tpu.memory_space<vmem_shared>>) target(%dma_start3A_974 : memref<128x16xf32, #tpu.memory_space<vmem>>) offsets(%dma_start3A_976 : memref<128xi32, #tpu.memory_space<vmem>>) semaphore(%arg9 : memref<!tpu.dma_semaphore, #tpu.memory_space<semaphore_mem>>)
    %dma_start3A_980 = arith.constant 0 : i32
    %dma_start3A_981 = arith.constant 0 : i32
    %dma_start3A_982 = arith.constant 0 : i32
    %dma_start3A_983 = tpu.memref_slice %arg8[%dma_start3A_980, %dma_start3A_981, %dma_start3A_982] : memref<2x3072x16xf32, #tpu.memory_space<vmem>> -> memref<1x3072x16xf32, #tpu.memory_space<vmem>>
    %dma_start3A_984 = tpu.memref_squeeze %dma_start3A_983 : memref<1x3072x16xf32, #tpu.memory_space<vmem>> -> memref<3072x16xf32, #tpu.memory_space<vmem>>
    %dma_start3A_985 = arith.constant 384 : i32
    %dma_start3A_986 = arith.constant 0 : i32
    %dma_start3A_987 = tpu.memref_slice %dma_start3A_984[%dma_start3A_985, %dma_start3A_986] : memref<3072x16xf32, #tpu.memory_space<vmem>> -> memref<128x16xf32, #tpu.memory_space<vmem>>
    %dma_start3A_988 = arith.constant 6528 : i32
    %dma_start3A_989 = tpu.memref_slice %arg7[%dma_start3A_988] : memref<12288xi32, #tpu.memory_space<vmem>> -> memref<128xi32, #tpu.memory_space<vmem>>
    %dma_start3A_990 = arith.constant 0 : i32
    %dma_start3A_991 = arith.constant 0 : i32
    %dma_start3A_992 = tpu.memref_slice %arg6[%dma_start3A_990, %dma_start3A_991] : memref<185x16xf32, #tpu.memory_space<vmem_shared>> -> memref<185x16xf32, #tpu.memory_space<vmem_shared>>
    tpu.enqueue_indirect_dma source(%dma_start3A_992 : memref<185x16xf32, #tpu.memory_space<vmem_shared>>) target(%dma_start3A_987 : memref<128x16xf32, #tpu.memory_space<vmem>>) offsets(%dma_start3A_989 : memref<128xi32, #tpu.memory_space<vmem>>) semaphore(%arg9 : memref<!tpu.dma_semaphore, #tpu.memory_space<semaphore_mem>>)
    %dma_start3A_993 = arith.constant 0 : i32
    %dma_start3A_994 = arith.constant 0 : i32
    %dma_start3A_995 = arith.constant 0 : i32
    %dma_start3A_996 = tpu.memref_slice %arg8[%dma_start3A_993, %dma_start3A_994, %dma_start3A_995] : memref<2x3072x16xf32, #tpu.memory_space<vmem>> -> memref<1x3072x16xf32, #tpu.memory_space<vmem>>
    %dma_start3A_997 = tpu.memref_squeeze %dma_start3A_996 : memref<1x3072x16xf32, #tpu.memory_space<vmem>> -> memref<3072x16xf32, #tpu.memory_space<vmem>>
    %dma_start3A_998 = arith.constant 512 : i32
    %dma_start3A_999 = arith.constant 0 : i32
    %dma_start3A_1000 = tpu.memref_slice %dma_start3A_997[%dma_start3A_998, %dma_start3A_999] : memref<3072x16xf32, #tpu.memory_space<vmem>> -> memref<128x16xf32, #tpu.memory_space<vmem>>
    %dma_start3A_1001 = arith.constant 6656 : i32
    %dma_start3A_1002 = tpu.memref_slice %arg7[%dma_start3A_1001] : memref<12288xi32, #tpu.memory_space<vmem>> -> memref<128xi32, #tpu.memory_space<vmem>>
    %dma_start3A_1003 = arith.constant 0 : i32
    %dma_start3A_1004 = arith.constant 0 : i32
    %dma_start3A_1005 = tpu.memref_slice %arg6[%dma_start3A_1003, %dma_start3A_1004] : memref<185x16xf32, #tpu.memory_space<vmem_shared>> -> memref<185x16xf32, #tpu.memory_space<vmem_shared>>
    tpu.enqueue_indirect_dma source(%dma_start3A_1005 : memref<185x16xf32, #tpu.memory_space<vmem_shared>>) target(%dma_start3A_1000 : memref<128x16xf32, #tpu.memory_space<vmem>>) offsets(%dma_start3A_1002 : memref<128xi32, #tpu.memory_space<vmem>>) semaphore(%arg9 : memref<!tpu.dma_semaphore, #tpu.memory_space<semaphore_mem>>)
    %dma_start3A_1006 = arith.constant 0 : i32
    %dma_start3A_1007 = arith.constant 0 : i32
    %dma_start3A_1008 = arith.constant 0 : i32
    %dma_start3A_1009 = tpu.memref_slice %arg8[%dma_start3A_1006, %dma_start3A_1007, %dma_start3A_1008] : memref<2x3072x16xf32, #tpu.memory_space<vmem>> -> memref<1x3072x16xf32, #tpu.memory_space<vmem>>
    %dma_start3A_1010 = tpu.memref_squeeze %dma_start3A_1009 : memref<1x3072x16xf32, #tpu.memory_space<vmem>> -> memref<3072x16xf32, #tpu.memory_space<vmem>>
    %dma_start3A_1011 = arith.constant 640 : i32
    %dma_start3A_1012 = arith.constant 0 : i32
    %dma_start3A_1013 = tpu.memref_slice %dma_start3A_1010[%dma_start3A_1011, %dma_start3A_1012] : memref<3072x16xf32, #tpu.memory_space<vmem>> -> memref<128x16xf32, #tpu.memory_space<vmem>>
    %dma_start3A_1014 = arith.constant 6784 : i32
    %dma_start3A_1015 = tpu.memref_slice %arg7[%dma_start3A_1014] : memref<12288xi32, #tpu.memory_space<vmem>> -> memref<128xi32, #tpu.memory_space<vmem>>
    %dma_start3A_1016 = arith.constant 0 : i32
    %dma_start3A_1017 = arith.constant 0 : i32
    %dma_start3A_1018 = tpu.memref_slice %arg6[%dma_start3A_1016, %dma_start3A_1017] : memref<185x16xf32, #tpu.memory_space<vmem_shared>> -> memref<185x16xf32, #tpu.memory_space<vmem_shared>>
    tpu.enqueue_indirect_dma source(%dma_start3A_1018 : memref<185x16xf32, #tpu.memory_space<vmem_shared>>) target(%dma_start3A_1013 : memref<128x16xf32, #tpu.memory_space<vmem>>) offsets(%dma_start3A_1015 : memref<128xi32, #tpu.memory_space<vmem>>) semaphore(%arg9 : memref<!tpu.dma_semaphore, #tpu.memory_space<semaphore_mem>>)
    %dma_start3A_1019 = arith.constant 0 : i32
    %dma_start3A_1020 = arith.constant 0 : i32
    %dma_start3A_1021 = arith.constant 0 : i32
    %dma_start3A_1022 = tpu.memref_slice %arg8[%dma_start3A_1019, %dma_start3A_1020, %dma_start3A_1021] : memref<2x3072x16xf32, #tpu.memory_space<vmem>> -> memref<1x3072x16xf32, #tpu.memory_space<vmem>>
    %dma_start3A_1023 = tpu.memref_squeeze %dma_start3A_1022 : memref<1x3072x16xf32, #tpu.memory_space<vmem>> -> memref<3072x16xf32, #tpu.memory_space<vmem>>
    %dma_start3A_1024 = arith.constant 768 : i32
    %dma_start3A_1025 = arith.constant 0 : i32
    %dma_start3A_1026 = tpu.memref_slice %dma_start3A_1023[%dma_start3A_1024, %dma_start3A_1025] : memref<3072x16xf32, #tpu.memory_space<vmem>> -> memref<128x16xf32, #tpu.memory_space<vmem>>
    %dma_start3A_1027 = arith.constant 6912 : i32
    %dma_start3A_1028 = tpu.memref_slice %arg7[%dma_start3A_1027] : memref<12288xi32, #tpu.memory_space<vmem>> -> memref<128xi32, #tpu.memory_space<vmem>>
    %dma_start3A_1029 = arith.constant 0 : i32
    %dma_start3A_1030 = arith.constant 0 : i32
    %dma_start3A_1031 = tpu.memref_slice %arg6[%dma_start3A_1029, %dma_start3A_1030] : memref<185x16xf32, #tpu.memory_space<vmem_shared>> -> memref<185x16xf32, #tpu.memory_space<vmem_shared>>
    tpu.enqueue_indirect_dma source(%dma_start3A_1031 : memref<185x16xf32, #tpu.memory_space<vmem_shared>>) target(%dma_start3A_1026 : memref<128x16xf32, #tpu.memory_space<vmem>>) offsets(%dma_start3A_1028 : memref<128xi32, #tpu.memory_space<vmem>>) semaphore(%arg9 : memref<!tpu.dma_semaphore, #tpu.memory_space<semaphore_mem>>)
    %dma_start3A_1032 = arith.constant 0 : i32
    %dma_start3A_1033 = arith.constant 0 : i32
    %dma_start3A_1034 = arith.constant 0 : i32
    %dma_start3A_1035 = tpu.memref_slice %arg8[%dma_start3A_1032, %dma_start3A_1033, %dma_start3A_1034] : memref<2x3072x16xf32, #tpu.memory_space<vmem>> -> memref<1x3072x16xf32, #tpu.memory_space<vmem>>
    %dma_start3A_1036 = tpu.memref_squeeze %dma_start3A_1035 : memref<1x3072x16xf32, #tpu.memory_space<vmem>> -> memref<3072x16xf32, #tpu.memory_space<vmem>>
    %dma_start3A_1037 = arith.constant 896 : i32
    %dma_start3A_1038 = arith.constant 0 : i32
    %dma_start3A_1039 = tpu.memref_slice %dma_start3A_1036[%dma_start3A_1037, %dma_start3A_1038] : memref<3072x16xf32, #tpu.memory_space<vmem>> -> memref<128x16xf32, #tpu.memory_space<vmem>>
    %dma_start3A_1040 = arith.constant 7040 : i32
    %dma_start3A_1041 = tpu.memref_slice %arg7[%dma_start3A_1040] : memref<12288xi32, #tpu.memory_space<vmem>> -> memref<128xi32, #tpu.memory_space<vmem>>
    %dma_start3A_1042 = arith.constant 0 : i32
    %dma_start3A_1043 = arith.constant 0 : i32
    %dma_start3A_1044 = tpu.memref_slice %arg6[%dma_start3A_1042, %dma_start3A_1043] : memref<185x16xf32, #tpu.memory_space<vmem_shared>> -> memref<185x16xf32, #tpu.memory_space<vmem_shared>>
    tpu.enqueue_indirect_dma source(%dma_start3A_1044 : memref<185x16xf32, #tpu.memory_space<vmem_shared>>) target(%dma_start3A_1039 : memref<128x16xf32, #tpu.memory_space<vmem>>) offsets(%dma_start3A_1041 : memref<128xi32, #tpu.memory_space<vmem>>) semaphore(%arg9 : memref<!tpu.dma_semaphore, #tpu.memory_space<semaphore_mem>>)
    %dma_start3A_1045 = arith.constant 0 : i32
    %dma_start3A_1046 = arith.constant 0 : i32
    %dma_start3A_1047 = arith.constant 0 : i32
    %dma_start3A_1048 = tpu.memref_slice %arg8[%dma_start3A_1045, %dma_start3A_1046, %dma_start3A_1047] : memref<2x3072x16xf32, #tpu.memory_space<vmem>> -> memref<1x3072x16xf32, #tpu.memory_space<vmem>>
    %dma_start3A_1049 = tpu.memref_squeeze %dma_start3A_1048 : memref<1x3072x16xf32, #tpu.memory_space<vmem>> -> memref<3072x16xf32, #tpu.memory_space<vmem>>
    %dma_start3A_1050 = arith.constant 1024 : i32
    %dma_start3A_1051 = arith.constant 0 : i32
    %dma_start3A_1052 = tpu.memref_slice %dma_start3A_1049[%dma_start3A_1050, %dma_start3A_1051] : memref<3072x16xf32, #tpu.memory_space<vmem>> -> memref<128x16xf32, #tpu.memory_space<vmem>>
    %dma_start3A_1053 = arith.constant 7168 : i32
    %dma_start3A_1054 = tpu.memref_slice %arg7[%dma_start3A_1053] : memref<12288xi32, #tpu.memory_space<vmem>> -> memref<128xi32, #tpu.memory_space<vmem>>
    %dma_start3A_1055 = arith.constant 0 : i32
    %dma_start3A_1056 = arith.constant 0 : i32
    %dma_start3A_1057 = tpu.memref_slice %arg6[%dma_start3A_1055, %dma_start3A_1056] : memref<185x16xf32, #tpu.memory_space<vmem_shared>> -> memref<185x16xf32, #tpu.memory_space<vmem_shared>>
    tpu.enqueue_indirect_dma source(%dma_start3A_1057 : memref<185x16xf32, #tpu.memory_space<vmem_shared>>) target(%dma_start3A_1052 : memref<128x16xf32, #tpu.memory_space<vmem>>) offsets(%dma_start3A_1054 : memref<128xi32, #tpu.memory_space<vmem>>) semaphore(%arg9 : memref<!tpu.dma_semaphore, #tpu.memory_space<semaphore_mem>>)
    %dma_start3A_1058 = arith.constant 0 : i32
    %dma_start3A_1059 = arith.constant 0 : i32
    %dma_start3A_1060 = arith.constant 0 : i32
    %dma_start3A_1061 = tpu.memref_slice %arg8[%dma_start3A_1058, %dma_start3A_1059, %dma_start3A_1060] : memref<2x3072x16xf32, #tpu.memory_space<vmem>> -> memref<1x3072x16xf32, #tpu.memory_space<vmem>>
    %dma_start3A_1062 = tpu.memref_squeeze %dma_start3A_1061 : memref<1x3072x16xf32, #tpu.memory_space<vmem>> -> memref<3072x16xf32, #tpu.memory_space<vmem>>
    %dma_start3A_1063 = arith.constant 1152 : i32
    %dma_start3A_1064 = arith.constant 0 : i32
    %dma_start3A_1065 = tpu.memref_slice %dma_start3A_1062[%dma_start3A_1063, %dma_start3A_1064] : memref<3072x16xf32, #tpu.memory_space<vmem>> -> memref<128x16xf32, #tpu.memory_space<vmem>>
    %dma_start3A_1066 = arith.constant 7296 : i32
    %dma_start3A_1067 = tpu.memref_slice %arg7[%dma_start3A_1066] : memref<12288xi32, #tpu.memory_space<vmem>> -> memref<128xi32, #tpu.memory_space<vmem>>
    %dma_start3A_1068 = arith.constant 0 : i32
    %dma_start3A_1069 = arith.constant 0 : i32
    %dma_start3A_1070 = tpu.memref_slice %arg6[%dma_start3A_1068, %dma_start3A_1069] : memref<185x16xf32, #tpu.memory_space<vmem_shared>> -> memref<185x16xf32, #tpu.memory_space<vmem_shared>>
    tpu.enqueue_indirect_dma source(%dma_start3A_1070 : memref<185x16xf32, #tpu.memory_space<vmem_shared>>) target(%dma_start3A_1065 : memref<128x16xf32, #tpu.memory_space<vmem>>) offsets(%dma_start3A_1067 : memref<128xi32, #tpu.memory_space<vmem>>) semaphore(%arg9 : memref<!tpu.dma_semaphore, #tpu.memory_space<semaphore_mem>>)
    %dma_start3A_1071 = arith.constant 0 : i32
    %dma_start3A_1072 = arith.constant 0 : i32
    %dma_start3A_1073 = arith.constant 0 : i32
    %dma_start3A_1074 = tpu.memref_slice %arg8[%dma_start3A_1071, %dma_start3A_1072, %dma_start3A_1073] : memref<2x3072x16xf32, #tpu.memory_space<vmem>> -> memref<1x3072x16xf32, #tpu.memory_space<vmem>>
    %dma_start3A_1075 = tpu.memref_squeeze %dma_start3A_1074 : memref<1x3072x16xf32, #tpu.memory_space<vmem>> -> memref<3072x16xf32, #tpu.memory_space<vmem>>
    %dma_start3A_1076 = arith.constant 1280 : i32
    %dma_start3A_1077 = arith.constant 0 : i32
    %dma_start3A_1078 = tpu.memref_slice %dma_start3A_1075[%dma_start3A_1076, %dma_start3A_1077] : memref<3072x16xf32, #tpu.memory_space<vmem>> -> memref<128x16xf32, #tpu.memory_space<vmem>>
    %dma_start3A_1079 = arith.constant 7424 : i32
    %dma_start3A_1080 = tpu.memref_slice %arg7[%dma_start3A_1079] : memref<12288xi32, #tpu.memory_space<vmem>> -> memref<128xi32, #tpu.memory_space<vmem>>
    %dma_start3A_1081 = arith.constant 0 : i32
    %dma_start3A_1082 = arith.constant 0 : i32
    %dma_start3A_1083 = tpu.memref_slice %arg6[%dma_start3A_1081, %dma_start3A_1082] : memref<185x16xf32, #tpu.memory_space<vmem_shared>> -> memref<185x16xf32, #tpu.memory_space<vmem_shared>>
    tpu.enqueue_indirect_dma source(%dma_start3A_1083 : memref<185x16xf32, #tpu.memory_space<vmem_shared>>) target(%dma_start3A_1078 : memref<128x16xf32, #tpu.memory_space<vmem>>) offsets(%dma_start3A_1080 : memref<128xi32, #tpu.memory_space<vmem>>) semaphore(%arg9 : memref<!tpu.dma_semaphore, #tpu.memory_space<semaphore_mem>>)
    %dma_start3A_1084 = arith.constant 0 : i32
    %dma_start3A_1085 = arith.constant 0 : i32
    %dma_start3A_1086 = arith.constant 0 : i32
    %dma_start3A_1087 = tpu.memref_slice %arg8[%dma_start3A_1084, %dma_start3A_1085, %dma_start3A_1086] : memref<2x3072x16xf32, #tpu.memory_space<vmem>> -> memref<1x3072x16xf32, #tpu.memory_space<vmem>>
    %dma_start3A_1088 = tpu.memref_squeeze %dma_start3A_1087 : memref<1x3072x16xf32, #tpu.memory_space<vmem>> -> memref<3072x16xf32, #tpu.memory_space<vmem>>
    %dma_start3A_1089 = arith.constant 1408 : i32
    %dma_start3A_1090 = arith.constant 0 : i32
    %dma_start3A_1091 = tpu.memref_slice %dma_start3A_1088[%dma_start3A_1089, %dma_start3A_1090] : memref<3072x16xf32, #tpu.memory_space<vmem>> -> memref<128x16xf32, #tpu.memory_space<vmem>>
    %dma_start3A_1092 = arith.constant 7552 : i32
    %dma_start3A_1093 = tpu.memref_slice %arg7[%dma_start3A_1092] : memref<12288xi32, #tpu.memory_space<vmem>> -> memref<128xi32, #tpu.memory_space<vmem>>
    %dma_start3A_1094 = arith.constant 0 : i32
    %dma_start3A_1095 = arith.constant 0 : i32
    %dma_start3A_1096 = tpu.memref_slice %arg6[%dma_start3A_1094, %dma_start3A_1095] : memref<185x16xf32, #tpu.memory_space<vmem_shared>> -> memref<185x16xf32, #tpu.memory_space<vmem_shared>>
    tpu.enqueue_indirect_dma source(%dma_start3A_1096 : memref<185x16xf32, #tpu.memory_space<vmem_shared>>) target(%dma_start3A_1091 : memref<128x16xf32, #tpu.memory_space<vmem>>) offsets(%dma_start3A_1093 : memref<128xi32, #tpu.memory_space<vmem>>) semaphore(%arg9 : memref<!tpu.dma_semaphore, #tpu.memory_space<semaphore_mem>>)
    %dma_start3A_1097 = arith.constant 0 : i32
    %dma_start3A_1098 = arith.constant 0 : i32
    %dma_start3A_1099 = arith.constant 0 : i32
    %dma_start3A_1100 = tpu.memref_slice %arg8[%dma_start3A_1097, %dma_start3A_1098, %dma_start3A_1099] : memref<2x3072x16xf32, #tpu.memory_space<vmem>> -> memref<1x3072x16xf32, #tpu.memory_space<vmem>>
    %dma_start3A_1101 = tpu.memref_squeeze %dma_start3A_1100 : memref<1x3072x16xf32, #tpu.memory_space<vmem>> -> memref<3072x16xf32, #tpu.memory_space<vmem>>
    %dma_start3A_1102 = arith.constant 1536 : i32
    %dma_start3A_1103 = arith.constant 0 : i32
    %dma_start3A_1104 = tpu.memref_slice %dma_start3A_1101[%dma_start3A_1102, %dma_start3A_1103] : memref<3072x16xf32, #tpu.memory_space<vmem>> -> memref<128x16xf32, #tpu.memory_space<vmem>>
    %dma_start3A_1105 = arith.constant 7680 : i32
    %dma_start3A_1106 = tpu.memref_slice %arg7[%dma_start3A_1105] : memref<12288xi32, #tpu.memory_space<vmem>> -> memref<128xi32, #tpu.memory_space<vmem>>
    %dma_start3A_1107 = arith.constant 0 : i32
    %dma_start3A_1108 = arith.constant 0 : i32
    %dma_start3A_1109 = tpu.memref_slice %arg6[%dma_start3A_1107, %dma_start3A_1108] : memref<185x16xf32, #tpu.memory_space<vmem_shared>> -> memref<185x16xf32, #tpu.memory_space<vmem_shared>>
    tpu.enqueue_indirect_dma source(%dma_start3A_1109 : memref<185x16xf32, #tpu.memory_space<vmem_shared>>) target(%dma_start3A_1104 : memref<128x16xf32, #tpu.memory_space<vmem>>) offsets(%dma_start3A_1106 : memref<128xi32, #tpu.memory_space<vmem>>) semaphore(%arg9 : memref<!tpu.dma_semaphore, #tpu.memory_space<semaphore_mem>>)
    %dma_start3A_1110 = arith.constant 0 : i32
    %dma_start3A_1111 = arith.constant 0 : i32
    %dma_start3A_1112 = arith.constant 0 : i32
    %dma_start3A_1113 = tpu.memref_slice %arg8[%dma_start3A_1110, %dma_start3A_1111, %dma_start3A_1112] : memref<2x3072x16xf32, #tpu.memory_space<vmem>> -> memref<1x3072x16xf32, #tpu.memory_space<vmem>>
    %dma_start3A_1114 = tpu.memref_squeeze %dma_start3A_1113 : memref<1x3072x16xf32, #tpu.memory_space<vmem>> -> memref<3072x16xf32, #tpu.memory_space<vmem>>
    %dma_start3A_1115 = arith.constant 1664 : i32
    %dma_start3A_1116 = arith.constant 0 : i32
    %dma_start3A_1117 = tpu.memref_slice %dma_start3A_1114[%dma_start3A_1115, %dma_start3A_1116] : memref<3072x16xf32, #tpu.memory_space<vmem>> -> memref<128x16xf32, #tpu.memory_space<vmem>>
    %dma_start3A_1118 = arith.constant 7808 : i32
    %dma_start3A_1119 = tpu.memref_slice %arg7[%dma_start3A_1118] : memref<12288xi32, #tpu.memory_space<vmem>> -> memref<128xi32, #tpu.memory_space<vmem>>
    %dma_start3A_1120 = arith.constant 0 : i32
    %dma_start3A_1121 = arith.constant 0 : i32
    %dma_start3A_1122 = tpu.memref_slice %arg6[%dma_start3A_1120, %dma_start3A_1121] : memref<185x16xf32, #tpu.memory_space<vmem_shared>> -> memref<185x16xf32, #tpu.memory_space<vmem_shared>>
    tpu.enqueue_indirect_dma source(%dma_start3A_1122 : memref<185x16xf32, #tpu.memory_space<vmem_shared>>) target(%dma_start3A_1117 : memref<128x16xf32, #tpu.memory_space<vmem>>) offsets(%dma_start3A_1119 : memref<128xi32, #tpu.memory_space<vmem>>) semaphore(%arg9 : memref<!tpu.dma_semaphore, #tpu.memory_space<semaphore_mem>>)
    %dma_start3A_1123 = arith.constant 0 : i32
    %dma_start3A_1124 = arith.constant 0 : i32
    %dma_start3A_1125 = arith.constant 0 : i32
    %dma_start3A_1126 = tpu.memref_slice %arg8[%dma_start3A_1123, %dma_start3A_1124, %dma_start3A_1125] : memref<2x3072x16xf32, #tpu.memory_space<vmem>> -> memref<1x3072x16xf32, #tpu.memory_space<vmem>>
    %dma_start3A_1127 = tpu.memref_squeeze %dma_start3A_1126 : memref<1x3072x16xf32, #tpu.memory_space<vmem>> -> memref<3072x16xf32, #tpu.memory_space<vmem>>
    %dma_start3A_1128 = arith.constant 1792 : i32
    %dma_start3A_1129 = arith.constant 0 : i32
    %dma_start3A_1130 = tpu.memref_slice %dma_start3A_1127[%dma_start3A_1128, %dma_start3A_1129] : memref<3072x16xf32, #tpu.memory_space<vmem>> -> memref<128x16xf32, #tpu.memory_space<vmem>>
    %dma_start3A_1131 = arith.constant 7936 : i32
    %dma_start3A_1132 = tpu.memref_slice %arg7[%dma_start3A_1131] : memref<12288xi32, #tpu.memory_space<vmem>> -> memref<128xi32, #tpu.memory_space<vmem>>
    %dma_start3A_1133 = arith.constant 0 : i32
    %dma_start3A_1134 = arith.constant 0 : i32
    %dma_start3A_1135 = tpu.memref_slice %arg6[%dma_start3A_1133, %dma_start3A_1134] : memref<185x16xf32, #tpu.memory_space<vmem_shared>> -> memref<185x16xf32, #tpu.memory_space<vmem_shared>>
    tpu.enqueue_indirect_dma source(%dma_start3A_1135 : memref<185x16xf32, #tpu.memory_space<vmem_shared>>) target(%dma_start3A_1130 : memref<128x16xf32, #tpu.memory_space<vmem>>) offsets(%dma_start3A_1132 : memref<128xi32, #tpu.memory_space<vmem>>) semaphore(%arg9 : memref<!tpu.dma_semaphore, #tpu.memory_space<semaphore_mem>>)
    %dma_start3A_1136 = arith.constant 0 : i32
    %dma_start3A_1137 = arith.constant 0 : i32
    %dma_start3A_1138 = arith.constant 0 : i32
    %dma_start3A_1139 = tpu.memref_slice %arg8[%dma_start3A_1136, %dma_start3A_1137, %dma_start3A_1138] : memref<2x3072x16xf32, #tpu.memory_space<vmem>> -> memref<1x3072x16xf32, #tpu.memory_space<vmem>>
    %dma_start3A_1140 = tpu.memref_squeeze %dma_start3A_1139 : memref<1x3072x16xf32, #tpu.memory_space<vmem>> -> memref<3072x16xf32, #tpu.memory_space<vmem>>
    %dma_start3A_1141 = arith.constant 1920 : i32
    %dma_start3A_1142 = arith.constant 0 : i32
    %dma_start3A_1143 = tpu.memref_slice %dma_start3A_1140[%dma_start3A_1141, %dma_start3A_1142] : memref<3072x16xf32, #tpu.memory_space<vmem>> -> memref<128x16xf32, #tpu.memory_space<vmem>>
    %dma_start3A_1144 = arith.constant 8064 : i32
    %dma_start3A_1145 = tpu.memref_slice %arg7[%dma_start3A_1144] : memref<12288xi32, #tpu.memory_space<vmem>> -> memref<128xi32, #tpu.memory_space<vmem>>
    %dma_start3A_1146 = arith.constant 0 : i32
    %dma_start3A_1147 = arith.constant 0 : i32
    %dma_start3A_1148 = tpu.memref_slice %arg6[%dma_start3A_1146, %dma_start3A_1147] : memref<185x16xf32, #tpu.memory_space<vmem_shared>> -> memref<185x16xf32, #tpu.memory_space<vmem_shared>>
    tpu.enqueue_indirect_dma source(%dma_start3A_1148 : memref<185x16xf32, #tpu.memory_space<vmem_shared>>) target(%dma_start3A_1143 : memref<128x16xf32, #tpu.memory_space<vmem>>) offsets(%dma_start3A_1145 : memref<128xi32, #tpu.memory_space<vmem>>) semaphore(%arg9 : memref<!tpu.dma_semaphore, #tpu.memory_space<semaphore_mem>>)
    %dma_start3A_1149 = arith.constant 0 : i32
    %dma_start3A_1150 = arith.constant 0 : i32
    %dma_start3A_1151 = arith.constant 0 : i32
    %dma_start3A_1152 = tpu.memref_slice %arg8[%dma_start3A_1149, %dma_start3A_1150, %dma_start3A_1151] : memref<2x3072x16xf32, #tpu.memory_space<vmem>> -> memref<1x3072x16xf32, #tpu.memory_space<vmem>>
    %dma_start3A_1153 = tpu.memref_squeeze %dma_start3A_1152 : memref<1x3072x16xf32, #tpu.memory_space<vmem>> -> memref<3072x16xf32, #tpu.memory_space<vmem>>
    %dma_start3A_1154 = arith.constant 2048 : i32
    %dma_start3A_1155 = arith.constant 0 : i32
    %dma_start3A_1156 = tpu.memref_slice %dma_start3A_1153[%dma_start3A_1154, %dma_start3A_1155] : memref<3072x16xf32, #tpu.memory_space<vmem>> -> memref<128x16xf32, #tpu.memory_space<vmem>>
    %dma_start3A_1157 = arith.constant 8192 : i32
    %dma_start3A_1158 = tpu.memref_slice %arg7[%dma_start3A_1157] : memref<12288xi32, #tpu.memory_space<vmem>> -> memref<128xi32, #tpu.memory_space<vmem>>
    %dma_start3A_1159 = arith.constant 0 : i32
    %dma_start3A_1160 = arith.constant 0 : i32
    %dma_start3A_1161 = tpu.memref_slice %arg6[%dma_start3A_1159, %dma_start3A_1160] : memref<185x16xf32, #tpu.memory_space<vmem_shared>> -> memref<185x16xf32, #tpu.memory_space<vmem_shared>>
    tpu.enqueue_indirect_dma source(%dma_start3A_1161 : memref<185x16xf32, #tpu.memory_space<vmem_shared>>) target(%dma_start3A_1156 : memref<128x16xf32, #tpu.memory_space<vmem>>) offsets(%dma_start3A_1158 : memref<128xi32, #tpu.memory_space<vmem>>) semaphore(%arg9 : memref<!tpu.dma_semaphore, #tpu.memory_space<semaphore_mem>>)
    %dma_start3A_1162 = arith.constant 0 : i32
    %dma_start3A_1163 = arith.constant 0 : i32
    %dma_start3A_1164 = arith.constant 0 : i32
    %dma_start3A_1165 = tpu.memref_slice %arg8[%dma_start3A_1162, %dma_start3A_1163, %dma_start3A_1164] : memref<2x3072x16xf32, #tpu.memory_space<vmem>> -> memref<1x3072x16xf32, #tpu.memory_space<vmem>>
    %dma_start3A_1166 = tpu.memref_squeeze %dma_start3A_1165 : memref<1x3072x16xf32, #tpu.memory_space<vmem>> -> memref<3072x16xf32, #tpu.memory_space<vmem>>
    %dma_start3A_1167 = arith.constant 2176 : i32
    %dma_start3A_1168 = arith.constant 0 : i32
    %dma_start3A_1169 = tpu.memref_slice %dma_start3A_1166[%dma_start3A_1167, %dma_start3A_1168] : memref<3072x16xf32, #tpu.memory_space<vmem>> -> memref<128x16xf32, #tpu.memory_space<vmem>>
    %dma_start3A_1170 = arith.constant 8320 : i32
    %dma_start3A_1171 = tpu.memref_slice %arg7[%dma_start3A_1170] : memref<12288xi32, #tpu.memory_space<vmem>> -> memref<128xi32, #tpu.memory_space<vmem>>
    %dma_start3A_1172 = arith.constant 0 : i32
    %dma_start3A_1173 = arith.constant 0 : i32
    %dma_start3A_1174 = tpu.memref_slice %arg6[%dma_start3A_1172, %dma_start3A_1173] : memref<185x16xf32, #tpu.memory_space<vmem_shared>> -> memref<185x16xf32, #tpu.memory_space<vmem_shared>>
    tpu.enqueue_indirect_dma source(%dma_start3A_1174 : memref<185x16xf32, #tpu.memory_space<vmem_shared>>) target(%dma_start3A_1169 : memref<128x16xf32, #tpu.memory_space<vmem>>) offsets(%dma_start3A_1171 : memref<128xi32, #tpu.memory_space<vmem>>) semaphore(%arg9 : memref<!tpu.dma_semaphore, #tpu.memory_space<semaphore_mem>>)
    %dma_start3A_1175 = arith.constant 0 : i32
    %dma_start3A_1176 = arith.constant 0 : i32
    %dma_start3A_1177 = arith.constant 0 : i32
    %dma_start3A_1178 = tpu.memref_slice %arg8[%dma_start3A_1175, %dma_start3A_1176, %dma_start3A_1177] : memref<2x3072x16xf32, #tpu.memory_space<vmem>> -> memref<1x3072x16xf32, #tpu.memory_space<vmem>>
    %dma_start3A_1179 = tpu.memref_squeeze %dma_start3A_1178 : memref<1x3072x16xf32, #tpu.memory_space<vmem>> -> memref<3072x16xf32, #tpu.memory_space<vmem>>
    %dma_start3A_1180 = arith.constant 2304 : i32
    %dma_start3A_1181 = arith.constant 0 : i32
    %dma_start3A_1182 = tpu.memref_slice %dma_start3A_1179[%dma_start3A_1180, %dma_start3A_1181] : memref<3072x16xf32, #tpu.memory_space<vmem>> -> memref<128x16xf32, #tpu.memory_space<vmem>>
    %dma_start3A_1183 = arith.constant 8448 : i32
    %dma_start3A_1184 = tpu.memref_slice %arg7[%dma_start3A_1183] : memref<12288xi32, #tpu.memory_space<vmem>> -> memref<128xi32, #tpu.memory_space<vmem>>
    %dma_start3A_1185 = arith.constant 0 : i32
    %dma_start3A_1186 = arith.constant 0 : i32
    %dma_start3A_1187 = tpu.memref_slice %arg6[%dma_start3A_1185, %dma_start3A_1186] : memref<185x16xf32, #tpu.memory_space<vmem_shared>> -> memref<185x16xf32, #tpu.memory_space<vmem_shared>>
    tpu.enqueue_indirect_dma source(%dma_start3A_1187 : memref<185x16xf32, #tpu.memory_space<vmem_shared>>) target(%dma_start3A_1182 : memref<128x16xf32, #tpu.memory_space<vmem>>) offsets(%dma_start3A_1184 : memref<128xi32, #tpu.memory_space<vmem>>) semaphore(%arg9 : memref<!tpu.dma_semaphore, #tpu.memory_space<semaphore_mem>>)
    %dma_start3A_1188 = arith.constant 0 : i32
    %dma_start3A_1189 = arith.constant 0 : i32
    %dma_start3A_1190 = arith.constant 0 : i32
    %dma_start3A_1191 = tpu.memref_slice %arg8[%dma_start3A_1188, %dma_start3A_1189, %dma_start3A_1190] : memref<2x3072x16xf32, #tpu.memory_space<vmem>> -> memref<1x3072x16xf32, #tpu.memory_space<vmem>>
    %dma_start3A_1192 = tpu.memref_squeeze %dma_start3A_1191 : memref<1x3072x16xf32, #tpu.memory_space<vmem>> -> memref<3072x16xf32, #tpu.memory_space<vmem>>
    %dma_start3A_1193 = arith.constant 2432 : i32
    %dma_start3A_1194 = arith.constant 0 : i32
    %dma_start3A_1195 = tpu.memref_slice %dma_start3A_1192[%dma_start3A_1193, %dma_start3A_1194] : memref<3072x16xf32, #tpu.memory_space<vmem>> -> memref<128x16xf32, #tpu.memory_space<vmem>>
    %dma_start3A_1196 = arith.constant 8576 : i32
    %dma_start3A_1197 = tpu.memref_slice %arg7[%dma_start3A_1196] : memref<12288xi32, #tpu.memory_space<vmem>> -> memref<128xi32, #tpu.memory_space<vmem>>
    %dma_start3A_1198 = arith.constant 0 : i32
    %dma_start3A_1199 = arith.constant 0 : i32
    %dma_start3A_1200 = tpu.memref_slice %arg6[%dma_start3A_1198, %dma_start3A_1199] : memref<185x16xf32, #tpu.memory_space<vmem_shared>> -> memref<185x16xf32, #tpu.memory_space<vmem_shared>>
    tpu.enqueue_indirect_dma source(%dma_start3A_1200 : memref<185x16xf32, #tpu.memory_space<vmem_shared>>) target(%dma_start3A_1195 : memref<128x16xf32, #tpu.memory_space<vmem>>) offsets(%dma_start3A_1197 : memref<128xi32, #tpu.memory_space<vmem>>) semaphore(%arg9 : memref<!tpu.dma_semaphore, #tpu.memory_space<semaphore_mem>>)
    %dma_start3A_1201 = arith.constant 0 : i32
    %dma_start3A_1202 = arith.constant 0 : i32
    %dma_start3A_1203 = arith.constant 0 : i32
    %dma_start3A_1204 = tpu.memref_slice %arg8[%dma_start3A_1201, %dma_start3A_1202, %dma_start3A_1203] : memref<2x3072x16xf32, #tpu.memory_space<vmem>> -> memref<1x3072x16xf32, #tpu.memory_space<vmem>>
    %dma_start3A_1205 = tpu.memref_squeeze %dma_start3A_1204 : memref<1x3072x16xf32, #tpu.memory_space<vmem>> -> memref<3072x16xf32, #tpu.memory_space<vmem>>
    %dma_start3A_1206 = arith.constant 2560 : i32
    %dma_start3A_1207 = arith.constant 0 : i32
    %dma_start3A_1208 = tpu.memref_slice %dma_start3A_1205[%dma_start3A_1206, %dma_start3A_1207] : memref<3072x16xf32, #tpu.memory_space<vmem>> -> memref<128x16xf32, #tpu.memory_space<vmem>>
    %dma_start3A_1209 = arith.constant 8704 : i32
    %dma_start3A_1210 = tpu.memref_slice %arg7[%dma_start3A_1209] : memref<12288xi32, #tpu.memory_space<vmem>> -> memref<128xi32, #tpu.memory_space<vmem>>
    %dma_start3A_1211 = arith.constant 0 : i32
    %dma_start3A_1212 = arith.constant 0 : i32
    %dma_start3A_1213 = tpu.memref_slice %arg6[%dma_start3A_1211, %dma_start3A_1212] : memref<185x16xf32, #tpu.memory_space<vmem_shared>> -> memref<185x16xf32, #tpu.memory_space<vmem_shared>>
    tpu.enqueue_indirect_dma source(%dma_start3A_1213 : memref<185x16xf32, #tpu.memory_space<vmem_shared>>) target(%dma_start3A_1208 : memref<128x16xf32, #tpu.memory_space<vmem>>) offsets(%dma_start3A_1210 : memref<128xi32, #tpu.memory_space<vmem>>) semaphore(%arg9 : memref<!tpu.dma_semaphore, #tpu.memory_space<semaphore_mem>>)
    %dma_start3A_1214 = arith.constant 0 : i32
    %dma_start3A_1215 = arith.constant 0 : i32
    %dma_start3A_1216 = arith.constant 0 : i32
    %dma_start3A_1217 = tpu.memref_slice %arg8[%dma_start3A_1214, %dma_start3A_1215, %dma_start3A_1216] : memref<2x3072x16xf32, #tpu.memory_space<vmem>> -> memref<1x3072x16xf32, #tpu.memory_space<vmem>>
    %dma_start3A_1218 = tpu.memref_squeeze %dma_start3A_1217 : memref<1x3072x16xf32, #tpu.memory_space<vmem>> -> memref<3072x16xf32, #tpu.memory_space<vmem>>
    %dma_start3A_1219 = arith.constant 2688 : i32
    %dma_start3A_1220 = arith.constant 0 : i32
    %dma_start3A_1221 = tpu.memref_slice %dma_start3A_1218[%dma_start3A_1219, %dma_start3A_1220] : memref<3072x16xf32, #tpu.memory_space<vmem>> -> memref<128x16xf32, #tpu.memory_space<vmem>>
    %dma_start3A_1222 = arith.constant 8832 : i32
    %dma_start3A_1223 = tpu.memref_slice %arg7[%dma_start3A_1222] : memref<12288xi32, #tpu.memory_space<vmem>> -> memref<128xi32, #tpu.memory_space<vmem>>
    %dma_start3A_1224 = arith.constant 0 : i32
    %dma_start3A_1225 = arith.constant 0 : i32
    %dma_start3A_1226 = tpu.memref_slice %arg6[%dma_start3A_1224, %dma_start3A_1225] : memref<185x16xf32, #tpu.memory_space<vmem_shared>> -> memref<185x16xf32, #tpu.memory_space<vmem_shared>>
    tpu.enqueue_indirect_dma source(%dma_start3A_1226 : memref<185x16xf32, #tpu.memory_space<vmem_shared>>) target(%dma_start3A_1221 : memref<128x16xf32, #tpu.memory_space<vmem>>) offsets(%dma_start3A_1223 : memref<128xi32, #tpu.memory_space<vmem>>) semaphore(%arg9 : memref<!tpu.dma_semaphore, #tpu.memory_space<semaphore_mem>>)
    %dma_start3A_1227 = arith.constant 0 : i32
    %dma_start3A_1228 = arith.constant 0 : i32
    %dma_start3A_1229 = arith.constant 0 : i32
    %dma_start3A_1230 = tpu.memref_slice %arg8[%dma_start3A_1227, %dma_start3A_1228, %dma_start3A_1229] : memref<2x3072x16xf32, #tpu.memory_space<vmem>> -> memref<1x3072x16xf32, #tpu.memory_space<vmem>>
    %dma_start3A_1231 = tpu.memref_squeeze %dma_start3A_1230 : memref<1x3072x16xf32, #tpu.memory_space<vmem>> -> memref<3072x16xf32, #tpu.memory_space<vmem>>
    %dma_start3A_1232 = arith.constant 2816 : i32
    %dma_start3A_1233 = arith.constant 0 : i32
    %dma_start3A_1234 = tpu.memref_slice %dma_start3A_1231[%dma_start3A_1232, %dma_start3A_1233] : memref<3072x16xf32, #tpu.memory_space<vmem>> -> memref<128x16xf32, #tpu.memory_space<vmem>>
    %dma_start3A_1235 = arith.constant 8960 : i32
    %dma_start3A_1236 = tpu.memref_slice %arg7[%dma_start3A_1235] : memref<12288xi32, #tpu.memory_space<vmem>> -> memref<128xi32, #tpu.memory_space<vmem>>
    %dma_start3A_1237 = arith.constant 0 : i32
    %dma_start3A_1238 = arith.constant 0 : i32
    %dma_start3A_1239 = tpu.memref_slice %arg6[%dma_start3A_1237, %dma_start3A_1238] : memref<185x16xf32, #tpu.memory_space<vmem_shared>> -> memref<185x16xf32, #tpu.memory_space<vmem_shared>>
    tpu.enqueue_indirect_dma source(%dma_start3A_1239 : memref<185x16xf32, #tpu.memory_space<vmem_shared>>) target(%dma_start3A_1234 : memref<128x16xf32, #tpu.memory_space<vmem>>) offsets(%dma_start3A_1236 : memref<128xi32, #tpu.memory_space<vmem>>) semaphore(%arg9 : memref<!tpu.dma_semaphore, #tpu.memory_space<semaphore_mem>>)
    %dma_start3A_1240 = arith.constant 0 : i32
    %dma_start3A_1241 = arith.constant 0 : i32
    %dma_start3A_1242 = arith.constant 0 : i32
    %dma_start3A_1243 = tpu.memref_slice %arg8[%dma_start3A_1240, %dma_start3A_1241, %dma_start3A_1242] : memref<2x3072x16xf32, #tpu.memory_space<vmem>> -> memref<1x3072x16xf32, #tpu.memory_space<vmem>>
    %dma_start3A_1244 = tpu.memref_squeeze %dma_start3A_1243 : memref<1x3072x16xf32, #tpu.memory_space<vmem>> -> memref<3072x16xf32, #tpu.memory_space<vmem>>
    %dma_start3A_1245 = arith.constant 2944 : i32
    %dma_start3A_1246 = arith.constant 0 : i32
    %dma_start3A_1247 = tpu.memref_slice %dma_start3A_1244[%dma_start3A_1245, %dma_start3A_1246] : memref<3072x16xf32, #tpu.memory_space<vmem>> -> memref<128x16xf32, #tpu.memory_space<vmem>>
    %dma_start3A_1248 = arith.constant 9088 : i32
    %dma_start3A_1249 = tpu.memref_slice %arg7[%dma_start3A_1248] : memref<12288xi32, #tpu.memory_space<vmem>> -> memref<128xi32, #tpu.memory_space<vmem>>
    %dma_start3A_1250 = arith.constant 0 : i32
    %dma_start3A_1251 = arith.constant 0 : i32
    %dma_start3A_1252 = tpu.memref_slice %arg6[%dma_start3A_1250, %dma_start3A_1251] : memref<185x16xf32, #tpu.memory_space<vmem_shared>> -> memref<185x16xf32, #tpu.memory_space<vmem_shared>>
    tpu.enqueue_indirect_dma source(%dma_start3A_1252 : memref<185x16xf32, #tpu.memory_space<vmem_shared>>) target(%dma_start3A_1247 : memref<128x16xf32, #tpu.memory_space<vmem>>) offsets(%dma_start3A_1249 : memref<128xi32, #tpu.memory_space<vmem>>) semaphore(%arg9 : memref<!tpu.dma_semaphore, #tpu.memory_space<semaphore_mem>>)
    %dma_wait3A_1253 = arith.constant 1 : i32
    %dma_wait3A_1254 = arith.constant 0 : i32
    %dma_wait3A_1255 = arith.constant 0 : i32
    %dma_wait3A_1256 = tpu.memref_slice %arg8[%dma_wait3A_1253, %dma_wait3A_1254, %dma_wait3A_1255] : memref<2x3072x16xf32, #tpu.memory_space<vmem>> -> memref<1x3072x16xf32, #tpu.memory_space<vmem>>
    %dma_wait3A_1257 = tpu.memref_squeeze %dma_wait3A_1256 : memref<1x3072x16xf32, #tpu.memory_space<vmem>> -> memref<3072x16xf32, #tpu.memory_space<vmem>>
    %dma_wait3A_1258 = arith.constant 0 : i32
    %dma_wait3A_1259 = arith.constant 0 : i32
    %dma_wait3A_1260 = tpu.memref_slice %dma_wait3A_1257[%dma_wait3A_1258, %dma_wait3A_1259] : memref<3072x16xf32, #tpu.memory_space<vmem>> -> memref<128x16xf32, #tpu.memory_space<vmem>>
    %dma_wait3A_1261 = arith.constant 3072 : i32
    %dma_wait3A_1262 = tpu.memref_slice %arg7[%dma_wait3A_1261] : memref<12288xi32, #tpu.memory_space<vmem>> -> memref<128xi32, #tpu.memory_space<vmem>>
    %dma_wait3A_1263 = arith.constant 0 : i32
    %dma_wait3A_1264 = arith.constant 0 : i32
    %dma_wait3A_1265 = tpu.memref_slice %arg6[%dma_wait3A_1263, %dma_wait3A_1264] : memref<185x16xf32, #tpu.memory_space<vmem_shared>> -> memref<185x16xf32, #tpu.memory_space<vmem_shared>>
    tpu.wait_indirect_dma semaphore(%arg9 : memref<!tpu.dma_semaphore, #tpu.memory_space<semaphore_mem>>) src(%dma_wait3A_1265 : memref<185x16xf32, #tpu.memory_space<vmem_shared>>) dst(%dma_wait3A_1260 : memref<128x16xf32, #tpu.memory_space<vmem>>)
    %dma_wait3A_1266 = arith.constant 1 : i32
    %dma_wait3A_1267 = arith.constant 0 : i32
    %dma_wait3A_1268 = arith.constant 0 : i32
    %dma_wait3A_1269 = tpu.memref_slice %arg8[%dma_wait3A_1266, %dma_wait3A_1267, %dma_wait3A_1268] : memref<2x3072x16xf32, #tpu.memory_space<vmem>> -> memref<1x3072x16xf32, #tpu.memory_space<vmem>>
    %dma_wait3A_1270 = tpu.memref_squeeze %dma_wait3A_1269 : memref<1x3072x16xf32, #tpu.memory_space<vmem>> -> memref<3072x16xf32, #tpu.memory_space<vmem>>
    %dma_wait3A_1271 = arith.constant 128 : i32
    %dma_wait3A_1272 = arith.constant 0 : i32
    %dma_wait3A_1273 = tpu.memref_slice %dma_wait3A_1270[%dma_wait3A_1271, %dma_wait3A_1272] : memref<3072x16xf32, #tpu.memory_space<vmem>> -> memref<128x16xf32, #tpu.memory_space<vmem>>
    %dma_wait3A_1274 = arith.constant 3200 : i32
    %dma_wait3A_1275 = tpu.memref_slice %arg7[%dma_wait3A_1274] : memref<12288xi32, #tpu.memory_space<vmem>> -> memref<128xi32, #tpu.memory_space<vmem>>
    %dma_wait3A_1276 = arith.constant 0 : i32
    %dma_wait3A_1277 = arith.constant 0 : i32
    %dma_wait3A_1278 = tpu.memref_slice %arg6[%dma_wait3A_1276, %dma_wait3A_1277] : memref<185x16xf32, #tpu.memory_space<vmem_shared>> -> memref<185x16xf32, #tpu.memory_space<vmem_shared>>
    tpu.wait_indirect_dma semaphore(%arg9 : memref<!tpu.dma_semaphore, #tpu.memory_space<semaphore_mem>>) src(%dma_wait3A_1278 : memref<185x16xf32, #tpu.memory_space<vmem_shared>>) dst(%dma_wait3A_1273 : memref<128x16xf32, #tpu.memory_space<vmem>>)
    %dma_wait3A_1279 = arith.constant 1 : i32
    %dma_wait3A_1280 = arith.constant 0 : i32
    %dma_wait3A_1281 = arith.constant 0 : i32
    %dma_wait3A_1282 = tpu.memref_slice %arg8[%dma_wait3A_1279, %dma_wait3A_1280, %dma_wait3A_1281] : memref<2x3072x16xf32, #tpu.memory_space<vmem>> -> memref<1x3072x16xf32, #tpu.memory_space<vmem>>
    %dma_wait3A_1283 = tpu.memref_squeeze %dma_wait3A_1282 : memref<1x3072x16xf32, #tpu.memory_space<vmem>> -> memref<3072x16xf32, #tpu.memory_space<vmem>>
    %dma_wait3A_1284 = arith.constant 256 : i32
    %dma_wait3A_1285 = arith.constant 0 : i32
    %dma_wait3A_1286 = tpu.memref_slice %dma_wait3A_1283[%dma_wait3A_1284, %dma_wait3A_1285] : memref<3072x16xf32, #tpu.memory_space<vmem>> -> memref<128x16xf32, #tpu.memory_space<vmem>>
    %dma_wait3A_1287 = arith.constant 3328 : i32
    %dma_wait3A_1288 = tpu.memref_slice %arg7[%dma_wait3A_1287] : memref<12288xi32, #tpu.memory_space<vmem>> -> memref<128xi32, #tpu.memory_space<vmem>>
    %dma_wait3A_1289 = arith.constant 0 : i32
    %dma_wait3A_1290 = arith.constant 0 : i32
    %dma_wait3A_1291 = tpu.memref_slice %arg6[%dma_wait3A_1289, %dma_wait3A_1290] : memref<185x16xf32, #tpu.memory_space<vmem_shared>> -> memref<185x16xf32, #tpu.memory_space<vmem_shared>>
    tpu.wait_indirect_dma semaphore(%arg9 : memref<!tpu.dma_semaphore, #tpu.memory_space<semaphore_mem>>) src(%dma_wait3A_1291 : memref<185x16xf32, #tpu.memory_space<vmem_shared>>) dst(%dma_wait3A_1286 : memref<128x16xf32, #tpu.memory_space<vmem>>)
    %dma_wait3A_1292 = arith.constant 1 : i32
    %dma_wait3A_1293 = arith.constant 0 : i32
    %dma_wait3A_1294 = arith.constant 0 : i32
    %dma_wait3A_1295 = tpu.memref_slice %arg8[%dma_wait3A_1292, %dma_wait3A_1293, %dma_wait3A_1294] : memref<2x3072x16xf32, #tpu.memory_space<vmem>> -> memref<1x3072x16xf32, #tpu.memory_space<vmem>>
    %dma_wait3A_1296 = tpu.memref_squeeze %dma_wait3A_1295 : memref<1x3072x16xf32, #tpu.memory_space<vmem>> -> memref<3072x16xf32, #tpu.memory_space<vmem>>
    %dma_wait3A_1297 = arith.constant 384 : i32
    %dma_wait3A_1298 = arith.constant 0 : i32
    %dma_wait3A_1299 = tpu.memref_slice %dma_wait3A_1296[%dma_wait3A_1297, %dma_wait3A_1298] : memref<3072x16xf32, #tpu.memory_space<vmem>> -> memref<128x16xf32, #tpu.memory_space<vmem>>
    %dma_wait3A_1300 = arith.constant 3456 : i32
    %dma_wait3A_1301 = tpu.memref_slice %arg7[%dma_wait3A_1300] : memref<12288xi32, #tpu.memory_space<vmem>> -> memref<128xi32, #tpu.memory_space<vmem>>
    %dma_wait3A_1302 = arith.constant 0 : i32
    %dma_wait3A_1303 = arith.constant 0 : i32
    %dma_wait3A_1304 = tpu.memref_slice %arg6[%dma_wait3A_1302, %dma_wait3A_1303] : memref<185x16xf32, #tpu.memory_space<vmem_shared>> -> memref<185x16xf32, #tpu.memory_space<vmem_shared>>
    tpu.wait_indirect_dma semaphore(%arg9 : memref<!tpu.dma_semaphore, #tpu.memory_space<semaphore_mem>>) src(%dma_wait3A_1304 : memref<185x16xf32, #tpu.memory_space<vmem_shared>>) dst(%dma_wait3A_1299 : memref<128x16xf32, #tpu.memory_space<vmem>>)
    %dma_wait3A_1305 = arith.constant 1 : i32
    %dma_wait3A_1306 = arith.constant 0 : i32
    %dma_wait3A_1307 = arith.constant 0 : i32
    %dma_wait3A_1308 = tpu.memref_slice %arg8[%dma_wait3A_1305, %dma_wait3A_1306, %dma_wait3A_1307] : memref<2x3072x16xf32, #tpu.memory_space<vmem>> -> memref<1x3072x16xf32, #tpu.memory_space<vmem>>
    %dma_wait3A_1309 = tpu.memref_squeeze %dma_wait3A_1308 : memref<1x3072x16xf32, #tpu.memory_space<vmem>> -> memref<3072x16xf32, #tpu.memory_space<vmem>>
    %dma_wait3A_1310 = arith.constant 512 : i32
    %dma_wait3A_1311 = arith.constant 0 : i32
    %dma_wait3A_1312 = tpu.memref_slice %dma_wait3A_1309[%dma_wait3A_1310, %dma_wait3A_1311] : memref<3072x16xf32, #tpu.memory_space<vmem>> -> memref<128x16xf32, #tpu.memory_space<vmem>>
    %dma_wait3A_1313 = arith.constant 3584 : i32
    %dma_wait3A_1314 = tpu.memref_slice %arg7[%dma_wait3A_1313] : memref<12288xi32, #tpu.memory_space<vmem>> -> memref<128xi32, #tpu.memory_space<vmem>>
    %dma_wait3A_1315 = arith.constant 0 : i32
    %dma_wait3A_1316 = arith.constant 0 : i32
    %dma_wait3A_1317 = tpu.memref_slice %arg6[%dma_wait3A_1315, %dma_wait3A_1316] : memref<185x16xf32, #tpu.memory_space<vmem_shared>> -> memref<185x16xf32, #tpu.memory_space<vmem_shared>>
    tpu.wait_indirect_dma semaphore(%arg9 : memref<!tpu.dma_semaphore, #tpu.memory_space<semaphore_mem>>) src(%dma_wait3A_1317 : memref<185x16xf32, #tpu.memory_space<vmem_shared>>) dst(%dma_wait3A_1312 : memref<128x16xf32, #tpu.memory_space<vmem>>)
    %dma_wait3A_1318 = arith.constant 1 : i32
    %dma_wait3A_1319 = arith.constant 0 : i32
    %dma_wait3A_1320 = arith.constant 0 : i32
    %dma_wait3A_1321 = tpu.memref_slice %arg8[%dma_wait3A_1318, %dma_wait3A_1319, %dma_wait3A_1320] : memref<2x3072x16xf32, #tpu.memory_space<vmem>> -> memref<1x3072x16xf32, #tpu.memory_space<vmem>>
    %dma_wait3A_1322 = tpu.memref_squeeze %dma_wait3A_1321 : memref<1x3072x16xf32, #tpu.memory_space<vmem>> -> memref<3072x16xf32, #tpu.memory_space<vmem>>
    %dma_wait3A_1323 = arith.constant 640 : i32
    %dma_wait3A_1324 = arith.constant 0 : i32
    %dma_wait3A_1325 = tpu.memref_slice %dma_wait3A_1322[%dma_wait3A_1323, %dma_wait3A_1324] : memref<3072x16xf32, #tpu.memory_space<vmem>> -> memref<128x16xf32, #tpu.memory_space<vmem>>
    %dma_wait3A_1326 = arith.constant 3712 : i32
    %dma_wait3A_1327 = tpu.memref_slice %arg7[%dma_wait3A_1326] : memref<12288xi32, #tpu.memory_space<vmem>> -> memref<128xi32, #tpu.memory_space<vmem>>
    %dma_wait3A_1328 = arith.constant 0 : i32
    %dma_wait3A_1329 = arith.constant 0 : i32
    %dma_wait3A_1330 = tpu.memref_slice %arg6[%dma_wait3A_1328, %dma_wait3A_1329] : memref<185x16xf32, #tpu.memory_space<vmem_shared>> -> memref<185x16xf32, #tpu.memory_space<vmem_shared>>
    tpu.wait_indirect_dma semaphore(%arg9 : memref<!tpu.dma_semaphore, #tpu.memory_space<semaphore_mem>>) src(%dma_wait3A_1330 : memref<185x16xf32, #tpu.memory_space<vmem_shared>>) dst(%dma_wait3A_1325 : memref<128x16xf32, #tpu.memory_space<vmem>>)
    %dma_wait3A_1331 = arith.constant 1 : i32
    %dma_wait3A_1332 = arith.constant 0 : i32
    %dma_wait3A_1333 = arith.constant 0 : i32
    %dma_wait3A_1334 = tpu.memref_slice %arg8[%dma_wait3A_1331, %dma_wait3A_1332, %dma_wait3A_1333] : memref<2x3072x16xf32, #tpu.memory_space<vmem>> -> memref<1x3072x16xf32, #tpu.memory_space<vmem>>
    %dma_wait3A_1335 = tpu.memref_squeeze %dma_wait3A_1334 : memref<1x3072x16xf32, #tpu.memory_space<vmem>> -> memref<3072x16xf32, #tpu.memory_space<vmem>>
    %dma_wait3A_1336 = arith.constant 768 : i32
    %dma_wait3A_1337 = arith.constant 0 : i32
    %dma_wait3A_1338 = tpu.memref_slice %dma_wait3A_1335[%dma_wait3A_1336, %dma_wait3A_1337] : memref<3072x16xf32, #tpu.memory_space<vmem>> -> memref<128x16xf32, #tpu.memory_space<vmem>>
    %dma_wait3A_1339 = arith.constant 3840 : i32
    %dma_wait3A_1340 = tpu.memref_slice %arg7[%dma_wait3A_1339] : memref<12288xi32, #tpu.memory_space<vmem>> -> memref<128xi32, #tpu.memory_space<vmem>>
    %dma_wait3A_1341 = arith.constant 0 : i32
    %dma_wait3A_1342 = arith.constant 0 : i32
    %dma_wait3A_1343 = tpu.memref_slice %arg6[%dma_wait3A_1341, %dma_wait3A_1342] : memref<185x16xf32, #tpu.memory_space<vmem_shared>> -> memref<185x16xf32, #tpu.memory_space<vmem_shared>>
    tpu.wait_indirect_dma semaphore(%arg9 : memref<!tpu.dma_semaphore, #tpu.memory_space<semaphore_mem>>) src(%dma_wait3A_1343 : memref<185x16xf32, #tpu.memory_space<vmem_shared>>) dst(%dma_wait3A_1338 : memref<128x16xf32, #tpu.memory_space<vmem>>)
    %dma_wait3A_1344 = arith.constant 1 : i32
    %dma_wait3A_1345 = arith.constant 0 : i32
    %dma_wait3A_1346 = arith.constant 0 : i32
    %dma_wait3A_1347 = tpu.memref_slice %arg8[%dma_wait3A_1344, %dma_wait3A_1345, %dma_wait3A_1346] : memref<2x3072x16xf32, #tpu.memory_space<vmem>> -> memref<1x3072x16xf32, #tpu.memory_space<vmem>>
    %dma_wait3A_1348 = tpu.memref_squeeze %dma_wait3A_1347 : memref<1x3072x16xf32, #tpu.memory_space<vmem>> -> memref<3072x16xf32, #tpu.memory_space<vmem>>
    %dma_wait3A_1349 = arith.constant 896 : i32
    %dma_wait3A_1350 = arith.constant 0 : i32
    %dma_wait3A_1351 = tpu.memref_slice %dma_wait3A_1348[%dma_wait3A_1349, %dma_wait3A_1350] : memref<3072x16xf32, #tpu.memory_space<vmem>> -> memref<128x16xf32, #tpu.memory_space<vmem>>
    %dma_wait3A_1352 = arith.constant 3968 : i32
    %dma_wait3A_1353 = tpu.memref_slice %arg7[%dma_wait3A_1352] : memref<12288xi32, #tpu.memory_space<vmem>> -> memref<128xi32, #tpu.memory_space<vmem>>
    %dma_wait3A_1354 = arith.constant 0 : i32
    %dma_wait3A_1355 = arith.constant 0 : i32
    %dma_wait3A_1356 = tpu.memref_slice %arg6[%dma_wait3A_1354, %dma_wait3A_1355] : memref<185x16xf32, #tpu.memory_space<vmem_shared>> -> memref<185x16xf32, #tpu.memory_space<vmem_shared>>
    tpu.wait_indirect_dma semaphore(%arg9 : memref<!tpu.dma_semaphore, #tpu.memory_space<semaphore_mem>>) src(%dma_wait3A_1356 : memref<185x16xf32, #tpu.memory_space<vmem_shared>>) dst(%dma_wait3A_1351 : memref<128x16xf32, #tpu.memory_space<vmem>>)
    %dma_wait3A_1357 = arith.constant 1 : i32
    %dma_wait3A_1358 = arith.constant 0 : i32
    %dma_wait3A_1359 = arith.constant 0 : i32
    %dma_wait3A_1360 = tpu.memref_slice %arg8[%dma_wait3A_1357, %dma_wait3A_1358, %dma_wait3A_1359] : memref<2x3072x16xf32, #tpu.memory_space<vmem>> -> memref<1x3072x16xf32, #tpu.memory_space<vmem>>
    %dma_wait3A_1361 = tpu.memref_squeeze %dma_wait3A_1360 : memref<1x3072x16xf32, #tpu.memory_space<vmem>> -> memref<3072x16xf32, #tpu.memory_space<vmem>>
    %dma_wait3A_1362 = arith.constant 1024 : i32
    %dma_wait3A_1363 = arith.constant 0 : i32
    %dma_wait3A_1364 = tpu.memref_slice %dma_wait3A_1361[%dma_wait3A_1362, %dma_wait3A_1363] : memref<3072x16xf32, #tpu.memory_space<vmem>> -> memref<128x16xf32, #tpu.memory_space<vmem>>
    %dma_wait3A_1365 = arith.constant 4096 : i32
    %dma_wait3A_1366 = tpu.memref_slice %arg7[%dma_wait3A_1365] : memref<12288xi32, #tpu.memory_space<vmem>> -> memref<128xi32, #tpu.memory_space<vmem>>
    %dma_wait3A_1367 = arith.constant 0 : i32
    %dma_wait3A_1368 = arith.constant 0 : i32
    %dma_wait3A_1369 = tpu.memref_slice %arg6[%dma_wait3A_1367, %dma_wait3A_1368] : memref<185x16xf32, #tpu.memory_space<vmem_shared>> -> memref<185x16xf32, #tpu.memory_space<vmem_shared>>
    tpu.wait_indirect_dma semaphore(%arg9 : memref<!tpu.dma_semaphore, #tpu.memory_space<semaphore_mem>>) src(%dma_wait3A_1369 : memref<185x16xf32, #tpu.memory_space<vmem_shared>>) dst(%dma_wait3A_1364 : memref<128x16xf32, #tpu.memory_space<vmem>>)
    %dma_wait3A_1370 = arith.constant 1 : i32
    %dma_wait3A_1371 = arith.constant 0 : i32
    %dma_wait3A_1372 = arith.constant 0 : i32
    %dma_wait3A_1373 = tpu.memref_slice %arg8[%dma_wait3A_1370, %dma_wait3A_1371, %dma_wait3A_1372] : memref<2x3072x16xf32, #tpu.memory_space<vmem>> -> memref<1x3072x16xf32, #tpu.memory_space<vmem>>
    %dma_wait3A_1374 = tpu.memref_squeeze %dma_wait3A_1373 : memref<1x3072x16xf32, #tpu.memory_space<vmem>> -> memref<3072x16xf32, #tpu.memory_space<vmem>>
    %dma_wait3A_1375 = arith.constant 1152 : i32
    %dma_wait3A_1376 = arith.constant 0 : i32
    %dma_wait3A_1377 = tpu.memref_slice %dma_wait3A_1374[%dma_wait3A_1375, %dma_wait3A_1376] : memref<3072x16xf32, #tpu.memory_space<vmem>> -> memref<128x16xf32, #tpu.memory_space<vmem>>
    %dma_wait3A_1378 = arith.constant 4224 : i32
    %dma_wait3A_1379 = tpu.memref_slice %arg7[%dma_wait3A_1378] : memref<12288xi32, #tpu.memory_space<vmem>> -> memref<128xi32, #tpu.memory_space<vmem>>
    %dma_wait3A_1380 = arith.constant 0 : i32
    %dma_wait3A_1381 = arith.constant 0 : i32
    %dma_wait3A_1382 = tpu.memref_slice %arg6[%dma_wait3A_1380, %dma_wait3A_1381] : memref<185x16xf32, #tpu.memory_space<vmem_shared>> -> memref<185x16xf32, #tpu.memory_space<vmem_shared>>
    tpu.wait_indirect_dma semaphore(%arg9 : memref<!tpu.dma_semaphore, #tpu.memory_space<semaphore_mem>>) src(%dma_wait3A_1382 : memref<185x16xf32, #tpu.memory_space<vmem_shared>>) dst(%dma_wait3A_1377 : memref<128x16xf32, #tpu.memory_space<vmem>>)
    %dma_wait3A_1383 = arith.constant 1 : i32
    %dma_wait3A_1384 = arith.constant 0 : i32
    %dma_wait3A_1385 = arith.constant 0 : i32
    %dma_wait3A_1386 = tpu.memref_slice %arg8[%dma_wait3A_1383, %dma_wait3A_1384, %dma_wait3A_1385] : memref<2x3072x16xf32, #tpu.memory_space<vmem>> -> memref<1x3072x16xf32, #tpu.memory_space<vmem>>
    %dma_wait3A_1387 = tpu.memref_squeeze %dma_wait3A_1386 : memref<1x3072x16xf32, #tpu.memory_space<vmem>> -> memref<3072x16xf32, #tpu.memory_space<vmem>>
    %dma_wait3A_1388 = arith.constant 1280 : i32
    %dma_wait3A_1389 = arith.constant 0 : i32
    %dma_wait3A_1390 = tpu.memref_slice %dma_wait3A_1387[%dma_wait3A_1388, %dma_wait3A_1389] : memref<3072x16xf32, #tpu.memory_space<vmem>> -> memref<128x16xf32, #tpu.memory_space<vmem>>
    %dma_wait3A_1391 = arith.constant 4352 : i32
    %dma_wait3A_1392 = tpu.memref_slice %arg7[%dma_wait3A_1391] : memref<12288xi32, #tpu.memory_space<vmem>> -> memref<128xi32, #tpu.memory_space<vmem>>
    %dma_wait3A_1393 = arith.constant 0 : i32
    %dma_wait3A_1394 = arith.constant 0 : i32
    %dma_wait3A_1395 = tpu.memref_slice %arg6[%dma_wait3A_1393, %dma_wait3A_1394] : memref<185x16xf32, #tpu.memory_space<vmem_shared>> -> memref<185x16xf32, #tpu.memory_space<vmem_shared>>
    tpu.wait_indirect_dma semaphore(%arg9 : memref<!tpu.dma_semaphore, #tpu.memory_space<semaphore_mem>>) src(%dma_wait3A_1395 : memref<185x16xf32, #tpu.memory_space<vmem_shared>>) dst(%dma_wait3A_1390 : memref<128x16xf32, #tpu.memory_space<vmem>>)
    %dma_wait3A_1396 = arith.constant 1 : i32
    %dma_wait3A_1397 = arith.constant 0 : i32
    %dma_wait3A_1398 = arith.constant 0 : i32
    %dma_wait3A_1399 = tpu.memref_slice %arg8[%dma_wait3A_1396, %dma_wait3A_1397, %dma_wait3A_1398] : memref<2x3072x16xf32, #tpu.memory_space<vmem>> -> memref<1x3072x16xf32, #tpu.memory_space<vmem>>
    %dma_wait3A_1400 = tpu.memref_squeeze %dma_wait3A_1399 : memref<1x3072x16xf32, #tpu.memory_space<vmem>> -> memref<3072x16xf32, #tpu.memory_space<vmem>>
    %dma_wait3A_1401 = arith.constant 1408 : i32
    %dma_wait3A_1402 = arith.constant 0 : i32
    %dma_wait3A_1403 = tpu.memref_slice %dma_wait3A_1400[%dma_wait3A_1401, %dma_wait3A_1402] : memref<3072x16xf32, #tpu.memory_space<vmem>> -> memref<128x16xf32, #tpu.memory_space<vmem>>
    %dma_wait3A_1404 = arith.constant 4480 : i32
    %dma_wait3A_1405 = tpu.memref_slice %arg7[%dma_wait3A_1404] : memref<12288xi32, #tpu.memory_space<vmem>> -> memref<128xi32, #tpu.memory_space<vmem>>
    %dma_wait3A_1406 = arith.constant 0 : i32
    %dma_wait3A_1407 = arith.constant 0 : i32
    %dma_wait3A_1408 = tpu.memref_slice %arg6[%dma_wait3A_1406, %dma_wait3A_1407] : memref<185x16xf32, #tpu.memory_space<vmem_shared>> -> memref<185x16xf32, #tpu.memory_space<vmem_shared>>
    tpu.wait_indirect_dma semaphore(%arg9 : memref<!tpu.dma_semaphore, #tpu.memory_space<semaphore_mem>>) src(%dma_wait3A_1408 : memref<185x16xf32, #tpu.memory_space<vmem_shared>>) dst(%dma_wait3A_1403 : memref<128x16xf32, #tpu.memory_space<vmem>>)
    %dma_wait3A_1409 = arith.constant 1 : i32
    %dma_wait3A_1410 = arith.constant 0 : i32
    %dma_wait3A_1411 = arith.constant 0 : i32
    %dma_wait3A_1412 = tpu.memref_slice %arg8[%dma_wait3A_1409, %dma_wait3A_1410, %dma_wait3A_1411] : memref<2x3072x16xf32, #tpu.memory_space<vmem>> -> memref<1x3072x16xf32, #tpu.memory_space<vmem>>
    %dma_wait3A_1413 = tpu.memref_squeeze %dma_wait3A_1412 : memref<1x3072x16xf32, #tpu.memory_space<vmem>> -> memref<3072x16xf32, #tpu.memory_space<vmem>>
    %dma_wait3A_1414 = arith.constant 1536 : i32
    %dma_wait3A_1415 = arith.constant 0 : i32
    %dma_wait3A_1416 = tpu.memref_slice %dma_wait3A_1413[%dma_wait3A_1414, %dma_wait3A_1415] : memref<3072x16xf32, #tpu.memory_space<vmem>> -> memref<128x16xf32, #tpu.memory_space<vmem>>
    %dma_wait3A_1417 = arith.constant 4608 : i32
    %dma_wait3A_1418 = tpu.memref_slice %arg7[%dma_wait3A_1417] : memref<12288xi32, #tpu.memory_space<vmem>> -> memref<128xi32, #tpu.memory_space<vmem>>
    %dma_wait3A_1419 = arith.constant 0 : i32
    %dma_wait3A_1420 = arith.constant 0 : i32
    %dma_wait3A_1421 = tpu.memref_slice %arg6[%dma_wait3A_1419, %dma_wait3A_1420] : memref<185x16xf32, #tpu.memory_space<vmem_shared>> -> memref<185x16xf32, #tpu.memory_space<vmem_shared>>
    tpu.wait_indirect_dma semaphore(%arg9 : memref<!tpu.dma_semaphore, #tpu.memory_space<semaphore_mem>>) src(%dma_wait3A_1421 : memref<185x16xf32, #tpu.memory_space<vmem_shared>>) dst(%dma_wait3A_1416 : memref<128x16xf32, #tpu.memory_space<vmem>>)
    %dma_wait3A_1422 = arith.constant 1 : i32
    %dma_wait3A_1423 = arith.constant 0 : i32
    %dma_wait3A_1424 = arith.constant 0 : i32
    %dma_wait3A_1425 = tpu.memref_slice %arg8[%dma_wait3A_1422, %dma_wait3A_1423, %dma_wait3A_1424] : memref<2x3072x16xf32, #tpu.memory_space<vmem>> -> memref<1x3072x16xf32, #tpu.memory_space<vmem>>
    %dma_wait3A_1426 = tpu.memref_squeeze %dma_wait3A_1425 : memref<1x3072x16xf32, #tpu.memory_space<vmem>> -> memref<3072x16xf32, #tpu.memory_space<vmem>>
    %dma_wait3A_1427 = arith.constant 1664 : i32
    %dma_wait3A_1428 = arith.constant 0 : i32
    %dma_wait3A_1429 = tpu.memref_slice %dma_wait3A_1426[%dma_wait3A_1427, %dma_wait3A_1428] : memref<3072x16xf32, #tpu.memory_space<vmem>> -> memref<128x16xf32, #tpu.memory_space<vmem>>
    %dma_wait3A_1430 = arith.constant 4736 : i32
    %dma_wait3A_1431 = tpu.memref_slice %arg7[%dma_wait3A_1430] : memref<12288xi32, #tpu.memory_space<vmem>> -> memref<128xi32, #tpu.memory_space<vmem>>
    %dma_wait3A_1432 = arith.constant 0 : i32
    %dma_wait3A_1433 = arith.constant 0 : i32
    %dma_wait3A_1434 = tpu.memref_slice %arg6[%dma_wait3A_1432, %dma_wait3A_1433] : memref<185x16xf32, #tpu.memory_space<vmem_shared>> -> memref<185x16xf32, #tpu.memory_space<vmem_shared>>
    tpu.wait_indirect_dma semaphore(%arg9 : memref<!tpu.dma_semaphore, #tpu.memory_space<semaphore_mem>>) src(%dma_wait3A_1434 : memref<185x16xf32, #tpu.memory_space<vmem_shared>>) dst(%dma_wait3A_1429 : memref<128x16xf32, #tpu.memory_space<vmem>>)
    %dma_wait3A_1435 = arith.constant 1 : i32
    %dma_wait3A_1436 = arith.constant 0 : i32
    %dma_wait3A_1437 = arith.constant 0 : i32
    %dma_wait3A_1438 = tpu.memref_slice %arg8[%dma_wait3A_1435, %dma_wait3A_1436, %dma_wait3A_1437] : memref<2x3072x16xf32, #tpu.memory_space<vmem>> -> memref<1x3072x16xf32, #tpu.memory_space<vmem>>
    %dma_wait3A_1439 = tpu.memref_squeeze %dma_wait3A_1438 : memref<1x3072x16xf32, #tpu.memory_space<vmem>> -> memref<3072x16xf32, #tpu.memory_space<vmem>>
    %dma_wait3A_1440 = arith.constant 1792 : i32
    %dma_wait3A_1441 = arith.constant 0 : i32
    %dma_wait3A_1442 = tpu.memref_slice %dma_wait3A_1439[%dma_wait3A_1440, %dma_wait3A_1441] : memref<3072x16xf32, #tpu.memory_space<vmem>> -> memref<128x16xf32, #tpu.memory_space<vmem>>
    %dma_wait3A_1443 = arith.constant 4864 : i32
    %dma_wait3A_1444 = tpu.memref_slice %arg7[%dma_wait3A_1443] : memref<12288xi32, #tpu.memory_space<vmem>> -> memref<128xi32, #tpu.memory_space<vmem>>
    %dma_wait3A_1445 = arith.constant 0 : i32
    %dma_wait3A_1446 = arith.constant 0 : i32
    %dma_wait3A_1447 = tpu.memref_slice %arg6[%dma_wait3A_1445, %dma_wait3A_1446] : memref<185x16xf32, #tpu.memory_space<vmem_shared>> -> memref<185x16xf32, #tpu.memory_space<vmem_shared>>
    tpu.wait_indirect_dma semaphore(%arg9 : memref<!tpu.dma_semaphore, #tpu.memory_space<semaphore_mem>>) src(%dma_wait3A_1447 : memref<185x16xf32, #tpu.memory_space<vmem_shared>>) dst(%dma_wait3A_1442 : memref<128x16xf32, #tpu.memory_space<vmem>>)
    %dma_wait3A_1448 = arith.constant 1 : i32
    %dma_wait3A_1449 = arith.constant 0 : i32
    %dma_wait3A_1450 = arith.constant 0 : i32
    %dma_wait3A_1451 = tpu.memref_slice %arg8[%dma_wait3A_1448, %dma_wait3A_1449, %dma_wait3A_1450] : memref<2x3072x16xf32, #tpu.memory_space<vmem>> -> memref<1x3072x16xf32, #tpu.memory_space<vmem>>
    %dma_wait3A_1452 = tpu.memref_squeeze %dma_wait3A_1451 : memref<1x3072x16xf32, #tpu.memory_space<vmem>> -> memref<3072x16xf32, #tpu.memory_space<vmem>>
    %dma_wait3A_1453 = arith.constant 1920 : i32
    %dma_wait3A_1454 = arith.constant 0 : i32
    %dma_wait3A_1455 = tpu.memref_slice %dma_wait3A_1452[%dma_wait3A_1453, %dma_wait3A_1454] : memref<3072x16xf32, #tpu.memory_space<vmem>> -> memref<128x16xf32, #tpu.memory_space<vmem>>
    %dma_wait3A_1456 = arith.constant 4992 : i32
    %dma_wait3A_1457 = tpu.memref_slice %arg7[%dma_wait3A_1456] : memref<12288xi32, #tpu.memory_space<vmem>> -> memref<128xi32, #tpu.memory_space<vmem>>
    %dma_wait3A_1458 = arith.constant 0 : i32
    %dma_wait3A_1459 = arith.constant 0 : i32
    %dma_wait3A_1460 = tpu.memref_slice %arg6[%dma_wait3A_1458, %dma_wait3A_1459] : memref<185x16xf32, #tpu.memory_space<vmem_shared>> -> memref<185x16xf32, #tpu.memory_space<vmem_shared>>
    tpu.wait_indirect_dma semaphore(%arg9 : memref<!tpu.dma_semaphore, #tpu.memory_space<semaphore_mem>>) src(%dma_wait3A_1460 : memref<185x16xf32, #tpu.memory_space<vmem_shared>>) dst(%dma_wait3A_1455 : memref<128x16xf32, #tpu.memory_space<vmem>>)
    %dma_wait3A_1461 = arith.constant 1 : i32
    %dma_wait3A_1462 = arith.constant 0 : i32
    %dma_wait3A_1463 = arith.constant 0 : i32
    %dma_wait3A_1464 = tpu.memref_slice %arg8[%dma_wait3A_1461, %dma_wait3A_1462, %dma_wait3A_1463] : memref<2x3072x16xf32, #tpu.memory_space<vmem>> -> memref<1x3072x16xf32, #tpu.memory_space<vmem>>
    %dma_wait3A_1465 = tpu.memref_squeeze %dma_wait3A_1464 : memref<1x3072x16xf32, #tpu.memory_space<vmem>> -> memref<3072x16xf32, #tpu.memory_space<vmem>>
    %dma_wait3A_1466 = arith.constant 2048 : i32
    %dma_wait3A_1467 = arith.constant 0 : i32
    %dma_wait3A_1468 = tpu.memref_slice %dma_wait3A_1465[%dma_wait3A_1466, %dma_wait3A_1467] : memref<3072x16xf32, #tpu.memory_space<vmem>> -> memref<128x16xf32, #tpu.memory_space<vmem>>
    %dma_wait3A_1469 = arith.constant 5120 : i32
    %dma_wait3A_1470 = tpu.memref_slice %arg7[%dma_wait3A_1469] : memref<12288xi32, #tpu.memory_space<vmem>> -> memref<128xi32, #tpu.memory_space<vmem>>
    %dma_wait3A_1471 = arith.constant 0 : i32
    %dma_wait3A_1472 = arith.constant 0 : i32
    %dma_wait3A_1473 = tpu.memref_slice %arg6[%dma_wait3A_1471, %dma_wait3A_1472] : memref<185x16xf32, #tpu.memory_space<vmem_shared>> -> memref<185x16xf32, #tpu.memory_space<vmem_shared>>
    tpu.wait_indirect_dma semaphore(%arg9 : memref<!tpu.dma_semaphore, #tpu.memory_space<semaphore_mem>>) src(%dma_wait3A_1473 : memref<185x16xf32, #tpu.memory_space<vmem_shared>>) dst(%dma_wait3A_1468 : memref<128x16xf32, #tpu.memory_space<vmem>>)
    %dma_wait3A_1474 = arith.constant 1 : i32
    %dma_wait3A_1475 = arith.constant 0 : i32
    %dma_wait3A_1476 = arith.constant 0 : i32
    %dma_wait3A_1477 = tpu.memref_slice %arg8[%dma_wait3A_1474, %dma_wait3A_1475, %dma_wait3A_1476] : memref<2x3072x16xf32, #tpu.memory_space<vmem>> -> memref<1x3072x16xf32, #tpu.memory_space<vmem>>
    %dma_wait3A_1478 = tpu.memref_squeeze %dma_wait3A_1477 : memref<1x3072x16xf32, #tpu.memory_space<vmem>> -> memref<3072x16xf32, #tpu.memory_space<vmem>>
    %dma_wait3A_1479 = arith.constant 2176 : i32
    %dma_wait3A_1480 = arith.constant 0 : i32
    %dma_wait3A_1481 = tpu.memref_slice %dma_wait3A_1478[%dma_wait3A_1479, %dma_wait3A_1480] : memref<3072x16xf32, #tpu.memory_space<vmem>> -> memref<128x16xf32, #tpu.memory_space<vmem>>
    %dma_wait3A_1482 = arith.constant 5248 : i32
    %dma_wait3A_1483 = tpu.memref_slice %arg7[%dma_wait3A_1482] : memref<12288xi32, #tpu.memory_space<vmem>> -> memref<128xi32, #tpu.memory_space<vmem>>
    %dma_wait3A_1484 = arith.constant 0 : i32
    %dma_wait3A_1485 = arith.constant 0 : i32
    %dma_wait3A_1486 = tpu.memref_slice %arg6[%dma_wait3A_1484, %dma_wait3A_1485] : memref<185x16xf32, #tpu.memory_space<vmem_shared>> -> memref<185x16xf32, #tpu.memory_space<vmem_shared>>
    tpu.wait_indirect_dma semaphore(%arg9 : memref<!tpu.dma_semaphore, #tpu.memory_space<semaphore_mem>>) src(%dma_wait3A_1486 : memref<185x16xf32, #tpu.memory_space<vmem_shared>>) dst(%dma_wait3A_1481 : memref<128x16xf32, #tpu.memory_space<vmem>>)
    %dma_wait3A_1487 = arith.constant 1 : i32
    %dma_wait3A_1488 = arith.constant 0 : i32
    %dma_wait3A_1489 = arith.constant 0 : i32
    %dma_wait3A_1490 = tpu.memref_slice %arg8[%dma_wait3A_1487, %dma_wait3A_1488, %dma_wait3A_1489] : memref<2x3072x16xf32, #tpu.memory_space<vmem>> -> memref<1x3072x16xf32, #tpu.memory_space<vmem>>
    %dma_wait3A_1491 = tpu.memref_squeeze %dma_wait3A_1490 : memref<1x3072x16xf32, #tpu.memory_space<vmem>> -> memref<3072x16xf32, #tpu.memory_space<vmem>>
    %dma_wait3A_1492 = arith.constant 2304 : i32
    %dma_wait3A_1493 = arith.constant 0 : i32
    %dma_wait3A_1494 = tpu.memref_slice %dma_wait3A_1491[%dma_wait3A_1492, %dma_wait3A_1493] : memref<3072x16xf32, #tpu.memory_space<vmem>> -> memref<128x16xf32, #tpu.memory_space<vmem>>
    %dma_wait3A_1495 = arith.constant 5376 : i32
    %dma_wait3A_1496 = tpu.memref_slice %arg7[%dma_wait3A_1495] : memref<12288xi32, #tpu.memory_space<vmem>> -> memref<128xi32, #tpu.memory_space<vmem>>
    %dma_wait3A_1497 = arith.constant 0 : i32
    %dma_wait3A_1498 = arith.constant 0 : i32
    %dma_wait3A_1499 = tpu.memref_slice %arg6[%dma_wait3A_1497, %dma_wait3A_1498] : memref<185x16xf32, #tpu.memory_space<vmem_shared>> -> memref<185x16xf32, #tpu.memory_space<vmem_shared>>
    tpu.wait_indirect_dma semaphore(%arg9 : memref<!tpu.dma_semaphore, #tpu.memory_space<semaphore_mem>>) src(%dma_wait3A_1499 : memref<185x16xf32, #tpu.memory_space<vmem_shared>>) dst(%dma_wait3A_1494 : memref<128x16xf32, #tpu.memory_space<vmem>>)
    %dma_wait3A_1500 = arith.constant 1 : i32
    %dma_wait3A_1501 = arith.constant 0 : i32
    %dma_wait3A_1502 = arith.constant 0 : i32
    %dma_wait3A_1503 = tpu.memref_slice %arg8[%dma_wait3A_1500, %dma_wait3A_1501, %dma_wait3A_1502] : memref<2x3072x16xf32, #tpu.memory_space<vmem>> -> memref<1x3072x16xf32, #tpu.memory_space<vmem>>
    %dma_wait3A_1504 = tpu.memref_squeeze %dma_wait3A_1503 : memref<1x3072x16xf32, #tpu.memory_space<vmem>> -> memref<3072x16xf32, #tpu.memory_space<vmem>>
    %dma_wait3A_1505 = arith.constant 2432 : i32
    %dma_wait3A_1506 = arith.constant 0 : i32
    %dma_wait3A_1507 = tpu.memref_slice %dma_wait3A_1504[%dma_wait3A_1505, %dma_wait3A_1506] : memref<3072x16xf32, #tpu.memory_space<vmem>> -> memref<128x16xf32, #tpu.memory_space<vmem>>
    %dma_wait3A_1508 = arith.constant 5504 : i32
    %dma_wait3A_1509 = tpu.memref_slice %arg7[%dma_wait3A_1508] : memref<12288xi32, #tpu.memory_space<vmem>> -> memref<128xi32, #tpu.memory_space<vmem>>
    %dma_wait3A_1510 = arith.constant 0 : i32
    %dma_wait3A_1511 = arith.constant 0 : i32
    %dma_wait3A_1512 = tpu.memref_slice %arg6[%dma_wait3A_1510, %dma_wait3A_1511] : memref<185x16xf32, #tpu.memory_space<vmem_shared>> -> memref<185x16xf32, #tpu.memory_space<vmem_shared>>
    tpu.wait_indirect_dma semaphore(%arg9 : memref<!tpu.dma_semaphore, #tpu.memory_space<semaphore_mem>>) src(%dma_wait3A_1512 : memref<185x16xf32, #tpu.memory_space<vmem_shared>>) dst(%dma_wait3A_1507 : memref<128x16xf32, #tpu.memory_space<vmem>>)
    %dma_wait3A_1513 = arith.constant 1 : i32
    %dma_wait3A_1514 = arith.constant 0 : i32
    %dma_wait3A_1515 = arith.constant 0 : i32
    %dma_wait3A_1516 = tpu.memref_slice %arg8[%dma_wait3A_1513, %dma_wait3A_1514, %dma_wait3A_1515] : memref<2x3072x16xf32, #tpu.memory_space<vmem>> -> memref<1x3072x16xf32, #tpu.memory_space<vmem>>
    %dma_wait3A_1517 = tpu.memref_squeeze %dma_wait3A_1516 : memref<1x3072x16xf32, #tpu.memory_space<vmem>> -> memref<3072x16xf32, #tpu.memory_space<vmem>>
    %dma_wait3A_1518 = arith.constant 2560 : i32
    %dma_wait3A_1519 = arith.constant 0 : i32
    %dma_wait3A_1520 = tpu.memref_slice %dma_wait3A_1517[%dma_wait3A_1518, %dma_wait3A_1519] : memref<3072x16xf32, #tpu.memory_space<vmem>> -> memref<128x16xf32, #tpu.memory_space<vmem>>
    %dma_wait3A_1521 = arith.constant 5632 : i32
    %dma_wait3A_1522 = tpu.memref_slice %arg7[%dma_wait3A_1521] : memref<12288xi32, #tpu.memory_space<vmem>> -> memref<128xi32, #tpu.memory_space<vmem>>
    %dma_wait3A_1523 = arith.constant 0 : i32
    %dma_wait3A_1524 = arith.constant 0 : i32
    %dma_wait3A_1525 = tpu.memref_slice %arg6[%dma_wait3A_1523, %dma_wait3A_1524] : memref<185x16xf32, #tpu.memory_space<vmem_shared>> -> memref<185x16xf32, #tpu.memory_space<vmem_shared>>
    tpu.wait_indirect_dma semaphore(%arg9 : memref<!tpu.dma_semaphore, #tpu.memory_space<semaphore_mem>>) src(%dma_wait3A_1525 : memref<185x16xf32, #tpu.memory_space<vmem_shared>>) dst(%dma_wait3A_1520 : memref<128x16xf32, #tpu.memory_space<vmem>>)
    %dma_wait3A_1526 = arith.constant 1 : i32
    %dma_wait3A_1527 = arith.constant 0 : i32
    %dma_wait3A_1528 = arith.constant 0 : i32
    %dma_wait3A_1529 = tpu.memref_slice %arg8[%dma_wait3A_1526, %dma_wait3A_1527, %dma_wait3A_1528] : memref<2x3072x16xf32, #tpu.memory_space<vmem>> -> memref<1x3072x16xf32, #tpu.memory_space<vmem>>
    %dma_wait3A_1530 = tpu.memref_squeeze %dma_wait3A_1529 : memref<1x3072x16xf32, #tpu.memory_space<vmem>> -> memref<3072x16xf32, #tpu.memory_space<vmem>>
    %dma_wait3A_1531 = arith.constant 2688 : i32
    %dma_wait3A_1532 = arith.constant 0 : i32
    %dma_wait3A_1533 = tpu.memref_slice %dma_wait3A_1530[%dma_wait3A_1531, %dma_wait3A_1532] : memref<3072x16xf32, #tpu.memory_space<vmem>> -> memref<128x16xf32, #tpu.memory_space<vmem>>
    %dma_wait3A_1534 = arith.constant 5760 : i32
    %dma_wait3A_1535 = tpu.memref_slice %arg7[%dma_wait3A_1534] : memref<12288xi32, #tpu.memory_space<vmem>> -> memref<128xi32, #tpu.memory_space<vmem>>
    %dma_wait3A_1536 = arith.constant 0 : i32
    %dma_wait3A_1537 = arith.constant 0 : i32
    %dma_wait3A_1538 = tpu.memref_slice %arg6[%dma_wait3A_1536, %dma_wait3A_1537] : memref<185x16xf32, #tpu.memory_space<vmem_shared>> -> memref<185x16xf32, #tpu.memory_space<vmem_shared>>
    tpu.wait_indirect_dma semaphore(%arg9 : memref<!tpu.dma_semaphore, #tpu.memory_space<semaphore_mem>>) src(%dma_wait3A_1538 : memref<185x16xf32, #tpu.memory_space<vmem_shared>>) dst(%dma_wait3A_1533 : memref<128x16xf32, #tpu.memory_space<vmem>>)
    %dma_wait3A_1539 = arith.constant 1 : i32
    %dma_wait3A_1540 = arith.constant 0 : i32
    %dma_wait3A_1541 = arith.constant 0 : i32
    %dma_wait3A_1542 = tpu.memref_slice %arg8[%dma_wait3A_1539, %dma_wait3A_1540, %dma_wait3A_1541] : memref<2x3072x16xf32, #tpu.memory_space<vmem>> -> memref<1x3072x16xf32, #tpu.memory_space<vmem>>
    %dma_wait3A_1543 = tpu.memref_squeeze %dma_wait3A_1542 : memref<1x3072x16xf32, #tpu.memory_space<vmem>> -> memref<3072x16xf32, #tpu.memory_space<vmem>>
    %dma_wait3A_1544 = arith.constant 2816 : i32
    %dma_wait3A_1545 = arith.constant 0 : i32
    %dma_wait3A_1546 = tpu.memref_slice %dma_wait3A_1543[%dma_wait3A_1544, %dma_wait3A_1545] : memref<3072x16xf32, #tpu.memory_space<vmem>> -> memref<128x16xf32, #tpu.memory_space<vmem>>
    %dma_wait3A_1547 = arith.constant 5888 : i32
    %dma_wait3A_1548 = tpu.memref_slice %arg7[%dma_wait3A_1547] : memref<12288xi32, #tpu.memory_space<vmem>> -> memref<128xi32, #tpu.memory_space<vmem>>
    %dma_wait3A_1549 = arith.constant 0 : i32
    %dma_wait3A_1550 = arith.constant 0 : i32
    %dma_wait3A_1551 = tpu.memref_slice %arg6[%dma_wait3A_1549, %dma_wait3A_1550] : memref<185x16xf32, #tpu.memory_space<vmem_shared>> -> memref<185x16xf32, #tpu.memory_space<vmem_shared>>
    tpu.wait_indirect_dma semaphore(%arg9 : memref<!tpu.dma_semaphore, #tpu.memory_space<semaphore_mem>>) src(%dma_wait3A_1551 : memref<185x16xf32, #tpu.memory_space<vmem_shared>>) dst(%dma_wait3A_1546 : memref<128x16xf32, #tpu.memory_space<vmem>>)
    %dma_wait3A_1552 = arith.constant 1 : i32
    %dma_wait3A_1553 = arith.constant 0 : i32
    %dma_wait3A_1554 = arith.constant 0 : i32
    %dma_wait3A_1555 = tpu.memref_slice %arg8[%dma_wait3A_1552, %dma_wait3A_1553, %dma_wait3A_1554] : memref<2x3072x16xf32, #tpu.memory_space<vmem>> -> memref<1x3072x16xf32, #tpu.memory_space<vmem>>
    %dma_wait3A_1556 = tpu.memref_squeeze %dma_wait3A_1555 : memref<1x3072x16xf32, #tpu.memory_space<vmem>> -> memref<3072x16xf32, #tpu.memory_space<vmem>>
    %dma_wait3A_1557 = arith.constant 2944 : i32
    %dma_wait3A_1558 = arith.constant 0 : i32
    %dma_wait3A_1559 = tpu.memref_slice %dma_wait3A_1556[%dma_wait3A_1557, %dma_wait3A_1558] : memref<3072x16xf32, #tpu.memory_space<vmem>> -> memref<128x16xf32, #tpu.memory_space<vmem>>
    %dma_wait3A_1560 = arith.constant 6016 : i32
    %dma_wait3A_1561 = tpu.memref_slice %arg7[%dma_wait3A_1560] : memref<12288xi32, #tpu.memory_space<vmem>> -> memref<128xi32, #tpu.memory_space<vmem>>
    %dma_wait3A_1562 = arith.constant 0 : i32
    %dma_wait3A_1563 = arith.constant 0 : i32
    %dma_wait3A_1564 = tpu.memref_slice %arg6[%dma_wait3A_1562, %dma_wait3A_1563] : memref<185x16xf32, #tpu.memory_space<vmem_shared>> -> memref<185x16xf32, #tpu.memory_space<vmem_shared>>
    tpu.wait_indirect_dma semaphore(%arg9 : memref<!tpu.dma_semaphore, #tpu.memory_space<semaphore_mem>>) src(%dma_wait3A_1564 : memref<185x16xf32, #tpu.memory_space<vmem_shared>>) dst(%dma_wait3A_1559 : memref<128x16xf32, #tpu.memory_space<vmem>>)
    %add3A_1565 = arith.constant 3072 : i32
    %add3A_1566 = arith.addi %mul3A_2, %add3A_1565 : i32
    %run_scoped3A_1567 = arith.constant 1 : i32
    "tpu.region"() ({
      %run_scoped3A_2510 = tpu.sem_alloc : memref<!tpu.dma_semaphore, #tpu.memory_space<semaphore_mem>>
      %dma_start3A_2511 = arith.constant 0 : i32
      %dma_start3A_2512 = arith.constant 0 : i32
      %dma_start3A_2513 = tpu.memref_slice %arg8[%run_scoped3A_1567, %dma_start3A_2511, %dma_start3A_2512] : memref<2x3072x16xf32, #tpu.memory_space<vmem>> -> memref<1x3072x16xf32, #tpu.memory_space<vmem>>
      %dma_start3A_2514 = tpu.memref_squeeze %dma_start3A_2513 : memref<1x3072x16xf32, #tpu.memory_space<vmem>> -> memref<3072x16xf32, #tpu.memory_space<vmem>>
      %dma_start3A_2515 = arith.constant 0 : i32
      %dma_start3A_2516 = tpu.memref_slice %arg4[%add3A_1566, %dma_start3A_2515] : memref<393216x16xf32, #tpu.memory_space<hbm>> -> memref<3072x16xf32, #tpu.memory_space<hbm>>
      %dma_start3A_2517 = arith.constant 0 : i32
      %dma_start3A_2518 = tpu.memref_slice %arg4[%add3A_1566, %dma_start3A_2517] : memref<393216x16xf32, #tpu.memory_space<hbm>> -> memref<3072x16xf32, #tpu.memory_space<hbm>>
      %dma_start3A_2519 = arith.constant 0 : i32
      %dma_start3A_2520 = arith.constant 0 : i32
      %dma_start3A_2521 = tpu.memref_slice %arg8[%run_scoped3A_1567, %dma_start3A_2519, %dma_start3A_2520] : memref<2x3072x16xf32, #tpu.memory_space<vmem>> -> memref<1x3072x16xf32, #tpu.memory_space<vmem>>
      %dma_start3A_2522 = tpu.memref_squeeze %dma_start3A_2521 : memref<1x3072x16xf32, #tpu.memory_space<vmem>> -> memref<3072x16xf32, #tpu.memory_space<vmem>>
      tpu.enqueue_dma source(%dma_start3A_2522 : memref<3072x16xf32, #tpu.memory_space<vmem>>) target(%dma_start3A_2518 : memref<3072x16xf32, #tpu.memory_space<hbm>>) target_semaphore(%run_scoped3A_2510 : memref<!tpu.dma_semaphore, #tpu.memory_space<semaphore_mem>>)
      %dma_wait3A_2523 = arith.constant 0 : i32
      %dma_wait3A_2524 = arith.constant 0 : i32
      %dma_wait3A_2525 = tpu.memref_slice %arg8[%run_scoped3A_1567, %dma_wait3A_2523, %dma_wait3A_2524] : memref<2x3072x16xf32, #tpu.memory_space<vmem>> -> memref<1x3072x16xf32, #tpu.memory_space<vmem>>
      %dma_wait3A_2526 = tpu.memref_squeeze %dma_wait3A_2525 : memref<1x3072x16xf32, #tpu.memory_space<vmem>> -> memref<3072x16xf32, #tpu.memory_space<vmem>>
      %dma_wait3A_2527 = arith.constant 0 : i32
      %dma_wait3A_2528 = tpu.memref_slice %arg4[%add3A_1566, %dma_wait3A_2527] : memref<393216x16xf32, #tpu.memory_space<hbm>> -> memref<3072x16xf32, #tpu.memory_space<hbm>>
      %dma_wait3A_2529 = arith.constant 0 : i32
      %dma_wait3A_2530 = tpu.memref_slice %arg4[%add3A_1566, %dma_wait3A_2529] : memref<393216x16xf32, #tpu.memory_space<hbm>> -> memref<3072x16xf32, #tpu.memory_space<hbm>>
      %dma_wait3A_2531 = arith.constant 0 : i32
      %dma_wait3A_2532 = arith.constant 0 : i32
      %dma_wait3A_2533 = tpu.memref_slice %arg8[%run_scoped3A_1567, %dma_wait3A_2531, %dma_wait3A_2532] : memref<2x3072x16xf32, #tpu.memory_space<vmem>> -> memref<1x3072x16xf32, #tpu.memory_space<vmem>>
      %dma_wait3A_2534 = tpu.memref_squeeze %dma_wait3A_2533 : memref<1x3072x16xf32, #tpu.memory_space<vmem>> -> memref<3072x16xf32, #tpu.memory_space<vmem>>
      tpu.wait_dma2 semaphore(%run_scoped3A_2510 : memref<!tpu.dma_semaphore, #tpu.memory_space<semaphore_mem>>) src(%dma_wait3A_2534 : memref<3072x16xf32, #tpu.memory_space<vmem>>) dst(%dma_wait3A_2530 : memref<3072x16xf32, #tpu.memory_space<hbm>>)
      tpu.yield
    }) : () -> ()
    %dma_start3A_1568 = arith.constant 1 : i32
    %dma_start3A_1569 = arith.constant 0 : i32
    %dma_start3A_1570 = arith.constant 0 : i32
    %dma_start3A_1571 = tpu.memref_slice %arg8[%dma_start3A_1568, %dma_start3A_1569, %dma_start3A_1570] : memref<2x3072x16xf32, #tpu.memory_space<vmem>> -> memref<1x3072x16xf32, #tpu.memory_space<vmem>>
    %dma_start3A_1572 = tpu.memref_squeeze %dma_start3A_1571 : memref<1x3072x16xf32, #tpu.memory_space<vmem>> -> memref<3072x16xf32, #tpu.memory_space<vmem>>
    %dma_start3A_1573 = arith.constant 0 : i32
    %dma_start3A_1574 = arith.constant 0 : i32
    %dma_start3A_1575 = tpu.memref_slice %dma_start3A_1572[%dma_start3A_1573, %dma_start3A_1574] : memref<3072x16xf32, #tpu.memory_space<vmem>> -> memref<128x16xf32, #tpu.memory_space<vmem>>
    %dma_start3A_1576 = arith.constant 9216 : i32
    %dma_start3A_1577 = tpu.memref_slice %arg7[%dma_start3A_1576] : memref<12288xi32, #tpu.memory_space<vmem>> -> memref<128xi32, #tpu.memory_space<vmem>>
    %dma_start3A_1578 = arith.constant 0 : i32
    %dma_start3A_1579 = arith.constant 0 : i32
    %dma_start3A_1580 = tpu.memref_slice %arg6[%dma_start3A_1578, %dma_start3A_1579] : memref<185x16xf32, #tpu.memory_space<vmem_shared>> -> memref<185x16xf32, #tpu.memory_space<vmem_shared>>
    tpu.enqueue_indirect_dma source(%dma_start3A_1580 : memref<185x16xf32, #tpu.memory_space<vmem_shared>>) target(%dma_start3A_1575 : memref<128x16xf32, #tpu.memory_space<vmem>>) offsets(%dma_start3A_1577 : memref<128xi32, #tpu.memory_space<vmem>>) semaphore(%arg9 : memref<!tpu.dma_semaphore, #tpu.memory_space<semaphore_mem>>)
    %dma_start3A_1581 = arith.constant 1 : i32
    %dma_start3A_1582 = arith.constant 0 : i32
    %dma_start3A_1583 = arith.constant 0 : i32
    %dma_start3A_1584 = tpu.memref_slice %arg8[%dma_start3A_1581, %dma_start3A_1582, %dma_start3A_1583] : memref<2x3072x16xf32, #tpu.memory_space<vmem>> -> memref<1x3072x16xf32, #tpu.memory_space<vmem>>
    %dma_start3A_1585 = tpu.memref_squeeze %dma_start3A_1584 : memref<1x3072x16xf32, #tpu.memory_space<vmem>> -> memref<3072x16xf32, #tpu.memory_space<vmem>>
    %dma_start3A_1586 = arith.constant 128 : i32
    %dma_start3A_1587 = arith.constant 0 : i32
    %dma_start3A_1588 = tpu.memref_slice %dma_start3A_1585[%dma_start3A_1586, %dma_start3A_1587] : memref<3072x16xf32, #tpu.memory_space<vmem>> -> memref<128x16xf32, #tpu.memory_space<vmem>>
    %dma_start3A_1589 = arith.constant 9344 : i32
    %dma_start3A_1590 = tpu.memref_slice %arg7[%dma_start3A_1589] : memref<12288xi32, #tpu.memory_space<vmem>> -> memref<128xi32, #tpu.memory_space<vmem>>
    %dma_start3A_1591 = arith.constant 0 : i32
    %dma_start3A_1592 = arith.constant 0 : i32
    %dma_start3A_1593 = tpu.memref_slice %arg6[%dma_start3A_1591, %dma_start3A_1592] : memref<185x16xf32, #tpu.memory_space<vmem_shared>> -> memref<185x16xf32, #tpu.memory_space<vmem_shared>>
    tpu.enqueue_indirect_dma source(%dma_start3A_1593 : memref<185x16xf32, #tpu.memory_space<vmem_shared>>) target(%dma_start3A_1588 : memref<128x16xf32, #tpu.memory_space<vmem>>) offsets(%dma_start3A_1590 : memref<128xi32, #tpu.memory_space<vmem>>) semaphore(%arg9 : memref<!tpu.dma_semaphore, #tpu.memory_space<semaphore_mem>>)
    %dma_start3A_1594 = arith.constant 1 : i32
    %dma_start3A_1595 = arith.constant 0 : i32
    %dma_start3A_1596 = arith.constant 0 : i32
    %dma_start3A_1597 = tpu.memref_slice %arg8[%dma_start3A_1594, %dma_start3A_1595, %dma_start3A_1596] : memref<2x3072x16xf32, #tpu.memory_space<vmem>> -> memref<1x3072x16xf32, #tpu.memory_space<vmem>>
    %dma_start3A_1598 = tpu.memref_squeeze %dma_start3A_1597 : memref<1x3072x16xf32, #tpu.memory_space<vmem>> -> memref<3072x16xf32, #tpu.memory_space<vmem>>
    %dma_start3A_1599 = arith.constant 256 : i32
    %dma_start3A_1600 = arith.constant 0 : i32
    %dma_start3A_1601 = tpu.memref_slice %dma_start3A_1598[%dma_start3A_1599, %dma_start3A_1600] : memref<3072x16xf32, #tpu.memory_space<vmem>> -> memref<128x16xf32, #tpu.memory_space<vmem>>
    %dma_start3A_1602 = arith.constant 9472 : i32
    %dma_start3A_1603 = tpu.memref_slice %arg7[%dma_start3A_1602] : memref<12288xi32, #tpu.memory_space<vmem>> -> memref<128xi32, #tpu.memory_space<vmem>>
    %dma_start3A_1604 = arith.constant 0 : i32
    %dma_start3A_1605 = arith.constant 0 : i32
    %dma_start3A_1606 = tpu.memref_slice %arg6[%dma_start3A_1604, %dma_start3A_1605] : memref<185x16xf32, #tpu.memory_space<vmem_shared>> -> memref<185x16xf32, #tpu.memory_space<vmem_shared>>
    tpu.enqueue_indirect_dma source(%dma_start3A_1606 : memref<185x16xf32, #tpu.memory_space<vmem_shared>>) target(%dma_start3A_1601 : memref<128x16xf32, #tpu.memory_space<vmem>>) offsets(%dma_start3A_1603 : memref<128xi32, #tpu.memory_space<vmem>>) semaphore(%arg9 : memref<!tpu.dma_semaphore, #tpu.memory_space<semaphore_mem>>)
    %dma_start3A_1607 = arith.constant 1 : i32
    %dma_start3A_1608 = arith.constant 0 : i32
    %dma_start3A_1609 = arith.constant 0 : i32
    %dma_start3A_1610 = tpu.memref_slice %arg8[%dma_start3A_1607, %dma_start3A_1608, %dma_start3A_1609] : memref<2x3072x16xf32, #tpu.memory_space<vmem>> -> memref<1x3072x16xf32, #tpu.memory_space<vmem>>
    %dma_start3A_1611 = tpu.memref_squeeze %dma_start3A_1610 : memref<1x3072x16xf32, #tpu.memory_space<vmem>> -> memref<3072x16xf32, #tpu.memory_space<vmem>>
    %dma_start3A_1612 = arith.constant 384 : i32
    %dma_start3A_1613 = arith.constant 0 : i32
    %dma_start3A_1614 = tpu.memref_slice %dma_start3A_1611[%dma_start3A_1612, %dma_start3A_1613] : memref<3072x16xf32, #tpu.memory_space<vmem>> -> memref<128x16xf32, #tpu.memory_space<vmem>>
    %dma_start3A_1615 = arith.constant 9600 : i32
    %dma_start3A_1616 = tpu.memref_slice %arg7[%dma_start3A_1615] : memref<12288xi32, #tpu.memory_space<vmem>> -> memref<128xi32, #tpu.memory_space<vmem>>
    %dma_start3A_1617 = arith.constant 0 : i32
    %dma_start3A_1618 = arith.constant 0 : i32
    %dma_start3A_1619 = tpu.memref_slice %arg6[%dma_start3A_1617, %dma_start3A_1618] : memref<185x16xf32, #tpu.memory_space<vmem_shared>> -> memref<185x16xf32, #tpu.memory_space<vmem_shared>>
    tpu.enqueue_indirect_dma source(%dma_start3A_1619 : memref<185x16xf32, #tpu.memory_space<vmem_shared>>) target(%dma_start3A_1614 : memref<128x16xf32, #tpu.memory_space<vmem>>) offsets(%dma_start3A_1616 : memref<128xi32, #tpu.memory_space<vmem>>) semaphore(%arg9 : memref<!tpu.dma_semaphore, #tpu.memory_space<semaphore_mem>>)
    %dma_start3A_1620 = arith.constant 1 : i32
    %dma_start3A_1621 = arith.constant 0 : i32
    %dma_start3A_1622 = arith.constant 0 : i32
    %dma_start3A_1623 = tpu.memref_slice %arg8[%dma_start3A_1620, %dma_start3A_1621, %dma_start3A_1622] : memref<2x3072x16xf32, #tpu.memory_space<vmem>> -> memref<1x3072x16xf32, #tpu.memory_space<vmem>>
    %dma_start3A_1624 = tpu.memref_squeeze %dma_start3A_1623 : memref<1x3072x16xf32, #tpu.memory_space<vmem>> -> memref<3072x16xf32, #tpu.memory_space<vmem>>
    %dma_start3A_1625 = arith.constant 512 : i32
    %dma_start3A_1626 = arith.constant 0 : i32
    %dma_start3A_1627 = tpu.memref_slice %dma_start3A_1624[%dma_start3A_1625, %dma_start3A_1626] : memref<3072x16xf32, #tpu.memory_space<vmem>> -> memref<128x16xf32, #tpu.memory_space<vmem>>
    %dma_start3A_1628 = arith.constant 9728 : i32
    %dma_start3A_1629 = tpu.memref_slice %arg7[%dma_start3A_1628] : memref<12288xi32, #tpu.memory_space<vmem>> -> memref<128xi32, #tpu.memory_space<vmem>>
    %dma_start3A_1630 = arith.constant 0 : i32
    %dma_start3A_1631 = arith.constant 0 : i32
    %dma_start3A_1632 = tpu.memref_slice %arg6[%dma_start3A_1630, %dma_start3A_1631] : memref<185x16xf32, #tpu.memory_space<vmem_shared>> -> memref<185x16xf32, #tpu.memory_space<vmem_shared>>
    tpu.enqueue_indirect_dma source(%dma_start3A_1632 : memref<185x16xf32, #tpu.memory_space<vmem_shared>>) target(%dma_start3A_1627 : memref<128x16xf32, #tpu.memory_space<vmem>>) offsets(%dma_start3A_1629 : memref<128xi32, #tpu.memory_space<vmem>>) semaphore(%arg9 : memref<!tpu.dma_semaphore, #tpu.memory_space<semaphore_mem>>)
    %dma_start3A_1633 = arith.constant 1 : i32
    %dma_start3A_1634 = arith.constant 0 : i32
    %dma_start3A_1635 = arith.constant 0 : i32
    %dma_start3A_1636 = tpu.memref_slice %arg8[%dma_start3A_1633, %dma_start3A_1634, %dma_start3A_1635] : memref<2x3072x16xf32, #tpu.memory_space<vmem>> -> memref<1x3072x16xf32, #tpu.memory_space<vmem>>
    %dma_start3A_1637 = tpu.memref_squeeze %dma_start3A_1636 : memref<1x3072x16xf32, #tpu.memory_space<vmem>> -> memref<3072x16xf32, #tpu.memory_space<vmem>>
    %dma_start3A_1638 = arith.constant 640 : i32
    %dma_start3A_1639 = arith.constant 0 : i32
    %dma_start3A_1640 = tpu.memref_slice %dma_start3A_1637[%dma_start3A_1638, %dma_start3A_1639] : memref<3072x16xf32, #tpu.memory_space<vmem>> -> memref<128x16xf32, #tpu.memory_space<vmem>>
    %dma_start3A_1641 = arith.constant 9856 : i32
    %dma_start3A_1642 = tpu.memref_slice %arg7[%dma_start3A_1641] : memref<12288xi32, #tpu.memory_space<vmem>> -> memref<128xi32, #tpu.memory_space<vmem>>
    %dma_start3A_1643 = arith.constant 0 : i32
    %dma_start3A_1644 = arith.constant 0 : i32
    %dma_start3A_1645 = tpu.memref_slice %arg6[%dma_start3A_1643, %dma_start3A_1644] : memref<185x16xf32, #tpu.memory_space<vmem_shared>> -> memref<185x16xf32, #tpu.memory_space<vmem_shared>>
    tpu.enqueue_indirect_dma source(%dma_start3A_1645 : memref<185x16xf32, #tpu.memory_space<vmem_shared>>) target(%dma_start3A_1640 : memref<128x16xf32, #tpu.memory_space<vmem>>) offsets(%dma_start3A_1642 : memref<128xi32, #tpu.memory_space<vmem>>) semaphore(%arg9 : memref<!tpu.dma_semaphore, #tpu.memory_space<semaphore_mem>>)
    %dma_start3A_1646 = arith.constant 1 : i32
    %dma_start3A_1647 = arith.constant 0 : i32
    %dma_start3A_1648 = arith.constant 0 : i32
    %dma_start3A_1649 = tpu.memref_slice %arg8[%dma_start3A_1646, %dma_start3A_1647, %dma_start3A_1648] : memref<2x3072x16xf32, #tpu.memory_space<vmem>> -> memref<1x3072x16xf32, #tpu.memory_space<vmem>>
    %dma_start3A_1650 = tpu.memref_squeeze %dma_start3A_1649 : memref<1x3072x16xf32, #tpu.memory_space<vmem>> -> memref<3072x16xf32, #tpu.memory_space<vmem>>
    %dma_start3A_1651 = arith.constant 768 : i32
    %dma_start3A_1652 = arith.constant 0 : i32
    %dma_start3A_1653 = tpu.memref_slice %dma_start3A_1650[%dma_start3A_1651, %dma_start3A_1652] : memref<3072x16xf32, #tpu.memory_space<vmem>> -> memref<128x16xf32, #tpu.memory_space<vmem>>
    %dma_start3A_1654 = arith.constant 9984 : i32
    %dma_start3A_1655 = tpu.memref_slice %arg7[%dma_start3A_1654] : memref<12288xi32, #tpu.memory_space<vmem>> -> memref<128xi32, #tpu.memory_space<vmem>>
    %dma_start3A_1656 = arith.constant 0 : i32
    %dma_start3A_1657 = arith.constant 0 : i32
    %dma_start3A_1658 = tpu.memref_slice %arg6[%dma_start3A_1656, %dma_start3A_1657] : memref<185x16xf32, #tpu.memory_space<vmem_shared>> -> memref<185x16xf32, #tpu.memory_space<vmem_shared>>
    tpu.enqueue_indirect_dma source(%dma_start3A_1658 : memref<185x16xf32, #tpu.memory_space<vmem_shared>>) target(%dma_start3A_1653 : memref<128x16xf32, #tpu.memory_space<vmem>>) offsets(%dma_start3A_1655 : memref<128xi32, #tpu.memory_space<vmem>>) semaphore(%arg9 : memref<!tpu.dma_semaphore, #tpu.memory_space<semaphore_mem>>)
    %dma_start3A_1659 = arith.constant 1 : i32
    %dma_start3A_1660 = arith.constant 0 : i32
    %dma_start3A_1661 = arith.constant 0 : i32
    %dma_start3A_1662 = tpu.memref_slice %arg8[%dma_start3A_1659, %dma_start3A_1660, %dma_start3A_1661] : memref<2x3072x16xf32, #tpu.memory_space<vmem>> -> memref<1x3072x16xf32, #tpu.memory_space<vmem>>
    %dma_start3A_1663 = tpu.memref_squeeze %dma_start3A_1662 : memref<1x3072x16xf32, #tpu.memory_space<vmem>> -> memref<3072x16xf32, #tpu.memory_space<vmem>>
    %dma_start3A_1664 = arith.constant 896 : i32
    %dma_start3A_1665 = arith.constant 0 : i32
    %dma_start3A_1666 = tpu.memref_slice %dma_start3A_1663[%dma_start3A_1664, %dma_start3A_1665] : memref<3072x16xf32, #tpu.memory_space<vmem>> -> memref<128x16xf32, #tpu.memory_space<vmem>>
    %dma_start3A_1667 = arith.constant 10112 : i32
    %dma_start3A_1668 = tpu.memref_slice %arg7[%dma_start3A_1667] : memref<12288xi32, #tpu.memory_space<vmem>> -> memref<128xi32, #tpu.memory_space<vmem>>
    %dma_start3A_1669 = arith.constant 0 : i32
    %dma_start3A_1670 = arith.constant 0 : i32
    %dma_start3A_1671 = tpu.memref_slice %arg6[%dma_start3A_1669, %dma_start3A_1670] : memref<185x16xf32, #tpu.memory_space<vmem_shared>> -> memref<185x16xf32, #tpu.memory_space<vmem_shared>>
    tpu.enqueue_indirect_dma source(%dma_start3A_1671 : memref<185x16xf32, #tpu.memory_space<vmem_shared>>) target(%dma_start3A_1666 : memref<128x16xf32, #tpu.memory_space<vmem>>) offsets(%dma_start3A_1668 : memref<128xi32, #tpu.memory_space<vmem>>) semaphore(%arg9 : memref<!tpu.dma_semaphore, #tpu.memory_space<semaphore_mem>>)
    %dma_start3A_1672 = arith.constant 1 : i32
    %dma_start3A_1673 = arith.constant 0 : i32
    %dma_start3A_1674 = arith.constant 0 : i32
    %dma_start3A_1675 = tpu.memref_slice %arg8[%dma_start3A_1672, %dma_start3A_1673, %dma_start3A_1674] : memref<2x3072x16xf32, #tpu.memory_space<vmem>> -> memref<1x3072x16xf32, #tpu.memory_space<vmem>>
    %dma_start3A_1676 = tpu.memref_squeeze %dma_start3A_1675 : memref<1x3072x16xf32, #tpu.memory_space<vmem>> -> memref<3072x16xf32, #tpu.memory_space<vmem>>
    %dma_start3A_1677 = arith.constant 1024 : i32
    %dma_start3A_1678 = arith.constant 0 : i32
    %dma_start3A_1679 = tpu.memref_slice %dma_start3A_1676[%dma_start3A_1677, %dma_start3A_1678] : memref<3072x16xf32, #tpu.memory_space<vmem>> -> memref<128x16xf32, #tpu.memory_space<vmem>>
    %dma_start3A_1680 = arith.constant 10240 : i32
    %dma_start3A_1681 = tpu.memref_slice %arg7[%dma_start3A_1680] : memref<12288xi32, #tpu.memory_space<vmem>> -> memref<128xi32, #tpu.memory_space<vmem>>
    %dma_start3A_1682 = arith.constant 0 : i32
    %dma_start3A_1683 = arith.constant 0 : i32
    %dma_start3A_1684 = tpu.memref_slice %arg6[%dma_start3A_1682, %dma_start3A_1683] : memref<185x16xf32, #tpu.memory_space<vmem_shared>> -> memref<185x16xf32, #tpu.memory_space<vmem_shared>>
    tpu.enqueue_indirect_dma source(%dma_start3A_1684 : memref<185x16xf32, #tpu.memory_space<vmem_shared>>) target(%dma_start3A_1679 : memref<128x16xf32, #tpu.memory_space<vmem>>) offsets(%dma_start3A_1681 : memref<128xi32, #tpu.memory_space<vmem>>) semaphore(%arg9 : memref<!tpu.dma_semaphore, #tpu.memory_space<semaphore_mem>>)
    %dma_start3A_1685 = arith.constant 1 : i32
    %dma_start3A_1686 = arith.constant 0 : i32
    %dma_start3A_1687 = arith.constant 0 : i32
    %dma_start3A_1688 = tpu.memref_slice %arg8[%dma_start3A_1685, %dma_start3A_1686, %dma_start3A_1687] : memref<2x3072x16xf32, #tpu.memory_space<vmem>> -> memref<1x3072x16xf32, #tpu.memory_space<vmem>>
    %dma_start3A_1689 = tpu.memref_squeeze %dma_start3A_1688 : memref<1x3072x16xf32, #tpu.memory_space<vmem>> -> memref<3072x16xf32, #tpu.memory_space<vmem>>
    %dma_start3A_1690 = arith.constant 1152 : i32
    %dma_start3A_1691 = arith.constant 0 : i32
    %dma_start3A_1692 = tpu.memref_slice %dma_start3A_1689[%dma_start3A_1690, %dma_start3A_1691] : memref<3072x16xf32, #tpu.memory_space<vmem>> -> memref<128x16xf32, #tpu.memory_space<vmem>>
    %dma_start3A_1693 = arith.constant 10368 : i32
    %dma_start3A_1694 = tpu.memref_slice %arg7[%dma_start3A_1693] : memref<12288xi32, #tpu.memory_space<vmem>> -> memref<128xi32, #tpu.memory_space<vmem>>
    %dma_start3A_1695 = arith.constant 0 : i32
    %dma_start3A_1696 = arith.constant 0 : i32
    %dma_start3A_1697 = tpu.memref_slice %arg6[%dma_start3A_1695, %dma_start3A_1696] : memref<185x16xf32, #tpu.memory_space<vmem_shared>> -> memref<185x16xf32, #tpu.memory_space<vmem_shared>>
    tpu.enqueue_indirect_dma source(%dma_start3A_1697 : memref<185x16xf32, #tpu.memory_space<vmem_shared>>) target(%dma_start3A_1692 : memref<128x16xf32, #tpu.memory_space<vmem>>) offsets(%dma_start3A_1694 : memref<128xi32, #tpu.memory_space<vmem>>) semaphore(%arg9 : memref<!tpu.dma_semaphore, #tpu.memory_space<semaphore_mem>>)
    %dma_start3A_1698 = arith.constant 1 : i32
    %dma_start3A_1699 = arith.constant 0 : i32
    %dma_start3A_1700 = arith.constant 0 : i32
    %dma_start3A_1701 = tpu.memref_slice %arg8[%dma_start3A_1698, %dma_start3A_1699, %dma_start3A_1700] : memref<2x3072x16xf32, #tpu.memory_space<vmem>> -> memref<1x3072x16xf32, #tpu.memory_space<vmem>>
    %dma_start3A_1702 = tpu.memref_squeeze %dma_start3A_1701 : memref<1x3072x16xf32, #tpu.memory_space<vmem>> -> memref<3072x16xf32, #tpu.memory_space<vmem>>
    %dma_start3A_1703 = arith.constant 1280 : i32
    %dma_start3A_1704 = arith.constant 0 : i32
    %dma_start3A_1705 = tpu.memref_slice %dma_start3A_1702[%dma_start3A_1703, %dma_start3A_1704] : memref<3072x16xf32, #tpu.memory_space<vmem>> -> memref<128x16xf32, #tpu.memory_space<vmem>>
    %dma_start3A_1706 = arith.constant 10496 : i32
    %dma_start3A_1707 = tpu.memref_slice %arg7[%dma_start3A_1706] : memref<12288xi32, #tpu.memory_space<vmem>> -> memref<128xi32, #tpu.memory_space<vmem>>
    %dma_start3A_1708 = arith.constant 0 : i32
    %dma_start3A_1709 = arith.constant 0 : i32
    %dma_start3A_1710 = tpu.memref_slice %arg6[%dma_start3A_1708, %dma_start3A_1709] : memref<185x16xf32, #tpu.memory_space<vmem_shared>> -> memref<185x16xf32, #tpu.memory_space<vmem_shared>>
    tpu.enqueue_indirect_dma source(%dma_start3A_1710 : memref<185x16xf32, #tpu.memory_space<vmem_shared>>) target(%dma_start3A_1705 : memref<128x16xf32, #tpu.memory_space<vmem>>) offsets(%dma_start3A_1707 : memref<128xi32, #tpu.memory_space<vmem>>) semaphore(%arg9 : memref<!tpu.dma_semaphore, #tpu.memory_space<semaphore_mem>>)
    %dma_start3A_1711 = arith.constant 1 : i32
    %dma_start3A_1712 = arith.constant 0 : i32
    %dma_start3A_1713 = arith.constant 0 : i32
    %dma_start3A_1714 = tpu.memref_slice %arg8[%dma_start3A_1711, %dma_start3A_1712, %dma_start3A_1713] : memref<2x3072x16xf32, #tpu.memory_space<vmem>> -> memref<1x3072x16xf32, #tpu.memory_space<vmem>>
    %dma_start3A_1715 = tpu.memref_squeeze %dma_start3A_1714 : memref<1x3072x16xf32, #tpu.memory_space<vmem>> -> memref<3072x16xf32, #tpu.memory_space<vmem>>
    %dma_start3A_1716 = arith.constant 1408 : i32
    %dma_start3A_1717 = arith.constant 0 : i32
    %dma_start3A_1718 = tpu.memref_slice %dma_start3A_1715[%dma_start3A_1716, %dma_start3A_1717] : memref<3072x16xf32, #tpu.memory_space<vmem>> -> memref<128x16xf32, #tpu.memory_space<vmem>>
    %dma_start3A_1719 = arith.constant 10624 : i32
    %dma_start3A_1720 = tpu.memref_slice %arg7[%dma_start3A_1719] : memref<12288xi32, #tpu.memory_space<vmem>> -> memref<128xi32, #tpu.memory_space<vmem>>
    %dma_start3A_1721 = arith.constant 0 : i32
    %dma_start3A_1722 = arith.constant 0 : i32
    %dma_start3A_1723 = tpu.memref_slice %arg6[%dma_start3A_1721, %dma_start3A_1722] : memref<185x16xf32, #tpu.memory_space<vmem_shared>> -> memref<185x16xf32, #tpu.memory_space<vmem_shared>>
    tpu.enqueue_indirect_dma source(%dma_start3A_1723 : memref<185x16xf32, #tpu.memory_space<vmem_shared>>) target(%dma_start3A_1718 : memref<128x16xf32, #tpu.memory_space<vmem>>) offsets(%dma_start3A_1720 : memref<128xi32, #tpu.memory_space<vmem>>) semaphore(%arg9 : memref<!tpu.dma_semaphore, #tpu.memory_space<semaphore_mem>>)
    %dma_start3A_1724 = arith.constant 1 : i32
    %dma_start3A_1725 = arith.constant 0 : i32
    %dma_start3A_1726 = arith.constant 0 : i32
    %dma_start3A_1727 = tpu.memref_slice %arg8[%dma_start3A_1724, %dma_start3A_1725, %dma_start3A_1726] : memref<2x3072x16xf32, #tpu.memory_space<vmem>> -> memref<1x3072x16xf32, #tpu.memory_space<vmem>>
    %dma_start3A_1728 = tpu.memref_squeeze %dma_start3A_1727 : memref<1x3072x16xf32, #tpu.memory_space<vmem>> -> memref<3072x16xf32, #tpu.memory_space<vmem>>
    %dma_start3A_1729 = arith.constant 1536 : i32
    %dma_start3A_1730 = arith.constant 0 : i32
    %dma_start3A_1731 = tpu.memref_slice %dma_start3A_1728[%dma_start3A_1729, %dma_start3A_1730] : memref<3072x16xf32, #tpu.memory_space<vmem>> -> memref<128x16xf32, #tpu.memory_space<vmem>>
    %dma_start3A_1732 = arith.constant 10752 : i32
    %dma_start3A_1733 = tpu.memref_slice %arg7[%dma_start3A_1732] : memref<12288xi32, #tpu.memory_space<vmem>> -> memref<128xi32, #tpu.memory_space<vmem>>
    %dma_start3A_1734 = arith.constant 0 : i32
    %dma_start3A_1735 = arith.constant 0 : i32
    %dma_start3A_1736 = tpu.memref_slice %arg6[%dma_start3A_1734, %dma_start3A_1735] : memref<185x16xf32, #tpu.memory_space<vmem_shared>> -> memref<185x16xf32, #tpu.memory_space<vmem_shared>>
    tpu.enqueue_indirect_dma source(%dma_start3A_1736 : memref<185x16xf32, #tpu.memory_space<vmem_shared>>) target(%dma_start3A_1731 : memref<128x16xf32, #tpu.memory_space<vmem>>) offsets(%dma_start3A_1733 : memref<128xi32, #tpu.memory_space<vmem>>) semaphore(%arg9 : memref<!tpu.dma_semaphore, #tpu.memory_space<semaphore_mem>>)
    %dma_start3A_1737 = arith.constant 1 : i32
    %dma_start3A_1738 = arith.constant 0 : i32
    %dma_start3A_1739 = arith.constant 0 : i32
    %dma_start3A_1740 = tpu.memref_slice %arg8[%dma_start3A_1737, %dma_start3A_1738, %dma_start3A_1739] : memref<2x3072x16xf32, #tpu.memory_space<vmem>> -> memref<1x3072x16xf32, #tpu.memory_space<vmem>>
    %dma_start3A_1741 = tpu.memref_squeeze %dma_start3A_1740 : memref<1x3072x16xf32, #tpu.memory_space<vmem>> -> memref<3072x16xf32, #tpu.memory_space<vmem>>
    %dma_start3A_1742 = arith.constant 1664 : i32
    %dma_start3A_1743 = arith.constant 0 : i32
    %dma_start3A_1744 = tpu.memref_slice %dma_start3A_1741[%dma_start3A_1742, %dma_start3A_1743] : memref<3072x16xf32, #tpu.memory_space<vmem>> -> memref<128x16xf32, #tpu.memory_space<vmem>>
    %dma_start3A_1745 = arith.constant 10880 : i32
    %dma_start3A_1746 = tpu.memref_slice %arg7[%dma_start3A_1745] : memref<12288xi32, #tpu.memory_space<vmem>> -> memref<128xi32, #tpu.memory_space<vmem>>
    %dma_start3A_1747 = arith.constant 0 : i32
    %dma_start3A_1748 = arith.constant 0 : i32
    %dma_start3A_1749 = tpu.memref_slice %arg6[%dma_start3A_1747, %dma_start3A_1748] : memref<185x16xf32, #tpu.memory_space<vmem_shared>> -> memref<185x16xf32, #tpu.memory_space<vmem_shared>>
    tpu.enqueue_indirect_dma source(%dma_start3A_1749 : memref<185x16xf32, #tpu.memory_space<vmem_shared>>) target(%dma_start3A_1744 : memref<128x16xf32, #tpu.memory_space<vmem>>) offsets(%dma_start3A_1746 : memref<128xi32, #tpu.memory_space<vmem>>) semaphore(%arg9 : memref<!tpu.dma_semaphore, #tpu.memory_space<semaphore_mem>>)
    %dma_start3A_1750 = arith.constant 1 : i32
    %dma_start3A_1751 = arith.constant 0 : i32
    %dma_start3A_1752 = arith.constant 0 : i32
    %dma_start3A_1753 = tpu.memref_slice %arg8[%dma_start3A_1750, %dma_start3A_1751, %dma_start3A_1752] : memref<2x3072x16xf32, #tpu.memory_space<vmem>> -> memref<1x3072x16xf32, #tpu.memory_space<vmem>>
    %dma_start3A_1754 = tpu.memref_squeeze %dma_start3A_1753 : memref<1x3072x16xf32, #tpu.memory_space<vmem>> -> memref<3072x16xf32, #tpu.memory_space<vmem>>
    %dma_start3A_1755 = arith.constant 1792 : i32
    %dma_start3A_1756 = arith.constant 0 : i32
    %dma_start3A_1757 = tpu.memref_slice %dma_start3A_1754[%dma_start3A_1755, %dma_start3A_1756] : memref<3072x16xf32, #tpu.memory_space<vmem>> -> memref<128x16xf32, #tpu.memory_space<vmem>>
    %dma_start3A_1758 = arith.constant 11008 : i32
    %dma_start3A_1759 = tpu.memref_slice %arg7[%dma_start3A_1758] : memref<12288xi32, #tpu.memory_space<vmem>> -> memref<128xi32, #tpu.memory_space<vmem>>
    %dma_start3A_1760 = arith.constant 0 : i32
    %dma_start3A_1761 = arith.constant 0 : i32
    %dma_start3A_1762 = tpu.memref_slice %arg6[%dma_start3A_1760, %dma_start3A_1761] : memref<185x16xf32, #tpu.memory_space<vmem_shared>> -> memref<185x16xf32, #tpu.memory_space<vmem_shared>>
    tpu.enqueue_indirect_dma source(%dma_start3A_1762 : memref<185x16xf32, #tpu.memory_space<vmem_shared>>) target(%dma_start3A_1757 : memref<128x16xf32, #tpu.memory_space<vmem>>) offsets(%dma_start3A_1759 : memref<128xi32, #tpu.memory_space<vmem>>) semaphore(%arg9 : memref<!tpu.dma_semaphore, #tpu.memory_space<semaphore_mem>>)
    %dma_start3A_1763 = arith.constant 1 : i32
    %dma_start3A_1764 = arith.constant 0 : i32
    %dma_start3A_1765 = arith.constant 0 : i32
    %dma_start3A_1766 = tpu.memref_slice %arg8[%dma_start3A_1763, %dma_start3A_1764, %dma_start3A_1765] : memref<2x3072x16xf32, #tpu.memory_space<vmem>> -> memref<1x3072x16xf32, #tpu.memory_space<vmem>>
    %dma_start3A_1767 = tpu.memref_squeeze %dma_start3A_1766 : memref<1x3072x16xf32, #tpu.memory_space<vmem>> -> memref<3072x16xf32, #tpu.memory_space<vmem>>
    %dma_start3A_1768 = arith.constant 1920 : i32
    %dma_start3A_1769 = arith.constant 0 : i32
    %dma_start3A_1770 = tpu.memref_slice %dma_start3A_1767[%dma_start3A_1768, %dma_start3A_1769] : memref<3072x16xf32, #tpu.memory_space<vmem>> -> memref<128x16xf32, #tpu.memory_space<vmem>>
    %dma_start3A_1771 = arith.constant 11136 : i32
    %dma_start3A_1772 = tpu.memref_slice %arg7[%dma_start3A_1771] : memref<12288xi32, #tpu.memory_space<vmem>> -> memref<128xi32, #tpu.memory_space<vmem>>
    %dma_start3A_1773 = arith.constant 0 : i32
    %dma_start3A_1774 = arith.constant 0 : i32
    %dma_start3A_1775 = tpu.memref_slice %arg6[%dma_start3A_1773, %dma_start3A_1774] : memref<185x16xf32, #tpu.memory_space<vmem_shared>> -> memref<185x16xf32, #tpu.memory_space<vmem_shared>>
    tpu.enqueue_indirect_dma source(%dma_start3A_1775 : memref<185x16xf32, #tpu.memory_space<vmem_shared>>) target(%dma_start3A_1770 : memref<128x16xf32, #tpu.memory_space<vmem>>) offsets(%dma_start3A_1772 : memref<128xi32, #tpu.memory_space<vmem>>) semaphore(%arg9 : memref<!tpu.dma_semaphore, #tpu.memory_space<semaphore_mem>>)
    %dma_start3A_1776 = arith.constant 1 : i32
    %dma_start3A_1777 = arith.constant 0 : i32
    %dma_start3A_1778 = arith.constant 0 : i32
    %dma_start3A_1779 = tpu.memref_slice %arg8[%dma_start3A_1776, %dma_start3A_1777, %dma_start3A_1778] : memref<2x3072x16xf32, #tpu.memory_space<vmem>> -> memref<1x3072x16xf32, #tpu.memory_space<vmem>>
    %dma_start3A_1780 = tpu.memref_squeeze %dma_start3A_1779 : memref<1x3072x16xf32, #tpu.memory_space<vmem>> -> memref<3072x16xf32, #tpu.memory_space<vmem>>
    %dma_start3A_1781 = arith.constant 2048 : i32
    %dma_start3A_1782 = arith.constant 0 : i32
    %dma_start3A_1783 = tpu.memref_slice %dma_start3A_1780[%dma_start3A_1781, %dma_start3A_1782] : memref<3072x16xf32, #tpu.memory_space<vmem>> -> memref<128x16xf32, #tpu.memory_space<vmem>>
    %dma_start3A_1784 = arith.constant 11264 : i32
    %dma_start3A_1785 = tpu.memref_slice %arg7[%dma_start3A_1784] : memref<12288xi32, #tpu.memory_space<vmem>> -> memref<128xi32, #tpu.memory_space<vmem>>
    %dma_start3A_1786 = arith.constant 0 : i32
    %dma_start3A_1787 = arith.constant 0 : i32
    %dma_start3A_1788 = tpu.memref_slice %arg6[%dma_start3A_1786, %dma_start3A_1787] : memref<185x16xf32, #tpu.memory_space<vmem_shared>> -> memref<185x16xf32, #tpu.memory_space<vmem_shared>>
    tpu.enqueue_indirect_dma source(%dma_start3A_1788 : memref<185x16xf32, #tpu.memory_space<vmem_shared>>) target(%dma_start3A_1783 : memref<128x16xf32, #tpu.memory_space<vmem>>) offsets(%dma_start3A_1785 : memref<128xi32, #tpu.memory_space<vmem>>) semaphore(%arg9 : memref<!tpu.dma_semaphore, #tpu.memory_space<semaphore_mem>>)
    %dma_start3A_1789 = arith.constant 1 : i32
    %dma_start3A_1790 = arith.constant 0 : i32
    %dma_start3A_1791 = arith.constant 0 : i32
    %dma_start3A_1792 = tpu.memref_slice %arg8[%dma_start3A_1789, %dma_start3A_1790, %dma_start3A_1791] : memref<2x3072x16xf32, #tpu.memory_space<vmem>> -> memref<1x3072x16xf32, #tpu.memory_space<vmem>>
    %dma_start3A_1793 = tpu.memref_squeeze %dma_start3A_1792 : memref<1x3072x16xf32, #tpu.memory_space<vmem>> -> memref<3072x16xf32, #tpu.memory_space<vmem>>
    %dma_start3A_1794 = arith.constant 2176 : i32
    %dma_start3A_1795 = arith.constant 0 : i32
    %dma_start3A_1796 = tpu.memref_slice %dma_start3A_1793[%dma_start3A_1794, %dma_start3A_1795] : memref<3072x16xf32, #tpu.memory_space<vmem>> -> memref<128x16xf32, #tpu.memory_space<vmem>>
    %dma_start3A_1797 = arith.constant 11392 : i32
    %dma_start3A_1798 = tpu.memref_slice %arg7[%dma_start3A_1797] : memref<12288xi32, #tpu.memory_space<vmem>> -> memref<128xi32, #tpu.memory_space<vmem>>
    %dma_start3A_1799 = arith.constant 0 : i32
    %dma_start3A_1800 = arith.constant 0 : i32
    %dma_start3A_1801 = tpu.memref_slice %arg6[%dma_start3A_1799, %dma_start3A_1800] : memref<185x16xf32, #tpu.memory_space<vmem_shared>> -> memref<185x16xf32, #tpu.memory_space<vmem_shared>>
    tpu.enqueue_indirect_dma source(%dma_start3A_1801 : memref<185x16xf32, #tpu.memory_space<vmem_shared>>) target(%dma_start3A_1796 : memref<128x16xf32, #tpu.memory_space<vmem>>) offsets(%dma_start3A_1798 : memref<128xi32, #tpu.memory_space<vmem>>) semaphore(%arg9 : memref<!tpu.dma_semaphore, #tpu.memory_space<semaphore_mem>>)
    %dma_start3A_1802 = arith.constant 1 : i32
    %dma_start3A_1803 = arith.constant 0 : i32
    %dma_start3A_1804 = arith.constant 0 : i32
    %dma_start3A_1805 = tpu.memref_slice %arg8[%dma_start3A_1802, %dma_start3A_1803, %dma_start3A_1804] : memref<2x3072x16xf32, #tpu.memory_space<vmem>> -> memref<1x3072x16xf32, #tpu.memory_space<vmem>>
    %dma_start3A_1806 = tpu.memref_squeeze %dma_start3A_1805 : memref<1x3072x16xf32, #tpu.memory_space<vmem>> -> memref<3072x16xf32, #tpu.memory_space<vmem>>
    %dma_start3A_1807 = arith.constant 2304 : i32
    %dma_start3A_1808 = arith.constant 0 : i32
    %dma_start3A_1809 = tpu.memref_slice %dma_start3A_1806[%dma_start3A_1807, %dma_start3A_1808] : memref<3072x16xf32, #tpu.memory_space<vmem>> -> memref<128x16xf32, #tpu.memory_space<vmem>>
    %dma_start3A_1810 = arith.constant 11520 : i32
    %dma_start3A_1811 = tpu.memref_slice %arg7[%dma_start3A_1810] : memref<12288xi32, #tpu.memory_space<vmem>> -> memref<128xi32, #tpu.memory_space<vmem>>
    %dma_start3A_1812 = arith.constant 0 : i32
    %dma_start3A_1813 = arith.constant 0 : i32
    %dma_start3A_1814 = tpu.memref_slice %arg6[%dma_start3A_1812, %dma_start3A_1813] : memref<185x16xf32, #tpu.memory_space<vmem_shared>> -> memref<185x16xf32, #tpu.memory_space<vmem_shared>>
    tpu.enqueue_indirect_dma source(%dma_start3A_1814 : memref<185x16xf32, #tpu.memory_space<vmem_shared>>) target(%dma_start3A_1809 : memref<128x16xf32, #tpu.memory_space<vmem>>) offsets(%dma_start3A_1811 : memref<128xi32, #tpu.memory_space<vmem>>) semaphore(%arg9 : memref<!tpu.dma_semaphore, #tpu.memory_space<semaphore_mem>>)
    %dma_start3A_1815 = arith.constant 1 : i32
    %dma_start3A_1816 = arith.constant 0 : i32
    %dma_start3A_1817 = arith.constant 0 : i32
    %dma_start3A_1818 = tpu.memref_slice %arg8[%dma_start3A_1815, %dma_start3A_1816, %dma_start3A_1817] : memref<2x3072x16xf32, #tpu.memory_space<vmem>> -> memref<1x3072x16xf32, #tpu.memory_space<vmem>>
    %dma_start3A_1819 = tpu.memref_squeeze %dma_start3A_1818 : memref<1x3072x16xf32, #tpu.memory_space<vmem>> -> memref<3072x16xf32, #tpu.memory_space<vmem>>
    %dma_start3A_1820 = arith.constant 2432 : i32
    %dma_start3A_1821 = arith.constant 0 : i32
    %dma_start3A_1822 = tpu.memref_slice %dma_start3A_1819[%dma_start3A_1820, %dma_start3A_1821] : memref<3072x16xf32, #tpu.memory_space<vmem>> -> memref<128x16xf32, #tpu.memory_space<vmem>>
    %dma_start3A_1823 = arith.constant 11648 : i32
    %dma_start3A_1824 = tpu.memref_slice %arg7[%dma_start3A_1823] : memref<12288xi32, #tpu.memory_space<vmem>> -> memref<128xi32, #tpu.memory_space<vmem>>
    %dma_start3A_1825 = arith.constant 0 : i32
    %dma_start3A_1826 = arith.constant 0 : i32
    %dma_start3A_1827 = tpu.memref_slice %arg6[%dma_start3A_1825, %dma_start3A_1826] : memref<185x16xf32, #tpu.memory_space<vmem_shared>> -> memref<185x16xf32, #tpu.memory_space<vmem_shared>>
    tpu.enqueue_indirect_dma source(%dma_start3A_1827 : memref<185x16xf32, #tpu.memory_space<vmem_shared>>) target(%dma_start3A_1822 : memref<128x16xf32, #tpu.memory_space<vmem>>) offsets(%dma_start3A_1824 : memref<128xi32, #tpu.memory_space<vmem>>) semaphore(%arg9 : memref<!tpu.dma_semaphore, #tpu.memory_space<semaphore_mem>>)
    %dma_start3A_1828 = arith.constant 1 : i32
    %dma_start3A_1829 = arith.constant 0 : i32
    %dma_start3A_1830 = arith.constant 0 : i32
    %dma_start3A_1831 = tpu.memref_slice %arg8[%dma_start3A_1828, %dma_start3A_1829, %dma_start3A_1830] : memref<2x3072x16xf32, #tpu.memory_space<vmem>> -> memref<1x3072x16xf32, #tpu.memory_space<vmem>>
    %dma_start3A_1832 = tpu.memref_squeeze %dma_start3A_1831 : memref<1x3072x16xf32, #tpu.memory_space<vmem>> -> memref<3072x16xf32, #tpu.memory_space<vmem>>
    %dma_start3A_1833 = arith.constant 2560 : i32
    %dma_start3A_1834 = arith.constant 0 : i32
    %dma_start3A_1835 = tpu.memref_slice %dma_start3A_1832[%dma_start3A_1833, %dma_start3A_1834] : memref<3072x16xf32, #tpu.memory_space<vmem>> -> memref<128x16xf32, #tpu.memory_space<vmem>>
    %dma_start3A_1836 = arith.constant 11776 : i32
    %dma_start3A_1837 = tpu.memref_slice %arg7[%dma_start3A_1836] : memref<12288xi32, #tpu.memory_space<vmem>> -> memref<128xi32, #tpu.memory_space<vmem>>
    %dma_start3A_1838 = arith.constant 0 : i32
    %dma_start3A_1839 = arith.constant 0 : i32
    %dma_start3A_1840 = tpu.memref_slice %arg6[%dma_start3A_1838, %dma_start3A_1839] : memref<185x16xf32, #tpu.memory_space<vmem_shared>> -> memref<185x16xf32, #tpu.memory_space<vmem_shared>>
    tpu.enqueue_indirect_dma source(%dma_start3A_1840 : memref<185x16xf32, #tpu.memory_space<vmem_shared>>) target(%dma_start3A_1835 : memref<128x16xf32, #tpu.memory_space<vmem>>) offsets(%dma_start3A_1837 : memref<128xi32, #tpu.memory_space<vmem>>) semaphore(%arg9 : memref<!tpu.dma_semaphore, #tpu.memory_space<semaphore_mem>>)
    %dma_start3A_1841 = arith.constant 1 : i32
    %dma_start3A_1842 = arith.constant 0 : i32
    %dma_start3A_1843 = arith.constant 0 : i32
    %dma_start3A_1844 = tpu.memref_slice %arg8[%dma_start3A_1841, %dma_start3A_1842, %dma_start3A_1843] : memref<2x3072x16xf32, #tpu.memory_space<vmem>> -> memref<1x3072x16xf32, #tpu.memory_space<vmem>>
    %dma_start3A_1845 = tpu.memref_squeeze %dma_start3A_1844 : memref<1x3072x16xf32, #tpu.memory_space<vmem>> -> memref<3072x16xf32, #tpu.memory_space<vmem>>
    %dma_start3A_1846 = arith.constant 2688 : i32
    %dma_start3A_1847 = arith.constant 0 : i32
    %dma_start3A_1848 = tpu.memref_slice %dma_start3A_1845[%dma_start3A_1846, %dma_start3A_1847] : memref<3072x16xf32, #tpu.memory_space<vmem>> -> memref<128x16xf32, #tpu.memory_space<vmem>>
    %dma_start3A_1849 = arith.constant 11904 : i32
    %dma_start3A_1850 = tpu.memref_slice %arg7[%dma_start3A_1849] : memref<12288xi32, #tpu.memory_space<vmem>> -> memref<128xi32, #tpu.memory_space<vmem>>
    %dma_start3A_1851 = arith.constant 0 : i32
    %dma_start3A_1852 = arith.constant 0 : i32
    %dma_start3A_1853 = tpu.memref_slice %arg6[%dma_start3A_1851, %dma_start3A_1852] : memref<185x16xf32, #tpu.memory_space<vmem_shared>> -> memref<185x16xf32, #tpu.memory_space<vmem_shared>>
    tpu.enqueue_indirect_dma source(%dma_start3A_1853 : memref<185x16xf32, #tpu.memory_space<vmem_shared>>) target(%dma_start3A_1848 : memref<128x16xf32, #tpu.memory_space<vmem>>) offsets(%dma_start3A_1850 : memref<128xi32, #tpu.memory_space<vmem>>) semaphore(%arg9 : memref<!tpu.dma_semaphore, #tpu.memory_space<semaphore_mem>>)
    %dma_start3A_1854 = arith.constant 1 : i32
    %dma_start3A_1855 = arith.constant 0 : i32
    %dma_start3A_1856 = arith.constant 0 : i32
    %dma_start3A_1857 = tpu.memref_slice %arg8[%dma_start3A_1854, %dma_start3A_1855, %dma_start3A_1856] : memref<2x3072x16xf32, #tpu.memory_space<vmem>> -> memref<1x3072x16xf32, #tpu.memory_space<vmem>>
    %dma_start3A_1858 = tpu.memref_squeeze %dma_start3A_1857 : memref<1x3072x16xf32, #tpu.memory_space<vmem>> -> memref<3072x16xf32, #tpu.memory_space<vmem>>
    %dma_start3A_1859 = arith.constant 2816 : i32
    %dma_start3A_1860 = arith.constant 0 : i32
    %dma_start3A_1861 = tpu.memref_slice %dma_start3A_1858[%dma_start3A_1859, %dma_start3A_1860] : memref<3072x16xf32, #tpu.memory_space<vmem>> -> memref<128x16xf32, #tpu.memory_space<vmem>>
    %dma_start3A_1862 = arith.constant 12032 : i32
    %dma_start3A_1863 = tpu.memref_slice %arg7[%dma_start3A_1862] : memref<12288xi32, #tpu.memory_space<vmem>> -> memref<128xi32, #tpu.memory_space<vmem>>
    %dma_start3A_1864 = arith.constant 0 : i32
    %dma_start3A_1865 = arith.constant 0 : i32
    %dma_start3A_1866 = tpu.memref_slice %arg6[%dma_start3A_1864, %dma_start3A_1865] : memref<185x16xf32, #tpu.memory_space<vmem_shared>> -> memref<185x16xf32, #tpu.memory_space<vmem_shared>>
    tpu.enqueue_indirect_dma source(%dma_start3A_1866 : memref<185x16xf32, #tpu.memory_space<vmem_shared>>) target(%dma_start3A_1861 : memref<128x16xf32, #tpu.memory_space<vmem>>) offsets(%dma_start3A_1863 : memref<128xi32, #tpu.memory_space<vmem>>) semaphore(%arg9 : memref<!tpu.dma_semaphore, #tpu.memory_space<semaphore_mem>>)
    %dma_start3A_1867 = arith.constant 1 : i32
    %dma_start3A_1868 = arith.constant 0 : i32
    %dma_start3A_1869 = arith.constant 0 : i32
    %dma_start3A_1870 = tpu.memref_slice %arg8[%dma_start3A_1867, %dma_start3A_1868, %dma_start3A_1869] : memref<2x3072x16xf32, #tpu.memory_space<vmem>> -> memref<1x3072x16xf32, #tpu.memory_space<vmem>>
    %dma_start3A_1871 = tpu.memref_squeeze %dma_start3A_1870 : memref<1x3072x16xf32, #tpu.memory_space<vmem>> -> memref<3072x16xf32, #tpu.memory_space<vmem>>
    %dma_start3A_1872 = arith.constant 2944 : i32
    %dma_start3A_1873 = arith.constant 0 : i32
    %dma_start3A_1874 = tpu.memref_slice %dma_start3A_1871[%dma_start3A_1872, %dma_start3A_1873] : memref<3072x16xf32, #tpu.memory_space<vmem>> -> memref<128x16xf32, #tpu.memory_space<vmem>>
    %dma_start3A_1875 = arith.constant 12160 : i32
    %dma_start3A_1876 = tpu.memref_slice %arg7[%dma_start3A_1875] : memref<12288xi32, #tpu.memory_space<vmem>> -> memref<128xi32, #tpu.memory_space<vmem>>
    %dma_start3A_1877 = arith.constant 0 : i32
    %dma_start3A_1878 = arith.constant 0 : i32
    %dma_start3A_1879 = tpu.memref_slice %arg6[%dma_start3A_1877, %dma_start3A_1878] : memref<185x16xf32, #tpu.memory_space<vmem_shared>> -> memref<185x16xf32, #tpu.memory_space<vmem_shared>>
    tpu.enqueue_indirect_dma source(%dma_start3A_1879 : memref<185x16xf32, #tpu.memory_space<vmem_shared>>) target(%dma_start3A_1874 : memref<128x16xf32, #tpu.memory_space<vmem>>) offsets(%dma_start3A_1876 : memref<128xi32, #tpu.memory_space<vmem>>) semaphore(%arg9 : memref<!tpu.dma_semaphore, #tpu.memory_space<semaphore_mem>>)
    %dma_wait3A_1880 = arith.constant 0 : i32
    %dma_wait3A_1881 = arith.constant 0 : i32
    %dma_wait3A_1882 = arith.constant 0 : i32
    %dma_wait3A_1883 = tpu.memref_slice %arg8[%dma_wait3A_1880, %dma_wait3A_1881, %dma_wait3A_1882] : memref<2x3072x16xf32, #tpu.memory_space<vmem>> -> memref<1x3072x16xf32, #tpu.memory_space<vmem>>
    %dma_wait3A_1884 = tpu.memref_squeeze %dma_wait3A_1883 : memref<1x3072x16xf32, #tpu.memory_space<vmem>> -> memref<3072x16xf32, #tpu.memory_space<vmem>>
    %dma_wait3A_1885 = arith.constant 0 : i32
    %dma_wait3A_1886 = arith.constant 0 : i32
    %dma_wait3A_1887 = tpu.memref_slice %dma_wait3A_1884[%dma_wait3A_1885, %dma_wait3A_1886] : memref<3072x16xf32, #tpu.memory_space<vmem>> -> memref<128x16xf32, #tpu.memory_space<vmem>>
    %dma_wait3A_1888 = arith.constant 6144 : i32
    %dma_wait3A_1889 = tpu.memref_slice %arg7[%dma_wait3A_1888] : memref<12288xi32, #tpu.memory_space<vmem>> -> memref<128xi32, #tpu.memory_space<vmem>>
    %dma_wait3A_1890 = arith.constant 0 : i32
    %dma_wait3A_1891 = arith.constant 0 : i32
    %dma_wait3A_1892 = tpu.memref_slice %arg6[%dma_wait3A_1890, %dma_wait3A_1891] : memref<185x16xf32, #tpu.memory_space<vmem_shared>> -> memref<185x16xf32, #tpu.memory_space<vmem_shared>>
    tpu.wait_indirect_dma semaphore(%arg9 : memref<!tpu.dma_semaphore, #tpu.memory_space<semaphore_mem>>) src(%dma_wait3A_1892 : memref<185x16xf32, #tpu.memory_space<vmem_shared>>) dst(%dma_wait3A_1887 : memref<128x16xf32, #tpu.memory_space<vmem>>)
    %dma_wait3A_1893 = arith.constant 0 : i32
    %dma_wait3A_1894 = arith.constant 0 : i32
    %dma_wait3A_1895 = arith.constant 0 : i32
    %dma_wait3A_1896 = tpu.memref_slice %arg8[%dma_wait3A_1893, %dma_wait3A_1894, %dma_wait3A_1895] : memref<2x3072x16xf32, #tpu.memory_space<vmem>> -> memref<1x3072x16xf32, #tpu.memory_space<vmem>>
    %dma_wait3A_1897 = tpu.memref_squeeze %dma_wait3A_1896 : memref<1x3072x16xf32, #tpu.memory_space<vmem>> -> memref<3072x16xf32, #tpu.memory_space<vmem>>
    %dma_wait3A_1898 = arith.constant 128 : i32
    %dma_wait3A_1899 = arith.constant 0 : i32
    %dma_wait3A_1900 = tpu.memref_slice %dma_wait3A_1897[%dma_wait3A_1898, %dma_wait3A_1899] : memref<3072x16xf32, #tpu.memory_space<vmem>> -> memref<128x16xf32, #tpu.memory_space<vmem>>
    %dma_wait3A_1901 = arith.constant 6272 : i32
    %dma_wait3A_1902 = tpu.memref_slice %arg7[%dma_wait3A_1901] : memref<12288xi32, #tpu.memory_space<vmem>> -> memref<128xi32, #tpu.memory_space<vmem>>
    %dma_wait3A_1903 = arith.constant 0 : i32
    %dma_wait3A_1904 = arith.constant 0 : i32
    %dma_wait3A_1905 = tpu.memref_slice %arg6[%dma_wait3A_1903, %dma_wait3A_1904] : memref<185x16xf32, #tpu.memory_space<vmem_shared>> -> memref<185x16xf32, #tpu.memory_space<vmem_shared>>
    tpu.wait_indirect_dma semaphore(%arg9 : memref<!tpu.dma_semaphore, #tpu.memory_space<semaphore_mem>>) src(%dma_wait3A_1905 : memref<185x16xf32, #tpu.memory_space<vmem_shared>>) dst(%dma_wait3A_1900 : memref<128x16xf32, #tpu.memory_space<vmem>>)
    %dma_wait3A_1906 = arith.constant 0 : i32
    %dma_wait3A_1907 = arith.constant 0 : i32
    %dma_wait3A_1908 = arith.constant 0 : i32
    %dma_wait3A_1909 = tpu.memref_slice %arg8[%dma_wait3A_1906, %dma_wait3A_1907, %dma_wait3A_1908] : memref<2x3072x16xf32, #tpu.memory_space<vmem>> -> memref<1x3072x16xf32, #tpu.memory_space<vmem>>
    %dma_wait3A_1910 = tpu.memref_squeeze %dma_wait3A_1909 : memref<1x3072x16xf32, #tpu.memory_space<vmem>> -> memref<3072x16xf32, #tpu.memory_space<vmem>>
    %dma_wait3A_1911 = arith.constant 256 : i32
    %dma_wait3A_1912 = arith.constant 0 : i32
    %dma_wait3A_1913 = tpu.memref_slice %dma_wait3A_1910[%dma_wait3A_1911, %dma_wait3A_1912] : memref<3072x16xf32, #tpu.memory_space<vmem>> -> memref<128x16xf32, #tpu.memory_space<vmem>>
    %dma_wait3A_1914 = arith.constant 6400 : i32
    %dma_wait3A_1915 = tpu.memref_slice %arg7[%dma_wait3A_1914] : memref<12288xi32, #tpu.memory_space<vmem>> -> memref<128xi32, #tpu.memory_space<vmem>>
    %dma_wait3A_1916 = arith.constant 0 : i32
    %dma_wait3A_1917 = arith.constant 0 : i32
    %dma_wait3A_1918 = tpu.memref_slice %arg6[%dma_wait3A_1916, %dma_wait3A_1917] : memref<185x16xf32, #tpu.memory_space<vmem_shared>> -> memref<185x16xf32, #tpu.memory_space<vmem_shared>>
    tpu.wait_indirect_dma semaphore(%arg9 : memref<!tpu.dma_semaphore, #tpu.memory_space<semaphore_mem>>) src(%dma_wait3A_1918 : memref<185x16xf32, #tpu.memory_space<vmem_shared>>) dst(%dma_wait3A_1913 : memref<128x16xf32, #tpu.memory_space<vmem>>)
    %dma_wait3A_1919 = arith.constant 0 : i32
    %dma_wait3A_1920 = arith.constant 0 : i32
    %dma_wait3A_1921 = arith.constant 0 : i32
    %dma_wait3A_1922 = tpu.memref_slice %arg8[%dma_wait3A_1919, %dma_wait3A_1920, %dma_wait3A_1921] : memref<2x3072x16xf32, #tpu.memory_space<vmem>> -> memref<1x3072x16xf32, #tpu.memory_space<vmem>>
    %dma_wait3A_1923 = tpu.memref_squeeze %dma_wait3A_1922 : memref<1x3072x16xf32, #tpu.memory_space<vmem>> -> memref<3072x16xf32, #tpu.memory_space<vmem>>
    %dma_wait3A_1924 = arith.constant 384 : i32
    %dma_wait3A_1925 = arith.constant 0 : i32
    %dma_wait3A_1926 = tpu.memref_slice %dma_wait3A_1923[%dma_wait3A_1924, %dma_wait3A_1925] : memref<3072x16xf32, #tpu.memory_space<vmem>> -> memref<128x16xf32, #tpu.memory_space<vmem>>
    %dma_wait3A_1927 = arith.constant 6528 : i32
    %dma_wait3A_1928 = tpu.memref_slice %arg7[%dma_wait3A_1927] : memref<12288xi32, #tpu.memory_space<vmem>> -> memref<128xi32, #tpu.memory_space<vmem>>
    %dma_wait3A_1929 = arith.constant 0 : i32
    %dma_wait3A_1930 = arith.constant 0 : i32
    %dma_wait3A_1931 = tpu.memref_slice %arg6[%dma_wait3A_1929, %dma_wait3A_1930] : memref<185x16xf32, #tpu.memory_space<vmem_shared>> -> memref<185x16xf32, #tpu.memory_space<vmem_shared>>
    tpu.wait_indirect_dma semaphore(%arg9 : memref<!tpu.dma_semaphore, #tpu.memory_space<semaphore_mem>>) src(%dma_wait3A_1931 : memref<185x16xf32, #tpu.memory_space<vmem_shared>>) dst(%dma_wait3A_1926 : memref<128x16xf32, #tpu.memory_space<vmem>>)
    %dma_wait3A_1932 = arith.constant 0 : i32
    %dma_wait3A_1933 = arith.constant 0 : i32
    %dma_wait3A_1934 = arith.constant 0 : i32
    %dma_wait3A_1935 = tpu.memref_slice %arg8[%dma_wait3A_1932, %dma_wait3A_1933, %dma_wait3A_1934] : memref<2x3072x16xf32, #tpu.memory_space<vmem>> -> memref<1x3072x16xf32, #tpu.memory_space<vmem>>
    %dma_wait3A_1936 = tpu.memref_squeeze %dma_wait3A_1935 : memref<1x3072x16xf32, #tpu.memory_space<vmem>> -> memref<3072x16xf32, #tpu.memory_space<vmem>>
    %dma_wait3A_1937 = arith.constant 512 : i32
    %dma_wait3A_1938 = arith.constant 0 : i32
    %dma_wait3A_1939 = tpu.memref_slice %dma_wait3A_1936[%dma_wait3A_1937, %dma_wait3A_1938] : memref<3072x16xf32, #tpu.memory_space<vmem>> -> memref<128x16xf32, #tpu.memory_space<vmem>>
    %dma_wait3A_1940 = arith.constant 6656 : i32
    %dma_wait3A_1941 = tpu.memref_slice %arg7[%dma_wait3A_1940] : memref<12288xi32, #tpu.memory_space<vmem>> -> memref<128xi32, #tpu.memory_space<vmem>>
    %dma_wait3A_1942 = arith.constant 0 : i32
    %dma_wait3A_1943 = arith.constant 0 : i32
    %dma_wait3A_1944 = tpu.memref_slice %arg6[%dma_wait3A_1942, %dma_wait3A_1943] : memref<185x16xf32, #tpu.memory_space<vmem_shared>> -> memref<185x16xf32, #tpu.memory_space<vmem_shared>>
    tpu.wait_indirect_dma semaphore(%arg9 : memref<!tpu.dma_semaphore, #tpu.memory_space<semaphore_mem>>) src(%dma_wait3A_1944 : memref<185x16xf32, #tpu.memory_space<vmem_shared>>) dst(%dma_wait3A_1939 : memref<128x16xf32, #tpu.memory_space<vmem>>)
    %dma_wait3A_1945 = arith.constant 0 : i32
    %dma_wait3A_1946 = arith.constant 0 : i32
    %dma_wait3A_1947 = arith.constant 0 : i32
    %dma_wait3A_1948 = tpu.memref_slice %arg8[%dma_wait3A_1945, %dma_wait3A_1946, %dma_wait3A_1947] : memref<2x3072x16xf32, #tpu.memory_space<vmem>> -> memref<1x3072x16xf32, #tpu.memory_space<vmem>>
    %dma_wait3A_1949 = tpu.memref_squeeze %dma_wait3A_1948 : memref<1x3072x16xf32, #tpu.memory_space<vmem>> -> memref<3072x16xf32, #tpu.memory_space<vmem>>
    %dma_wait3A_1950 = arith.constant 640 : i32
    %dma_wait3A_1951 = arith.constant 0 : i32
    %dma_wait3A_1952 = tpu.memref_slice %dma_wait3A_1949[%dma_wait3A_1950, %dma_wait3A_1951] : memref<3072x16xf32, #tpu.memory_space<vmem>> -> memref<128x16xf32, #tpu.memory_space<vmem>>
    %dma_wait3A_1953 = arith.constant 6784 : i32
    %dma_wait3A_1954 = tpu.memref_slice %arg7[%dma_wait3A_1953] : memref<12288xi32, #tpu.memory_space<vmem>> -> memref<128xi32, #tpu.memory_space<vmem>>
    %dma_wait3A_1955 = arith.constant 0 : i32
    %dma_wait3A_1956 = arith.constant 0 : i32
    %dma_wait3A_1957 = tpu.memref_slice %arg6[%dma_wait3A_1955, %dma_wait3A_1956] : memref<185x16xf32, #tpu.memory_space<vmem_shared>> -> memref<185x16xf32, #tpu.memory_space<vmem_shared>>
    tpu.wait_indirect_dma semaphore(%arg9 : memref<!tpu.dma_semaphore, #tpu.memory_space<semaphore_mem>>) src(%dma_wait3A_1957 : memref<185x16xf32, #tpu.memory_space<vmem_shared>>) dst(%dma_wait3A_1952 : memref<128x16xf32, #tpu.memory_space<vmem>>)
    %dma_wait3A_1958 = arith.constant 0 : i32
    %dma_wait3A_1959 = arith.constant 0 : i32
    %dma_wait3A_1960 = arith.constant 0 : i32
    %dma_wait3A_1961 = tpu.memref_slice %arg8[%dma_wait3A_1958, %dma_wait3A_1959, %dma_wait3A_1960] : memref<2x3072x16xf32, #tpu.memory_space<vmem>> -> memref<1x3072x16xf32, #tpu.memory_space<vmem>>
    %dma_wait3A_1962 = tpu.memref_squeeze %dma_wait3A_1961 : memref<1x3072x16xf32, #tpu.memory_space<vmem>> -> memref<3072x16xf32, #tpu.memory_space<vmem>>
    %dma_wait3A_1963 = arith.constant 768 : i32
    %dma_wait3A_1964 = arith.constant 0 : i32
    %dma_wait3A_1965 = tpu.memref_slice %dma_wait3A_1962[%dma_wait3A_1963, %dma_wait3A_1964] : memref<3072x16xf32, #tpu.memory_space<vmem>> -> memref<128x16xf32, #tpu.memory_space<vmem>>
    %dma_wait3A_1966 = arith.constant 6912 : i32
    %dma_wait3A_1967 = tpu.memref_slice %arg7[%dma_wait3A_1966] : memref<12288xi32, #tpu.memory_space<vmem>> -> memref<128xi32, #tpu.memory_space<vmem>>
    %dma_wait3A_1968 = arith.constant 0 : i32
    %dma_wait3A_1969 = arith.constant 0 : i32
    %dma_wait3A_1970 = tpu.memref_slice %arg6[%dma_wait3A_1968, %dma_wait3A_1969] : memref<185x16xf32, #tpu.memory_space<vmem_shared>> -> memref<185x16xf32, #tpu.memory_space<vmem_shared>>
    tpu.wait_indirect_dma semaphore(%arg9 : memref<!tpu.dma_semaphore, #tpu.memory_space<semaphore_mem>>) src(%dma_wait3A_1970 : memref<185x16xf32, #tpu.memory_space<vmem_shared>>) dst(%dma_wait3A_1965 : memref<128x16xf32, #tpu.memory_space<vmem>>)
    %dma_wait3A_1971 = arith.constant 0 : i32
    %dma_wait3A_1972 = arith.constant 0 : i32
    %dma_wait3A_1973 = arith.constant 0 : i32
    %dma_wait3A_1974 = tpu.memref_slice %arg8[%dma_wait3A_1971, %dma_wait3A_1972, %dma_wait3A_1973] : memref<2x3072x16xf32, #tpu.memory_space<vmem>> -> memref<1x3072x16xf32, #tpu.memory_space<vmem>>
    %dma_wait3A_1975 = tpu.memref_squeeze %dma_wait3A_1974 : memref<1x3072x16xf32, #tpu.memory_space<vmem>> -> memref<3072x16xf32, #tpu.memory_space<vmem>>
    %dma_wait3A_1976 = arith.constant 896 : i32
    %dma_wait3A_1977 = arith.constant 0 : i32
    %dma_wait3A_1978 = tpu.memref_slice %dma_wait3A_1975[%dma_wait3A_1976, %dma_wait3A_1977] : memref<3072x16xf32, #tpu.memory_space<vmem>> -> memref<128x16xf32, #tpu.memory_space<vmem>>
    %dma_wait3A_1979 = arith.constant 7040 : i32
    %dma_wait3A_1980 = tpu.memref_slice %arg7[%dma_wait3A_1979] : memref<12288xi32, #tpu.memory_space<vmem>> -> memref<128xi32, #tpu.memory_space<vmem>>
    %dma_wait3A_1981 = arith.constant 0 : i32
    %dma_wait3A_1982 = arith.constant 0 : i32
    %dma_wait3A_1983 = tpu.memref_slice %arg6[%dma_wait3A_1981, %dma_wait3A_1982] : memref<185x16xf32, #tpu.memory_space<vmem_shared>> -> memref<185x16xf32, #tpu.memory_space<vmem_shared>>
    tpu.wait_indirect_dma semaphore(%arg9 : memref<!tpu.dma_semaphore, #tpu.memory_space<semaphore_mem>>) src(%dma_wait3A_1983 : memref<185x16xf32, #tpu.memory_space<vmem_shared>>) dst(%dma_wait3A_1978 : memref<128x16xf32, #tpu.memory_space<vmem>>)
    %dma_wait3A_1984 = arith.constant 0 : i32
    %dma_wait3A_1985 = arith.constant 0 : i32
    %dma_wait3A_1986 = arith.constant 0 : i32
    %dma_wait3A_1987 = tpu.memref_slice %arg8[%dma_wait3A_1984, %dma_wait3A_1985, %dma_wait3A_1986] : memref<2x3072x16xf32, #tpu.memory_space<vmem>> -> memref<1x3072x16xf32, #tpu.memory_space<vmem>>
    %dma_wait3A_1988 = tpu.memref_squeeze %dma_wait3A_1987 : memref<1x3072x16xf32, #tpu.memory_space<vmem>> -> memref<3072x16xf32, #tpu.memory_space<vmem>>
    %dma_wait3A_1989 = arith.constant 1024 : i32
    %dma_wait3A_1990 = arith.constant 0 : i32
    %dma_wait3A_1991 = tpu.memref_slice %dma_wait3A_1988[%dma_wait3A_1989, %dma_wait3A_1990] : memref<3072x16xf32, #tpu.memory_space<vmem>> -> memref<128x16xf32, #tpu.memory_space<vmem>>
    %dma_wait3A_1992 = arith.constant 7168 : i32
    %dma_wait3A_1993 = tpu.memref_slice %arg7[%dma_wait3A_1992] : memref<12288xi32, #tpu.memory_space<vmem>> -> memref<128xi32, #tpu.memory_space<vmem>>
    %dma_wait3A_1994 = arith.constant 0 : i32
    %dma_wait3A_1995 = arith.constant 0 : i32
    %dma_wait3A_1996 = tpu.memref_slice %arg6[%dma_wait3A_1994, %dma_wait3A_1995] : memref<185x16xf32, #tpu.memory_space<vmem_shared>> -> memref<185x16xf32, #tpu.memory_space<vmem_shared>>
    tpu.wait_indirect_dma semaphore(%arg9 : memref<!tpu.dma_semaphore, #tpu.memory_space<semaphore_mem>>) src(%dma_wait3A_1996 : memref<185x16xf32, #tpu.memory_space<vmem_shared>>) dst(%dma_wait3A_1991 : memref<128x16xf32, #tpu.memory_space<vmem>>)
    %dma_wait3A_1997 = arith.constant 0 : i32
    %dma_wait3A_1998 = arith.constant 0 : i32
    %dma_wait3A_1999 = arith.constant 0 : i32
    %dma_wait3A_2000 = tpu.memref_slice %arg8[%dma_wait3A_1997, %dma_wait3A_1998, %dma_wait3A_1999] : memref<2x3072x16xf32, #tpu.memory_space<vmem>> -> memref<1x3072x16xf32, #tpu.memory_space<vmem>>
    %dma_wait3A_2001 = tpu.memref_squeeze %dma_wait3A_2000 : memref<1x3072x16xf32, #tpu.memory_space<vmem>> -> memref<3072x16xf32, #tpu.memory_space<vmem>>
    %dma_wait3A_2002 = arith.constant 1152 : i32
    %dma_wait3A_2003 = arith.constant 0 : i32
    %dma_wait3A_2004 = tpu.memref_slice %dma_wait3A_2001[%dma_wait3A_2002, %dma_wait3A_2003] : memref<3072x16xf32, #tpu.memory_space<vmem>> -> memref<128x16xf32, #tpu.memory_space<vmem>>
    %dma_wait3A_2005 = arith.constant 7296 : i32
    %dma_wait3A_2006 = tpu.memref_slice %arg7[%dma_wait3A_2005] : memref<12288xi32, #tpu.memory_space<vmem>> -> memref<128xi32, #tpu.memory_space<vmem>>
    %dma_wait3A_2007 = arith.constant 0 : i32
    %dma_wait3A_2008 = arith.constant 0 : i32
    %dma_wait3A_2009 = tpu.memref_slice %arg6[%dma_wait3A_2007, %dma_wait3A_2008] : memref<185x16xf32, #tpu.memory_space<vmem_shared>> -> memref<185x16xf32, #tpu.memory_space<vmem_shared>>
    tpu.wait_indirect_dma semaphore(%arg9 : memref<!tpu.dma_semaphore, #tpu.memory_space<semaphore_mem>>) src(%dma_wait3A_2009 : memref<185x16xf32, #tpu.memory_space<vmem_shared>>) dst(%dma_wait3A_2004 : memref<128x16xf32, #tpu.memory_space<vmem>>)
    %dma_wait3A_2010 = arith.constant 0 : i32
    %dma_wait3A_2011 = arith.constant 0 : i32
    %dma_wait3A_2012 = arith.constant 0 : i32
    %dma_wait3A_2013 = tpu.memref_slice %arg8[%dma_wait3A_2010, %dma_wait3A_2011, %dma_wait3A_2012] : memref<2x3072x16xf32, #tpu.memory_space<vmem>> -> memref<1x3072x16xf32, #tpu.memory_space<vmem>>
    %dma_wait3A_2014 = tpu.memref_squeeze %dma_wait3A_2013 : memref<1x3072x16xf32, #tpu.memory_space<vmem>> -> memref<3072x16xf32, #tpu.memory_space<vmem>>
    %dma_wait3A_2015 = arith.constant 1280 : i32
    %dma_wait3A_2016 = arith.constant 0 : i32
    %dma_wait3A_2017 = tpu.memref_slice %dma_wait3A_2014[%dma_wait3A_2015, %dma_wait3A_2016] : memref<3072x16xf32, #tpu.memory_space<vmem>> -> memref<128x16xf32, #tpu.memory_space<vmem>>
    %dma_wait3A_2018 = arith.constant 7424 : i32
    %dma_wait3A_2019 = tpu.memref_slice %arg7[%dma_wait3A_2018] : memref<12288xi32, #tpu.memory_space<vmem>> -> memref<128xi32, #tpu.memory_space<vmem>>
    %dma_wait3A_2020 = arith.constant 0 : i32
    %dma_wait3A_2021 = arith.constant 0 : i32
    %dma_wait3A_2022 = tpu.memref_slice %arg6[%dma_wait3A_2020, %dma_wait3A_2021] : memref<185x16xf32, #tpu.memory_space<vmem_shared>> -> memref<185x16xf32, #tpu.memory_space<vmem_shared>>
    tpu.wait_indirect_dma semaphore(%arg9 : memref<!tpu.dma_semaphore, #tpu.memory_space<semaphore_mem>>) src(%dma_wait3A_2022 : memref<185x16xf32, #tpu.memory_space<vmem_shared>>) dst(%dma_wait3A_2017 : memref<128x16xf32, #tpu.memory_space<vmem>>)
    %dma_wait3A_2023 = arith.constant 0 : i32
    %dma_wait3A_2024 = arith.constant 0 : i32
    %dma_wait3A_2025 = arith.constant 0 : i32
    %dma_wait3A_2026 = tpu.memref_slice %arg8[%dma_wait3A_2023, %dma_wait3A_2024, %dma_wait3A_2025] : memref<2x3072x16xf32, #tpu.memory_space<vmem>> -> memref<1x3072x16xf32, #tpu.memory_space<vmem>>
    %dma_wait3A_2027 = tpu.memref_squeeze %dma_wait3A_2026 : memref<1x3072x16xf32, #tpu.memory_space<vmem>> -> memref<3072x16xf32, #tpu.memory_space<vmem>>
    %dma_wait3A_2028 = arith.constant 1408 : i32
    %dma_wait3A_2029 = arith.constant 0 : i32
    %dma_wait3A_2030 = tpu.memref_slice %dma_wait3A_2027[%dma_wait3A_2028, %dma_wait3A_2029] : memref<3072x16xf32, #tpu.memory_space<vmem>> -> memref<128x16xf32, #tpu.memory_space<vmem>>
    %dma_wait3A_2031 = arith.constant 7552 : i32
    %dma_wait3A_2032 = tpu.memref_slice %arg7[%dma_wait3A_2031] : memref<12288xi32, #tpu.memory_space<vmem>> -> memref<128xi32, #tpu.memory_space<vmem>>
    %dma_wait3A_2033 = arith.constant 0 : i32
    %dma_wait3A_2034 = arith.constant 0 : i32
    %dma_wait3A_2035 = tpu.memref_slice %arg6[%dma_wait3A_2033, %dma_wait3A_2034] : memref<185x16xf32, #tpu.memory_space<vmem_shared>> -> memref<185x16xf32, #tpu.memory_space<vmem_shared>>
    tpu.wait_indirect_dma semaphore(%arg9 : memref<!tpu.dma_semaphore, #tpu.memory_space<semaphore_mem>>) src(%dma_wait3A_2035 : memref<185x16xf32, #tpu.memory_space<vmem_shared>>) dst(%dma_wait3A_2030 : memref<128x16xf32, #tpu.memory_space<vmem>>)
    %dma_wait3A_2036 = arith.constant 0 : i32
    %dma_wait3A_2037 = arith.constant 0 : i32
    %dma_wait3A_2038 = arith.constant 0 : i32
    %dma_wait3A_2039 = tpu.memref_slice %arg8[%dma_wait3A_2036, %dma_wait3A_2037, %dma_wait3A_2038] : memref<2x3072x16xf32, #tpu.memory_space<vmem>> -> memref<1x3072x16xf32, #tpu.memory_space<vmem>>
    %dma_wait3A_2040 = tpu.memref_squeeze %dma_wait3A_2039 : memref<1x3072x16xf32, #tpu.memory_space<vmem>> -> memref<3072x16xf32, #tpu.memory_space<vmem>>
    %dma_wait3A_2041 = arith.constant 1536 : i32
    %dma_wait3A_2042 = arith.constant 0 : i32
    %dma_wait3A_2043 = tpu.memref_slice %dma_wait3A_2040[%dma_wait3A_2041, %dma_wait3A_2042] : memref<3072x16xf32, #tpu.memory_space<vmem>> -> memref<128x16xf32, #tpu.memory_space<vmem>>
    %dma_wait3A_2044 = arith.constant 7680 : i32
    %dma_wait3A_2045 = tpu.memref_slice %arg7[%dma_wait3A_2044] : memref<12288xi32, #tpu.memory_space<vmem>> -> memref<128xi32, #tpu.memory_space<vmem>>
    %dma_wait3A_2046 = arith.constant 0 : i32
    %dma_wait3A_2047 = arith.constant 0 : i32
    %dma_wait3A_2048 = tpu.memref_slice %arg6[%dma_wait3A_2046, %dma_wait3A_2047] : memref<185x16xf32, #tpu.memory_space<vmem_shared>> -> memref<185x16xf32, #tpu.memory_space<vmem_shared>>
    tpu.wait_indirect_dma semaphore(%arg9 : memref<!tpu.dma_semaphore, #tpu.memory_space<semaphore_mem>>) src(%dma_wait3A_2048 : memref<185x16xf32, #tpu.memory_space<vmem_shared>>) dst(%dma_wait3A_2043 : memref<128x16xf32, #tpu.memory_space<vmem>>)
    %dma_wait3A_2049 = arith.constant 0 : i32
    %dma_wait3A_2050 = arith.constant 0 : i32
    %dma_wait3A_2051 = arith.constant 0 : i32
    %dma_wait3A_2052 = tpu.memref_slice %arg8[%dma_wait3A_2049, %dma_wait3A_2050, %dma_wait3A_2051] : memref<2x3072x16xf32, #tpu.memory_space<vmem>> -> memref<1x3072x16xf32, #tpu.memory_space<vmem>>
    %dma_wait3A_2053 = tpu.memref_squeeze %dma_wait3A_2052 : memref<1x3072x16xf32, #tpu.memory_space<vmem>> -> memref<3072x16xf32, #tpu.memory_space<vmem>>
    %dma_wait3A_2054 = arith.constant 1664 : i32
    %dma_wait3A_2055 = arith.constant 0 : i32
    %dma_wait3A_2056 = tpu.memref_slice %dma_wait3A_2053[%dma_wait3A_2054, %dma_wait3A_2055] : memref<3072x16xf32, #tpu.memory_space<vmem>> -> memref<128x16xf32, #tpu.memory_space<vmem>>
    %dma_wait3A_2057 = arith.constant 7808 : i32
    %dma_wait3A_2058 = tpu.memref_slice %arg7[%dma_wait3A_2057] : memref<12288xi32, #tpu.memory_space<vmem>> -> memref<128xi32, #tpu.memory_space<vmem>>
    %dma_wait3A_2059 = arith.constant 0 : i32
    %dma_wait3A_2060 = arith.constant 0 : i32
    %dma_wait3A_2061 = tpu.memref_slice %arg6[%dma_wait3A_2059, %dma_wait3A_2060] : memref<185x16xf32, #tpu.memory_space<vmem_shared>> -> memref<185x16xf32, #tpu.memory_space<vmem_shared>>
    tpu.wait_indirect_dma semaphore(%arg9 : memref<!tpu.dma_semaphore, #tpu.memory_space<semaphore_mem>>) src(%dma_wait3A_2061 : memref<185x16xf32, #tpu.memory_space<vmem_shared>>) dst(%dma_wait3A_2056 : memref<128x16xf32, #tpu.memory_space<vmem>>)
    %dma_wait3A_2062 = arith.constant 0 : i32
    %dma_wait3A_2063 = arith.constant 0 : i32
    %dma_wait3A_2064 = arith.constant 0 : i32
    %dma_wait3A_2065 = tpu.memref_slice %arg8[%dma_wait3A_2062, %dma_wait3A_2063, %dma_wait3A_2064] : memref<2x3072x16xf32, #tpu.memory_space<vmem>> -> memref<1x3072x16xf32, #tpu.memory_space<vmem>>
    %dma_wait3A_2066 = tpu.memref_squeeze %dma_wait3A_2065 : memref<1x3072x16xf32, #tpu.memory_space<vmem>> -> memref<3072x16xf32, #tpu.memory_space<vmem>>
    %dma_wait3A_2067 = arith.constant 1792 : i32
    %dma_wait3A_2068 = arith.constant 0 : i32
    %dma_wait3A_2069 = tpu.memref_slice %dma_wait3A_2066[%dma_wait3A_2067, %dma_wait3A_2068] : memref<3072x16xf32, #tpu.memory_space<vmem>> -> memref<128x16xf32, #tpu.memory_space<vmem>>
    %dma_wait3A_2070 = arith.constant 7936 : i32
    %dma_wait3A_2071 = tpu.memref_slice %arg7[%dma_wait3A_2070] : memref<12288xi32, #tpu.memory_space<vmem>> -> memref<128xi32, #tpu.memory_space<vmem>>
    %dma_wait3A_2072 = arith.constant 0 : i32
    %dma_wait3A_2073 = arith.constant 0 : i32
    %dma_wait3A_2074 = tpu.memref_slice %arg6[%dma_wait3A_2072, %dma_wait3A_2073] : memref<185x16xf32, #tpu.memory_space<vmem_shared>> -> memref<185x16xf32, #tpu.memory_space<vmem_shared>>
    tpu.wait_indirect_dma semaphore(%arg9 : memref<!tpu.dma_semaphore, #tpu.memory_space<semaphore_mem>>) src(%dma_wait3A_2074 : memref<185x16xf32, #tpu.memory_space<vmem_shared>>) dst(%dma_wait3A_2069 : memref<128x16xf32, #tpu.memory_space<vmem>>)
    %dma_wait3A_2075 = arith.constant 0 : i32
    %dma_wait3A_2076 = arith.constant 0 : i32
    %dma_wait3A_2077 = arith.constant 0 : i32
    %dma_wait3A_2078 = tpu.memref_slice %arg8[%dma_wait3A_2075, %dma_wait3A_2076, %dma_wait3A_2077] : memref<2x3072x16xf32, #tpu.memory_space<vmem>> -> memref<1x3072x16xf32, #tpu.memory_space<vmem>>
    %dma_wait3A_2079 = tpu.memref_squeeze %dma_wait3A_2078 : memref<1x3072x16xf32, #tpu.memory_space<vmem>> -> memref<3072x16xf32, #tpu.memory_space<vmem>>
    %dma_wait3A_2080 = arith.constant 1920 : i32
    %dma_wait3A_2081 = arith.constant 0 : i32
    %dma_wait3A_2082 = tpu.memref_slice %dma_wait3A_2079[%dma_wait3A_2080, %dma_wait3A_2081] : memref<3072x16xf32, #tpu.memory_space<vmem>> -> memref<128x16xf32, #tpu.memory_space<vmem>>
    %dma_wait3A_2083 = arith.constant 8064 : i32
    %dma_wait3A_2084 = tpu.memref_slice %arg7[%dma_wait3A_2083] : memref<12288xi32, #tpu.memory_space<vmem>> -> memref<128xi32, #tpu.memory_space<vmem>>
    %dma_wait3A_2085 = arith.constant 0 : i32
    %dma_wait3A_2086 = arith.constant 0 : i32
    %dma_wait3A_2087 = tpu.memref_slice %arg6[%dma_wait3A_2085, %dma_wait3A_2086] : memref<185x16xf32, #tpu.memory_space<vmem_shared>> -> memref<185x16xf32, #tpu.memory_space<vmem_shared>>
    tpu.wait_indirect_dma semaphore(%arg9 : memref<!tpu.dma_semaphore, #tpu.memory_space<semaphore_mem>>) src(%dma_wait3A_2087 : memref<185x16xf32, #tpu.memory_space<vmem_shared>>) dst(%dma_wait3A_2082 : memref<128x16xf32, #tpu.memory_space<vmem>>)
    %dma_wait3A_2088 = arith.constant 0 : i32
    %dma_wait3A_2089 = arith.constant 0 : i32
    %dma_wait3A_2090 = arith.constant 0 : i32
    %dma_wait3A_2091 = tpu.memref_slice %arg8[%dma_wait3A_2088, %dma_wait3A_2089, %dma_wait3A_2090] : memref<2x3072x16xf32, #tpu.memory_space<vmem>> -> memref<1x3072x16xf32, #tpu.memory_space<vmem>>
    %dma_wait3A_2092 = tpu.memref_squeeze %dma_wait3A_2091 : memref<1x3072x16xf32, #tpu.memory_space<vmem>> -> memref<3072x16xf32, #tpu.memory_space<vmem>>
    %dma_wait3A_2093 = arith.constant 2048 : i32
    %dma_wait3A_2094 = arith.constant 0 : i32
    %dma_wait3A_2095 = tpu.memref_slice %dma_wait3A_2092[%dma_wait3A_2093, %dma_wait3A_2094] : memref<3072x16xf32, #tpu.memory_space<vmem>> -> memref<128x16xf32, #tpu.memory_space<vmem>>
    %dma_wait3A_2096 = arith.constant 8192 : i32
    %dma_wait3A_2097 = tpu.memref_slice %arg7[%dma_wait3A_2096] : memref<12288xi32, #tpu.memory_space<vmem>> -> memref<128xi32, #tpu.memory_space<vmem>>
    %dma_wait3A_2098 = arith.constant 0 : i32
    %dma_wait3A_2099 = arith.constant 0 : i32
    %dma_wait3A_2100 = tpu.memref_slice %arg6[%dma_wait3A_2098, %dma_wait3A_2099] : memref<185x16xf32, #tpu.memory_space<vmem_shared>> -> memref<185x16xf32, #tpu.memory_space<vmem_shared>>
    tpu.wait_indirect_dma semaphore(%arg9 : memref<!tpu.dma_semaphore, #tpu.memory_space<semaphore_mem>>) src(%dma_wait3A_2100 : memref<185x16xf32, #tpu.memory_space<vmem_shared>>) dst(%dma_wait3A_2095 : memref<128x16xf32, #tpu.memory_space<vmem>>)
    %dma_wait3A_2101 = arith.constant 0 : i32
    %dma_wait3A_2102 = arith.constant 0 : i32
    %dma_wait3A_2103 = arith.constant 0 : i32
    %dma_wait3A_2104 = tpu.memref_slice %arg8[%dma_wait3A_2101, %dma_wait3A_2102, %dma_wait3A_2103] : memref<2x3072x16xf32, #tpu.memory_space<vmem>> -> memref<1x3072x16xf32, #tpu.memory_space<vmem>>
    %dma_wait3A_2105 = tpu.memref_squeeze %dma_wait3A_2104 : memref<1x3072x16xf32, #tpu.memory_space<vmem>> -> memref<3072x16xf32, #tpu.memory_space<vmem>>
    %dma_wait3A_2106 = arith.constant 2176 : i32
    %dma_wait3A_2107 = arith.constant 0 : i32
    %dma_wait3A_2108 = tpu.memref_slice %dma_wait3A_2105[%dma_wait3A_2106, %dma_wait3A_2107] : memref<3072x16xf32, #tpu.memory_space<vmem>> -> memref<128x16xf32, #tpu.memory_space<vmem>>
    %dma_wait3A_2109 = arith.constant 8320 : i32
    %dma_wait3A_2110 = tpu.memref_slice %arg7[%dma_wait3A_2109] : memref<12288xi32, #tpu.memory_space<vmem>> -> memref<128xi32, #tpu.memory_space<vmem>>
    %dma_wait3A_2111 = arith.constant 0 : i32
    %dma_wait3A_2112 = arith.constant 0 : i32
    %dma_wait3A_2113 = tpu.memref_slice %arg6[%dma_wait3A_2111, %dma_wait3A_2112] : memref<185x16xf32, #tpu.memory_space<vmem_shared>> -> memref<185x16xf32, #tpu.memory_space<vmem_shared>>
    tpu.wait_indirect_dma semaphore(%arg9 : memref<!tpu.dma_semaphore, #tpu.memory_space<semaphore_mem>>) src(%dma_wait3A_2113 : memref<185x16xf32, #tpu.memory_space<vmem_shared>>) dst(%dma_wait3A_2108 : memref<128x16xf32, #tpu.memory_space<vmem>>)
    %dma_wait3A_2114 = arith.constant 0 : i32
    %dma_wait3A_2115 = arith.constant 0 : i32
    %dma_wait3A_2116 = arith.constant 0 : i32
    %dma_wait3A_2117 = tpu.memref_slice %arg8[%dma_wait3A_2114, %dma_wait3A_2115, %dma_wait3A_2116] : memref<2x3072x16xf32, #tpu.memory_space<vmem>> -> memref<1x3072x16xf32, #tpu.memory_space<vmem>>
    %dma_wait3A_2118 = tpu.memref_squeeze %dma_wait3A_2117 : memref<1x3072x16xf32, #tpu.memory_space<vmem>> -> memref<3072x16xf32, #tpu.memory_space<vmem>>
    %dma_wait3A_2119 = arith.constant 2304 : i32
    %dma_wait3A_2120 = arith.constant 0 : i32
    %dma_wait3A_2121 = tpu.memref_slice %dma_wait3A_2118[%dma_wait3A_2119, %dma_wait3A_2120] : memref<3072x16xf32, #tpu.memory_space<vmem>> -> memref<128x16xf32, #tpu.memory_space<vmem>>
    %dma_wait3A_2122 = arith.constant 8448 : i32
    %dma_wait3A_2123 = tpu.memref_slice %arg7[%dma_wait3A_2122] : memref<12288xi32, #tpu.memory_space<vmem>> -> memref<128xi32, #tpu.memory_space<vmem>>
    %dma_wait3A_2124 = arith.constant 0 : i32
    %dma_wait3A_2125 = arith.constant 0 : i32
    %dma_wait3A_2126 = tpu.memref_slice %arg6[%dma_wait3A_2124, %dma_wait3A_2125] : memref<185x16xf32, #tpu.memory_space<vmem_shared>> -> memref<185x16xf32, #tpu.memory_space<vmem_shared>>
    tpu.wait_indirect_dma semaphore(%arg9 : memref<!tpu.dma_semaphore, #tpu.memory_space<semaphore_mem>>) src(%dma_wait3A_2126 : memref<185x16xf32, #tpu.memory_space<vmem_shared>>) dst(%dma_wait3A_2121 : memref<128x16xf32, #tpu.memory_space<vmem>>)
    %dma_wait3A_2127 = arith.constant 0 : i32
    %dma_wait3A_2128 = arith.constant 0 : i32
    %dma_wait3A_2129 = arith.constant 0 : i32
    %dma_wait3A_2130 = tpu.memref_slice %arg8[%dma_wait3A_2127, %dma_wait3A_2128, %dma_wait3A_2129] : memref<2x3072x16xf32, #tpu.memory_space<vmem>> -> memref<1x3072x16xf32, #tpu.memory_space<vmem>>
    %dma_wait3A_2131 = tpu.memref_squeeze %dma_wait3A_2130 : memref<1x3072x16xf32, #tpu.memory_space<vmem>> -> memref<3072x16xf32, #tpu.memory_space<vmem>>
    %dma_wait3A_2132 = arith.constant 2432 : i32
    %dma_wait3A_2133 = arith.constant 0 : i32
    %dma_wait3A_2134 = tpu.memref_slice %dma_wait3A_2131[%dma_wait3A_2132, %dma_wait3A_2133] : memref<3072x16xf32, #tpu.memory_space<vmem>> -> memref<128x16xf32, #tpu.memory_space<vmem>>
    %dma_wait3A_2135 = arith.constant 8576 : i32
    %dma_wait3A_2136 = tpu.memref_slice %arg7[%dma_wait3A_2135] : memref<12288xi32, #tpu.memory_space<vmem>> -> memref<128xi32, #tpu.memory_space<vmem>>
    %dma_wait3A_2137 = arith.constant 0 : i32
    %dma_wait3A_2138 = arith.constant 0 : i32
    %dma_wait3A_2139 = tpu.memref_slice %arg6[%dma_wait3A_2137, %dma_wait3A_2138] : memref<185x16xf32, #tpu.memory_space<vmem_shared>> -> memref<185x16xf32, #tpu.memory_space<vmem_shared>>
    tpu.wait_indirect_dma semaphore(%arg9 : memref<!tpu.dma_semaphore, #tpu.memory_space<semaphore_mem>>) src(%dma_wait3A_2139 : memref<185x16xf32, #tpu.memory_space<vmem_shared>>) dst(%dma_wait3A_2134 : memref<128x16xf32, #tpu.memory_space<vmem>>)
    %dma_wait3A_2140 = arith.constant 0 : i32
    %dma_wait3A_2141 = arith.constant 0 : i32
    %dma_wait3A_2142 = arith.constant 0 : i32
    %dma_wait3A_2143 = tpu.memref_slice %arg8[%dma_wait3A_2140, %dma_wait3A_2141, %dma_wait3A_2142] : memref<2x3072x16xf32, #tpu.memory_space<vmem>> -> memref<1x3072x16xf32, #tpu.memory_space<vmem>>
    %dma_wait3A_2144 = tpu.memref_squeeze %dma_wait3A_2143 : memref<1x3072x16xf32, #tpu.memory_space<vmem>> -> memref<3072x16xf32, #tpu.memory_space<vmem>>
    %dma_wait3A_2145 = arith.constant 2560 : i32
    %dma_wait3A_2146 = arith.constant 0 : i32
    %dma_wait3A_2147 = tpu.memref_slice %dma_wait3A_2144[%dma_wait3A_2145, %dma_wait3A_2146] : memref<3072x16xf32, #tpu.memory_space<vmem>> -> memref<128x16xf32, #tpu.memory_space<vmem>>
    %dma_wait3A_2148 = arith.constant 8704 : i32
    %dma_wait3A_2149 = tpu.memref_slice %arg7[%dma_wait3A_2148] : memref<12288xi32, #tpu.memory_space<vmem>> -> memref<128xi32, #tpu.memory_space<vmem>>
    %dma_wait3A_2150 = arith.constant 0 : i32
    %dma_wait3A_2151 = arith.constant 0 : i32
    %dma_wait3A_2152 = tpu.memref_slice %arg6[%dma_wait3A_2150, %dma_wait3A_2151] : memref<185x16xf32, #tpu.memory_space<vmem_shared>> -> memref<185x16xf32, #tpu.memory_space<vmem_shared>>
    tpu.wait_indirect_dma semaphore(%arg9 : memref<!tpu.dma_semaphore, #tpu.memory_space<semaphore_mem>>) src(%dma_wait3A_2152 : memref<185x16xf32, #tpu.memory_space<vmem_shared>>) dst(%dma_wait3A_2147 : memref<128x16xf32, #tpu.memory_space<vmem>>)
    %dma_wait3A_2153 = arith.constant 0 : i32
    %dma_wait3A_2154 = arith.constant 0 : i32
    %dma_wait3A_2155 = arith.constant 0 : i32
    %dma_wait3A_2156 = tpu.memref_slice %arg8[%dma_wait3A_2153, %dma_wait3A_2154, %dma_wait3A_2155] : memref<2x3072x16xf32, #tpu.memory_space<vmem>> -> memref<1x3072x16xf32, #tpu.memory_space<vmem>>
    %dma_wait3A_2157 = tpu.memref_squeeze %dma_wait3A_2156 : memref<1x3072x16xf32, #tpu.memory_space<vmem>> -> memref<3072x16xf32, #tpu.memory_space<vmem>>
    %dma_wait3A_2158 = arith.constant 2688 : i32
    %dma_wait3A_2159 = arith.constant 0 : i32
    %dma_wait3A_2160 = tpu.memref_slice %dma_wait3A_2157[%dma_wait3A_2158, %dma_wait3A_2159] : memref<3072x16xf32, #tpu.memory_space<vmem>> -> memref<128x16xf32, #tpu.memory_space<vmem>>
    %dma_wait3A_2161 = arith.constant 8832 : i32
    %dma_wait3A_2162 = tpu.memref_slice %arg7[%dma_wait3A_2161] : memref<12288xi32, #tpu.memory_space<vmem>> -> memref<128xi32, #tpu.memory_space<vmem>>
    %dma_wait3A_2163 = arith.constant 0 : i32
    %dma_wait3A_2164 = arith.constant 0 : i32
    %dma_wait3A_2165 = tpu.memref_slice %arg6[%dma_wait3A_2163, %dma_wait3A_2164] : memref<185x16xf32, #tpu.memory_space<vmem_shared>> -> memref<185x16xf32, #tpu.memory_space<vmem_shared>>
    tpu.wait_indirect_dma semaphore(%arg9 : memref<!tpu.dma_semaphore, #tpu.memory_space<semaphore_mem>>) src(%dma_wait3A_2165 : memref<185x16xf32, #tpu.memory_space<vmem_shared>>) dst(%dma_wait3A_2160 : memref<128x16xf32, #tpu.memory_space<vmem>>)
    %dma_wait3A_2166 = arith.constant 0 : i32
    %dma_wait3A_2167 = arith.constant 0 : i32
    %dma_wait3A_2168 = arith.constant 0 : i32
    %dma_wait3A_2169 = tpu.memref_slice %arg8[%dma_wait3A_2166, %dma_wait3A_2167, %dma_wait3A_2168] : memref<2x3072x16xf32, #tpu.memory_space<vmem>> -> memref<1x3072x16xf32, #tpu.memory_space<vmem>>
    %dma_wait3A_2170 = tpu.memref_squeeze %dma_wait3A_2169 : memref<1x3072x16xf32, #tpu.memory_space<vmem>> -> memref<3072x16xf32, #tpu.memory_space<vmem>>
    %dma_wait3A_2171 = arith.constant 2816 : i32
    %dma_wait3A_2172 = arith.constant 0 : i32
    %dma_wait3A_2173 = tpu.memref_slice %dma_wait3A_2170[%dma_wait3A_2171, %dma_wait3A_2172] : memref<3072x16xf32, #tpu.memory_space<vmem>> -> memref<128x16xf32, #tpu.memory_space<vmem>>
    %dma_wait3A_2174 = arith.constant 8960 : i32
    %dma_wait3A_2175 = tpu.memref_slice %arg7[%dma_wait3A_2174] : memref<12288xi32, #tpu.memory_space<vmem>> -> memref<128xi32, #tpu.memory_space<vmem>>
    %dma_wait3A_2176 = arith.constant 0 : i32
    %dma_wait3A_2177 = arith.constant 0 : i32
    %dma_wait3A_2178 = tpu.memref_slice %arg6[%dma_wait3A_2176, %dma_wait3A_2177] : memref<185x16xf32, #tpu.memory_space<vmem_shared>> -> memref<185x16xf32, #tpu.memory_space<vmem_shared>>
    tpu.wait_indirect_dma semaphore(%arg9 : memref<!tpu.dma_semaphore, #tpu.memory_space<semaphore_mem>>) src(%dma_wait3A_2178 : memref<185x16xf32, #tpu.memory_space<vmem_shared>>) dst(%dma_wait3A_2173 : memref<128x16xf32, #tpu.memory_space<vmem>>)
    %dma_wait3A_2179 = arith.constant 0 : i32
    %dma_wait3A_2180 = arith.constant 0 : i32
    %dma_wait3A_2181 = arith.constant 0 : i32
    %dma_wait3A_2182 = tpu.memref_slice %arg8[%dma_wait3A_2179, %dma_wait3A_2180, %dma_wait3A_2181] : memref<2x3072x16xf32, #tpu.memory_space<vmem>> -> memref<1x3072x16xf32, #tpu.memory_space<vmem>>
    %dma_wait3A_2183 = tpu.memref_squeeze %dma_wait3A_2182 : memref<1x3072x16xf32, #tpu.memory_space<vmem>> -> memref<3072x16xf32, #tpu.memory_space<vmem>>
    %dma_wait3A_2184 = arith.constant 2944 : i32
    %dma_wait3A_2185 = arith.constant 0 : i32
    %dma_wait3A_2186 = tpu.memref_slice %dma_wait3A_2183[%dma_wait3A_2184, %dma_wait3A_2185] : memref<3072x16xf32, #tpu.memory_space<vmem>> -> memref<128x16xf32, #tpu.memory_space<vmem>>
    %dma_wait3A_2187 = arith.constant 9088 : i32
    %dma_wait3A_2188 = tpu.memref_slice %arg7[%dma_wait3A_2187] : memref<12288xi32, #tpu.memory_space<vmem>> -> memref<128xi32, #tpu.memory_space<vmem>>
    %dma_wait3A_2189 = arith.constant 0 : i32
    %dma_wait3A_2190 = arith.constant 0 : i32
    %dma_wait3A_2191 = tpu.memref_slice %arg6[%dma_wait3A_2189, %dma_wait3A_2190] : memref<185x16xf32, #tpu.memory_space<vmem_shared>> -> memref<185x16xf32, #tpu.memory_space<vmem_shared>>
    tpu.wait_indirect_dma semaphore(%arg9 : memref<!tpu.dma_semaphore, #tpu.memory_space<semaphore_mem>>) src(%dma_wait3A_2191 : memref<185x16xf32, #tpu.memory_space<vmem_shared>>) dst(%dma_wait3A_2186 : memref<128x16xf32, #tpu.memory_space<vmem>>)
    %add3A_2192 = arith.constant 6144 : i32
    %add3A_2193 = arith.addi %mul3A_2, %add3A_2192 : i32
    %run_scoped3A_2194 = arith.constant 0 : i32
    "tpu.region"() ({
      %run_scoped3A_2510 = tpu.sem_alloc : memref<!tpu.dma_semaphore, #tpu.memory_space<semaphore_mem>>
      %dma_start3A_2511 = arith.constant 0 : i32
      %dma_start3A_2512 = arith.constant 0 : i32
      %dma_start3A_2513 = tpu.memref_slice %arg8[%run_scoped3A_2194, %dma_start3A_2511, %dma_start3A_2512] : memref<2x3072x16xf32, #tpu.memory_space<vmem>> -> memref<1x3072x16xf32, #tpu.memory_space<vmem>>
      %dma_start3A_2514 = tpu.memref_squeeze %dma_start3A_2513 : memref<1x3072x16xf32, #tpu.memory_space<vmem>> -> memref<3072x16xf32, #tpu.memory_space<vmem>>
      %dma_start3A_2515 = arith.constant 0 : i32
      %dma_start3A_2516 = tpu.memref_slice %arg4[%add3A_2193, %dma_start3A_2515] : memref<393216x16xf32, #tpu.memory_space<hbm>> -> memref<3072x16xf32, #tpu.memory_space<hbm>>
      %dma_start3A_2517 = arith.constant 0 : i32
      %dma_start3A_2518 = tpu.memref_slice %arg4[%add3A_2193, %dma_start3A_2517] : memref<393216x16xf32, #tpu.memory_space<hbm>> -> memref<3072x16xf32, #tpu.memory_space<hbm>>
      %dma_start3A_2519 = arith.constant 0 : i32
      %dma_start3A_2520 = arith.constant 0 : i32
      %dma_start3A_2521 = tpu.memref_slice %arg8[%run_scoped3A_2194, %dma_start3A_2519, %dma_start3A_2520] : memref<2x3072x16xf32, #tpu.memory_space<vmem>> -> memref<1x3072x16xf32, #tpu.memory_space<vmem>>
      %dma_start3A_2522 = tpu.memref_squeeze %dma_start3A_2521 : memref<1x3072x16xf32, #tpu.memory_space<vmem>> -> memref<3072x16xf32, #tpu.memory_space<vmem>>
      tpu.enqueue_dma source(%dma_start3A_2522 : memref<3072x16xf32, #tpu.memory_space<vmem>>) target(%dma_start3A_2518 : memref<3072x16xf32, #tpu.memory_space<hbm>>) target_semaphore(%run_scoped3A_2510 : memref<!tpu.dma_semaphore, #tpu.memory_space<semaphore_mem>>)
      %dma_wait3A_2523 = arith.constant 0 : i32
      %dma_wait3A_2524 = arith.constant 0 : i32
      %dma_wait3A_2525 = tpu.memref_slice %arg8[%run_scoped3A_2194, %dma_wait3A_2523, %dma_wait3A_2524] : memref<2x3072x16xf32, #tpu.memory_space<vmem>> -> memref<1x3072x16xf32, #tpu.memory_space<vmem>>
      %dma_wait3A_2526 = tpu.memref_squeeze %dma_wait3A_2525 : memref<1x3072x16xf32, #tpu.memory_space<vmem>> -> memref<3072x16xf32, #tpu.memory_space<vmem>>
      %dma_wait3A_2527 = arith.constant 0 : i32
      %dma_wait3A_2528 = tpu.memref_slice %arg4[%add3A_2193, %dma_wait3A_2527] : memref<393216x16xf32, #tpu.memory_space<hbm>> -> memref<3072x16xf32, #tpu.memory_space<hbm>>
      %dma_wait3A_2529 = arith.constant 0 : i32
      %dma_wait3A_2530 = tpu.memref_slice %arg4[%add3A_2193, %dma_wait3A_2529] : memref<393216x16xf32, #tpu.memory_space<hbm>> -> memref<3072x16xf32, #tpu.memory_space<hbm>>
      %dma_wait3A_2531 = arith.constant 0 : i32
      %dma_wait3A_2532 = arith.constant 0 : i32
      %dma_wait3A_2533 = tpu.memref_slice %arg8[%run_scoped3A_2194, %dma_wait3A_2531, %dma_wait3A_2532] : memref<2x3072x16xf32, #tpu.memory_space<vmem>> -> memref<1x3072x16xf32, #tpu.memory_space<vmem>>
      %dma_wait3A_2534 = tpu.memref_squeeze %dma_wait3A_2533 : memref<1x3072x16xf32, #tpu.memory_space<vmem>> -> memref<3072x16xf32, #tpu.memory_space<vmem>>
      tpu.wait_dma2 semaphore(%run_scoped3A_2510 : memref<!tpu.dma_semaphore, #tpu.memory_space<semaphore_mem>>) src(%dma_wait3A_2534 : memref<3072x16xf32, #tpu.memory_space<vmem>>) dst(%dma_wait3A_2530 : memref<3072x16xf32, #tpu.memory_space<hbm>>)
      tpu.yield
    }) : () -> ()
    %dma_wait3A_2195 = arith.constant 1 : i32
    %dma_wait3A_2196 = arith.constant 0 : i32
    %dma_wait3A_2197 = arith.constant 0 : i32
    %dma_wait3A_2198 = tpu.memref_slice %arg8[%dma_wait3A_2195, %dma_wait3A_2196, %dma_wait3A_2197] : memref<2x3072x16xf32, #tpu.memory_space<vmem>> -> memref<1x3072x16xf32, #tpu.memory_space<vmem>>
    %dma_wait3A_2199 = tpu.memref_squeeze %dma_wait3A_2198 : memref<1x3072x16xf32, #tpu.memory_space<vmem>> -> memref<3072x16xf32, #tpu.memory_space<vmem>>
    %dma_wait3A_2200 = arith.constant 0 : i32
    %dma_wait3A_2201 = arith.constant 0 : i32
    %dma_wait3A_2202 = tpu.memref_slice %dma_wait3A_2199[%dma_wait3A_2200, %dma_wait3A_2201] : memref<3072x16xf32, #tpu.memory_space<vmem>> -> memref<128x16xf32, #tpu.memory_space<vmem>>
    %dma_wait3A_2203 = arith.constant 9216 : i32
    %dma_wait3A_2204 = tpu.memref_slice %arg7[%dma_wait3A_2203] : memref<12288xi32, #tpu.memory_space<vmem>> -> memref<128xi32, #tpu.memory_space<vmem>>
    %dma_wait3A_2205 = arith.constant 0 : i32
    %dma_wait3A_2206 = arith.constant 0 : i32
    %dma_wait3A_2207 = tpu.memref_slice %arg6[%dma_wait3A_2205, %dma_wait3A_2206] : memref<185x16xf32, #tpu.memory_space<vmem_shared>> -> memref<185x16xf32, #tpu.memory_space<vmem_shared>>
    tpu.wait_indirect_dma semaphore(%arg9 : memref<!tpu.dma_semaphore, #tpu.memory_space<semaphore_mem>>) src(%dma_wait3A_2207 : memref<185x16xf32, #tpu.memory_space<vmem_shared>>) dst(%dma_wait3A_2202 : memref<128x16xf32, #tpu.memory_space<vmem>>)
    %dma_wait3A_2208 = arith.constant 1 : i32
    %dma_wait3A_2209 = arith.constant 0 : i32
    %dma_wait3A_2210 = arith.constant 0 : i32
    %dma_wait3A_2211 = tpu.memref_slice %arg8[%dma_wait3A_2208, %dma_wait3A_2209, %dma_wait3A_2210] : memref<2x3072x16xf32, #tpu.memory_space<vmem>> -> memref<1x3072x16xf32, #tpu.memory_space<vmem>>
    %dma_wait3A_2212 = tpu.memref_squeeze %dma_wait3A_2211 : memref<1x3072x16xf32, #tpu.memory_space<vmem>> -> memref<3072x16xf32, #tpu.memory_space<vmem>>
    %dma_wait3A_2213 = arith.constant 128 : i32
    %dma_wait3A_2214 = arith.constant 0 : i32
    %dma_wait3A_2215 = tpu.memref_slice %dma_wait3A_2212[%dma_wait3A_2213, %dma_wait3A_2214] : memref<3072x16xf32, #tpu.memory_space<vmem>> -> memref<128x16xf32, #tpu.memory_space<vmem>>
    %dma_wait3A_2216 = arith.constant 9344 : i32
    %dma_wait3A_2217 = tpu.memref_slice %arg7[%dma_wait3A_2216] : memref<12288xi32, #tpu.memory_space<vmem>> -> memref<128xi32, #tpu.memory_space<vmem>>
    %dma_wait3A_2218 = arith.constant 0 : i32
    %dma_wait3A_2219 = arith.constant 0 : i32
    %dma_wait3A_2220 = tpu.memref_slice %arg6[%dma_wait3A_2218, %dma_wait3A_2219] : memref<185x16xf32, #tpu.memory_space<vmem_shared>> -> memref<185x16xf32, #tpu.memory_space<vmem_shared>>
    tpu.wait_indirect_dma semaphore(%arg9 : memref<!tpu.dma_semaphore, #tpu.memory_space<semaphore_mem>>) src(%dma_wait3A_2220 : memref<185x16xf32, #tpu.memory_space<vmem_shared>>) dst(%dma_wait3A_2215 : memref<128x16xf32, #tpu.memory_space<vmem>>)
    %dma_wait3A_2221 = arith.constant 1 : i32
    %dma_wait3A_2222 = arith.constant 0 : i32
    %dma_wait3A_2223 = arith.constant 0 : i32
    %dma_wait3A_2224 = tpu.memref_slice %arg8[%dma_wait3A_2221, %dma_wait3A_2222, %dma_wait3A_2223] : memref<2x3072x16xf32, #tpu.memory_space<vmem>> -> memref<1x3072x16xf32, #tpu.memory_space<vmem>>
    %dma_wait3A_2225 = tpu.memref_squeeze %dma_wait3A_2224 : memref<1x3072x16xf32, #tpu.memory_space<vmem>> -> memref<3072x16xf32, #tpu.memory_space<vmem>>
    %dma_wait3A_2226 = arith.constant 256 : i32
    %dma_wait3A_2227 = arith.constant 0 : i32
    %dma_wait3A_2228 = tpu.memref_slice %dma_wait3A_2225[%dma_wait3A_2226, %dma_wait3A_2227] : memref<3072x16xf32, #tpu.memory_space<vmem>> -> memref<128x16xf32, #tpu.memory_space<vmem>>
    %dma_wait3A_2229 = arith.constant 9472 : i32
    %dma_wait3A_2230 = tpu.memref_slice %arg7[%dma_wait3A_2229] : memref<12288xi32, #tpu.memory_space<vmem>> -> memref<128xi32, #tpu.memory_space<vmem>>
    %dma_wait3A_2231 = arith.constant 0 : i32
    %dma_wait3A_2232 = arith.constant 0 : i32
    %dma_wait3A_2233 = tpu.memref_slice %arg6[%dma_wait3A_2231, %dma_wait3A_2232] : memref<185x16xf32, #tpu.memory_space<vmem_shared>> -> memref<185x16xf32, #tpu.memory_space<vmem_shared>>
    tpu.wait_indirect_dma semaphore(%arg9 : memref<!tpu.dma_semaphore, #tpu.memory_space<semaphore_mem>>) src(%dma_wait3A_2233 : memref<185x16xf32, #tpu.memory_space<vmem_shared>>) dst(%dma_wait3A_2228 : memref<128x16xf32, #tpu.memory_space<vmem>>)
    %dma_wait3A_2234 = arith.constant 1 : i32
    %dma_wait3A_2235 = arith.constant 0 : i32
    %dma_wait3A_2236 = arith.constant 0 : i32
    %dma_wait3A_2237 = tpu.memref_slice %arg8[%dma_wait3A_2234, %dma_wait3A_2235, %dma_wait3A_2236] : memref<2x3072x16xf32, #tpu.memory_space<vmem>> -> memref<1x3072x16xf32, #tpu.memory_space<vmem>>
    %dma_wait3A_2238 = tpu.memref_squeeze %dma_wait3A_2237 : memref<1x3072x16xf32, #tpu.memory_space<vmem>> -> memref<3072x16xf32, #tpu.memory_space<vmem>>
    %dma_wait3A_2239 = arith.constant 384 : i32
    %dma_wait3A_2240 = arith.constant 0 : i32
    %dma_wait3A_2241 = tpu.memref_slice %dma_wait3A_2238[%dma_wait3A_2239, %dma_wait3A_2240] : memref<3072x16xf32, #tpu.memory_space<vmem>> -> memref<128x16xf32, #tpu.memory_space<vmem>>
    %dma_wait3A_2242 = arith.constant 9600 : i32
    %dma_wait3A_2243 = tpu.memref_slice %arg7[%dma_wait3A_2242] : memref<12288xi32, #tpu.memory_space<vmem>> -> memref<128xi32, #tpu.memory_space<vmem>>
    %dma_wait3A_2244 = arith.constant 0 : i32
    %dma_wait3A_2245 = arith.constant 0 : i32
    %dma_wait3A_2246 = tpu.memref_slice %arg6[%dma_wait3A_2244, %dma_wait3A_2245] : memref<185x16xf32, #tpu.memory_space<vmem_shared>> -> memref<185x16xf32, #tpu.memory_space<vmem_shared>>
    tpu.wait_indirect_dma semaphore(%arg9 : memref<!tpu.dma_semaphore, #tpu.memory_space<semaphore_mem>>) src(%dma_wait3A_2246 : memref<185x16xf32, #tpu.memory_space<vmem_shared>>) dst(%dma_wait3A_2241 : memref<128x16xf32, #tpu.memory_space<vmem>>)
    %dma_wait3A_2247 = arith.constant 1 : i32
    %dma_wait3A_2248 = arith.constant 0 : i32
    %dma_wait3A_2249 = arith.constant 0 : i32
    %dma_wait3A_2250 = tpu.memref_slice %arg8[%dma_wait3A_2247, %dma_wait3A_2248, %dma_wait3A_2249] : memref<2x3072x16xf32, #tpu.memory_space<vmem>> -> memref<1x3072x16xf32, #tpu.memory_space<vmem>>
    %dma_wait3A_2251 = tpu.memref_squeeze %dma_wait3A_2250 : memref<1x3072x16xf32, #tpu.memory_space<vmem>> -> memref<3072x16xf32, #tpu.memory_space<vmem>>
    %dma_wait3A_2252 = arith.constant 512 : i32
    %dma_wait3A_2253 = arith.constant 0 : i32
    %dma_wait3A_2254 = tpu.memref_slice %dma_wait3A_2251[%dma_wait3A_2252, %dma_wait3A_2253] : memref<3072x16xf32, #tpu.memory_space<vmem>> -> memref<128x16xf32, #tpu.memory_space<vmem>>
    %dma_wait3A_2255 = arith.constant 9728 : i32
    %dma_wait3A_2256 = tpu.memref_slice %arg7[%dma_wait3A_2255] : memref<12288xi32, #tpu.memory_space<vmem>> -> memref<128xi32, #tpu.memory_space<vmem>>
    %dma_wait3A_2257 = arith.constant 0 : i32
    %dma_wait3A_2258 = arith.constant 0 : i32
    %dma_wait3A_2259 = tpu.memref_slice %arg6[%dma_wait3A_2257, %dma_wait3A_2258] : memref<185x16xf32, #tpu.memory_space<vmem_shared>> -> memref<185x16xf32, #tpu.memory_space<vmem_shared>>
    tpu.wait_indirect_dma semaphore(%arg9 : memref<!tpu.dma_semaphore, #tpu.memory_space<semaphore_mem>>) src(%dma_wait3A_2259 : memref<185x16xf32, #tpu.memory_space<vmem_shared>>) dst(%dma_wait3A_2254 : memref<128x16xf32, #tpu.memory_space<vmem>>)
    %dma_wait3A_2260 = arith.constant 1 : i32
    %dma_wait3A_2261 = arith.constant 0 : i32
    %dma_wait3A_2262 = arith.constant 0 : i32
    %dma_wait3A_2263 = tpu.memref_slice %arg8[%dma_wait3A_2260, %dma_wait3A_2261, %dma_wait3A_2262] : memref<2x3072x16xf32, #tpu.memory_space<vmem>> -> memref<1x3072x16xf32, #tpu.memory_space<vmem>>
    %dma_wait3A_2264 = tpu.memref_squeeze %dma_wait3A_2263 : memref<1x3072x16xf32, #tpu.memory_space<vmem>> -> memref<3072x16xf32, #tpu.memory_space<vmem>>
    %dma_wait3A_2265 = arith.constant 640 : i32
    %dma_wait3A_2266 = arith.constant 0 : i32
    %dma_wait3A_2267 = tpu.memref_slice %dma_wait3A_2264[%dma_wait3A_2265, %dma_wait3A_2266] : memref<3072x16xf32, #tpu.memory_space<vmem>> -> memref<128x16xf32, #tpu.memory_space<vmem>>
    %dma_wait3A_2268 = arith.constant 9856 : i32
    %dma_wait3A_2269 = tpu.memref_slice %arg7[%dma_wait3A_2268] : memref<12288xi32, #tpu.memory_space<vmem>> -> memref<128xi32, #tpu.memory_space<vmem>>
    %dma_wait3A_2270 = arith.constant 0 : i32
    %dma_wait3A_2271 = arith.constant 0 : i32
    %dma_wait3A_2272 = tpu.memref_slice %arg6[%dma_wait3A_2270, %dma_wait3A_2271] : memref<185x16xf32, #tpu.memory_space<vmem_shared>> -> memref<185x16xf32, #tpu.memory_space<vmem_shared>>
    tpu.wait_indirect_dma semaphore(%arg9 : memref<!tpu.dma_semaphore, #tpu.memory_space<semaphore_mem>>) src(%dma_wait3A_2272 : memref<185x16xf32, #tpu.memory_space<vmem_shared>>) dst(%dma_wait3A_2267 : memref<128x16xf32, #tpu.memory_space<vmem>>)
    %dma_wait3A_2273 = arith.constant 1 : i32
    %dma_wait3A_2274 = arith.constant 0 : i32
    %dma_wait3A_2275 = arith.constant 0 : i32
    %dma_wait3A_2276 = tpu.memref_slice %arg8[%dma_wait3A_2273, %dma_wait3A_2274, %dma_wait3A_2275] : memref<2x3072x16xf32, #tpu.memory_space<vmem>> -> memref<1x3072x16xf32, #tpu.memory_space<vmem>>
    %dma_wait3A_2277 = tpu.memref_squeeze %dma_wait3A_2276 : memref<1x3072x16xf32, #tpu.memory_space<vmem>> -> memref<3072x16xf32, #tpu.memory_space<vmem>>
    %dma_wait3A_2278 = arith.constant 768 : i32
    %dma_wait3A_2279 = arith.constant 0 : i32
    %dma_wait3A_2280 = tpu.memref_slice %dma_wait3A_2277[%dma_wait3A_2278, %dma_wait3A_2279] : memref<3072x16xf32, #tpu.memory_space<vmem>> -> memref<128x16xf32, #tpu.memory_space<vmem>>
    %dma_wait3A_2281 = arith.constant 9984 : i32
    %dma_wait3A_2282 = tpu.memref_slice %arg7[%dma_wait3A_2281] : memref<12288xi32, #tpu.memory_space<vmem>> -> memref<128xi32, #tpu.memory_space<vmem>>
    %dma_wait3A_2283 = arith.constant 0 : i32
    %dma_wait3A_2284 = arith.constant 0 : i32
    %dma_wait3A_2285 = tpu.memref_slice %arg6[%dma_wait3A_2283, %dma_wait3A_2284] : memref<185x16xf32, #tpu.memory_space<vmem_shared>> -> memref<185x16xf32, #tpu.memory_space<vmem_shared>>
    tpu.wait_indirect_dma semaphore(%arg9 : memref<!tpu.dma_semaphore, #tpu.memory_space<semaphore_mem>>) src(%dma_wait3A_2285 : memref<185x16xf32, #tpu.memory_space<vmem_shared>>) dst(%dma_wait3A_2280 : memref<128x16xf32, #tpu.memory_space<vmem>>)
    %dma_wait3A_2286 = arith.constant 1 : i32
    %dma_wait3A_2287 = arith.constant 0 : i32
    %dma_wait3A_2288 = arith.constant 0 : i32
    %dma_wait3A_2289 = tpu.memref_slice %arg8[%dma_wait3A_2286, %dma_wait3A_2287, %dma_wait3A_2288] : memref<2x3072x16xf32, #tpu.memory_space<vmem>> -> memref<1x3072x16xf32, #tpu.memory_space<vmem>>
    %dma_wait3A_2290 = tpu.memref_squeeze %dma_wait3A_2289 : memref<1x3072x16xf32, #tpu.memory_space<vmem>> -> memref<3072x16xf32, #tpu.memory_space<vmem>>
    %dma_wait3A_2291 = arith.constant 896 : i32
    %dma_wait3A_2292 = arith.constant 0 : i32
    %dma_wait3A_2293 = tpu.memref_slice %dma_wait3A_2290[%dma_wait3A_2291, %dma_wait3A_2292] : memref<3072x16xf32, #tpu.memory_space<vmem>> -> memref<128x16xf32, #tpu.memory_space<vmem>>
    %dma_wait3A_2294 = arith.constant 10112 : i32
    %dma_wait3A_2295 = tpu.memref_slice %arg7[%dma_wait3A_2294] : memref<12288xi32, #tpu.memory_space<vmem>> -> memref<128xi32, #tpu.memory_space<vmem>>
    %dma_wait3A_2296 = arith.constant 0 : i32
    %dma_wait3A_2297 = arith.constant 0 : i32
    %dma_wait3A_2298 = tpu.memref_slice %arg6[%dma_wait3A_2296, %dma_wait3A_2297] : memref<185x16xf32, #tpu.memory_space<vmem_shared>> -> memref<185x16xf32, #tpu.memory_space<vmem_shared>>
    tpu.wait_indirect_dma semaphore(%arg9 : memref<!tpu.dma_semaphore, #tpu.memory_space<semaphore_mem>>) src(%dma_wait3A_2298 : memref<185x16xf32, #tpu.memory_space<vmem_shared>>) dst(%dma_wait3A_2293 : memref<128x16xf32, #tpu.memory_space<vmem>>)
    %dma_wait3A_2299 = arith.constant 1 : i32
    %dma_wait3A_2300 = arith.constant 0 : i32
    %dma_wait3A_2301 = arith.constant 0 : i32
    %dma_wait3A_2302 = tpu.memref_slice %arg8[%dma_wait3A_2299, %dma_wait3A_2300, %dma_wait3A_2301] : memref<2x3072x16xf32, #tpu.memory_space<vmem>> -> memref<1x3072x16xf32, #tpu.memory_space<vmem>>
    %dma_wait3A_2303 = tpu.memref_squeeze %dma_wait3A_2302 : memref<1x3072x16xf32, #tpu.memory_space<vmem>> -> memref<3072x16xf32, #tpu.memory_space<vmem>>
    %dma_wait3A_2304 = arith.constant 1024 : i32
    %dma_wait3A_2305 = arith.constant 0 : i32
    %dma_wait3A_2306 = tpu.memref_slice %dma_wait3A_2303[%dma_wait3A_2304, %dma_wait3A_2305] : memref<3072x16xf32, #tpu.memory_space<vmem>> -> memref<128x16xf32, #tpu.memory_space<vmem>>
    %dma_wait3A_2307 = arith.constant 10240 : i32
    %dma_wait3A_2308 = tpu.memref_slice %arg7[%dma_wait3A_2307] : memref<12288xi32, #tpu.memory_space<vmem>> -> memref<128xi32, #tpu.memory_space<vmem>>
    %dma_wait3A_2309 = arith.constant 0 : i32
    %dma_wait3A_2310 = arith.constant 0 : i32
    %dma_wait3A_2311 = tpu.memref_slice %arg6[%dma_wait3A_2309, %dma_wait3A_2310] : memref<185x16xf32, #tpu.memory_space<vmem_shared>> -> memref<185x16xf32, #tpu.memory_space<vmem_shared>>
    tpu.wait_indirect_dma semaphore(%arg9 : memref<!tpu.dma_semaphore, #tpu.memory_space<semaphore_mem>>) src(%dma_wait3A_2311 : memref<185x16xf32, #tpu.memory_space<vmem_shared>>) dst(%dma_wait3A_2306 : memref<128x16xf32, #tpu.memory_space<vmem>>)
    %dma_wait3A_2312 = arith.constant 1 : i32
    %dma_wait3A_2313 = arith.constant 0 : i32
    %dma_wait3A_2314 = arith.constant 0 : i32
    %dma_wait3A_2315 = tpu.memref_slice %arg8[%dma_wait3A_2312, %dma_wait3A_2313, %dma_wait3A_2314] : memref<2x3072x16xf32, #tpu.memory_space<vmem>> -> memref<1x3072x16xf32, #tpu.memory_space<vmem>>
    %dma_wait3A_2316 = tpu.memref_squeeze %dma_wait3A_2315 : memref<1x3072x16xf32, #tpu.memory_space<vmem>> -> memref<3072x16xf32, #tpu.memory_space<vmem>>
    %dma_wait3A_2317 = arith.constant 1152 : i32
    %dma_wait3A_2318 = arith.constant 0 : i32
    %dma_wait3A_2319 = tpu.memref_slice %dma_wait3A_2316[%dma_wait3A_2317, %dma_wait3A_2318] : memref<3072x16xf32, #tpu.memory_space<vmem>> -> memref<128x16xf32, #tpu.memory_space<vmem>>
    %dma_wait3A_2320 = arith.constant 10368 : i32
    %dma_wait3A_2321 = tpu.memref_slice %arg7[%dma_wait3A_2320] : memref<12288xi32, #tpu.memory_space<vmem>> -> memref<128xi32, #tpu.memory_space<vmem>>
    %dma_wait3A_2322 = arith.constant 0 : i32
    %dma_wait3A_2323 = arith.constant 0 : i32
    %dma_wait3A_2324 = tpu.memref_slice %arg6[%dma_wait3A_2322, %dma_wait3A_2323] : memref<185x16xf32, #tpu.memory_space<vmem_shared>> -> memref<185x16xf32, #tpu.memory_space<vmem_shared>>
    tpu.wait_indirect_dma semaphore(%arg9 : memref<!tpu.dma_semaphore, #tpu.memory_space<semaphore_mem>>) src(%dma_wait3A_2324 : memref<185x16xf32, #tpu.memory_space<vmem_shared>>) dst(%dma_wait3A_2319 : memref<128x16xf32, #tpu.memory_space<vmem>>)
    %dma_wait3A_2325 = arith.constant 1 : i32
    %dma_wait3A_2326 = arith.constant 0 : i32
    %dma_wait3A_2327 = arith.constant 0 : i32
    %dma_wait3A_2328 = tpu.memref_slice %arg8[%dma_wait3A_2325, %dma_wait3A_2326, %dma_wait3A_2327] : memref<2x3072x16xf32, #tpu.memory_space<vmem>> -> memref<1x3072x16xf32, #tpu.memory_space<vmem>>
    %dma_wait3A_2329 = tpu.memref_squeeze %dma_wait3A_2328 : memref<1x3072x16xf32, #tpu.memory_space<vmem>> -> memref<3072x16xf32, #tpu.memory_space<vmem>>
    %dma_wait3A_2330 = arith.constant 1280 : i32
    %dma_wait3A_2331 = arith.constant 0 : i32
    %dma_wait3A_2332 = tpu.memref_slice %dma_wait3A_2329[%dma_wait3A_2330, %dma_wait3A_2331] : memref<3072x16xf32, #tpu.memory_space<vmem>> -> memref<128x16xf32, #tpu.memory_space<vmem>>
    %dma_wait3A_2333 = arith.constant 10496 : i32
    %dma_wait3A_2334 = tpu.memref_slice %arg7[%dma_wait3A_2333] : memref<12288xi32, #tpu.memory_space<vmem>> -> memref<128xi32, #tpu.memory_space<vmem>>
    %dma_wait3A_2335 = arith.constant 0 : i32
    %dma_wait3A_2336 = arith.constant 0 : i32
    %dma_wait3A_2337 = tpu.memref_slice %arg6[%dma_wait3A_2335, %dma_wait3A_2336] : memref<185x16xf32, #tpu.memory_space<vmem_shared>> -> memref<185x16xf32, #tpu.memory_space<vmem_shared>>
    tpu.wait_indirect_dma semaphore(%arg9 : memref<!tpu.dma_semaphore, #tpu.memory_space<semaphore_mem>>) src(%dma_wait3A_2337 : memref<185x16xf32, #tpu.memory_space<vmem_shared>>) dst(%dma_wait3A_2332 : memref<128x16xf32, #tpu.memory_space<vmem>>)
    %dma_wait3A_2338 = arith.constant 1 : i32
    %dma_wait3A_2339 = arith.constant 0 : i32
    %dma_wait3A_2340 = arith.constant 0 : i32
    %dma_wait3A_2341 = tpu.memref_slice %arg8[%dma_wait3A_2338, %dma_wait3A_2339, %dma_wait3A_2340] : memref<2x3072x16xf32, #tpu.memory_space<vmem>> -> memref<1x3072x16xf32, #tpu.memory_space<vmem>>
    %dma_wait3A_2342 = tpu.memref_squeeze %dma_wait3A_2341 : memref<1x3072x16xf32, #tpu.memory_space<vmem>> -> memref<3072x16xf32, #tpu.memory_space<vmem>>
    %dma_wait3A_2343 = arith.constant 1408 : i32
    %dma_wait3A_2344 = arith.constant 0 : i32
    %dma_wait3A_2345 = tpu.memref_slice %dma_wait3A_2342[%dma_wait3A_2343, %dma_wait3A_2344] : memref<3072x16xf32, #tpu.memory_space<vmem>> -> memref<128x16xf32, #tpu.memory_space<vmem>>
    %dma_wait3A_2346 = arith.constant 10624 : i32
    %dma_wait3A_2347 = tpu.memref_slice %arg7[%dma_wait3A_2346] : memref<12288xi32, #tpu.memory_space<vmem>> -> memref<128xi32, #tpu.memory_space<vmem>>
    %dma_wait3A_2348 = arith.constant 0 : i32
    %dma_wait3A_2349 = arith.constant 0 : i32
    %dma_wait3A_2350 = tpu.memref_slice %arg6[%dma_wait3A_2348, %dma_wait3A_2349] : memref<185x16xf32, #tpu.memory_space<vmem_shared>> -> memref<185x16xf32, #tpu.memory_space<vmem_shared>>
    tpu.wait_indirect_dma semaphore(%arg9 : memref<!tpu.dma_semaphore, #tpu.memory_space<semaphore_mem>>) src(%dma_wait3A_2350 : memref<185x16xf32, #tpu.memory_space<vmem_shared>>) dst(%dma_wait3A_2345 : memref<128x16xf32, #tpu.memory_space<vmem>>)
    %dma_wait3A_2351 = arith.constant 1 : i32
    %dma_wait3A_2352 = arith.constant 0 : i32
    %dma_wait3A_2353 = arith.constant 0 : i32
    %dma_wait3A_2354 = tpu.memref_slice %arg8[%dma_wait3A_2351, %dma_wait3A_2352, %dma_wait3A_2353] : memref<2x3072x16xf32, #tpu.memory_space<vmem>> -> memref<1x3072x16xf32, #tpu.memory_space<vmem>>
    %dma_wait3A_2355 = tpu.memref_squeeze %dma_wait3A_2354 : memref<1x3072x16xf32, #tpu.memory_space<vmem>> -> memref<3072x16xf32, #tpu.memory_space<vmem>>
    %dma_wait3A_2356 = arith.constant 1536 : i32
    %dma_wait3A_2357 = arith.constant 0 : i32
    %dma_wait3A_2358 = tpu.memref_slice %dma_wait3A_2355[%dma_wait3A_2356, %dma_wait3A_2357] : memref<3072x16xf32, #tpu.memory_space<vmem>> -> memref<128x16xf32, #tpu.memory_space<vmem>>
    %dma_wait3A_2359 = arith.constant 10752 : i32
    %dma_wait3A_2360 = tpu.memref_slice %arg7[%dma_wait3A_2359] : memref<12288xi32, #tpu.memory_space<vmem>> -> memref<128xi32, #tpu.memory_space<vmem>>
    %dma_wait3A_2361 = arith.constant 0 : i32
    %dma_wait3A_2362 = arith.constant 0 : i32
    %dma_wait3A_2363 = tpu.memref_slice %arg6[%dma_wait3A_2361, %dma_wait3A_2362] : memref<185x16xf32, #tpu.memory_space<vmem_shared>> -> memref<185x16xf32, #tpu.memory_space<vmem_shared>>
    tpu.wait_indirect_dma semaphore(%arg9 : memref<!tpu.dma_semaphore, #tpu.memory_space<semaphore_mem>>) src(%dma_wait3A_2363 : memref<185x16xf32, #tpu.memory_space<vmem_shared>>) dst(%dma_wait3A_2358 : memref<128x16xf32, #tpu.memory_space<vmem>>)
    %dma_wait3A_2364 = arith.constant 1 : i32
    %dma_wait3A_2365 = arith.constant 0 : i32
    %dma_wait3A_2366 = arith.constant 0 : i32
    %dma_wait3A_2367 = tpu.memref_slice %arg8[%dma_wait3A_2364, %dma_wait3A_2365, %dma_wait3A_2366] : memref<2x3072x16xf32, #tpu.memory_space<vmem>> -> memref<1x3072x16xf32, #tpu.memory_space<vmem>>
    %dma_wait3A_2368 = tpu.memref_squeeze %dma_wait3A_2367 : memref<1x3072x16xf32, #tpu.memory_space<vmem>> -> memref<3072x16xf32, #tpu.memory_space<vmem>>
    %dma_wait3A_2369 = arith.constant 1664 : i32
    %dma_wait3A_2370 = arith.constant 0 : i32
    %dma_wait3A_2371 = tpu.memref_slice %dma_wait3A_2368[%dma_wait3A_2369, %dma_wait3A_2370] : memref<3072x16xf32, #tpu.memory_space<vmem>> -> memref<128x16xf32, #tpu.memory_space<vmem>>
    %dma_wait3A_2372 = arith.constant 10880 : i32
    %dma_wait3A_2373 = tpu.memref_slice %arg7[%dma_wait3A_2372] : memref<12288xi32, #tpu.memory_space<vmem>> -> memref<128xi32, #tpu.memory_space<vmem>>
    %dma_wait3A_2374 = arith.constant 0 : i32
    %dma_wait3A_2375 = arith.constant 0 : i32
    %dma_wait3A_2376 = tpu.memref_slice %arg6[%dma_wait3A_2374, %dma_wait3A_2375] : memref<185x16xf32, #tpu.memory_space<vmem_shared>> -> memref<185x16xf32, #tpu.memory_space<vmem_shared>>
    tpu.wait_indirect_dma semaphore(%arg9 : memref<!tpu.dma_semaphore, #tpu.memory_space<semaphore_mem>>) src(%dma_wait3A_2376 : memref<185x16xf32, #tpu.memory_space<vmem_shared>>) dst(%dma_wait3A_2371 : memref<128x16xf32, #tpu.memory_space<vmem>>)
    %dma_wait3A_2377 = arith.constant 1 : i32
    %dma_wait3A_2378 = arith.constant 0 : i32
    %dma_wait3A_2379 = arith.constant 0 : i32
    %dma_wait3A_2380 = tpu.memref_slice %arg8[%dma_wait3A_2377, %dma_wait3A_2378, %dma_wait3A_2379] : memref<2x3072x16xf32, #tpu.memory_space<vmem>> -> memref<1x3072x16xf32, #tpu.memory_space<vmem>>
    %dma_wait3A_2381 = tpu.memref_squeeze %dma_wait3A_2380 : memref<1x3072x16xf32, #tpu.memory_space<vmem>> -> memref<3072x16xf32, #tpu.memory_space<vmem>>
    %dma_wait3A_2382 = arith.constant 1792 : i32
    %dma_wait3A_2383 = arith.constant 0 : i32
    %dma_wait3A_2384 = tpu.memref_slice %dma_wait3A_2381[%dma_wait3A_2382, %dma_wait3A_2383] : memref<3072x16xf32, #tpu.memory_space<vmem>> -> memref<128x16xf32, #tpu.memory_space<vmem>>
    %dma_wait3A_2385 = arith.constant 11008 : i32
    %dma_wait3A_2386 = tpu.memref_slice %arg7[%dma_wait3A_2385] : memref<12288xi32, #tpu.memory_space<vmem>> -> memref<128xi32, #tpu.memory_space<vmem>>
    %dma_wait3A_2387 = arith.constant 0 : i32
    %dma_wait3A_2388 = arith.constant 0 : i32
    %dma_wait3A_2389 = tpu.memref_slice %arg6[%dma_wait3A_2387, %dma_wait3A_2388] : memref<185x16xf32, #tpu.memory_space<vmem_shared>> -> memref<185x16xf32, #tpu.memory_space<vmem_shared>>
    tpu.wait_indirect_dma semaphore(%arg9 : memref<!tpu.dma_semaphore, #tpu.memory_space<semaphore_mem>>) src(%dma_wait3A_2389 : memref<185x16xf32, #tpu.memory_space<vmem_shared>>) dst(%dma_wait3A_2384 : memref<128x16xf32, #tpu.memory_space<vmem>>)
    %dma_wait3A_2390 = arith.constant 1 : i32
    %dma_wait3A_2391 = arith.constant 0 : i32
    %dma_wait3A_2392 = arith.constant 0 : i32
    %dma_wait3A_2393 = tpu.memref_slice %arg8[%dma_wait3A_2390, %dma_wait3A_2391, %dma_wait3A_2392] : memref<2x3072x16xf32, #tpu.memory_space<vmem>> -> memref<1x3072x16xf32, #tpu.memory_space<vmem>>
    %dma_wait3A_2394 = tpu.memref_squeeze %dma_wait3A_2393 : memref<1x3072x16xf32, #tpu.memory_space<vmem>> -> memref<3072x16xf32, #tpu.memory_space<vmem>>
    %dma_wait3A_2395 = arith.constant 1920 : i32
    %dma_wait3A_2396 = arith.constant 0 : i32
    %dma_wait3A_2397 = tpu.memref_slice %dma_wait3A_2394[%dma_wait3A_2395, %dma_wait3A_2396] : memref<3072x16xf32, #tpu.memory_space<vmem>> -> memref<128x16xf32, #tpu.memory_space<vmem>>
    %dma_wait3A_2398 = arith.constant 11136 : i32
    %dma_wait3A_2399 = tpu.memref_slice %arg7[%dma_wait3A_2398] : memref<12288xi32, #tpu.memory_space<vmem>> -> memref<128xi32, #tpu.memory_space<vmem>>
    %dma_wait3A_2400 = arith.constant 0 : i32
    %dma_wait3A_2401 = arith.constant 0 : i32
    %dma_wait3A_2402 = tpu.memref_slice %arg6[%dma_wait3A_2400, %dma_wait3A_2401] : memref<185x16xf32, #tpu.memory_space<vmem_shared>> -> memref<185x16xf32, #tpu.memory_space<vmem_shared>>
    tpu.wait_indirect_dma semaphore(%arg9 : memref<!tpu.dma_semaphore, #tpu.memory_space<semaphore_mem>>) src(%dma_wait3A_2402 : memref<185x16xf32, #tpu.memory_space<vmem_shared>>) dst(%dma_wait3A_2397 : memref<128x16xf32, #tpu.memory_space<vmem>>)
    %dma_wait3A_2403 = arith.constant 1 : i32
    %dma_wait3A_2404 = arith.constant 0 : i32
    %dma_wait3A_2405 = arith.constant 0 : i32
    %dma_wait3A_2406 = tpu.memref_slice %arg8[%dma_wait3A_2403, %dma_wait3A_2404, %dma_wait3A_2405] : memref<2x3072x16xf32, #tpu.memory_space<vmem>> -> memref<1x3072x16xf32, #tpu.memory_space<vmem>>
    %dma_wait3A_2407 = tpu.memref_squeeze %dma_wait3A_2406 : memref<1x3072x16xf32, #tpu.memory_space<vmem>> -> memref<3072x16xf32, #tpu.memory_space<vmem>>
    %dma_wait3A_2408 = arith.constant 2048 : i32
    %dma_wait3A_2409 = arith.constant 0 : i32
    %dma_wait3A_2410 = tpu.memref_slice %dma_wait3A_2407[%dma_wait3A_2408, %dma_wait3A_2409] : memref<3072x16xf32, #tpu.memory_space<vmem>> -> memref<128x16xf32, #tpu.memory_space<vmem>>
    %dma_wait3A_2411 = arith.constant 11264 : i32
    %dma_wait3A_2412 = tpu.memref_slice %arg7[%dma_wait3A_2411] : memref<12288xi32, #tpu.memory_space<vmem>> -> memref<128xi32, #tpu.memory_space<vmem>>
    %dma_wait3A_2413 = arith.constant 0 : i32
    %dma_wait3A_2414 = arith.constant 0 : i32
    %dma_wait3A_2415 = tpu.memref_slice %arg6[%dma_wait3A_2413, %dma_wait3A_2414] : memref<185x16xf32, #tpu.memory_space<vmem_shared>> -> memref<185x16xf32, #tpu.memory_space<vmem_shared>>
    tpu.wait_indirect_dma semaphore(%arg9 : memref<!tpu.dma_semaphore, #tpu.memory_space<semaphore_mem>>) src(%dma_wait3A_2415 : memref<185x16xf32, #tpu.memory_space<vmem_shared>>) dst(%dma_wait3A_2410 : memref<128x16xf32, #tpu.memory_space<vmem>>)
    %dma_wait3A_2416 = arith.constant 1 : i32
    %dma_wait3A_2417 = arith.constant 0 : i32
    %dma_wait3A_2418 = arith.constant 0 : i32
    %dma_wait3A_2419 = tpu.memref_slice %arg8[%dma_wait3A_2416, %dma_wait3A_2417, %dma_wait3A_2418] : memref<2x3072x16xf32, #tpu.memory_space<vmem>> -> memref<1x3072x16xf32, #tpu.memory_space<vmem>>
    %dma_wait3A_2420 = tpu.memref_squeeze %dma_wait3A_2419 : memref<1x3072x16xf32, #tpu.memory_space<vmem>> -> memref<3072x16xf32, #tpu.memory_space<vmem>>
    %dma_wait3A_2421 = arith.constant 2176 : i32
    %dma_wait3A_2422 = arith.constant 0 : i32
    %dma_wait3A_2423 = tpu.memref_slice %dma_wait3A_2420[%dma_wait3A_2421, %dma_wait3A_2422] : memref<3072x16xf32, #tpu.memory_space<vmem>> -> memref<128x16xf32, #tpu.memory_space<vmem>>
    %dma_wait3A_2424 = arith.constant 11392 : i32
    %dma_wait3A_2425 = tpu.memref_slice %arg7[%dma_wait3A_2424] : memref<12288xi32, #tpu.memory_space<vmem>> -> memref<128xi32, #tpu.memory_space<vmem>>
    %dma_wait3A_2426 = arith.constant 0 : i32
    %dma_wait3A_2427 = arith.constant 0 : i32
    %dma_wait3A_2428 = tpu.memref_slice %arg6[%dma_wait3A_2426, %dma_wait3A_2427] : memref<185x16xf32, #tpu.memory_space<vmem_shared>> -> memref<185x16xf32, #tpu.memory_space<vmem_shared>>
    tpu.wait_indirect_dma semaphore(%arg9 : memref<!tpu.dma_semaphore, #tpu.memory_space<semaphore_mem>>) src(%dma_wait3A_2428 : memref<185x16xf32, #tpu.memory_space<vmem_shared>>) dst(%dma_wait3A_2423 : memref<128x16xf32, #tpu.memory_space<vmem>>)
    %dma_wait3A_2429 = arith.constant 1 : i32
    %dma_wait3A_2430 = arith.constant 0 : i32
    %dma_wait3A_2431 = arith.constant 0 : i32
    %dma_wait3A_2432 = tpu.memref_slice %arg8[%dma_wait3A_2429, %dma_wait3A_2430, %dma_wait3A_2431] : memref<2x3072x16xf32, #tpu.memory_space<vmem>> -> memref<1x3072x16xf32, #tpu.memory_space<vmem>>
    %dma_wait3A_2433 = tpu.memref_squeeze %dma_wait3A_2432 : memref<1x3072x16xf32, #tpu.memory_space<vmem>> -> memref<3072x16xf32, #tpu.memory_space<vmem>>
    %dma_wait3A_2434 = arith.constant 2304 : i32
    %dma_wait3A_2435 = arith.constant 0 : i32
    %dma_wait3A_2436 = tpu.memref_slice %dma_wait3A_2433[%dma_wait3A_2434, %dma_wait3A_2435] : memref<3072x16xf32, #tpu.memory_space<vmem>> -> memref<128x16xf32, #tpu.memory_space<vmem>>
    %dma_wait3A_2437 = arith.constant 11520 : i32
    %dma_wait3A_2438 = tpu.memref_slice %arg7[%dma_wait3A_2437] : memref<12288xi32, #tpu.memory_space<vmem>> -> memref<128xi32, #tpu.memory_space<vmem>>
    %dma_wait3A_2439 = arith.constant 0 : i32
    %dma_wait3A_2440 = arith.constant 0 : i32
    %dma_wait3A_2441 = tpu.memref_slice %arg6[%dma_wait3A_2439, %dma_wait3A_2440] : memref<185x16xf32, #tpu.memory_space<vmem_shared>> -> memref<185x16xf32, #tpu.memory_space<vmem_shared>>
    tpu.wait_indirect_dma semaphore(%arg9 : memref<!tpu.dma_semaphore, #tpu.memory_space<semaphore_mem>>) src(%dma_wait3A_2441 : memref<185x16xf32, #tpu.memory_space<vmem_shared>>) dst(%dma_wait3A_2436 : memref<128x16xf32, #tpu.memory_space<vmem>>)
    %dma_wait3A_2442 = arith.constant 1 : i32
    %dma_wait3A_2443 = arith.constant 0 : i32
    %dma_wait3A_2444 = arith.constant 0 : i32
    %dma_wait3A_2445 = tpu.memref_slice %arg8[%dma_wait3A_2442, %dma_wait3A_2443, %dma_wait3A_2444] : memref<2x3072x16xf32, #tpu.memory_space<vmem>> -> memref<1x3072x16xf32, #tpu.memory_space<vmem>>
    %dma_wait3A_2446 = tpu.memref_squeeze %dma_wait3A_2445 : memref<1x3072x16xf32, #tpu.memory_space<vmem>> -> memref<3072x16xf32, #tpu.memory_space<vmem>>
    %dma_wait3A_2447 = arith.constant 2432 : i32
    %dma_wait3A_2448 = arith.constant 0 : i32
    %dma_wait3A_2449 = tpu.memref_slice %dma_wait3A_2446[%dma_wait3A_2447, %dma_wait3A_2448] : memref<3072x16xf32, #tpu.memory_space<vmem>> -> memref<128x16xf32, #tpu.memory_space<vmem>>
    %dma_wait3A_2450 = arith.constant 11648 : i32
    %dma_wait3A_2451 = tpu.memref_slice %arg7[%dma_wait3A_2450] : memref<12288xi32, #tpu.memory_space<vmem>> -> memref<128xi32, #tpu.memory_space<vmem>>
    %dma_wait3A_2452 = arith.constant 0 : i32
    %dma_wait3A_2453 = arith.constant 0 : i32
    %dma_wait3A_2454 = tpu.memref_slice %arg6[%dma_wait3A_2452, %dma_wait3A_2453] : memref<185x16xf32, #tpu.memory_space<vmem_shared>> -> memref<185x16xf32, #tpu.memory_space<vmem_shared>>
    tpu.wait_indirect_dma semaphore(%arg9 : memref<!tpu.dma_semaphore, #tpu.memory_space<semaphore_mem>>) src(%dma_wait3A_2454 : memref<185x16xf32, #tpu.memory_space<vmem_shared>>) dst(%dma_wait3A_2449 : memref<128x16xf32, #tpu.memory_space<vmem>>)
    %dma_wait3A_2455 = arith.constant 1 : i32
    %dma_wait3A_2456 = arith.constant 0 : i32
    %dma_wait3A_2457 = arith.constant 0 : i32
    %dma_wait3A_2458 = tpu.memref_slice %arg8[%dma_wait3A_2455, %dma_wait3A_2456, %dma_wait3A_2457] : memref<2x3072x16xf32, #tpu.memory_space<vmem>> -> memref<1x3072x16xf32, #tpu.memory_space<vmem>>
    %dma_wait3A_2459 = tpu.memref_squeeze %dma_wait3A_2458 : memref<1x3072x16xf32, #tpu.memory_space<vmem>> -> memref<3072x16xf32, #tpu.memory_space<vmem>>
    %dma_wait3A_2460 = arith.constant 2560 : i32
    %dma_wait3A_2461 = arith.constant 0 : i32
    %dma_wait3A_2462 = tpu.memref_slice %dma_wait3A_2459[%dma_wait3A_2460, %dma_wait3A_2461] : memref<3072x16xf32, #tpu.memory_space<vmem>> -> memref<128x16xf32, #tpu.memory_space<vmem>>
    %dma_wait3A_2463 = arith.constant 11776 : i32
    %dma_wait3A_2464 = tpu.memref_slice %arg7[%dma_wait3A_2463] : memref<12288xi32, #tpu.memory_space<vmem>> -> memref<128xi32, #tpu.memory_space<vmem>>
    %dma_wait3A_2465 = arith.constant 0 : i32
    %dma_wait3A_2466 = arith.constant 0 : i32
    %dma_wait3A_2467 = tpu.memref_slice %arg6[%dma_wait3A_2465, %dma_wait3A_2466] : memref<185x16xf32, #tpu.memory_space<vmem_shared>> -> memref<185x16xf32, #tpu.memory_space<vmem_shared>>
    tpu.wait_indirect_dma semaphore(%arg9 : memref<!tpu.dma_semaphore, #tpu.memory_space<semaphore_mem>>) src(%dma_wait3A_2467 : memref<185x16xf32, #tpu.memory_space<vmem_shared>>) dst(%dma_wait3A_2462 : memref<128x16xf32, #tpu.memory_space<vmem>>)
    %dma_wait3A_2468 = arith.constant 1 : i32
    %dma_wait3A_2469 = arith.constant 0 : i32
    %dma_wait3A_2470 = arith.constant 0 : i32
    %dma_wait3A_2471 = tpu.memref_slice %arg8[%dma_wait3A_2468, %dma_wait3A_2469, %dma_wait3A_2470] : memref<2x3072x16xf32, #tpu.memory_space<vmem>> -> memref<1x3072x16xf32, #tpu.memory_space<vmem>>
    %dma_wait3A_2472 = tpu.memref_squeeze %dma_wait3A_2471 : memref<1x3072x16xf32, #tpu.memory_space<vmem>> -> memref<3072x16xf32, #tpu.memory_space<vmem>>
    %dma_wait3A_2473 = arith.constant 2688 : i32
    %dma_wait3A_2474 = arith.constant 0 : i32
    %dma_wait3A_2475 = tpu.memref_slice %dma_wait3A_2472[%dma_wait3A_2473, %dma_wait3A_2474] : memref<3072x16xf32, #tpu.memory_space<vmem>> -> memref<128x16xf32, #tpu.memory_space<vmem>>
    %dma_wait3A_2476 = arith.constant 11904 : i32
    %dma_wait3A_2477 = tpu.memref_slice %arg7[%dma_wait3A_2476] : memref<12288xi32, #tpu.memory_space<vmem>> -> memref<128xi32, #tpu.memory_space<vmem>>
    %dma_wait3A_2478 = arith.constant 0 : i32
    %dma_wait3A_2479 = arith.constant 0 : i32
    %dma_wait3A_2480 = tpu.memref_slice %arg6[%dma_wait3A_2478, %dma_wait3A_2479] : memref<185x16xf32, #tpu.memory_space<vmem_shared>> -> memref<185x16xf32, #tpu.memory_space<vmem_shared>>
    tpu.wait_indirect_dma semaphore(%arg9 : memref<!tpu.dma_semaphore, #tpu.memory_space<semaphore_mem>>) src(%dma_wait3A_2480 : memref<185x16xf32, #tpu.memory_space<vmem_shared>>) dst(%dma_wait3A_2475 : memref<128x16xf32, #tpu.memory_space<vmem>>)
    %dma_wait3A_2481 = arith.constant 1 : i32
    %dma_wait3A_2482 = arith.constant 0 : i32
    %dma_wait3A_2483 = arith.constant 0 : i32
    %dma_wait3A_2484 = tpu.memref_slice %arg8[%dma_wait3A_2481, %dma_wait3A_2482, %dma_wait3A_2483] : memref<2x3072x16xf32, #tpu.memory_space<vmem>> -> memref<1x3072x16xf32, #tpu.memory_space<vmem>>
    %dma_wait3A_2485 = tpu.memref_squeeze %dma_wait3A_2484 : memref<1x3072x16xf32, #tpu.memory_space<vmem>> -> memref<3072x16xf32, #tpu.memory_space<vmem>>
    %dma_wait3A_2486 = arith.constant 2816 : i32
    %dma_wait3A_2487 = arith.constant 0 : i32
    %dma_wait3A_2488 = tpu.memref_slice %dma_wait3A_2485[%dma_wait3A_2486, %dma_wait3A_2487] : memref<3072x16xf32, #tpu.memory_space<vmem>> -> memref<128x16xf32, #tpu.memory_space<vmem>>
    %dma_wait3A_2489 = arith.constant 12032 : i32
    %dma_wait3A_2490 = tpu.memref_slice %arg7[%dma_wait3A_2489] : memref<12288xi32, #tpu.memory_space<vmem>> -> memref<128xi32, #tpu.memory_space<vmem>>
    %dma_wait3A_2491 = arith.constant 0 : i32
    %dma_wait3A_2492 = arith.constant 0 : i32
    %dma_wait3A_2493 = tpu.memref_slice %arg6[%dma_wait3A_2491, %dma_wait3A_2492] : memref<185x16xf32, #tpu.memory_space<vmem_shared>> -> memref<185x16xf32, #tpu.memory_space<vmem_shared>>
    tpu.wait_indirect_dma semaphore(%arg9 : memref<!tpu.dma_semaphore, #tpu.memory_space<semaphore_mem>>) src(%dma_wait3A_2493 : memref<185x16xf32, #tpu.memory_space<vmem_shared>>) dst(%dma_wait3A_2488 : memref<128x16xf32, #tpu.memory_space<vmem>>)
    %dma_wait3A_2494 = arith.constant 1 : i32
    %dma_wait3A_2495 = arith.constant 0 : i32
    %dma_wait3A_2496 = arith.constant 0 : i32
    %dma_wait3A_2497 = tpu.memref_slice %arg8[%dma_wait3A_2494, %dma_wait3A_2495, %dma_wait3A_2496] : memref<2x3072x16xf32, #tpu.memory_space<vmem>> -> memref<1x3072x16xf32, #tpu.memory_space<vmem>>
    %dma_wait3A_2498 = tpu.memref_squeeze %dma_wait3A_2497 : memref<1x3072x16xf32, #tpu.memory_space<vmem>> -> memref<3072x16xf32, #tpu.memory_space<vmem>>
    %dma_wait3A_2499 = arith.constant 2944 : i32
    %dma_wait3A_2500 = arith.constant 0 : i32
    %dma_wait3A_2501 = tpu.memref_slice %dma_wait3A_2498[%dma_wait3A_2499, %dma_wait3A_2500] : memref<3072x16xf32, #tpu.memory_space<vmem>> -> memref<128x16xf32, #tpu.memory_space<vmem>>
    %dma_wait3A_2502 = arith.constant 12160 : i32
    %dma_wait3A_2503 = tpu.memref_slice %arg7[%dma_wait3A_2502] : memref<12288xi32, #tpu.memory_space<vmem>> -> memref<128xi32, #tpu.memory_space<vmem>>
    %dma_wait3A_2504 = arith.constant 0 : i32
    %dma_wait3A_2505 = arith.constant 0 : i32
    %dma_wait3A_2506 = tpu.memref_slice %arg6[%dma_wait3A_2504, %dma_wait3A_2505] : memref<185x16xf32, #tpu.memory_space<vmem_shared>> -> memref<185x16xf32, #tpu.memory_space<vmem_shared>>
    tpu.wait_indirect_dma semaphore(%arg9 : memref<!tpu.dma_semaphore, #tpu.memory_space<semaphore_mem>>) src(%dma_wait3A_2506 : memref<185x16xf32, #tpu.memory_space<vmem_shared>>) dst(%dma_wait3A_2501 : memref<128x16xf32, #tpu.memory_space<vmem>>)
    %add3A_2507 = arith.constant 9216 : i32
    %add3A_2508 = arith.addi %mul3A_2, %add3A_2507 : i32
    %run_scoped3A_2509 = arith.constant 1 : i32
    "tpu.region"() ({
      %run_scoped3A_2510 = tpu.sem_alloc : memref<!tpu.dma_semaphore, #tpu.memory_space<semaphore_mem>>
      %dma_start3A_2511 = arith.constant 0 : i32
      %dma_start3A_2512 = arith.constant 0 : i32
      %dma_start3A_2513 = tpu.memref_slice %arg8[%run_scoped3A_2509, %dma_start3A_2511, %dma_start3A_2512] : memref<2x3072x16xf32, #tpu.memory_space<vmem>> -> memref<1x3072x16xf32, #tpu.memory_space<vmem>>
      %dma_start3A_2514 = tpu.memref_squeeze %dma_start3A_2513 : memref<1x3072x16xf32, #tpu.memory_space<vmem>> -> memref<3072x16xf32, #tpu.memory_space<vmem>>
      %dma_start3A_2515 = arith.constant 0 : i32
      %dma_start3A_2516 = tpu.memref_slice %arg4[%add3A_2508, %dma_start3A_2515] : memref<393216x16xf32, #tpu.memory_space<hbm>> -> memref<3072x16xf32, #tpu.memory_space<hbm>>
      %dma_start3A_2517 = arith.constant 0 : i32
      %dma_start3A_2518 = tpu.memref_slice %arg4[%add3A_2508, %dma_start3A_2517] : memref<393216x16xf32, #tpu.memory_space<hbm>> -> memref<3072x16xf32, #tpu.memory_space<hbm>>
      %dma_start3A_2519 = arith.constant 0 : i32
      %dma_start3A_2520 = arith.constant 0 : i32
      %dma_start3A_2521 = tpu.memref_slice %arg8[%run_scoped3A_2509, %dma_start3A_2519, %dma_start3A_2520] : memref<2x3072x16xf32, #tpu.memory_space<vmem>> -> memref<1x3072x16xf32, #tpu.memory_space<vmem>>
      %dma_start3A_2522 = tpu.memref_squeeze %dma_start3A_2521 : memref<1x3072x16xf32, #tpu.memory_space<vmem>> -> memref<3072x16xf32, #tpu.memory_space<vmem>>
      tpu.enqueue_dma source(%dma_start3A_2522 : memref<3072x16xf32, #tpu.memory_space<vmem>>) target(%dma_start3A_2518 : memref<3072x16xf32, #tpu.memory_space<hbm>>) target_semaphore(%run_scoped3A_2510 : memref<!tpu.dma_semaphore, #tpu.memory_space<semaphore_mem>>)
      %dma_wait3A_2523 = arith.constant 0 : i32
      %dma_wait3A_2524 = arith.constant 0 : i32
      %dma_wait3A_2525 = tpu.memref_slice %arg8[%run_scoped3A_2509, %dma_wait3A_2523, %dma_wait3A_2524] : memref<2x3072x16xf32, #tpu.memory_space<vmem>> -> memref<1x3072x16xf32, #tpu.memory_space<vmem>>
      %dma_wait3A_2526 = tpu.memref_squeeze %dma_wait3A_2525 : memref<1x3072x16xf32, #tpu.memory_space<vmem>> -> memref<3072x16xf32, #tpu.memory_space<vmem>>
      %dma_wait3A_2527 = arith.constant 0 : i32
      %dma_wait3A_2528 = tpu.memref_slice %arg4[%add3A_2508, %dma_wait3A_2527] : memref<393216x16xf32, #tpu.memory_space<hbm>> -> memref<3072x16xf32, #tpu.memory_space<hbm>>
      %dma_wait3A_2529 = arith.constant 0 : i32
      %dma_wait3A_2530 = tpu.memref_slice %arg4[%add3A_2508, %dma_wait3A_2529] : memref<393216x16xf32, #tpu.memory_space<hbm>> -> memref<3072x16xf32, #tpu.memory_space<hbm>>
      %dma_wait3A_2531 = arith.constant 0 : i32
      %dma_wait3A_2532 = arith.constant 0 : i32
      %dma_wait3A_2533 = tpu.memref_slice %arg8[%run_scoped3A_2509, %dma_wait3A_2531, %dma_wait3A_2532] : memref<2x3072x16xf32, #tpu.memory_space<vmem>> -> memref<1x3072x16xf32, #tpu.memory_space<vmem>>
      %dma_wait3A_2534 = tpu.memref_squeeze %dma_wait3A_2533 : memref<1x3072x16xf32, #tpu.memory_space<vmem>> -> memref<3072x16xf32, #tpu.memory_space<vmem>>
      tpu.wait_dma2 semaphore(%run_scoped3A_2510 : memref<!tpu.dma_semaphore, #tpu.memory_space<semaphore_mem>>) src(%dma_wait3A_2534 : memref<3072x16xf32, #tpu.memory_space<vmem>>) dst(%dma_wait3A_2530 : memref<3072x16xf32, #tpu.memory_space<hbm>>)
      tpu.yield
    }) : () -> ()
    return
  }
}

module attributes {stable_mosaic.version = 14 : i64} {
  func.func @body(%arg0: i32, %arg1: memref<1024x128xf32, #tpu.memory_space<vmem>>, %arg2: memref<1024x128xf32, #tpu.memory_space<vmem>>, %arg3: memref<1024x128xf32, #tpu.memory_space<vmem>>, %arg4: memref<384x256xf32, #tpu.memory_space<vmem>>, %arg5: memref<1x256xf32, #tpu.memory_space<vmem>>, %arg6: memref<256x256xf32, #tpu.memory_space<vmem>>, %arg7: memref<1x256xf32, #tpu.memory_space<vmem>>, %arg8: memref<256x64xf32, #tpu.memory_space<vmem>>, %arg9: memref<1x64xf32, #tpu.memory_space<vmem>>, %arg10: memref<1024x64xf32, #tpu.memory_space<vmem>>) attributes {dimension_semantics = [#tpu.dimension_semantics<arbitrary>], iteration_bounds = array<i64: 16>, scalar_prefetch = 0 : i64, scratch_operands = 0 : i64, tpu.core_type = #tpu.core_type<tc>, window_params = [{transform_indices = @transform_0, window_bounds = array<i64: 1024, 128>}, {transform_indices = @transform_1, window_bounds = array<i64: 1024, 128>}, {transform_indices = @transform_2, window_bounds = array<i64: 1024, 128>}, {pipeline_mode = #tpu.pipeline_mode<synchronous>, transform_indices = @transform_3, window_bounds = array<i64: 384, 256>}, {pipeline_mode = #tpu.pipeline_mode<synchronous>, transform_indices = @transform_4, window_bounds = array<i64: 1, 256>}, {pipeline_mode = #tpu.pipeline_mode<synchronous>, transform_indices = @transform_5, window_bounds = array<i64: 256, 256>}, {pipeline_mode = #tpu.pipeline_mode<synchronous>, transform_indices = @transform_6, window_bounds = array<i64: 1, 256>}, {pipeline_mode = #tpu.pipeline_mode<synchronous>, transform_indices = @transform_7, window_bounds = array<i64: 256, 64>}, {pipeline_mode = #tpu.pipeline_mode<synchronous>, transform_indices = @transform_8, window_bounds = array<i64: 1, 64>}, {transform_indices = @transform_9, window_bounds = array<i64: 1024, 64>}]} {
    %get3A = arith.constant 0 : index
    %get3A_0 = arith.constant 0 : index
    %get3A_1 = vector.load %arg5[%get3A, %get3A_0] : memref<1x256xf32, #tpu.memory_space<vmem>>, vector<1x256xf32>
    %get3A_2 = arith.constant 0 : index
    %get3A_3 = arith.constant 0 : index
    %get3A_4 = vector.load %arg1[%get3A_2, %get3A_3] : memref<1024x128xf32, #tpu.memory_space<vmem>>, vector<1024x128xf32>
    %get3A_5 = arith.constant 0 : index
    %get3A_6 = arith.constant 0 : index
    %get3A_7 = vector.load %arg4[%get3A_5, %get3A_6] : memref<384x256xf32, #tpu.memory_space<vmem>>, vector<128x256xf32>
    %dot_general3A = arith.constant dense<0.000000e+00> : vector<1024x256xf32>
    %dot_general3A_8 = tpu.matmul %get3A_4, %get3A_7, %dot_general3A {dimension_numbers = #tpu.dot_dimension_numbers<[1], [0], [0], [1], [0, 0, 1, 1], [], []>, transpose_lhs_hint = false} : vector<1024x128xf32>, vector<128x256xf32>, vector<1024x256xf32> -> vector<1024x256xf32>
    %add3A = vector.broadcast %get3A_1 : vector<1x256xf32> to vector<1024x256xf32>
    %add3A_9 = arith.addf %add3A, %dot_general3A_8 : vector<1024x256xf32>
    %get3A_10 = arith.constant 0 : index
    %get3A_11 = arith.constant 0 : index
    %get3A_12 = vector.load %arg2[%get3A_10, %get3A_11] : memref<1024x128xf32, #tpu.memory_space<vmem>>, vector<1024x128xf32>
    %get3A_13 = arith.constant 128 : index
    %get3A_14 = arith.constant 0 : index
    %get3A_15 = vector.load %arg4[%get3A_13, %get3A_14] : memref<384x256xf32, #tpu.memory_space<vmem>>, vector<128x256xf32>
    %dot_general3A_16 = arith.constant dense<0.000000e+00> : vector<1024x256xf32>
    %dot_general3A_17 = tpu.matmul %get3A_12, %get3A_15, %dot_general3A_16 {dimension_numbers = #tpu.dot_dimension_numbers<[1], [0], [0], [1], [0, 0, 1, 1], [], []>, transpose_lhs_hint = false} : vector<1024x128xf32>, vector<128x256xf32>, vector<1024x256xf32> -> vector<1024x256xf32>
    %add3A_18 = arith.addf %add3A_9, %dot_general3A_17 : vector<1024x256xf32>
    %get3A_19 = arith.constant 0 : index
    %get3A_20 = arith.constant 0 : index
    %get3A_21 = vector.load %arg3[%get3A_19, %get3A_20] : memref<1024x128xf32, #tpu.memory_space<vmem>>, vector<1024x128xf32>
    %get3A_22 = arith.constant 256 : index
    %get3A_23 = arith.constant 0 : index
    %get3A_24 = vector.load %arg4[%get3A_22, %get3A_23] : memref<384x256xf32, #tpu.memory_space<vmem>>, vector<128x256xf32>
    %dot_general3A_25 = arith.constant dense<0.000000e+00> : vector<1024x256xf32>
    %dot_general3A_26 = tpu.matmul %get3A_21, %get3A_24, %dot_general3A_25 {dimension_numbers = #tpu.dot_dimension_numbers<[1], [0], [0], [1], [0, 0, 1, 1], [], []>, transpose_lhs_hint = false} : vector<1024x128xf32>, vector<128x256xf32>, vector<1024x256xf32> -> vector<1024x256xf32>
    %add3A_27 = arith.addf %add3A_18, %dot_general3A_26 : vector<1024x256xf32>
    %max3A = arith.constant 0.000000e+00 : f32
    %max3A_28 = vector.broadcast %max3A : f32 to vector<1024x256xf32>
    %max3A_29 = arith.maximumf %add3A_27, %max3A_28 : vector<1024x256xf32>
    %get3A_30 = arith.constant 0 : index
    %get3A_31 = arith.constant 0 : index
    %get3A_32 = vector.load %arg6[%get3A_30, %get3A_31] : memref<256x256xf32, #tpu.memory_space<vmem>>, vector<256x256xf32>
    %dot_general3A_33 = arith.constant dense<0.000000e+00> : vector<1024x256xf32>
    %dot_general3A_34 = tpu.matmul %max3A_29, %get3A_32, %dot_general3A_33 {dimension_numbers = #tpu.dot_dimension_numbers<[1], [0], [0], [1], [0, 0, 1, 1], [], []>, transpose_lhs_hint = false} : vector<1024x256xf32>, vector<256x256xf32>, vector<1024x256xf32> -> vector<1024x256xf32>
    %get3A_35 = arith.constant 0 : index
    %get3A_36 = arith.constant 0 : index
    %get3A_37 = vector.load %arg7[%get3A_35, %get3A_36] : memref<1x256xf32, #tpu.memory_space<vmem>>, vector<1x256xf32>
    %add3A_38 = vector.broadcast %get3A_37 : vector<1x256xf32> to vector<1024x256xf32>
    %add3A_39 = arith.addf %dot_general3A_34, %add3A_38 : vector<1024x256xf32>
    %max3A_40 = arith.constant 0.000000e+00 : f32
    %max3A_41 = vector.broadcast %max3A_40 : f32 to vector<1024x256xf32>
    %max3A_42 = arith.maximumf %add3A_39, %max3A_41 : vector<1024x256xf32>
    %get3A_43 = arith.constant 0 : index
    %get3A_44 = arith.constant 0 : index
    %get3A_45 = vector.load %arg8[%get3A_43, %get3A_44] : memref<256x64xf32, #tpu.memory_space<vmem>>, vector<256x64xf32>
    %dot_general3A_46 = arith.constant dense<0.000000e+00> : vector<1024x64xf32>
    %dot_general3A_47 = tpu.matmul %max3A_42, %get3A_45, %dot_general3A_46 {dimension_numbers = #tpu.dot_dimension_numbers<[1], [0], [0], [1], [0, 0, 1, 1], [], []>, transpose_lhs_hint = false} : vector<1024x256xf32>, vector<256x64xf32>, vector<1024x64xf32> -> vector<1024x64xf32>
    %get3A_48 = arith.constant 0 : index
    %get3A_49 = arith.constant 0 : index
    %get3A_50 = vector.load %arg9[%get3A_48, %get3A_49] : memref<1x64xf32, #tpu.memory_space<vmem>>, vector<1x64xf32>
    %add3A_51 = vector.broadcast %get3A_50 : vector<1x64xf32> to vector<1024x64xf32>
    %add3A_52 = arith.addf %dot_general3A_47, %add3A_51 : vector<1024x64xf32>
    %reduce_max3A = arith.constant dense<0xFF800000> : vector<1024xf32>
    %reduce_max3A_53 = vector.multi_reduction <maximumf>, %add3A_52, %reduce_max3A [1] : vector<1024x64xf32> to vector<1024xf32>
    %broadcast_in_dim3A = vector.shape_cast %reduce_max3A_53 : vector<1024xf32> to vector<1024x1xf32>
    %sub3A = vector.broadcast %broadcast_in_dim3A : vector<1024x1xf32> to vector<1024x64xf32>
    %sub3A_54 = arith.subf %add3A_52, %sub3A : vector<1024x64xf32>
    %exp3A = math.exp %sub3A_54 : vector<1024x64xf32>
    %reduce_sum3A = arith.constant dense<0.000000e+00> : vector<1024xf32>
    %reduce_sum3A_55 = vector.multi_reduction <add>, %exp3A, %reduce_sum3A [1] : vector<1024x64xf32> to vector<1024xf32>
    %broadcast_in_dim3A_56 = vector.shape_cast %reduce_sum3A_55 : vector<1024xf32> to vector<1024x1xf32>
    %div3A = vector.broadcast %broadcast_in_dim3A_56 : vector<1024x1xf32> to vector<1024x64xf32>
    %div3A_57 = arith.divf %exp3A, %div3A : vector<1024x64xf32>
    %swap3A = arith.constant 0 : index
    %swap3A_58 = arith.constant 0 : index
    %swap3A_59 = vector.load %arg10[%swap3A, %swap3A_58] : memref<1024x64xf32, #tpu.memory_space<vmem>>, vector<1024x64xf32>
    tpu.vector_store %arg10[%swap3A, %swap3A_58], %div3A_57 {strides = array<i32>} : memref<1024x64xf32, #tpu.memory_space<vmem>>, vector<1024x64xf32>,
    return
  }
  func.func @transform_0(%arg0: i32) -> (i32, i32) {
    %c0_i32 = arith.constant 0 : i32
    %c0_i32_0 = arith.constant 0 : i32
    return %arg0, %c0_i32 : i32, i32
  }
  func.func @transform_1(%arg0: i32) -> (i32, i32) {
    %add3A = arith.constant 16 : i32
    %add3A_0 = arith.addi %arg0, %add3A : i32
    %c0_i32 = arith.constant 0 : i32
    %c0_i32_1 = arith.constant 0 : i32
    return %add3A_0, %c0_i32 : i32, i32
  }
  func.func @transform_2(%arg0: i32) -> (i32, i32) {
    %add3A = arith.constant 32 : i32
    %add3A_0 = arith.addi %arg0, %add3A : i32
    %c0_i32 = arith.constant 0 : i32
    %c0_i32_1 = arith.constant 0 : i32
    return %add3A_0, %c0_i32 : i32, i32
  }
  func.func @transform_3(%arg0: i32) -> (i32, i32) {
    %c0_i32 = arith.constant 0 : i32
    %c0_i32_0 = arith.constant 0 : i32
    %c0_i32_1 = arith.constant 0 : i32
    return %c0_i32, %c0_i32_0 : i32, i32
  }
  func.func @transform_4(%arg0: i32) -> (i32, i32) {
    %c0_i32 = arith.constant 0 : i32
    %c0_i32_0 = arith.constant 0 : i32
    %c0_i32_1 = arith.constant 0 : i32
    return %c0_i32, %c0_i32_0 : i32, i32
  }
  func.func @transform_5(%arg0: i32) -> (i32, i32) {
    %c0_i32 = arith.constant 0 : i32
    %c0_i32_0 = arith.constant 0 : i32
    %c0_i32_1 = arith.constant 0 : i32
    return %c0_i32, %c0_i32_0 : i32, i32
  }
  func.func @transform_6(%arg0: i32) -> (i32, i32) {
    %c0_i32 = arith.constant 0 : i32
    %c0_i32_0 = arith.constant 0 : i32
    %c0_i32_1 = arith.constant 0 : i32
    return %c0_i32, %c0_i32_0 : i32, i32
  }
  func.func @transform_7(%arg0: i32) -> (i32, i32) {
    %c0_i32 = arith.constant 0 : i32
    %c0_i32_0 = arith.constant 0 : i32
    %c0_i32_1 = arith.constant 0 : i32
    return %c0_i32, %c0_i32_0 : i32, i32
  }
  func.func @transform_8(%arg0: i32) -> (i32, i32) {
    %c0_i32 = arith.constant 0 : i32
    %c0_i32_0 = arith.constant 0 : i32
    %c0_i32_1 = arith.constant 0 : i32
    return %c0_i32, %c0_i32_0 : i32, i32
  }
  func.func @transform_9(%arg0: i32) -> (i32, i32) {
    %c0_i32 = arith.constant 0 : i32
    %c0_i32_0 = arith.constant 0 : i32
    return %arg0, %c0_i32 : i32, i32
  }
}

</mosaic_0001>

<sc_bundles>
// kernel: kernel.4.cloned.1.call-start
scs
__scs_entry_jumppad:
0x0: {  	(pc) =	sbr.rel $0x88, $3  }
0x1: {  	(tag) =	ssettag $0x0;
	lr =	simm.s32 $0x1  }
0x2: {  	[smem:$0x3F98] =	sst lr;
	_ =	strace $0xD0000000  }
0x3: {  	_ = 	snop  }
0x4: {  	_ = 	snop  }
0x5: {  	_ = 	snop  }
0x6: {  	_ = 	snop  }
0x7: {  	_ = 	snop  }
__scs_overlays_trampoline_lowered:
0x8: {  	[smem:$0x3FA7] =	sst s0  }
0x9: {  	[smem:$0x3FA8] =	sst s1  }
0xa: {  	[smem:$0x3FA9] =	sst s2  }
0xb: {  	[smem:$0x3FAA] =	sst s3  }
0xc: {  	[smem:$0x3FAB] =	sst s4  }
0xd: {  	[smem:$0x3FAC] =	sst s5  }
0xe: {  	[smem:$0x3FAD] =	sst s6  }
0xf: {  	[smem:$0x3FAE] =	sst s7  }
0x10: {  	[smem:$0x3FAF] =	sst s8  }
0x11: {  	[smem:$0x3FB0] =	sst s9;
	s0 =	simm.s32 @!p0 $0x0  }
0x12: {  	s1 =	sld [smem:$0x3F96];
	s0 =	simm.s32 @p0 $0x1  }
0x13: {  	[smem:$0x3FB1] =	sst s0;
	s0 =	simm.s32 @!p1 $0x0  }
0x14: {  	s2 =	sld [smem:$0x3F95];
	s0 =	simm.s32 @p1 $0x1  }
0x15: {  	[smem:$0x3FB2] =	sst s0;
	s0 =	simm.s32 @!p2 $0x0  }
0x16: {  	s3 =	sld [smem:$0x3FDB];
	s0 =	simm.s32 @p2 $0x1  }
0x17: {  	s4 =	simm.s32 $0x1BF5;
	[smem:$0x3FB4] =	sst s0  }
0x18: {  	s0 =	sld [smem:$0x3F97];
	_ =	swait.ge [sflag:s4], $0x0  }
0x19: {  	s7 =	sld [smem:$0x3F98]  }
0x1a: {  	s8 =	sadd.s32 $0xFFFFE003, lr  }
0x1b: {  	s9 =	sadd.s32 $0xFFFFFEF7, lr;
	s5 =	simm.s32 $0xFFFFFFFF;
	p2 =	slt.u32 s8, $0xFFFFF086  }
0x1c: {  	p1 =	slt.u32 s9, $0xF7A;
	s5 =	simm.s32 @!p2 $0x0  }
0x1d: {  	s5 =	simm.s32 @p1 $0x1;
	p0 =	seq.s32 s7, s2  }
0x1e: {  	s7 =	smul.u32 @!p0 $0xF7A, s2;
	p2 =	seq.s32 @!p0 s5, $0x0  }
0x1f: {  	s9 =	smul.u32 $0xF7A, s1;
	s8 =	simm.s32 @!p0 $0x1BF5;
	p2 =	por !p2, p0  }
0x20: {  	[sflag:s8] =	ssyncset.s32 @!p0 $0xFFFFF086;
	s6 =	sadd.s32 @!p0 s3, s7;
	s7 =	simm.s32 @!p0 $0x108  }
0x21: {  	s3 =	sadd.s32 s3, s9;
	s6 =	sadd.s32 @!p0 $0x88, s6;
	s7 =	simm.s32 @p2 $0x1082  }
0x22: {  	[simem:s7], [sflag:s8] =	dma.local @!p0 [hbm:s6], $0xF7A  }
0x23: {  	s9 =	sor.u32 $0xD0000000, s2;
	s6 =	simm.s32 $0x108;
	_ =	swait.ge @!p0 [sflag:s8], $0x0  }
0x24: {  	s3 =	sadd.s32 $0x88, s3;
	s6 =	simm.s32 @!p1 $0x1082;
	[sflag:s4] =	ssyncset.s32 $0xFFFFF086  }
0x25: {  	[simem:s6], [sflag:s4] =	dma.local [hbm:s3], $0xF7A  }
0x26: {  	[smem:$0x3F98] =	sst s1;
	(tag) =	ssettag s2;
	_ =	strace s9  }
0x27: {  	s1 =	sld [smem:$0x3FA8]  }
0x28: {  	s2 =	sld [smem:$0x3FA9]  }
0x29: {  	s4 =	sld [smem:$0x3FAB]  }
0x2a: {  	p0 =	seq.s32 s5, $0x0;
	s5 =	sld [smem:$0x3FAC]  }
0x2b: {  	s6 =	sld [smem:$0x3FAD]  }
0x2c: {  	s7 =	sld [smem:$0x3FAE]  }
0x2d: {  	s3 =	simm.s32 $0x108;
	s8 =	sld [smem:$0x3FAF]  }
0x2e: {  	s3 =	simm.s32 @!p0 $0x1082;
	s9 =	sld [smem:$0x3FB0]  }
0x2f: {  	lr =	sadd.s32 s0, s3;
	s0 =	sld [smem:$0x3FA7]  }
0x30: {  	s3 =	sld [smem:$0x3FAA]  }
0x31: {  	[smem:$0x3FB3] =	sst s10  }
0x32: {  	s10 =	sld [smem:$0x3FB1];
	_ =	sdelay $0x3  }
0x33: {  	p0 =	seq.s32 s10, $0x1;
	s10 =	sld [smem:$0x3FB3];
	_ =	sdelay $0x3  }
0x34: {  	[smem:$0x3FB3] =	sst s10  }
0x35: {  	s10 =	sld [smem:$0x3FB2];
	_ =	sdelay $0x3  }
0x36: {  	p1 =	seq.s32 s10, $0x1;
	s10 =	sld [smem:$0x3FB3];
	_ =	sdelay $0x3  }
0x37: {  	[smem:$0x3FB3] =	sst s10  }
0x38: {  	s10 =	sld [smem:$0x3FB4]  }
0x39: {  	_ = 	snop;
	(pc) =	sbr.ind lr, $3  }
0x3a: {  	_ = 	snop  }
0x3b: {  	_ = 	snop  }
0x3c: {  	p2 =	seq.s32 s10, $0x1;
	s10 =	sld [smem:$0x3FB3]  }
0x3d: {  	_ =	shalt  }
0x3e: {  	_ =	shalt  }
0x3f: {  	_ =	shalt  }
0x40: {  	_ =	shalt  }
0x41: {  	_ =	shalt  }
0x42: {  	_ =	shalt  }
0x43: {  	_ =	shalt  }
0x44: {  	_ =	shalt  }
0x45: {  	_ =	shalt  }
0x46: {  	_ =	shalt  }
0x47: {  	_ =	shalt  }
0x48: {  	_ =	shalt  }
0x49: {  	_ =	shalt  }
0x4a: {  	_ =	shalt  }
0x4b: {  	_ =	shalt  }
0x4c: {  	_ =	shalt  }
0x4d: {  	_ =	shalt  }
0x4e: {  	_ =	shalt  }
0x4f: {  	_ =	shalt  }
0x50: {  	_ =	shalt  }
0x51: {  	_ =	shalt  }
0x52: {  	_ =	shalt  }
0x53: {  	_ =	shalt  }
0x54: {  	_ =	shalt  }
0x55: {  	_ =	shalt  }
0x56: {  	_ =	shalt  }
0x57: {  	_ =	shalt  }
0x58: {  	_ =	shalt  }
0x59: {  	_ =	shalt  }
0x5a: {  	_ =	shalt  }
0x5b: {  	_ =	shalt  }
0x5c: {  	_ =	shalt  }
0x5d: {  	_ =	shalt  }
0x5e: {  	_ =	shalt  }
0x5f: {  	_ =	shalt  }
0x60: {  	_ =	shalt  }
0x61: {  	_ =	shalt  }
0x62: {  	_ =	shalt  }
0x63: {  	_ =	shalt  }
0x64: {  	_ =	shalt  }
0x65: {  	_ =	shalt  }
0x66: {  	_ =	shalt  }
0x67: {  	_ =	shalt  }
0x68: {  	_ =	shalt  }
0x69: {  	_ =	shalt  }
0x6a: {  	_ =	shalt  }
0x6b: {  	_ =	shalt  }
0x6c: {  	_ =	shalt  }
0x6d: {  	_ =	shalt  }
0x6e: {  	_ =	shalt  }
0x6f: {  	_ =	shalt  }
0x70: {  	_ =	shalt  }
0x71: {  	_ =	shalt  }
0x72: {  	_ =	shalt  }
0x73: {  	_ =	shalt  }
0x74: {  	_ =	shalt  }
0x75: {  	_ =	shalt  }
0x76: {  	_ =	shalt  }
0x77: {  	_ =	shalt  }
0x78: {  	_ =	shalt  }
0x79: {  	_ =	shalt  }
0x7a: {  	_ =	shalt  }
0x7b: {  	_ =	shalt  }
0x7c: {  	_ =	shalt  }
0x7d: {  	_ =	shalt  }
0x7e: {  	_ =	shalt  }
0x7f: {  	_ =	shalt  }
0x80: {  	_ =	shalt  }
0x81: {  	_ =	shalt  }
0x82: {  	_ =	shalt  }
0x83: {  	_ =	shalt  }
0x84: {  	_ =	shalt  }
0x85: {  	_ =	shalt  }
0x86: {  	_ =	shalt  }
0x87: {  	_ =	shalt  }
.Lfunc_end0:
.L_simem_size_0:
called_computation_lowered:
.L_overlay_start_0:
0x88: {  	s2 =	sld [smem:$0x3FD9]  }
0x89: {  	s3 =	sld [smem:$0x3FFE];
	_ =	sdelay $0x1  }
0x8a: {  	s1 =	srdreg.scid  }
0x8b: {  	s0 =	sand.u32 $0x1, s1  }
0x8c: {  	s17 =	sshll.u32 s0, $0xA;
	s2 =	sadd.s32 s3, s2  }
0x8d: {  	s2 =	sadd.s32 s2, s17  }
0x8e: {  	[smem:$0x3FBF] =	sst s2  }
0x8f: {  	_ = 	snop  }
0x90: {  	s2 =	sld [smem:$0x3FD0];
	(tm) =	ssettm $0x1  }
0x91: {  	s18 =	sld [smem:$0x3FFB];
	_ =	sdelay $0x3  }
0x92: {  	_ =	strace s18  }
0x93: {  	s3 =	sld [smem:$0x3FFC];
	_ =	sdelay $0x3  }
0x94: {  	_ =	strace s3  }
0x95: {  	s3 =	sld [smem:$0x3FFD];
	_ =	sdelay $0x3  }
0x96: {  	_ =	strace s3  }
0x97: {  	_ =	strace $0x8FFFFFFF  }
0x98: {  	s19 =	sld [smem:$0x3FDB];
	_ =	sdelay $0x1  }
0x99: {  	s4 =	simm.s32 $_scs_section_size  }
0x9a: {  	s5 =	simm.s32 $_size__tile_overlayer_lowered;
	s6 =	simm.s32 $_tile_overlayer_lowered  }
0x9b: {  	s22 =	simm.s32 $0x1BFF;
	s21 =	sshll.u32 s6, $0x1;
	s3 =	sadd.s32 s4, s19  }
0x9c: {  	s7 =	simm.s32 $0x0;
	s20 =	sshll.u32 s5, $0x1;
	s5 =	sadd.s32 s21, s3  }
0x9d: {  	[timem:s7], [sflag:s22] =	dma.local [hbm:s5], s20  }
0x9e: {  	_ =	swait.ge [sflag:s22], s20  }
0x9f: {  	s4 =	ssub.s32 $0x0, s20;
	[sflag:s22] =	ssyncset.done $0x0  }
0xa0: {  	[sflag:s22] =	ssyncadd.s32 s4;
	_ =	sdelay $0x1  }
0xa1: {  	s23 =	simm.s32 $0x1B8B  }
0xa2: {  	_ =	swait.ge [sflag:s23], $0x1  }
0xa3: {  	[sflag:s23] =	ssyncset.done $0x0  }
0xa4: {  	s25 =	simm.s32 $0x1B8E;
	s24 =	sld [smem:$0x3FFE];
	[sflag:s23] =	ssyncadd.s32 $0xFFFFFFFF  }
0xa5: {  	s26 =	simm.s32 $execute0_lowered;
	[smem:$0x3FD2] =	sst s25  }
0xa6: {  	s5 =	sshll.u32 s26, $0x1;
	_ =	strace $0x80000046;
	[dreg:$0x1] =	wrdreg $0xFFFFFFFF  }
0xa7: {  	s28 =	simm.s32 $_size_execute0_lowered;
	s3 =	sadd.s32 s3, s5;
	[dreg:$0x0] =	wrdreg $0x0  }
0xa8: {  	s5 =	sshll.u32 s28, $0x1;
	[dreg:$0x2] =	wrdreg s3  }
0xa9: {  	[dreg:$0x3] =	wrdreg s5  }
0xaa: {  	[dreg:$0x4] =	wrdreg $0xC0  }
0xab: {  	_ =	task [dreg:s7], $0x5FFFF  }
0xac: {  	[dreg:$0x1] =	wrdreg $0xFFFFFFFF  }
0xad: {  	[dreg:$0x0] =	wrdreg $0x60  }
0xae: {  	[dreg:$0x2] =	wrdreg s24  }
0xaf: {  	[dreg:$0x3] =	wrdreg s2  }
0xb0: {  	[dreg:$0x4] =	wrdreg $0xB900  }
0xb1: {  	[dreg:$0x5] =	wrdreg $0x9  }
0xb2: {  	_ =	task.clear_ibuf [dreg:s7], $0x6FFFF;
	_ =	strace $0x90000046  }
0xb3: {  	s29 =	simm.s32 $0x9;
	_ =	strace $0x80000048  }
0xb4: {  	_ =	swait.ge [sflag:s29], $0x1  }
0xb5: {  	[sflag:s29] =	ssyncadd.s32 $0xFFFFFFFF  }
0xb6: {  	_ =	strace $0x90000048  }
0xb7: {  	_ =	sfence  }
0xb8: {  	s30 =	sld [smem:$0x0];
	_ =	sdelay $0x2  }
0xb9: {  	s31 =	sshll.u32 s1, $0xD;
	s1 =	sshrl.u32 s1, $0x2  }
0xba: {  	s3 =	sand.u32 $0x4000, s31;
	s1 =	sadd.s32 s1, s30  }
0xbb: {  	s0 =	sor.u32 s3, s0;
	s1 =	sshll.u32 s1, $0x11  }
0xbc: {  	s0 =	sor.u32 s1, s0  }
0xbd: {  	s0 =	sadd.s32 $0x8F2B, s0  }
0xbe: {  	[sflag:s0] =	ssyncadd.remote.s32 $0x1  }
0xbf: {  	_ =	sfence.sel $0xFFFF  }
0xc0: {  	[dreg:$0x0] =	wrdreg $0xFFFFFFFF;
	(pc) =	sbr.abs _section_cstart, $3  }
0xc1: {  	[dreg:$0x1] =	wrdreg $0xFFFFFFFF  }
0xc2: {  	_ =	task.clear_ibuf [dreg:s7], $0x2FFFF;
	_ =	strace $0x9FFFFFFF  }
0xc3: {  	(tm) =	ssettm $0x7FFFFFFF  }
tec
execute0_lowered:
.L_overlay_start_1:
0x0: {  	(tag) =	ssettag $0x1  }
0x1: {  	s4 =	rddreg [dreg:$0x0]  }
0x2: {  	s5 =	rddreg [dreg:$0x1]  }
0x3: {  	s2 =	rddreg [dreg:$0x2];
	s13 =	simm.s32 $0x0  }
0x4: {  	[smem:$0x7FF] =	sst s13;
	s9 =	sadd.s32 $0x1000, s4  }
0x5: {  	s11 =	simm.s32 $0xCD0;
	_ =	strace $0x80000047;
	[dreg:$0x4] =	wrdreg s9  }
0x6: {  	s12 =	simm.s32 $0xD50;
	[dreg:$0x9] =	wrdreg s11  }
0x7: {  	s14 =	simm.s32 $0xDD0;
	[dreg:$0xa] =	wrdreg s12  }
0x8: {  	s15 =	simm.s32 $0xE50;
	[dreg:$0xb] =	wrdreg s14  }
0x9: {  	s16 =	simm.s32 $0xED0;
	[dreg:$0xc] =	wrdreg s15  }
0xa: {  	s17 =	simm.s32 $0xF50;
	[dreg:$0xd] =	wrdreg s16  }
0xb: {  	s18 =	simm.s32 $0xFD0;
	[dreg:$0xe] =	wrdreg s17  }
0xc: {  	s19 =	simm.s32 $0x1050;
	[dreg:$0xf] =	wrdreg s18  }
0xd: {  	s20 =	simm.s32 $0x10D0;
	[dreg:$0x10] =	wrdreg s19  }
0xe: {  	s21 =	simm.s32 $0x1150;
	[dreg:$0x11] =	wrdreg s20  }
0xf: {  	s22 =	simm.s32 $0x11D0;
	[dreg:$0x12] =	wrdreg s21  }
0x10: {  	s23 =	simm.s32 $0x1250;
	[dreg:$0x13] =	wrdreg s22  }
0x11: {  	s1 =	srdreg.scid;
	s24 =	simm.s32 $0x12D0;
	[dreg:$0x14] =	wrdreg s23  }
0x12: {  	s0 =	stileid.u32;
	s25 =	simm.s32 $0x1350;
	[dreg:$0x15] =	wrdreg s24  }
0x13: {  	s26 =	simm.s32 $0x13D0;
	s3 =	sand.u32 $0x1, s1;
	[dreg:$0x16] =	wrdreg s25  }
0x14: {  	s8 =	sshll.u32 s0, $0x1;
	s1 =	simm.s32 $0x1450;
	[dreg:$0x17] =	wrdreg s26  }
0x15: {  	p0 =	sne.s32 s0, $0x0;
	s0 =	simm.s32 $0x3350;
	[dreg:$0x18] =	wrdreg s1  }
0x16: {  	s11 =	simm.s32 $0x1750;
	[smem:$0x7EC] =	sst s0  }
0x17: {  	s12 =	simm.s32 $0x17D0;
	[dreg:$0x1e] =	wrdreg s11  }
0x18: {  	s14 =	simm.s32 $0x1850;
	[dreg:$0x1f] =	wrdreg s12  }
0x19: {  	s15 =	simm.s32 $0x18D0;
	[smem:$0x7B6] =	sst s14  }
0x1a: {  	s16 =	simm.s32 $0x1950;
	[smem:$0x7B7] =	sst s15  }
0x1b: {  	s17 =	simm.s32 $0x19D0;
	[smem:$0x7B8] =	sst s16  }
0x1c: {  	s18 =	simm.s32 $0x1A50;
	[smem:$0x7B9] =	sst s17  }
0x1d: {  	s19 =	simm.s32 $0x1AD0;
	[smem:$0x7BA] =	sst s18  }
0x1e: {  	s20 =	simm.s32 $0x1B50;
	[smem:$0x7BB] =	sst s19  }
0x1f: {  	s21 =	simm.s32 $0x1BD0;
	[smem:$0x7BC] =	sst s20  }
0x20: {  	s22 =	simm.s32 $0x1C50;
	[smem:$0x7BD] =	sst s21  }
0x21: {  	s23 =	simm.s32 $0x1CD0;
	[smem:$0x7BE] =	sst s22  }
0x22: {  	s24 =	simm.s32 $0x1D50;
	[smem:$0x7BF] =	sst s23  }
0x23: {  	s25 =	simm.s32 $0x1DD0;
	[smem:$0x7C0] =	sst s24  }
0x24: {  	s26 =	simm.s32 $0x1E50;
	[smem:$0x7C1] =	sst s25  }
0x25: {  	s1 =	simm.s32 $0x1ED0;
	[smem:$0x7C2] =	sst s26  }
0x26: {  	[smem:$0x7C3] =	sst s1;
	s11 =	simm.s32 $0x21D0  }
0x27: {  	s12 =	simm.s32 $0x2250;
	[smem:$0x7C9] =	sst s11  }
0x28: {  	s14 =	simm.s32 $0x22D0;
	[smem:$0x7CA] =	sst s12  }
0x29: {  	s15 =	simm.s32 $0x2350;
	[smem:$0x7CB] =	sst s14  }
0x2a: {  	s16 =	simm.s32 $0x23D0;
	[smem:$0x7CC] =	sst s15  }
0x2b: {  	s17 =	simm.s32 $0x2450;
	[smem:$0x7CD] =	sst s16  }
0x2c: {  	s18 =	simm.s32 $0x24D0;
	[smem:$0x7CE] =	sst s17  }
0x2d: {  	s19 =	simm.s32 $0x2550;
	[smem:$0x7CF] =	sst s18  }
0x2e: {  	s20 =	simm.s32 $0x25D0;
	[smem:$0x7D0] =	sst s19  }
0x2f: {  	s21 =	simm.s32 $0x2650;
	[smem:$0x7D1] =	sst s20  }
0x30: {  	s22 =	simm.s32 $0x26D0;
	[smem:$0x7D2] =	sst s21  }
0x31: {  	s23 =	simm.s32 $0x2750;
	[smem:$0x7D3] =	sst s22  }
0x32: {  	s24 =	simm.s32 $0x27D0;
	[smem:$0x7D4] =	sst s23  }
0x33: {  	s25 =	simm.s32 $0x2850;
	[smem:$0x7D5] =	sst s24  }
0x34: {  	s26 =	simm.s32 $0x28D0;
	[smem:$0x7D6] =	sst s25  }
0x35: {  	s1 =	simm.s32 $0x2950;
	[smem:$0x7D7] =	sst s26  }
0x36: {  	[smem:$0x7D8] =	sst s1;
	s11 =	simm.s32 $0x2C50  }
0x37: {  	s12 =	simm.s32 $0x2CD0;
	[smem:$0x7DE] =	sst s11  }
0x38: {  	s14 =	simm.s32 $0x2D50;
	[smem:$0x7DF] =	sst s12  }
0x39: {  	s15 =	simm.s32 $0x2DD0;
	[smem:$0x7E0] =	sst s14  }
0x3a: {  	s16 =	simm.s32 $0x2E50;
	[smem:$0x7E1] =	sst s15  }
0x3b: {  	s17 =	simm.s32 $0x2ED0;
	[smem:$0x7E2] =	sst s16  }
0x3c: {  	s18 =	simm.s32 $0x2F50;
	[smem:$0x7E3] =	sst s17  }
0x3d: {  	s20 =	simm.s32 $0x2FD0;
	[smem:$0x7E4] =	sst s18  }
0x3e: {  	s21 =	simm.s32 $0x3050;
	[smem:$0x7E5] =	sst s20  }
0x3f: {  	s22 =	simm.s32 $0x30D0;
	[smem:$0x7E6] =	sst s21  }
0x40: {  	s23 =	simm.s32 $0x3150;
	[smem:$0x7E7] =	sst s22  }
0x41: {  	s24 =	simm.s32 $0x31D0;
	[smem:$0x7E8] =	sst s23  }
0x42: {  	s6 =	sor.u32 s3, s8;
	s25 =	simm.s32 $0x3250;
	[smem:$0x7E9] =	sst s24  }
0x43: {  	s7 =	smul.u32 $0x600, s6;
	s26 =	simm.s32 $0x32D0;
	[smem:$0x7EA] =	sst s25  }
0x44: {  	s1 =	simm.s32 $0x33D0;
	[smem:$0x7EB] =	sst s26  }
0x45: {  	s5 =	sadd.s32 s5, s7;
	[smem:$0x7ED] =	sst s1  }
0x46: {  	p1 =	por $0x0, $0x0;
	s7 =	simm.s32 $0x15D0;
	[dreg:$0x5] =	wrdreg s5  }
0x47: {  	s31 =	simm.s32 $0x12C50;
	s11 =	simm.s32 $0x3550;
	[dreg:$0x1b] =	wrdreg s7  }
0x48: {  	s30 =	simm.s32 $0x13450;
	s12 =	simm.s32 $0x35D0;
	[smem:$0x7F0] =	sst s11  }
0x49: {  	s29 =	simm.s32 $0x13C50;
	s15 =	simm.s32 $0x3650;
	[smem:$0x7F1] =	sst s12  }
0x4a: {  	s28 =	simm.s32 $0x14450;
	s16 =	simm.s32 $0x36D0;
	[smem:$0x7F2] =	sst s15  }
0x4b: {  	s3 =	ssub.s32 $0x2, s3;
	s17 =	simm.s32 $0x3750;
	[smem:$0x7F3] =	sst s16  }
0x4c: {  	s19 =	sshrl.u32 s3, $0x1;
	s18 =	simm.s32 $0x37D0;
	[smem:$0x7F4] =	sst s17  }
0x4d: {  	s3 =	ssub.s32 s3, s19;
	s19 =	simm.s32 $0x3850;
	[smem:$0x7F5] =	sst s18  }
0x4e: {  	s4 =	sadd.s32 $0x1200, s4;
	s20 =	simm.s32 $0x38D0;
	[smem:$0x7F6] =	sst s19  }
0x4f: {  	s8 =	smul.u32 $0x6000, s6;
	s21 =	simm.s32 $0x3950;
	[smem:$0x7F7] =	sst s20  }
0x50: {  	s6 =	smul.u32 $0x30000, s6;
	s22 =	simm.s32 $0x39D0;
	[smem:$0x7F8] =	sst s21  }
0x51: {  	s8 =	sadd.s32 s4, s8;
	s23 =	simm.s32 $0x3A50;
	[smem:$0x7F9] =	sst s22  }
0x52: {  	s6 =	sshrl.u32 s6, $0x3;
	s24 =	simm.s32 $0x3AD0;
	[smem:$0x7FA] =	sst s23  }
0x53: {  	s14 =	simm.s32 $0x6450;
	s25 =	simm.s32 $0x3B50;
	[smem:$0x7FB] =	sst s24  }
0x54: {  	s26 =	simm.s32 $0x3BD0;
	s1 =	simm.s32 $0x1B450;
	[smem:$0x7FC] =	sst s25  }
0x55: {  	s9 =	sadd.s32 $0x1800, s8;
	s4 =	sadd.s32 s4, s6;
	[smem:$0x7FD] =	sst s26  }
0x56: {  	s5 =	simm.s32 $0x14D0;
	s6 =	simm.s32 $0x1550;
	s11 =	rddreg [dreg:$0x4]  }
0x57: {  	s7 =	simm.s32 $0x2050;
	s26 =	simm.s32 $0x14C50;
	[dreg:$0x6] =	wrdreg s9  }
0x58: {  	s25 =	simm.s32 $0x15450;
	s24 =	simm.s32 $0x15C50;
	[dreg:$0x19] =	wrdreg s5  }
0x59: {  	s23 =	simm.s32 $0x16450;
	s22 =	simm.s32 $0x16C50;
	[dreg:$0x1a] =	wrdreg s6  }
0x5a: {  	s21 =	simm.s32 $0x17450;
	s10 =	sadd.s32 $0x3000, s4;
	[smem:$0x7C6] =	sst s7  }
0x5b: {  	s20 =	simm.s32 $0x17C50;
	s4 =	sadd.s32 $0x4800, s4;
	[dreg:$0x7] =	wrdreg s10  }
0x5c: {  	s19 =	simm.s32 $0x18450;
	s9 =	simm.s32 $0x1650;
	[dreg:$0x8] =	wrdreg s4  }
0x5d: {  	s18 =	simm.s32 $0x18C50;
	s5 =	simm.s32 $0x1F50;
	[dreg:$0x1c] =	wrdreg s9  }
0x5e: {  	s17 =	simm.s32 $0x19450;
	s6 =	simm.s32 $0x1FD0;
	[smem:$0x7C4] =	sst s5  }
0x5f: {  	s16 =	simm.s32 $0x19C50;
	s7 =	simm.s32 $0x2AD0;
	[smem:$0x7C5] =	sst s6  }
0x60: {  	s15 =	simm.s32 $0x1A450;
	s10 =	simm.s32 $0x16D0;
	[smem:$0x7DB] =	sst s7  }
0x61: {  	s12 =	simm.s32 $0x1AC50;
	s9 =	simm.s32 $0x20D0;
	[dreg:$0x1d] =	wrdreg s10  }
0x62: {  	s5 =	simm.s32 $0x29D0;
	s4 =	smax.u32 s3, $0x1;
	[smem:$0x7C7] =	sst s9  }
0x63: {  	s6 =	simm.s32 $0x2A50;
	[smem:$0x7D9] =	sst s5;
	s0 =	sadd.s32 $0xFFFFFFFF, s4  }
0x64: {  	s10 =	simm.s32 $0x2150;
	[smem:$0x7DA] =	sst s6;
	p2 =	sne.s32 s0, $0x0  }
.Ltmp0:
0x65: {  	s9 =	simm.s32 $0x2B50;
	[smem:$0x7C8] =	sst s10;
	(pc) =	sbr.rel @!p2 .LBB2_1-.Ltmp0, $4  }
0x66: {  	s3 =	simm.s32 $0x2;
	[smem:$0x7DC] =	sst s9;
	s10 =	simm.s32 $0x2BD0  }
0x67: {  	s7 =	simm.s32 $0x80;
	s9 =	simm.s32 $0x3450;
	[smem:$0x7DD] =	sst s10  }
0x68: {  	s5 =	simm.s32 $0x3C50;
	[smem:$0x7EE] =	sst s9;
	s10 =	simm.s32 $0x34D0  }
0x69: {  	s6 =	simm.s32 $0x1;
	[smem:$0x7EF] =	sst s10;
	s10 =	simm.s32 $0x10C50  }
0x6a: {  	[smem:$0x7B4] =	sst s0;
	s0 =	simm.s32 @!p0 $0x0;
	s4 =	simm.s32 @!p0 $0x2  }
0x6b: {  	[tilespmem:s0], [sflag:$0x2] =	stream.linear.gather @!p0 [hbm4b:s11+s0], $0xB90, $0x38;
	[tilespmem:$0x1BC50] =	vst v63  }
0x6c: {  	_ =	swait.ge @!p0 [sflag:s4], $0xB90  }
0x6d: {  	[sflag:s4] =	ssyncset.done @!p0 $0x0  }
0x6e: {  	[sflag:s4] =	ssyncadd.s32 @!p0 $0xFFFFF470  }
0x6f: {  	[spmem:s2] =	stream.linear.scatter @!p0 [tilespmem:s0], [sflag:$0x2], $0xB90, $0x38;
	[tilespmem:$0x1BC50] =	vst v63  }
0x70: {  	_ =	swait.ge @!p0 [sflag:s4], $0xB90  }
0x71: {  	[sflag:s4] =	ssyncset.done @!p0 $0x0  }
0x72: {  	[sflag:s4] =	ssyncadd.s32 @!p0 $0xFFFFF470  }
0x73: {  	[bflag:$0x0] =	sbarrier.arrive $0xFFFF  }
0x74: {  	s10 =	simm.s32 $0xC50;
	s4 =	rddreg [dreg:$0x5]  }
0x75: {  	[tilespmem:s10], [sflag:$0x2] =	stream.linear.gather [hbm4b:s4+s13], $0x3000, $0x38;
	[tilespmem:$0x1BC50] =	vst v63  }
0x76: {  	_ =	swait.ge [sflag:s3], $0x3000  }
0x77: {  	[sflag:s3] =	ssyncset.done $0x0  }
0x78: {  	s13 =	rddreg [dreg:$0x9];
	[sflag:s3] =	ssyncadd.s32 $0xFFFFD000  }
0x79: {  	[tilespmem:s5], [sflag:$0x1] =	stream.indirect.gather [spmem:s2], $0x10, s10, s7, $0xb8;
	[tilespmem:$0x1BC50] =	vst v63  }
0x7a: {  	s4 =	simm.s32 $0x4450;
	s11 =	rddreg [dreg:$0xd]  }
0x7b: {  	[tilespmem:s4], [sflag:$0x1] =	stream.indirect.gather [spmem:s2], $0x10, s13, s7, $0xb8;
	[tilespmem:$0x1BC50] =	vst v63  }
0x7c: {  	s10 =	rddreg [dreg:$0xa];
	s5 =	simm.s32 $0x4C50  }
0x7d: {  	[tilespmem:s5], [sflag:$0x1] =	stream.indirect.gather [spmem:s2], $0x10, s10, s7, $0xb8;
	[tilespmem:$0x1BC50] =	vst v63  }
0x7e: {  	s3 =	rddreg [dreg:$0xb];
	s13 =	simm.s32 $0x5450  }
0x7f: {  	[tilespmem:s13], [sflag:$0x1] =	stream.indirect.gather [spmem:s2], $0x10, s3, s7, $0xb8;
	[tilespmem:$0x1BC50] =	vst v63  }
0x80: {  	s10 =	rddreg [dreg:$0xc];
	s13 =	simm.s32 $0x5C50  }
0x81: {  	[tilespmem:s13], [sflag:$0x1] =	stream.indirect.gather [spmem:s2], $0x10, s10, s7, $0xb8;
	[tilespmem:$0x1BC50] =	vst v63  }
0x82: {  	s3 =	rddreg [dreg:$0xe]  }
0x83: {  	[tilespmem:s14], [sflag:$0x1] =	stream.indirect.gather [spmem:s2], $0x10, s11, s7, $0xb8;
	[tilespmem:$0x1BC50] =	vst v63  }
0x84: {  	s13 =	simm.s32 $0x6C50;
	s10 =	rddreg [dreg:$0x10]  }
0x85: {  	[tilespmem:s13], [sflag:$0x1] =	stream.indirect.gather [spmem:s2], $0x10, s3, s7, $0xb8;
	[tilespmem:$0x1BC50] =	vst v63  }
0x86: {  	s11 =	rddreg [dreg:$0xf];
	s14 =	simm.s32 $0x7450  }
0x87: {  	[tilespmem:s14], [sflag:$0x1] =	stream.indirect.gather [spmem:s2], $0x10, s11, s7, $0xb8;
	[tilespmem:$0x1BC50] =	vst v63  }
0x88: {  	s13 =	simm.s32 $0x7C50;
	s11 =	rddreg [dreg:$0x11]  }
0x89: {  	[tilespmem:s13], [sflag:$0x1] =	stream.indirect.gather [spmem:s2], $0x10, s10, s7, $0xb8;
	[tilespmem:$0x1BC50] =	vst v63  }
0x8a: {  	s14 =	simm.s32 $0x8450;
	s10 =	rddreg [dreg:$0x12]  }
0x8b: {  	[tilespmem:s14], [sflag:$0x1] =	stream.indirect.gather [spmem:s2], $0x10, s11, s7, $0xb8;
	[tilespmem:$0x1BC50] =	vst v63  }
0x8c: {  	s13 =	simm.s32 $0x8C50;
	s11 =	rddreg [dreg:$0x13]  }
0x8d: {  	[tilespmem:s13], [sflag:$0x1] =	stream.indirect.gather [spmem:s2], $0x10, s10, s7, $0xb8;
	[tilespmem:$0x1BC50] =	vst v63  }
0x8e: {  	s14 =	simm.s32 $0x9450;
	s10 =	rddreg [dreg:$0x14]  }
0x8f: {  	[tilespmem:s14], [sflag:$0x1] =	stream.indirect.gather [spmem:s2], $0x10, s11, s7, $0xb8;
	[tilespmem:$0x1BC50] =	vst v63  }
0x90: {  	s13 =	simm.s32 $0x9C50;
	s11 =	rddreg [dreg:$0x15]  }
0x91: {  	[tilespmem:s13], [sflag:$0x1] =	stream.indirect.gather [spmem:s2], $0x10, s10, s7, $0xb8;
	[tilespmem:$0x1BC50] =	vst v63  }
0x92: {  	s10 =	rddreg [dreg:$0x16];
	s13 =	simm.s32 $0xA450  }
0x93: {  	[tilespmem:s13], [sflag:$0x1] =	stream.indirect.gather [spmem:s2], $0x10, s11, s7, $0xb8;
	[tilespmem:$0x1BC50] =	vst v63  }
0x94: {  	s11 =	rddreg [dreg:$0x17];
	s13 =	simm.s32 $0xAC50  }
0x95: {  	[tilespmem:s13], [sflag:$0x1] =	stream.indirect.gather [spmem:s2], $0x10, s10, s7, $0xb8;
	[tilespmem:$0x1BC50] =	vst v63  }
0x96: {  	s10 =	rddreg [dreg:$0x18];
	s13 =	simm.s32 $0xB450  }
0x97: {  	[tilespmem:s13], [sflag:$0x1] =	stream.indirect.gather [spmem:s2], $0x10, s11, s7, $0xb8;
	[tilespmem:$0x1BC50] =	vst v63  }
0x98: {  	s11 =	rddreg [dreg:$0x19];
	s13 =	simm.s32 $0xBC50  }
0x99: {  	[tilespmem:s13], [sflag:$0x1] =	stream.indirect.gather [spmem:s2], $0x10, s10, s7, $0xb8;
	[tilespmem:$0x1BC50] =	vst v63  }
0x9a: {  	s10 =	rddreg [dreg:$0x1a];
	s13 =	simm.s32 $0xC450  }
0x9b: {  	[tilespmem:s13], [sflag:$0x1] =	stream.indirect.gather [spmem:s2], $0x10, s11, s7, $0xb8;
	[tilespmem:$0x1BC50] =	vst v63  }
0x9c: {  	s14 =	simm.s32 $0xCC50;
	s11 =	rddreg [dreg:$0x1b]  }
0x9d: {  	[tilespmem:s14], [sflag:$0x1] =	stream.indirect.gather [spmem:s2], $0x10, s10, s7, $0xb8;
	[tilespmem:$0x1BC50] =	vst v63  }
0x9e: {  	s13 =	simm.s32 $0xD450;
	s10 =	rddreg [dreg:$0x1c]  }
0x9f: {  	[tilespmem:s13], [sflag:$0x1] =	stream.indirect.gather [spmem:s2], $0x10, s11, s7, $0xb8;
	[tilespmem:$0x1BC50] =	vst v63  }
0xa0: {  	s11 =	rddreg [dreg:$0x1d];
	s13 =	simm.s32 $0xDC50  }
0xa1: {  	[tilespmem:s13], [sflag:$0x1] =	stream.indirect.gather [spmem:s2], $0x10, s10, s7, $0xb8;
	[tilespmem:$0x1BC50] =	vst v63  }
0xa2: {  	s10 =	rddreg [dreg:$0x1e];
	s13 =	simm.s32 $0xE450  }
0xa3: {  	[tilespmem:s13], [sflag:$0x1] =	stream.indirect.gather [spmem:s2], $0x10, s11, s7, $0xb8;
	[tilespmem:$0x1BC50] =	vst v63  }
0xa4: {  	s11 =	rddreg [dreg:$0x1f];
	s13 =	simm.s32 $0xEC50  }
0xa5: {  	[tilespmem:s13], [sflag:$0x1] =	stream.indirect.gather [spmem:s2], $0x10, s10, s7, $0xb8;
	[tilespmem:$0x1BC50] =	vst v63  }
0xa6: {  	s10 =	sld [smem:$0x7B6];
	s13 =	simm.s32 $0xF450  }
0xa7: {  	[tilespmem:s13], [sflag:$0x1] =	stream.indirect.gather [spmem:s2], $0x10, s11, s7, $0xb8;
	[tilespmem:$0x1BC50] =	vst v63  }
0xa8: {  	s1 =	simm.s32 $0xFC50;
	s11 =	sld [smem:$0x7B7]  }
0xa9: {  	[tilespmem:s1], [sflag:$0x1] =	stream.indirect.gather [spmem:s2], $0x10, s10, s7, $0xb8;
	[tilespmem:$0x1BC50] =	vst v63  }
0xaa: {  	s13 =	simm.s32 $0x10450;
	s10 =	sld [smem:$0x7B8]  }
0xab: {  	[tilespmem:s13], [sflag:$0x1] =	stream.indirect.gather [spmem:s2], $0x10, s11, s7, $0xb8;
	[tilespmem:$0x1BC50] =	vst v63  }
0xac: {  	s0 =	simm.s32 $0x10C50;
	s11 =	sld [smem:$0x7B9]  }
0xad: {  	[tilespmem:s0], [sflag:$0x1] =	stream.indirect.gather [spmem:s2], $0x10, s10, s7, $0xb8;
	[tilespmem:$0x1BC50] =	vst v63  }
0xae: {  	s1 =	sld [smem:$0x7BA];
	s13 =	simm.s32 $0x11450  }
0xaf: {  	[tilespmem:s13], [sflag:$0x1] =	stream.indirect.gather [spmem:s2], $0x10, s11, s7, $0xb8;
	[tilespmem:$0x1BC50] =	vst v63  }
0xb0: {  	s24 =	simm.s32 $0x11C50;
	s0 =	sld [smem:$0x7BB]  }
0xb1: {  	[tilespmem:s24], [sflag:$0x1] =	stream.indirect.gather [spmem:s2], $0x10, s1, s7, $0xb8;
	[tilespmem:$0x1BC50] =	vst v63  }
0xb2: {  	s12 =	simm.s32 $0x12450;
	s1 =	sld [smem:$0x7BC]  }
0xb3: {  	[tilespmem:s12], [sflag:$0x1] =	stream.indirect.gather [spmem:s2], $0x10, s0, s7, $0xb8;
	[tilespmem:$0x1BC50] =	vst v63  }
0xb4: {  	s9 =	simm.s32 $0x12C50;
	s12 =	sld [smem:$0x7BD]  }
0xb5: {  	[tilespmem:s9], [sflag:$0x1] =	stream.indirect.gather [spmem:s2], $0x10, s1, s7, $0xb8;
	[tilespmem:$0x1BC50] =	vst v63  }
0xb6: {  	s31 =	simm.s32 $0x13450;
	s13 =	sld [smem:$0x7BE]  }
0xb7: {  	[tilespmem:s31], [sflag:$0x1] =	stream.indirect.gather [spmem:s2], $0x10, s12, s7, $0xb8;
	[tilespmem:$0x1BC50] =	vst v63  }
0xb8: {  	s30 =	simm.s32 $0x13C50;
	s0 =	sld [smem:$0x7BF]  }
0xb9: {  	[tilespmem:s30], [sflag:$0x1] =	stream.indirect.gather [spmem:s2], $0x10, s13, s7, $0xb8;
	[tilespmem:$0x1BC50] =	vst v63  }
0xba: {  	s29 =	simm.s32 $0x14450;
	s1 =	sld [smem:$0x7C0]  }
0xbb: {  	[tilespmem:s29], [sflag:$0x1] =	stream.indirect.gather [spmem:s2], $0x10, s0, s7, $0xb8;
	[tilespmem:$0x1BC50] =	vst v63  }
0xbc: {  	s28 =	simm.s32 $0x14C50;
	s9 =	sld [smem:$0x7C1]  }
0xbd: {  	[tilespmem:s28], [sflag:$0x1] =	stream.indirect.gather [spmem:s2], $0x10, s1, s7, $0xb8;
	[tilespmem:$0x1BC50] =	vst v63  }
0xbe: {  	s26 =	simm.s32 $0x15450;
	s13 =	sld [smem:$0x7C2]  }
0xbf: {  	[tilespmem:s26], [sflag:$0x1] =	stream.indirect.gather [spmem:s2], $0x10, s9, s7, $0xb8;
	[tilespmem:$0x1BC50] =	vst v63  }
0xc0: {  	s25 =	simm.s32 $0x15C50;
	s26 =	sld [smem:$0x7C3]  }
0xc1: {  	[tilespmem:s25], [sflag:$0x1] =	stream.indirect.gather [spmem:s2], $0x10, s13, s7, $0xb8;
	[tilespmem:$0x1BC50] =	vst v63  }
0xc2: {  	s15 =	simm.s32 $0x16450;
	s0 =	sld [smem:$0x7C4]  }
0xc3: {  	[tilespmem:s15], [sflag:$0x1] =	stream.indirect.gather [spmem:s2], $0x10, s26, s7, $0xb8;
	[tilespmem:$0x1BC50] =	vst v63  }
0xc4: {  	s23 =	simm.s32 $0x16C50;
	s1 =	sld [smem:$0x7C5]  }
0xc5: {  	[tilespmem:s23], [sflag:$0x1] =	stream.indirect.gather [spmem:s2], $0x10, s0, s7, $0xb8;
	[tilespmem:$0x1BC50] =	vst v63  }
0xc6: {  	s22 =	simm.s32 $0x17450;
	s9 =	sld [smem:$0x7C6]  }
0xc7: {  	[tilespmem:s22], [sflag:$0x1] =	stream.indirect.gather [spmem:s2], $0x10, s1, s7, $0xb8;
	[tilespmem:$0x1BC50] =	vst v63  }
0xc8: {  	s21 =	simm.s32 $0x17C50;
	s13 =	sld [smem:$0x7C7]  }
0xc9: {  	[tilespmem:s21], [sflag:$0x1] =	stream.indirect.gather [spmem:s2], $0x10, s9, s7, $0xb8;
	[tilespmem:$0x1BC50] =	vst v63  }
0xca: {  	s20 =	simm.s32 $0x18450;
	s15 =	sld [smem:$0x7C8]  }
0xcb: {  	[tilespmem:s20], [sflag:$0x1] =	stream.indirect.gather [spmem:s2], $0x10, s13, s7, $0xb8;
	[tilespmem:$0x1BC50] =	vst v63  }
0xcc: {  	s19 =	simm.s32 $0x18C50;
	s0 =	sld [smem:$0x7C9]  }
0xcd: {  	[tilespmem:s19], [sflag:$0x1] =	stream.indirect.gather [spmem:s2], $0x10, s15, s7, $0xb8;
	[tilespmem:$0x1BC50] =	vst v63  }
0xce: {  	s18 =	simm.s32 $0x19450;
	s1 =	sld [smem:$0x7CA]  }
0xcf: {  	[tilespmem:s18], [sflag:$0x1] =	stream.indirect.gather [spmem:s2], $0x10, s0, s7, $0xb8;
	[tilespmem:$0x1BC50] =	vst v63  }
0xd0: {  	s17 =	simm.s32 $0x19C50;
	s9 =	sld [smem:$0x7CB]  }
0xd1: {  	[tilespmem:s17], [sflag:$0x1] =	stream.indirect.gather [spmem:s2], $0x10, s1, s7, $0xb8;
	[tilespmem:$0x1BC50] =	vst v63  }
0xd2: {  	s16 =	simm.s32 $0x1A450;
	s13 =	sld [smem:$0x7CC]  }
0xd3: {  	[tilespmem:s16], [sflag:$0x1] =	stream.indirect.gather [spmem:s2], $0x10, s9, s7, $0xb8;
	[tilespmem:$0x1BC50] =	vst v63  }
0xd4: {  	s0 =	sld [smem:$0x7CD];
	s9 =	simm.s32 $0x1AC50  }
0xd5: {  	[tilespmem:s9], [sflag:$0x1] =	stream.indirect.gather [spmem:s2], $0x10, s13, s7, $0xb8;
	[tilespmem:$0x1BC50] =	vst v63  }
0xd6: {  	s10 =	simm.s32 $0x1B450  }
0xd7: {  	[tilespmem:s10], [sflag:$0x1] =	stream.indirect.gather [spmem:s2], $0x10, s0, s7, $0xb8;
	[tilespmem:$0x1BC50] =	vst v63  }
0xd8: {  	_ =	swait.ge [sflag:s6], $0x800  }
0xd9: {  	[sflag:s6] =	ssyncset.done $0x0  }
0xda: {  	[sflag:s6] =	ssyncadd.s32 $0xFFFFF800  }
0xdb: {  	_ =	swait.ge [sflag:s6], $0x800  }
0xdc: {  	[sflag:s6] =	ssyncset.done $0x0  }
0xdd: {  	[sflag:s6] =	ssyncadd.s32 $0xFFFFF800  }
0xde: {  	_ =	swait.ge [sflag:s6], $0x800  }
0xdf: {  	[sflag:s6] =	ssyncset.done $0x0  }
0xe0: {  	[sflag:s6] =	ssyncadd.s32 $0xFFFFF800  }
0xe1: {  	_ =	swait.ge [sflag:s6], $0x800  }
0xe2: {  	[sflag:s6] =	ssyncset.done $0x0  }
0xe3: {  	[sflag:s6] =	ssyncadd.s32 $0xFFFFF800  }
0xe4: {  	_ =	swait.ge [sflag:s6], $0x800  }
0xe5: {  	[sflag:s6] =	ssyncset.done $0x0  }
0xe6: {  	[sflag:s6] =	ssyncadd.s32 $0xFFFFF800  }
0xe7: {  	_ =	swait.ge [sflag:s6], $0x800  }
0xe8: {  	[sflag:s6] =	ssyncset.done $0x0  }
0xe9: {  	[sflag:s6] =	ssyncadd.s32 $0xFFFFF800  }
0xea: {  	_ =	swait.ge [sflag:s6], $0x800  }
0xeb: {  	[sflag:s6] =	ssyncset.done $0x0  }
0xec: {  	[sflag:s6] =	ssyncadd.s32 $0xFFFFF800  }
0xed: {  	_ =	swait.ge [sflag:s6], $0x800  }
0xee: {  	[sflag:s6] =	ssyncset.done $0x0  }
0xef: {  	[sflag:s6] =	ssyncadd.s32 $0xFFFFF800  }
0xf0: {  	_ =	swait.ge [sflag:s6], $0x800  }
0xf1: {  	[sflag:s6] =	ssyncset.done $0x0  }
0xf2: {  	[sflag:s6] =	ssyncadd.s32 $0xFFFFF800  }
0xf3: {  	_ =	swait.ge [sflag:s6], $0x800  }
0xf4: {  	[sflag:s6] =	ssyncset.done $0x0  }
0xf5: {  	[sflag:s6] =	ssyncadd.s32 $0xFFFFF800  }
0xf6: {  	_ =	swait.ge [sflag:s6], $0x800  }
0xf7: {  	[sflag:s6] =	ssyncset.done $0x0  }
0xf8: {  	[sflag:s6] =	ssyncadd.s32 $0xFFFFF800  }
0xf9: {  	_ =	swait.ge [sflag:s6], $0x800  }
0xfa: {  	[sflag:s6] =	ssyncset.done $0x0  }
0xfb: {  	[sflag:s6] =	ssyncadd.s32 $0xFFFFF800  }
0xfc: {  	_ =	swait.ge [sflag:s6], $0x800  }
0xfd: {  	[sflag:s6] =	ssyncset.done $0x0  }
0xfe: {  	[sflag:s6] =	ssyncadd.s32 $0xFFFFF800  }
0xff: {  	_ =	swait.ge [sflag:s6], $0x800  }
0x100: {  	[sflag:s6] =	ssyncset.done $0x0  }
0x101: {  	[sflag:s6] =	ssyncadd.s32 $0xFFFFF800  }
0x102: {  	_ =	swait.ge [sflag:s6], $0x800  }
0x103: {  	[sflag:s6] =	ssyncset.done $0x0  }
0x104: {  	[sflag:s6] =	ssyncadd.s32 $0xFFFFF800  }
0x105: {  	_ =	swait.ge [sflag:s6], $0x800  }
0x106: {  	[sflag:s6] =	ssyncset.done $0x0  }
0x107: {  	[sflag:s6] =	ssyncadd.s32 $0xFFFFF800  }
0x108: {  	_ =	swait.ge [sflag:s6], $0x800  }
0x109: {  	[sflag:s6] =	ssyncset.done $0x0  }
0x10a: {  	[sflag:s6] =	ssyncadd.s32 $0xFFFFF800  }
0x10b: {  	_ =	swait.ge [sflag:s6], $0x800  }
0x10c: {  	[sflag:s6] =	ssyncset.done $0x0  }
0x10d: {  	[sflag:s6] =	ssyncadd.s32 $0xFFFFF800  }
0x10e: {  	_ =	swait.ge [sflag:s6], $0x800  }
0x10f: {  	[sflag:s6] =	ssyncset.done $0x0  }
0x110: {  	[sflag:s6] =	ssyncadd.s32 $0xFFFFF800  }
0x111: {  	_ =	swait.ge [sflag:s6], $0x800  }
0x112: {  	[sflag:s6] =	ssyncset.done $0x0  }
0x113: {  	[sflag:s6] =	ssyncadd.s32 $0xFFFFF800  }
0x114: {  	_ =	swait.ge [sflag:s6], $0x800  }
0x115: {  	[sflag:s6] =	ssyncset.done $0x0  }
0x116: {  	[sflag:s6] =	ssyncadd.s32 $0xFFFFF800  }
0x117: {  	_ =	swait.ge [sflag:s6], $0x800  }
0x118: {  	[sflag:s6] =	ssyncset.done $0x0  }
0x119: {  	[sflag:s6] =	ssyncadd.s32 $0xFFFFF800  }
0x11a: {  	_ =	swait.ge [sflag:s6], $0x800  }
0x11b: {  	[sflag:s6] =	ssyncset.done $0x0  }
0x11c: {  	[sflag:s6] =	ssyncadd.s32 $0xFFFFF800  }
0x11d: {  	_ =	swait.ge [sflag:s6], $0x800  }
0x11e: {  	s3 =	simm.s32 $0x3C50;
	[sflag:s6] =	ssyncset.done $0x0  }
0x11f: {  	s14 =	simm.s32 $0x2;
	s11 =	simm.s32 $0x0;
	[sflag:s6] =	ssyncadd.s32 $0xFFFFF800  }
0x120: {  	[hbm4b:s8+s11] =	stream.linear.scatter [tilespmem:s3], [sflag:$0x2], $0xC000, $0x38;
	[tilespmem:$0x1BC50] =	vst v63  }
0x121: {  	_ =	swait.ge [sflag:s14], $0xC000  }
0x122: {  	s13 =	sld [smem:$0x7CE]  }
0x123: {  	[sflag:s14] =	ssyncset.done $0x0  }
0x124: {  	s16 =	sld [smem:$0x7CF];
	[sflag:s14] =	ssyncadd.s32 $0xFFFF4000  }
0x125: {  	[tilespmem:s3], [sflag:$0x1] =	stream.indirect.gather [spmem:s2], $0x10, s13, s7, $0xb8;
	[tilespmem:$0x1BC50] =	vst v63  }
0x126: {  	s0 =	sld [smem:$0x7D0]  }
0x127: {  	[tilespmem:s4], [sflag:$0x1] =	stream.indirect.gather [spmem:s2], $0x10, s16, s7, $0xb8;
	[tilespmem:$0x1BC50] =	vst v63  }
0x128: {  	s3 =	sld [smem:$0x7D1]  }
0x129: {  	[tilespmem:s5], [sflag:$0x1] =	stream.indirect.gather [spmem:s2], $0x10, s0, s7, $0xb8;
	[tilespmem:$0x1BC50] =	vst v63  }
0x12a: {  	s4 =	sld [smem:$0x7D2];
	s5 =	simm.s32 $0x5450  }
0x12b: {  	[tilespmem:s5], [sflag:$0x1] =	stream.indirect.gather [spmem:s2], $0x10, s3, s7, $0xb8;
	[tilespmem:$0x1BC50] =	vst v63  }
0x12c: {  	s14 =	simm.s32 $0x5C50;
	s13 =	sld [smem:$0x7D3]  }
0x12d: {  	[tilespmem:s14], [sflag:$0x1] =	stream.indirect.gather [spmem:s2], $0x10, s4, s7, $0xb8;
	[tilespmem:$0x1BC50] =	vst v63  }
0x12e: {  	s16 =	sld [smem:$0x7D4];
	s3 =	simm.s32 $0x6450  }
0x12f: {  	[tilespmem:s3], [sflag:$0x1] =	stream.indirect.gather [spmem:s2], $0x10, s13, s7, $0xb8;
	[tilespmem:$0x1BC50] =	vst v63  }
0x130: {  	s5 =	simm.s32 $0x6C50;
	s4 =	sld [smem:$0x7D5]  }
0x131: {  	[tilespmem:s5], [sflag:$0x1] =	stream.indirect.gather [spmem:s2], $0x10, s16, s7, $0xb8;
	[tilespmem:$0x1BC50] =	vst v63  }
0x132: {  	s14 =	simm.s32 $0x7450;
	s13 =	sld [smem:$0x7D6]  }
0x133: {  	[tilespmem:s14], [sflag:$0x1] =	stream.indirect.gather [spmem:s2], $0x10, s4, s7, $0xb8;
	[tilespmem:$0x1BC50] =	vst v63  }
0x134: {  	s3 =	simm.s32 $0x7C50;
	s16 =	sld [smem:$0x7D7]  }
0x135: {  	[tilespmem:s3], [sflag:$0x1] =	stream.indirect.gather [spmem:s2], $0x10, s13, s7, $0xb8;
	[tilespmem:$0x1BC50] =	vst v63  }
0x136: {  	s5 =	simm.s32 $0x8450;
	s4 =	sld [smem:$0x7D8]  }
0x137: {  	[tilespmem:s5], [sflag:$0x1] =	stream.indirect.gather [spmem:s2], $0x10, s16, s7, $0xb8;
	[tilespmem:$0x1BC50] =	vst v63  }
0x138: {  	s14 =	simm.s32 $0x8C50;
	s13 =	sld [smem:$0x7D9]  }
0x139: {  	[tilespmem:s14], [sflag:$0x1] =	stream.indirect.gather [spmem:s2], $0x10, s4, s7, $0xb8;
	[tilespmem:$0x1BC50] =	vst v63  }
0x13a: {  	s3 =	simm.s32 $0x9450;
	s16 =	sld [smem:$0x7DA]  }
0x13b: {  	[tilespmem:s3], [sflag:$0x1] =	stream.indirect.gather [spmem:s2], $0x10, s13, s7, $0xb8;
	[tilespmem:$0x1BC50] =	vst v63  }
0x13c: {  	s5 =	simm.s32 $0x9C50;
	s4 =	sld [smem:$0x7DB]  }
0x13d: {  	[tilespmem:s5], [sflag:$0x1] =	stream.indirect.gather [spmem:s2], $0x10, s16, s7, $0xb8;
	[tilespmem:$0x1BC50] =	vst v63  }
0x13e: {  	s14 =	simm.s32 $0xA450;
	s13 =	sld [smem:$0x7DC]  }
0x13f: {  	[tilespmem:s14], [sflag:$0x1] =	stream.indirect.gather [spmem:s2], $0x10, s4, s7, $0xb8;
	[tilespmem:$0x1BC50] =	vst v63  }
0x140: {  	s3 =	simm.s32 $0xAC50;
	s16 =	sld [smem:$0x7DD]  }
0x141: {  	[tilespmem:s3], [sflag:$0x1] =	stream.indirect.gather [spmem:s2], $0x10, s13, s7, $0xb8;
	[tilespmem:$0x1BC50] =	vst v63  }
0x142: {  	s4 =	sld [smem:$0x7DE];
	s13 =	simm.s32 $0xB450  }
0x143: {  	[tilespmem:s13], [sflag:$0x1] =	stream.indirect.gather [spmem:s2], $0x10, s16, s7, $0xb8;
	[tilespmem:$0x1BC50] =	vst v63  }
0x144: {  	s14 =	sld [smem:$0x7DF];
	s16 =	simm.s32 $0xBC50  }
0x145: {  	[tilespmem:s16], [sflag:$0x1] =	stream.indirect.gather [spmem:s2], $0x10, s4, s7, $0xb8;
	[tilespmem:$0x1BC50] =	vst v63  }
0x146: {  	s3 =	sld [smem:$0x7E0];
	s4 =	simm.s32 $0xC450  }
0x147: {  	[tilespmem:s4], [sflag:$0x1] =	stream.indirect.gather [spmem:s2], $0x10, s14, s7, $0xb8;
	[tilespmem:$0x1BC50] =	vst v63  }
0x148: {  	s13 =	sld [smem:$0x7E1];
	s14 =	simm.s32 $0xCC50  }
0x149: {  	[tilespmem:s14], [sflag:$0x1] =	stream.indirect.gather [spmem:s2], $0x10, s3, s7, $0xb8;
	[tilespmem:$0x1BC50] =	vst v63  }
0x14a: {  	s16 =	sld [smem:$0x7E2];
	s3 =	simm.s32 $0xD450  }
0x14b: {  	[tilespmem:s3], [sflag:$0x1] =	stream.indirect.gather [spmem:s2], $0x10, s13, s7, $0xb8;
	[tilespmem:$0x1BC50] =	vst v63  }
0x14c: {  	s4 =	sld [smem:$0x7E3];
	s13 =	simm.s32 $0xDC50  }
0x14d: {  	[tilespmem:s13], [sflag:$0x1] =	stream.indirect.gather [spmem:s2], $0x10, s16, s7, $0xb8;
	[tilespmem:$0x1BC50] =	vst v63  }
0x14e: {  	s10 =	sld [smem:$0x7E4];
	s14 =	simm.s32 $0xE450  }
0x14f: {  	[tilespmem:s14], [sflag:$0x1] =	stream.indirect.gather [spmem:s2], $0x10, s4, s7, $0xb8;
	[tilespmem:$0x1BC50] =	vst v63  }
0x150: {  	s16 =	sld [smem:$0x7E5];
	s4 =	simm.s32 $0xEC50  }
0x151: {  	[tilespmem:s4], [sflag:$0x1] =	stream.indirect.gather [spmem:s2], $0x10, s10, s7, $0xb8;
	[tilespmem:$0x1BC50] =	vst v63  }
0x152: {  	s10 =	simm.s32 $0xF450  }
0x153: {  	[tilespmem:s10], [sflag:$0x1] =	stream.indirect.gather [spmem:s2], $0x10, s16, s7, $0xb8;
	[tilespmem:$0x1BC50] =	vst v63  }
0x154: {  	_ =	swait.ge [sflag:s6], $0x800  }
0x155: {  	[sflag:s6] =	ssyncset.done $0x0  }
0x156: {  	[sflag:s6] =	ssyncadd.s32 $0xFFFFF800  }
0x157: {  	_ =	swait.ge [sflag:s6], $0x800  }
0x158: {  	[sflag:s6] =	ssyncset.done $0x0  }
0x159: {  	[sflag:s6] =	ssyncadd.s32 $0xFFFFF800  }
0x15a: {  	_ =	swait.ge [sflag:s6], $0x800  }
0x15b: {  	[sflag:s6] =	ssyncset.done $0x0  }
0x15c: {  	[sflag:s6] =	ssyncadd.s32 $0xFFFFF800  }
0x15d: {  	_ =	swait.ge [sflag:s6], $0x800  }
0x15e: {  	[sflag:s6] =	ssyncset.done $0x0  }
0x15f: {  	[sflag:s6] =	ssyncadd.s32 $0xFFFFF800  }
0x160: {  	_ =	swait.ge [sflag:s6], $0x800  }
0x161: {  	[sflag:s6] =	ssyncset.done $0x0  }
0x162: {  	[sflag:s6] =	ssyncadd.s32 $0xFFFFF800  }
0x163: {  	_ =	swait.ge [sflag:s6], $0x800  }
0x164: {  	[sflag:s6] =	ssyncset.done $0x0  }
0x165: {  	[sflag:s6] =	ssyncadd.s32 $0xFFFFF800  }
0x166: {  	_ =	swait.ge [sflag:s6], $0x800  }
0x167: {  	[sflag:s6] =	ssyncset.done $0x0  }
0x168: {  	[sflag:s6] =	ssyncadd.s32 $0xFFFFF800  }
0x169: {  	_ =	swait.ge [sflag:s6], $0x800  }
0x16a: {  	[sflag:s6] =	ssyncset.done $0x0  }
0x16b: {  	[sflag:s6] =	ssyncadd.s32 $0xFFFFF800  }
0x16c: {  	_ =	swait.ge [sflag:s6], $0x800  }
0x16d: {  	[sflag:s6] =	ssyncset.done $0x0  }
0x16e: {  	[sflag:s6] =	ssyncadd.s32 $0xFFFFF800  }
0x16f: {  	_ =	swait.ge [sflag:s6], $0x800  }
0x170: {  	[sflag:s6] =	ssyncset.done $0x0  }
0x171: {  	[sflag:s6] =	ssyncadd.s32 $0xFFFFF800  }
0x172: {  	_ =	swait.ge [sflag:s6], $0x800  }
0x173: {  	[sflag:s6] =	ssyncset.done $0x0  }
0x174: {  	[sflag:s6] =	ssyncadd.s32 $0xFFFFF800  }
0x175: {  	_ =	swait.ge [sflag:s6], $0x800  }
0x176: {  	[sflag:s6] =	ssyncset.done $0x0  }
0x177: {  	[sflag:s6] =	ssyncadd.s32 $0xFFFFF800  }
0x178: {  	_ =	swait.ge [sflag:s6], $0x800  }
0x179: {  	[sflag:s6] =	ssyncset.done $0x0  }
0x17a: {  	[sflag:s6] =	ssyncadd.s32 $0xFFFFF800  }
0x17b: {  	_ =	swait.ge [sflag:s6], $0x800  }
0x17c: {  	[sflag:s6] =	ssyncset.done $0x0  }
0x17d: {  	[sflag:s6] =	ssyncadd.s32 $0xFFFFF800  }
0x17e: {  	_ =	swait.ge [sflag:s6], $0x800  }
0x17f: {  	[sflag:s6] =	ssyncset.done $0x0  }
0x180: {  	[sflag:s6] =	ssyncadd.s32 $0xFFFFF800  }
0x181: {  	_ =	swait.ge [sflag:s6], $0x800  }
0x182: {  	[sflag:s6] =	ssyncset.done $0x0  }
0x183: {  	[sflag:s6] =	ssyncadd.s32 $0xFFFFF800  }
0x184: {  	_ =	swait.ge [sflag:s6], $0x800  }
0x185: {  	[sflag:s6] =	ssyncset.done $0x0  }
0x186: {  	[sflag:s6] =	ssyncadd.s32 $0xFFFFF800  }
0x187: {  	_ =	swait.ge [sflag:s6], $0x800  }
0x188: {  	[sflag:s6] =	ssyncset.done $0x0  }
0x189: {  	[sflag:s6] =	ssyncadd.s32 $0xFFFFF800  }
0x18a: {  	_ =	swait.ge [sflag:s6], $0x800  }
0x18b: {  	[sflag:s6] =	ssyncset.done $0x0  }
0x18c: {  	[sflag:s6] =	ssyncadd.s32 $0xFFFFF800  }
0x18d: {  	_ =	swait.ge [sflag:s6], $0x800  }
0x18e: {  	[sflag:s6] =	ssyncset.done $0x0  }
0x18f: {  	[sflag:s6] =	ssyncadd.s32 $0xFFFFF800  }
0x190: {  	_ =	swait.ge [sflag:s6], $0x800  }
0x191: {  	[sflag:s6] =	ssyncset.done $0x0  }
0x192: {  	[sflag:s6] =	ssyncadd.s32 $0xFFFFF800  }
0x193: {  	_ =	swait.ge [sflag:s6], $0x800  }
0x194: {  	[sflag:s6] =	ssyncset.done $0x0  }
0x195: {  	[sflag:s6] =	ssyncadd.s32 $0xFFFFF800  }
0x196: {  	_ =	swait.ge [sflag:s6], $0x800  }
0x197: {  	[sflag:s6] =	ssyncset.done $0x0  }
0x198: {  	[sflag:s6] =	ssyncadd.s32 $0xFFFFF800  }
0x199: {  	_ =	swait.ge [sflag:s6], $0x800  }
0x19a: {  	s3 =	simm.s32 $0x2;
	s13 =	simm.s32 $0x0;
	[sflag:s6] =	ssyncset.done $0x0  }
0x19b: {  	s14 =	simm.s32 $0xFC50;
	s11 =	rddreg [dreg:$0x6];
	[sflag:s6] =	ssyncadd.s32 $0xFFFFF800  }
0x19c: {  	[hbm4b:s11+s13] =	stream.linear.scatter [tilespmem:s14], [sflag:$0x2], $0xC000, $0x38;
	[tilespmem:$0x1BC50] =	vst v63  }
0x19d: {  	_ =	swait.ge [sflag:s3], $0xC000  }
0x19e: {  	s16 =	sld [smem:$0x7E6]  }
0x19f: {  	[sflag:s3] =	ssyncset.done $0x0  }
0x1a0: {  	s4 =	sld [smem:$0x7E7];
	[sflag:s3] =	ssyncadd.s32 $0xFFFF4000  }
0x1a1: {  	[tilespmem:s14], [sflag:$0x1] =	stream.indirect.gather [spmem:s2], $0x10, s16, s7, $0xb8;
	[tilespmem:$0x1BC50] =	vst v63  }
0x1a2: {  	s10 =	sld [smem:$0x7E8];
	s14 =	simm.s32 $0x10450  }
0x1a3: {  	[tilespmem:s14], [sflag:$0x1] =	stream.indirect.gather [spmem:s2], $0x10, s4, s7, $0xb8;
	[tilespmem:$0x1BC50] =	vst v63  }
0x1a4: {  	s11 =	sld [smem:$0x7E9];
	s16 =	simm.s32 $0x10C50  }
0x1a5: {  	[tilespmem:s16], [sflag:$0x1] =	stream.indirect.gather [spmem:s2], $0x10, s10, s7, $0xb8;
	[tilespmem:$0x1BC50] =	vst v63  }
0x1a6: {  	s14 =	simm.s32 $0x11450;
	s10 =	sld [smem:$0x7EA]  }
0x1a7: {  	[tilespmem:s14], [sflag:$0x1] =	stream.indirect.gather [spmem:s2], $0x10, s11, s7, $0xb8;
	[tilespmem:$0x1BC50] =	vst v63  }
0x1a8: {  	s16 =	simm.s32 $0x11C50;
	s11 =	sld [smem:$0x7EB]  }
0x1a9: {  	[tilespmem:s16], [sflag:$0x1] =	stream.indirect.gather [spmem:s2], $0x10, s10, s7, $0xb8;
	[tilespmem:$0x1BC50] =	vst v63  }
0x1aa: {  	s14 =	simm.s32 $0x12450;
	s10 =	sld [smem:$0x7EC]  }
0x1ab: {  	[tilespmem:s14], [sflag:$0x1] =	stream.indirect.gather [spmem:s2], $0x10, s11, s7, $0xb8;
	[tilespmem:$0x1BC50] =	vst v63  }
0x1ac: {  	s24 =	simm.s32 $0x12C50;
	s16 =	sld [smem:$0x7ED]  }
0x1ad: {  	[tilespmem:s24], [sflag:$0x1] =	stream.indirect.gather [spmem:s2], $0x10, s10, s7, $0xb8;
	[tilespmem:$0x1BC50] =	vst v63  }
0x1ae: {  	s12 =	simm.s32 $0x13450;
	s4 =	sld [smem:$0x7EE]  }
0x1af: {  	[tilespmem:s12], [sflag:$0x1] =	stream.indirect.gather [spmem:s2], $0x10, s16, s7, $0xb8;
	[tilespmem:$0x1BC50] =	vst v63  }
0x1b0: {  	s31 =	simm.s32 $0x13C50;
	s14 =	sld [smem:$0x7EF]  }
0x1b1: {  	[tilespmem:s31], [sflag:$0x1] =	stream.indirect.gather [spmem:s2], $0x10, s4, s7, $0xb8;
	[tilespmem:$0x1BC50] =	vst v63  }
0x1b2: {  	s30 =	simm.s32 $0x14450;
	s16 =	sld [smem:$0x7F0]  }
0x1b3: {  	[tilespmem:s30], [sflag:$0x1] =	stream.indirect.gather [spmem:s2], $0x10, s14, s7, $0xb8;
	[tilespmem:$0x1BC50] =	vst v63  }
0x1b4: {  	s29 =	simm.s32 $0x14C50;
	s24 =	sld [smem:$0x7F1]  }
0x1b5: {  	[tilespmem:s29], [sflag:$0x1] =	stream.indirect.gather [spmem:s2], $0x10, s16, s7, $0xb8;
	[tilespmem:$0x1BC50] =	vst v63  }
0x1b6: {  	s28 =	simm.s32 $0x15450;
	s30 =	sld [smem:$0x7F2]  }
0x1b7: {  	[tilespmem:s28], [sflag:$0x1] =	stream.indirect.gather [spmem:s2], $0x10, s24, s7, $0xb8;
	[tilespmem:$0x1BC50] =	vst v63  }
0x1b8: {  	s25 =	simm.s32 $0x15C50;
	s31 =	sld [smem:$0x7F3]  }
0x1b9: {  	[tilespmem:s25], [sflag:$0x1] =	stream.indirect.gather [spmem:s2], $0x10, s30, s7, $0xb8;
	[tilespmem:$0x1BC50] =	vst v63  }
0x1ba: {  	s26 =	simm.s32 $0x16450;
	s4 =	sld [smem:$0x7F4]  }
0x1bb: {  	[tilespmem:s26], [sflag:$0x1] =	stream.indirect.gather [spmem:s2], $0x10, s31, s7, $0xb8;
	[tilespmem:$0x1BC50] =	vst v63  }
0x1bc: {  	s23 =	simm.s32 $0x16C50;
	s12 =	sld [smem:$0x7F5]  }
0x1bd: {  	[tilespmem:s23], [sflag:$0x1] =	stream.indirect.gather [spmem:s2], $0x10, s4, s7, $0xb8;
	[tilespmem:$0x1BC50] =	vst v63  }
0x1be: {  	s22 =	simm.s32 $0x17450;
	s14 =	sld [smem:$0x7F6]  }
0x1bf: {  	[tilespmem:s22], [sflag:$0x1] =	stream.indirect.gather [spmem:s2], $0x10, s12, s7, $0xb8;
	[tilespmem:$0x1BC50] =	vst v63  }
0x1c0: {  	s21 =	simm.s32 $0x17C50;
	s16 =	sld [smem:$0x7F7]  }
0x1c1: {  	[tilespmem:s21], [sflag:$0x1] =	stream.indirect.gather [spmem:s2], $0x10, s14, s7, $0xb8;
	[tilespmem:$0x1BC50] =	vst v63  }
0x1c2: {  	s20 =	simm.s32 $0x18450;
	s22 =	sld [smem:$0x7F8]  }
0x1c3: {  	[tilespmem:s20], [sflag:$0x1] =	stream.indirect.gather [spmem:s2], $0x10, s16, s7, $0xb8;
	[tilespmem:$0x1BC50] =	vst v63  }
0x1c4: {  	s19 =	simm.s32 $0x18C50;
	s23 =	sld [smem:$0x7F9]  }
0x1c5: {  	[tilespmem:s19], [sflag:$0x1] =	stream.indirect.gather [spmem:s2], $0x10, s22, s7, $0xb8;
	[tilespmem:$0x1BC50] =	vst v63  }
0x1c6: {  	s18 =	simm.s32 $0x19450;
	s24 =	sld [smem:$0x7FA]  }
0x1c7: {  	[tilespmem:s18], [sflag:$0x1] =	stream.indirect.gather [spmem:s2], $0x10, s23, s7, $0xb8;
	[tilespmem:$0x1BC50] =	vst v63  }
0x1c8: {  	s17 =	simm.s32 $0x19C50;
	s25 =	sld [smem:$0x7FB]  }
0x1c9: {  	[tilespmem:s17], [sflag:$0x1] =	stream.indirect.gather [spmem:s2], $0x10, s24, s7, $0xb8;
	[tilespmem:$0x1BC50] =	vst v63  }
0x1ca: {  	s15 =	simm.s32 $0x1A450;
	s26 =	sld [smem:$0x7FC]  }
0x1cb: {  	[tilespmem:s15], [sflag:$0x1] =	stream.indirect.gather [spmem:s2], $0x10, s25, s7, $0xb8;
	[tilespmem:$0x1BC50] =	vst v63  }
0x1cc: {  	s9 =	simm.s32 $0x1AC50;
	s28 =	sld [smem:$0x7FD]  }
0x1cd: {  	[tilespmem:s9], [sflag:$0x1] =	stream.indirect.gather [spmem:s2], $0x10, s26, s7, $0xb8;
	[tilespmem:$0x1BC50] =	vst v63  }
0x1ce: {  	s1 =	simm.s32 $0x1B450  }
0x1cf: {  	[tilespmem:s1], [sflag:$0x1] =	stream.indirect.gather [spmem:s2], $0x10, s28, s7, $0xb8;
	[tilespmem:$0x1BC50] =	vst v63  }
0x1d0: {  	_ =	swait.ge [sflag:s6], $0x800  }
0x1d1: {  	[sflag:s6] =	ssyncset.done $0x0  }
0x1d2: {  	[sflag:s6] =	ssyncadd.s32 $0xFFFFF800  }
0x1d3: {  	_ =	swait.ge [sflag:s6], $0x800  }
0x1d4: {  	[sflag:s6] =	ssyncset.done $0x0  }
0x1d5: {  	[sflag:s6] =	ssyncadd.s32 $0xFFFFF800  }
0x1d6: {  	_ =	swait.ge [sflag:s6], $0x800  }
0x1d7: {  	[sflag:s6] =	ssyncset.done $0x0  }
0x1d8: {  	[sflag:s6] =	ssyncadd.s32 $0xFFFFF800  }
0x1d9: {  	_ =	swait.ge [sflag:s6], $0x800  }
0x1da: {  	[sflag:s6] =	ssyncset.done $0x0  }
0x1db: {  	[sflag:s6] =	ssyncadd.s32 $0xFFFFF800  }
0x1dc: {  	_ =	swait.ge [sflag:s6], $0x800  }
0x1dd: {  	[sflag:s6] =	ssyncset.done $0x0  }
0x1de: {  	[sflag:s6] =	ssyncadd.s32 $0xFFFFF800  }
0x1df: {  	_ =	swait.ge [sflag:s6], $0x800  }
0x1e0: {  	[sflag:s6] =	ssyncset.done $0x0  }
0x1e1: {  	[sflag:s6] =	ssyncadd.s32 $0xFFFFF800  }
0x1e2: {  	_ =	swait.ge [sflag:s6], $0x800  }
0x1e3: {  	[sflag:s6] =	ssyncset.done $0x0  }
0x1e4: {  	[sflag:s6] =	ssyncadd.s32 $0xFFFFF800  }
0x1e5: {  	_ =	swait.ge [sflag:s6], $0x800  }
0x1e6: {  	[sflag:s6] =	ssyncset.done $0x0  }
0x1e7: {  	[sflag:s6] =	ssyncadd.s32 $0xFFFFF800  }
0x1e8: {  	_ =	swait.ge [sflag:s6], $0x800  }
0x1e9: {  	[sflag:s6] =	ssyncset.done $0x0  }
0x1ea: {  	[sflag:s6] =	ssyncadd.s32 $0xFFFFF800  }
0x1eb: {  	_ =	swait.ge [sflag:s6], $0x800  }
0x1ec: {  	[sflag:s6] =	ssyncset.done $0x0  }
0x1ed: {  	[sflag:s6] =	ssyncadd.s32 $0xFFFFF800  }
0x1ee: {  	_ =	swait.ge [sflag:s6], $0x800  }
0x1ef: {  	[sflag:s6] =	ssyncset.done $0x0  }
0x1f0: {  	[sflag:s6] =	ssyncadd.s32 $0xFFFFF800  }
0x1f1: {  	_ =	swait.ge [sflag:s6], $0x800  }
0x1f2: {  	[sflag:s6] =	ssyncset.done $0x0  }
0x1f3: {  	[sflag:s6] =	ssyncadd.s32 $0xFFFFF800  }
0x1f4: {  	_ =	swait.ge [sflag:s6], $0x800  }
0x1f5: {  	[sflag:s6] =	ssyncset.done $0x0  }
0x1f6: {  	[sflag:s6] =	ssyncadd.s32 $0xFFFFF800  }
0x1f7: {  	_ =	swait.ge [sflag:s6], $0x800  }
0x1f8: {  	[sflag:s6] =	ssyncset.done $0x0  }
0x1f9: {  	[sflag:s6] =	ssyncadd.s32 $0xFFFFF800  }
0x1fa: {  	_ =	swait.ge [sflag:s6], $0x800  }
0x1fb: {  	[sflag:s6] =	ssyncset.done $0x0  }
0x1fc: {  	[sflag:s6] =	ssyncadd.s32 $0xFFFFF800  }
0x1fd: {  	_ =	swait.ge [sflag:s6], $0x800  }
0x1fe: {  	[sflag:s6] =	ssyncset.done $0x0  }
0x1ff: {  	[sflag:s6] =	ssyncadd.s32 $0xFFFFF800  }
0x200: {  	_ =	swait.ge [sflag:s6], $0x800  }
0x201: {  	[sflag:s6] =	ssyncset.done $0x0  }
0x202: {  	[sflag:s6] =	ssyncadd.s32 $0xFFFFF800  }
0x203: {  	_ =	swait.ge [sflag:s6], $0x800  }
0x204: {  	[sflag:s6] =	ssyncset.done $0x0  }
0x205: {  	[sflag:s6] =	ssyncadd.s32 $0xFFFFF800  }
0x206: {  	_ =	swait.ge [sflag:s6], $0x800  }
0x207: {  	[sflag:s6] =	ssyncset.done $0x0  }
0x208: {  	[sflag:s6] =	ssyncadd.s32 $0xFFFFF800  }
0x209: {  	_ =	swait.ge [sflag:s6], $0x800  }
0x20a: {  	[sflag:s6] =	ssyncset.done $0x0  }
0x20b: {  	[sflag:s6] =	ssyncadd.s32 $0xFFFFF800  }
0x20c: {  	_ =	swait.ge [sflag:s6], $0x800  }
0x20d: {  	[sflag:s6] =	ssyncset.done $0x0  }
0x20e: {  	[sflag:s6] =	ssyncadd.s32 $0xFFFFF800  }
0x20f: {  	_ =	swait.ge [sflag:s6], $0x800  }
0x210: {  	[sflag:s6] =	ssyncset.done $0x0  }
0x211: {  	[sflag:s6] =	ssyncadd.s32 $0xFFFFF800  }
0x212: {  	_ =	swait.ge [sflag:s6], $0x800  }
0x213: {  	[sflag:s6] =	ssyncset.done $0x0  }
0x214: {  	[sflag:s6] =	ssyncadd.s32 $0xFFFFF800  }
0x215: {  	_ =	swait.ge [sflag:s6], $0x800  }
0x216: {  	[sflag:s6] =	ssyncset.done $0x0  }
0x217: {  	s5 =	simm.s32 $0x3C50;
	s29 =	rddreg [dreg:$0x7];
	[sflag:s6] =	ssyncadd.s32 $0xFFFFF800  }
0x218: {  	[hbm4b:s29+s13] =	stream.linear.scatter [tilespmem:s5], [sflag:$0x2], $0xC000, $0x38;
	[tilespmem:$0x1BC50] =	vst v63  }
0x219: {  	_ =	swait.ge [sflag:s3], $0xC000  }
0x21a: {  	[sflag:s3] =	ssyncset.done $0x0  }
0x21b: {  	[sflag:s3] =	ssyncadd.s32 $0xFFFF4000  }
0x21c: {  	_ =	swait.ge [sflag:s6], $0x800  }
0x21d: {  	[sflag:s6] =	ssyncset.done $0x0  }
0x21e: {  	[sflag:s6] =	ssyncadd.s32 $0xFFFFF800  }
0x21f: {  	_ =	swait.ge [sflag:s6], $0x800  }
0x220: {  	[sflag:s6] =	ssyncset.done $0x0  }
0x221: {  	[sflag:s6] =	ssyncadd.s32 $0xFFFFF800  }
0x222: {  	_ =	swait.ge [sflag:s6], $0x800  }
0x223: {  	[sflag:s6] =	ssyncset.done $0x0  }
0x224: {  	[sflag:s6] =	ssyncadd.s32 $0xFFFFF800  }
0x225: {  	_ =	swait.ge [sflag:s6], $0x800  }
0x226: {  	[sflag:s6] =	ssyncset.done $0x0  }
0x227: {  	[sflag:s6] =	ssyncadd.s32 $0xFFFFF800  }
0x228: {  	_ =	swait.ge [sflag:s6], $0x800  }
0x229: {  	[sflag:s6] =	ssyncset.done $0x0  }
0x22a: {  	[sflag:s6] =	ssyncadd.s32 $0xFFFFF800  }
0x22b: {  	_ =	swait.ge [sflag:s6], $0x800  }
0x22c: {  	[sflag:s6] =	ssyncset.done $0x0  }
0x22d: {  	[sflag:s6] =	ssyncadd.s32 $0xFFFFF800  }
0x22e: {  	_ =	swait.ge [sflag:s6], $0x800  }
0x22f: {  	[sflag:s6] =	ssyncset.done $0x0  }
0x230: {  	[sflag:s6] =	ssyncadd.s32 $0xFFFFF800  }
0x231: {  	_ =	swait.ge [sflag:s6], $0x800  }
0x232: {  	[sflag:s6] =	ssyncset.done $0x0  }
0x233: {  	[sflag:s6] =	ssyncadd.s32 $0xFFFFF800  }
0x234: {  	_ =	swait.ge [sflag:s6], $0x800  }
0x235: {  	[sflag:s6] =	ssyncset.done $0x0  }
0x236: {  	[sflag:s6] =	ssyncadd.s32 $0xFFFFF800  }
0x237: {  	_ =	swait.ge [sflag:s6], $0x800  }
0x238: {  	[sflag:s6] =	ssyncset.done $0x0  }
0x239: {  	[sflag:s6] =	ssyncadd.s32 $0xFFFFF800  }
0x23a: {  	_ =	swait.ge [sflag:s6], $0x800  }
0x23b: {  	[sflag:s6] =	ssyncset.done $0x0  }
0x23c: {  	[sflag:s6] =	ssyncadd.s32 $0xFFFFF800  }
0x23d: {  	_ =	swait.ge [sflag:s6], $0x800  }
0x23e: {  	[sflag:s6] =	ssyncset.done $0x0  }
0x23f: {  	[sflag:s6] =	ssyncadd.s32 $0xFFFFF800  }
0x240: {  	_ =	swait.ge [sflag:s6], $0x800  }
0x241: {  	[sflag:s6] =	ssyncset.done $0x0  }
0x242: {  	[sflag:s6] =	ssyncadd.s32 $0xFFFFF800  }
0x243: {  	_ =	swait.ge [sflag:s6], $0x800  }
0x244: {  	[sflag:s6] =	ssyncset.done $0x0  }
0x245: {  	[sflag:s6] =	ssyncadd.s32 $0xFFFFF800  }
0x246: {  	_ =	swait.ge [sflag:s6], $0x800  }
0x247: {  	[sflag:s6] =	ssyncset.done $0x0  }
0x248: {  	[sflag:s6] =	ssyncadd.s32 $0xFFFFF800  }
0x249: {  	_ =	swait.ge [sflag:s6], $0x800  }
0x24a: {  	[sflag:s6] =	ssyncset.done $0x0  }
0x24b: {  	[sflag:s6] =	ssyncadd.s32 $0xFFFFF800  }
0x24c: {  	_ =	swait.ge [sflag:s6], $0x800  }
0x24d: {  	[sflag:s6] =	ssyncset.done $0x0  }
0x24e: {  	[sflag:s6] =	ssyncadd.s32 $0xFFFFF800  }
0x24f: {  	_ =	swait.ge [sflag:s6], $0x800  }
0x250: {  	[sflag:s6] =	ssyncset.done $0x0  }
0x251: {  	[sflag:s6] =	ssyncadd.s32 $0xFFFFF800  }
0x252: {  	_ =	swait.ge [sflag:s6], $0x800  }
0x253: {  	[sflag:s6] =	ssyncset.done $0x0  }
0x254: {  	[sflag:s6] =	ssyncadd.s32 $0xFFFFF800  }
0x255: {  	_ =	swait.ge [sflag:s6], $0x800  }
0x256: {  	[sflag:s6] =	ssyncset.done $0x0  }
0x257: {  	[sflag:s6] =	ssyncadd.s32 $0xFFFFF800  }
0x258: {  	_ =	swait.ge [sflag:s6], $0x800  }
0x259: {  	[sflag:s6] =	ssyncset.done $0x0  }
0x25a: {  	[sflag:s6] =	ssyncadd.s32 $0xFFFFF800  }
0x25b: {  	_ =	swait.ge [sflag:s6], $0x800  }
0x25c: {  	[sflag:s6] =	ssyncset.done $0x0  }
0x25d: {  	[sflag:s6] =	ssyncadd.s32 $0xFFFFF800  }
0x25e: {  	_ =	swait.ge [sflag:s6], $0x800  }
0x25f: {  	[sflag:s6] =	ssyncset.done $0x0  }
0x260: {  	[sflag:s6] =	ssyncadd.s32 $0xFFFFF800  }
0x261: {  	_ =	swait.ge [sflag:s6], $0x800  }
0x262: {  	s31 =	sld [smem:$0x7B4];
	_ =	sdelay $0x2  }
0x263: {  	s10 =	sadd.s32 $0xFFFFFFFF, s31  }
0x264: {  	s0 =	simm.s32 $0xFC50;
	[sflag:s6] =	ssyncset.done $0x0;
	p2 =	sne.s32 s10, $0x0  }
.Ltmp1:
0x265: {  	s30 =	rddreg [dreg:$0x8];
	[sflag:s6] =	ssyncadd.s32 $0xFFFFF800;
	(pc) =	sbr.rel @!p2 .LBB2_7-.Ltmp1, $4  }
0x266: {  	[hbm4b:s30+s13] =	stream.linear.scatter [tilespmem:s0], [sflag:$0x2], $0xC000, $0x38;
	[tilespmem:$0x1BC50] =	vst v63  }
0x267: {  	_ =	swait.ge [sflag:s3], $0xC000  }
0x268: {  	s11 =	rddreg [dreg:$0x4]  }
0x269: {  	p1 =	por $0x1, $0x1;
	[sflag:s3] =	ssyncset.done $0x0;
	[smem:$0x7B5] =	sst s8  }
0x26a: {  	s16 =	simm.s32 $0x4450;
	s17 =	simm.s32 $0x4C50  }
0x26b: {  	s18 =	simm.s32 $0x5450;
	s19 =	simm.s32 $0x5C50;
	s20 =	simm.s32 $0x6C50  }
0x26c: {  	s21 =	simm.s32 $0x7450;
	s22 =	simm.s32 $0x7C50;
	s23 =	simm.s32 $0x8450  }
0x26d: {  	s24 =	simm.s32 $0x8C50;
	s25 =	simm.s32 $0x9450;
	s26 =	simm.s32 $0x3C50  }
0x26e: {  	s28 =	simm.s32 $0xA450;
	s29 =	simm.s32 $0xAC50;
	s30 =	simm.s32 $0xB450  }
0x26f: {  	s31 =	simm.s32 $0xBC50;
	s14 =	simm.s32 $0xCC50;
	s8 =	simm.s32 $0xDC50  }
0x270: {  	s15 =	simm.s32 $0xE450;
	s9 =	simm.s32 $0xEC50;
	s4 =	simm.s32 $0xF450  }
.LBB2_4:
0x271: {  	[sflag:s3] =	ssyncadd.s32 $0xFFFF4000;
	s0 =	simm.s32 @!p0 $0x0;
	s1 =	simm.s32 @!p0 $0x2  }
0x272: {  	[tilespmem:s0], [sflag:$0x2] =	stream.linear.gather @!p0 [hbm4b:s11+s0], $0xB90, $0x38;
	[tilespmem:$0x1BC50] =	vst v63  }
0x273: {  	_ =	swait.ge @!p0 [sflag:s1], $0xB90  }
0x274: {  	[sflag:s1] =	ssyncset.done @!p0 $0x0  }
0x275: {  	[sflag:s1] =	ssyncadd.s32 @!p0 $0xFFFFF470  }
0x276: {  	[spmem:s2] =	stream.linear.scatter @!p0 [tilespmem:s0], [sflag:$0x2], $0xB90, $0x38;
	[tilespmem:$0x1BC50] =	vst v63  }
0x277: {  	_ =	swait.ge @!p0 [sflag:s1], $0xB90  }
0x278: {  	[sflag:s1] =	ssyncset.done @!p0 $0x0  }
0x279: {  	[sflag:s1] =	ssyncadd.s32 @!p0 $0xFFFFF470  }
0x27a: {  	[bflag:$0x0] =	sbarrier.arrive $0xFFFF  }
0x27b: {  	s12 =	simm.s32 $0xC50;
	s0 =	rddreg [dreg:$0x5]  }
0x27c: {  	[tilespmem:s12], [sflag:$0x2] =	stream.linear.gather [hbm4b:s0+s13], $0x3000, $0x38;
	[tilespmem:$0x1BC50] =	vst v63  }
0x27d: {  	_ =	swait.ge [sflag:s3], $0x3000  }
0x27e: {  	[sflag:s3] =	ssyncset.done $0x0  }
0x27f: {  	s1 =	rddreg [dreg:$0x9];
	[sflag:s3] =	ssyncadd.s32 $0xFFFFD000  }
0x280: {  	[tilespmem:s5], [sflag:$0x1] =	stream.indirect.gather [spmem:s2], $0x10, s12, s7, $0xb8;
	[tilespmem:$0x1BC50] =	vst v63  }
0x281: {  	s13 =	rddreg [dreg:$0xc]  }
0x282: {  	[tilespmem:s16], [sflag:$0x1] =	stream.indirect.gather [spmem:s2], $0x10, s1, s7, $0xb8;
	[tilespmem:$0x1BC50] =	vst v63  }
0x283: {  	s3 =	rddreg [dreg:$0xa]  }
0x284: {  	[tilespmem:s17], [sflag:$0x1] =	stream.indirect.gather [spmem:s2], $0x10, s3, s7, $0xb8;
	[tilespmem:$0x1BC50] =	vst v63  }
0x285: {  	s5 =	rddreg [dreg:$0xb]  }
0x286: {  	[tilespmem:s18], [sflag:$0x1] =	stream.indirect.gather [spmem:s2], $0x10, s5, s7, $0xb8;
	[tilespmem:$0x1BC50] =	vst v63  }
0x287: {  	s0 =	rddreg [dreg:$0xd]  }
0x288: {  	[tilespmem:s19], [sflag:$0x1] =	stream.indirect.gather [spmem:s2], $0x10, s13, s7, $0xb8;
	[tilespmem:$0x1BC50] =	vst v63  }
0x289: {  	s11 =	rddreg [dreg:$0x1b];
	s1 =	simm.s32 $0x6450  }
0x28a: {  	[tilespmem:s1], [sflag:$0x1] =	stream.indirect.gather [spmem:s2], $0x10, s0, s7, $0xb8;
	[tilespmem:$0x1BC50] =	vst v63  }
0x28b: {  	s3 =	rddreg [dreg:$0xe]  }
0x28c: {  	[tilespmem:s20], [sflag:$0x1] =	stream.indirect.gather [spmem:s2], $0x10, s3, s7, $0xb8;
	[tilespmem:$0x1BC50] =	vst v63  }
0x28d: {  	s5 =	rddreg [dreg:$0xf]  }
0x28e: {  	[tilespmem:s21], [sflag:$0x1] =	stream.indirect.gather [spmem:s2], $0x10, s5, s7, $0xb8;
	[tilespmem:$0x1BC50] =	vst v63  }
0x28f: {  	s13 =	rddreg [dreg:$0x10]  }
0x290: {  	[tilespmem:s22], [sflag:$0x1] =	stream.indirect.gather [spmem:s2], $0x10, s13, s7, $0xb8;
	[tilespmem:$0x1BC50] =	vst v63  }
0x291: {  	s0 =	rddreg [dreg:$0x11]  }
0x292: {  	[tilespmem:s23], [sflag:$0x1] =	stream.indirect.gather [spmem:s2], $0x10, s0, s7, $0xb8;
	[tilespmem:$0x1BC50] =	vst v63  }
0x293: {  	s3 =	rddreg [dreg:$0x12]  }
0x294: {  	[tilespmem:s24], [sflag:$0x1] =	stream.indirect.gather [spmem:s2], $0x10, s3, s7, $0xb8;
	[tilespmem:$0x1BC50] =	vst v63  }
0x295: {  	s5 =	rddreg [dreg:$0x13]  }
0x296: {  	[tilespmem:s25], [sflag:$0x1] =	stream.indirect.gather [spmem:s2], $0x10, s5, s7, $0xb8;
	[tilespmem:$0x1BC50] =	vst v63  }
0x297: {  	s13 =	rddreg [dreg:$0x14];
	s5 =	simm.s32 $0x9C50  }
0x298: {  	[tilespmem:s5], [sflag:$0x1] =	stream.indirect.gather [spmem:s2], $0x10, s13, s7, $0xb8;
	[tilespmem:$0x1BC50] =	vst v63  }
0x299: {  	s0 =	rddreg [dreg:$0x15]  }
0x29a: {  	[tilespmem:s28], [sflag:$0x1] =	stream.indirect.gather [spmem:s2], $0x10, s0, s7, $0xb8;
	[tilespmem:$0x1BC50] =	vst v63  }
0x29b: {  	s3 =	rddreg [dreg:$0x16]  }
0x29c: {  	[tilespmem:s29], [sflag:$0x1] =	stream.indirect.gather [spmem:s2], $0x10, s3, s7, $0xb8;
	[tilespmem:$0x1BC50] =	vst v63  }
0x29d: {  	s13 =	rddreg [dreg:$0x17]  }
0x29e: {  	[tilespmem:s30], [sflag:$0x1] =	stream.indirect.gather [spmem:s2], $0x10, s13, s7, $0xb8;
	[tilespmem:$0x1BC50] =	vst v63  }
0x29f: {  	s0 =	rddreg [dreg:$0x18]  }
0x2a0: {  	[tilespmem:s31], [sflag:$0x1] =	stream.indirect.gather [spmem:s2], $0x10, s0, s7, $0xb8;
	[tilespmem:$0x1BC50] =	vst v63  }
0x2a1: {  	s3 =	rddreg [dreg:$0x19];
	s13 =	simm.s32 $0xC450  }
0x2a2: {  	[tilespmem:s13], [sflag:$0x1] =	stream.indirect.gather [spmem:s2], $0x10, s3, s7, $0xb8;
	[tilespmem:$0x1BC50] =	vst v63  }
0x2a3: {  	s0 =	rddreg [dreg:$0x1a]  }
0x2a4: {  	[tilespmem:s14], [sflag:$0x1] =	stream.indirect.gather [spmem:s2], $0x10, s0, s7, $0xb8;
	[tilespmem:$0x1BC50] =	vst v63  }
0x2a5: {  	s12 =	rddreg [dreg:$0x1c];
	s3 =	simm.s32 $0xD450  }
0x2a6: {  	[tilespmem:s3], [sflag:$0x1] =	stream.indirect.gather [spmem:s2], $0x10, s11, s7, $0xb8;
	[tilespmem:$0x1BC50] =	vst v63  }
0x2a7: {  	s3 =	rddreg [dreg:$0x1d]  }
0x2a8: {  	[tilespmem:s8], [sflag:$0x1] =	stream.indirect.gather [spmem:s2], $0x10, s12, s7, $0xb8;
	[tilespmem:$0x1BC50] =	vst v63  }
0x2a9: {  	s12 =	rddreg [dreg:$0x1e]  }
0x2aa: {  	[tilespmem:s15], [sflag:$0x1] =	stream.indirect.gather [spmem:s2], $0x10, s3, s7, $0xb8;
	[tilespmem:$0x1BC50] =	vst v63  }
0x2ab: {  	s3 =	rddreg [dreg:$0x1f]  }
0x2ac: {  	[tilespmem:s9], [sflag:$0x1] =	stream.indirect.gather [spmem:s2], $0x10, s12, s7, $0xb8;
	[tilespmem:$0x1BC50] =	vst v63  }
0x2ad: {  	s12 =	sld [smem:$0x7B6]  }
0x2ae: {  	[tilespmem:s4], [sflag:$0x1] =	stream.indirect.gather [spmem:s2], $0x10, s3, s7, $0xb8;
	[tilespmem:$0x1BC50] =	vst v63  }
0x2af: {  	s11 =	sld [smem:$0x7B7];
	s3 =	simm.s32 $0xFC50  }
0x2b0: {  	[tilespmem:s3], [sflag:$0x1] =	stream.indirect.gather [spmem:s2], $0x10, s12, s7, $0xb8;
	[tilespmem:$0x1BC50] =	vst v63  }
0x2b1: {  	s12 =	sld [smem:$0x7B8];
	s3 =	simm.s32 $0x10450  }
0x2b2: {  	[tilespmem:s3], [sflag:$0x1] =	stream.indirect.gather [spmem:s2], $0x10, s11, s7, $0xb8;
	[tilespmem:$0x1BC50] =	vst v63  }
0x2b3: {  	s11 =	sld [smem:$0x7B9];
	s3 =	simm.s32 $0x10C50  }
0x2b4: {  	[tilespmem:s3], [sflag:$0x1] =	stream.indirect.gather [spmem:s2], $0x10, s12, s7, $0xb8;
	[tilespmem:$0x1BC50] =	vst v63  }
0x2b5: {  	s12 =	sld [smem:$0x7BA];
	s3 =	simm.s32 $0x11450  }
0x2b6: {  	[tilespmem:s3], [sflag:$0x1] =	stream.indirect.gather [spmem:s2], $0x10, s11, s7, $0xb8;
	[tilespmem:$0x1BC50] =	vst v63  }
0x2b7: {  	s11 =	sld [smem:$0x7BB];
	s3 =	simm.s32 $0x11C50  }
0x2b8: {  	[tilespmem:s3], [sflag:$0x1] =	stream.indirect.gather [spmem:s2], $0x10, s12, s7, $0xb8;
	[tilespmem:$0x1BC50] =	vst v63  }
0x2b9: {  	s12 =	sld [smem:$0x7BC];
	s3 =	simm.s32 $0x12450  }
0x2ba: {  	[tilespmem:s3], [sflag:$0x1] =	stream.indirect.gather [spmem:s2], $0x10, s11, s7, $0xb8;
	[tilespmem:$0x1BC50] =	vst v63  }
0x2bb: {  	s11 =	sld [smem:$0x7BD];
	s3 =	simm.s32 $0x12C50  }
0x2bc: {  	[tilespmem:s3], [sflag:$0x1] =	stream.indirect.gather [spmem:s2], $0x10, s12, s7, $0xb8;
	[tilespmem:$0x1BC50] =	vst v63  }
0x2bd: {  	s12 =	sld [smem:$0x7BE];
	s3 =	simm.s32 $0x13450  }
0x2be: {  	[tilespmem:s3], [sflag:$0x1] =	stream.indirect.gather [spmem:s2], $0x10, s11, s7, $0xb8;
	[tilespmem:$0x1BC50] =	vst v63  }
0x2bf: {  	s11 =	sld [smem:$0x7BF];
	s3 =	simm.s32 $0x13C50  }
0x2c0: {  	[tilespmem:s3], [sflag:$0x1] =	stream.indirect.gather [spmem:s2], $0x10, s12, s7, $0xb8;
	[tilespmem:$0x1BC50] =	vst v63  }
0x2c1: {  	s12 =	sld [smem:$0x7C0];
	s3 =	simm.s32 $0x14450  }
0x2c2: {  	[tilespmem:s3], [sflag:$0x1] =	stream.indirect.gather [spmem:s2], $0x10, s11, s7, $0xb8;
	[tilespmem:$0x1BC50] =	vst v63  }
0x2c3: {  	s11 =	sld [smem:$0x7C1];
	s3 =	simm.s32 $0x14C50  }
0x2c4: {  	[tilespmem:s3], [sflag:$0x1] =	stream.indirect.gather [spmem:s2], $0x10, s12, s7, $0xb8;
	[tilespmem:$0x1BC50] =	vst v63  }
0x2c5: {  	s12 =	sld [smem:$0x7C2];
	s3 =	simm.s32 $0x15450  }
0x2c6: {  	[tilespmem:s3], [sflag:$0x1] =	stream.indirect.gather [spmem:s2], $0x10, s11, s7, $0xb8;
	[tilespmem:$0x1BC50] =	vst v63  }
0x2c7: {  	s11 =	sld [smem:$0x7C3];
	s3 =	simm.s32 $0x15C50  }
0x2c8: {  	[tilespmem:s3], [sflag:$0x1] =	stream.indirect.gather [spmem:s2], $0x10, s12, s7, $0xb8;
	[tilespmem:$0x1BC50] =	vst v63  }
0x2c9: {  	s12 =	sld [smem:$0x7C4];
	s3 =	simm.s32 $0x16450  }
0x2ca: {  	[tilespmem:s3], [sflag:$0x1] =	stream.indirect.gather [spmem:s2], $0x10, s11, s7, $0xb8;
	[tilespmem:$0x1BC50] =	vst v63  }
0x2cb: {  	s11 =	sld [smem:$0x7C5];
	s3 =	simm.s32 $0x16C50  }
0x2cc: {  	[tilespmem:s3], [sflag:$0x1] =	stream.indirect.gather [spmem:s2], $0x10, s12, s7, $0xb8;
	[tilespmem:$0x1BC50] =	vst v63  }
0x2cd: {  	s12 =	sld [smem:$0x7C6];
	s3 =	simm.s32 $0x17450  }
0x2ce: {  	[tilespmem:s3], [sflag:$0x1] =	stream.indirect.gather [spmem:s2], $0x10, s11, s7, $0xb8;
	[tilespmem:$0x1BC50] =	vst v63  }
0x2cf: {  	s11 =	sld [smem:$0x7C7];
	s3 =	simm.s32 $0x17C50  }
0x2d0: {  	[tilespmem:s3], [sflag:$0x1] =	stream.indirect.gather [spmem:s2], $0x10, s12, s7, $0xb8;
	[tilespmem:$0x1BC50] =	vst v63  }
0x2d1: {  	s12 =	sld [smem:$0x7C8];
	s3 =	simm.s32 $0x18450  }
0x2d2: {  	[tilespmem:s3], [sflag:$0x1] =	stream.indirect.gather [spmem:s2], $0x10, s11, s7, $0xb8;
	[tilespmem:$0x1BC50] =	vst v63  }
0x2d3: {  	s11 =	sld [smem:$0x7C9];
	s3 =	simm.s32 $0x18C50  }
0x2d4: {  	[tilespmem:s3], [sflag:$0x1] =	stream.indirect.gather [spmem:s2], $0x10, s12, s7, $0xb8;
	[tilespmem:$0x1BC50] =	vst v63  }
0x2d5: {  	s12 =	sld [smem:$0x7CA];
	s3 =	simm.s32 $0x19450  }
0x2d6: {  	[tilespmem:s3], [sflag:$0x1] =	stream.indirect.gather [spmem:s2], $0x10, s11, s7, $0xb8;
	[tilespmem:$0x1BC50] =	vst v63  }
0x2d7: {  	s11 =	sld [smem:$0x7CB];
	s3 =	simm.s32 $0x19C50  }
0x2d8: {  	[tilespmem:s3], [sflag:$0x1] =	stream.indirect.gather [spmem:s2], $0x10, s12, s7, $0xb8;
	[tilespmem:$0x1BC50] =	vst v63  }
0x2d9: {  	s12 =	sld [smem:$0x7CC];
	s3 =	simm.s32 $0x1A450  }
0x2da: {  	[tilespmem:s3], [sflag:$0x1] =	stream.indirect.gather [spmem:s2], $0x10, s11, s7, $0xb8;
	[tilespmem:$0x1BC50] =	vst v63  }
0x2db: {  	s11 =	sld [smem:$0x7CD];
	s3 =	simm.s32 $0x1AC50  }
0x2dc: {  	[tilespmem:s3], [sflag:$0x1] =	stream.indirect.gather [spmem:s2], $0x10, s12, s7, $0xb8;
	[tilespmem:$0x1BC50] =	vst v63  }
0x2dd: {  	s12 =	simm.s32 $0x1B450  }
0x2de: {  	[tilespmem:s12], [sflag:$0x1] =	stream.indirect.gather [spmem:s2], $0x10, s11, s7, $0xb8;
	[tilespmem:$0x1BC50] =	vst v63  }
0x2df: {  	_ =	swait.ge [sflag:s6], $0x800  }
0x2e0: {  	[sflag:s6] =	ssyncset.done $0x0  }
0x2e1: {  	[sflag:s6] =	ssyncadd.s32 $0xFFFFF800  }
0x2e2: {  	_ =	swait.ge [sflag:s6], $0x800  }
0x2e3: {  	[sflag:s6] =	ssyncset.done $0x0  }
0x2e4: {  	[sflag:s6] =	ssyncadd.s32 $0xFFFFF800  }
0x2e5: {  	_ =	swait.ge [sflag:s6], $0x800  }
0x2e6: {  	[sflag:s6] =	ssyncset.done $0x0  }
0x2e7: {  	[sflag:s6] =	ssyncadd.s32 $0xFFFFF800  }
0x2e8: {  	_ =	swait.ge [sflag:s6], $0x800  }
0x2e9: {  	[sflag:s6] =	ssyncset.done $0x0  }
0x2ea: {  	[sflag:s6] =	ssyncadd.s32 $0xFFFFF800  }
0x2eb: {  	_ =	swait.ge [sflag:s6], $0x800  }
0x2ec: {  	[sflag:s6] =	ssyncset.done $0x0  }
0x2ed: {  	[sflag:s6] =	ssyncadd.s32 $0xFFFFF800  }
0x2ee: {  	_ =	swait.ge [sflag:s6], $0x800  }
0x2ef: {  	[sflag:s6] =	ssyncset.done $0x0  }
0x2f0: {  	[sflag:s6] =	ssyncadd.s32 $0xFFFFF800  }
0x2f1: {  	_ =	swait.ge [sflag:s6], $0x800  }
0x2f2: {  	[sflag:s6] =	ssyncset.done $0x0  }
0x2f3: {  	[sflag:s6] =	ssyncadd.s32 $0xFFFFF800  }
0x2f4: {  	_ =	swait.ge [sflag:s6], $0x800  }
0x2f5: {  	[sflag:s6] =	ssyncset.done $0x0  }
0x2f6: {  	[sflag:s6] =	ssyncadd.s32 $0xFFFFF800  }
0x2f7: {  	_ =	swait.ge [sflag:s6], $0x800  }
0x2f8: {  	[sflag:s6] =	ssyncset.done $0x0  }
0x2f9: {  	[sflag:s6] =	ssyncadd.s32 $0xFFFFF800  }
0x2fa: {  	_ =	swait.ge [sflag:s6], $0x800  }
0x2fb: {  	[sflag:s6] =	ssyncset.done $0x0  }
0x2fc: {  	[sflag:s6] =	ssyncadd.s32 $0xFFFFF800  }
0x2fd: {  	_ =	swait.ge [sflag:s6], $0x800  }
0x2fe: {  	[sflag:s6] =	ssyncset.done $0x0  }
0x2ff: {  	[sflag:s6] =	ssyncadd.s32 $0xFFFFF800  }
0x300: {  	_ =	swait.ge [sflag:s6], $0x800  }
0x301: {  	[sflag:s6] =	ssyncset.done $0x0  }
0x302: {  	[sflag:s6] =	ssyncadd.s32 $0xFFFFF800  }
0x303: {  	_ =	swait.ge [sflag:s6], $0x800  }
0x304: {  	[sflag:s6] =	ssyncset.done $0x0  }
0x305: {  	[sflag:s6] =	ssyncadd.s32 $0xFFFFF800  }
0x306: {  	_ =	swait.ge [sflag:s6], $0x800  }
0x307: {  	[sflag:s6] =	ssyncset.done $0x0  }
0x308: {  	[sflag:s6] =	ssyncadd.s32 $0xFFFFF800  }
0x309: {  	_ =	swait.ge [sflag:s6], $0x800  }
0x30a: {  	[sflag:s6] =	ssyncset.done $0x0  }
0x30b: {  	[sflag:s6] =	ssyncadd.s32 $0xFFFFF800  }
0x30c: {  	_ =	swait.ge [sflag:s6], $0x800  }
0x30d: {  	[sflag:s6] =	ssyncset.done $0x0  }
0x30e: {  	[sflag:s6] =	ssyncadd.s32 $0xFFFFF800  }
0x30f: {  	_ =	swait.ge [sflag:s6], $0x800  }
0x310: {  	[sflag:s6] =	ssyncset.done $0x0  }
0x311: {  	[sflag:s6] =	ssyncadd.s32 $0xFFFFF800  }
0x312: {  	_ =	swait.ge [sflag:s6], $0x800  }
0x313: {  	[sflag:s6] =	ssyncset.done $0x0  }
0x314: {  	[sflag:s6] =	ssyncadd.s32 $0xFFFFF800  }
0x315: {  	_ =	swait.ge [sflag:s6], $0x800  }
0x316: {  	[sflag:s6] =	ssyncset.done $0x0  }
0x317: {  	[sflag:s6] =	ssyncadd.s32 $0xFFFFF800  }
0x318: {  	_ =	swait.ge [sflag:s6], $0x800  }
0x319: {  	[sflag:s6] =	ssyncset.done $0x0  }
0x31a: {  	[sflag:s6] =	ssyncadd.s32 $0xFFFFF800  }
0x31b: {  	_ =	swait.ge [sflag:s6], $0x800  }
0x31c: {  	[sflag:s6] =	ssyncset.done $0x0  }
0x31d: {  	[sflag:s6] =	ssyncadd.s32 $0xFFFFF800  }
0x31e: {  	_ =	swait.ge [sflag:s6], $0x800  }
0x31f: {  	[sflag:s6] =	ssyncset.done $0x0  }
0x320: {  	[sflag:s6] =	ssyncadd.s32 $0xFFFFF800  }
0x321: {  	_ =	swait.ge [sflag:s6], $0x800  }
0x322: {  	[sflag:s6] =	ssyncset.done $0x0  }
0x323: {  	[sflag:s6] =	ssyncadd.s32 $0xFFFFF800  }
0x324: {  	_ =	swait.ge [sflag:s6], $0x800  }
0x325: {  	s12 =	sld [smem:$0x7B5]  }
0x326: {  	[sflag:s6] =	ssyncset.done $0x0  }
0x327: {  	s0 =	simm.s32 $0x2;
	s3 =	simm.s32 $0x0;
	[sflag:s6] =	ssyncadd.s32 $0xFFFFF800  }
0x328: {  	[hbm4b:s12+s3] =	stream.linear.scatter [tilespmem:s26], [sflag:$0x2], $0xC000, $0x38;
	[tilespmem:$0x1BC50] =	vst v63  }
0x329: {  	_ =	swait.ge [sflag:s0], $0xC000  }
0x32a: {  	s12 =	sld [smem:$0x7CE]  }
0x32b: {  	[sflag:s0] =	ssyncset.done $0x0  }
0x32c: {  	s3 =	sld [smem:$0x7CF];
	[sflag:s0] =	ssyncadd.s32 $0xFFFF4000  }
0x32d: {  	[tilespmem:s26], [sflag:$0x1] =	stream.indirect.gather [spmem:s2], $0x10, s12, s7, $0xb8;
	[tilespmem:$0x1BC50] =	vst v63  }
0x32e: {  	s0 =	sld [smem:$0x7D0]  }
0x32f: {  	[tilespmem:s16], [sflag:$0x1] =	stream.indirect.gather [spmem:s2], $0x10, s3, s7, $0xb8;
	[tilespmem:$0x1BC50] =	vst v63  }
0x330: {  	s3 =	sld [smem:$0x7D1]  }
0x331: {  	[tilespmem:s17], [sflag:$0x1] =	stream.indirect.gather [spmem:s2], $0x10, s0, s7, $0xb8;
	[tilespmem:$0x1BC50] =	vst v63  }
0x332: {  	s0 =	sld [smem:$0x7D2]  }
0x333: {  	[tilespmem:s18], [sflag:$0x1] =	stream.indirect.gather [spmem:s2], $0x10, s3, s7, $0xb8;
	[tilespmem:$0x1BC50] =	vst v63  }
0x334: {  	s3 =	sld [smem:$0x7D3]  }
0x335: {  	[tilespmem:s19], [sflag:$0x1] =	stream.indirect.gather [spmem:s2], $0x10, s0, s7, $0xb8;
	[tilespmem:$0x1BC50] =	vst v63  }
0x336: {  	s0 =	sld [smem:$0x7D4]  }
0x337: {  	[tilespmem:s1], [sflag:$0x1] =	stream.indirect.gather [spmem:s2], $0x10, s3, s7, $0xb8;
	[tilespmem:$0x1BC50] =	vst v63  }
0x338: {  	s3 =	sld [smem:$0x7D5]  }
0x339: {  	[tilespmem:s20], [sflag:$0x1] =	stream.indirect.gather [spmem:s2], $0x10, s0, s7, $0xb8;
	[tilespmem:$0x1BC50] =	vst v63  }
0x33a: {  	s0 =	sld [smem:$0x7D6]  }
0x33b: {  	[tilespmem:s21], [sflag:$0x1] =	stream.indirect.gather [spmem:s2], $0x10, s3, s7, $0xb8;
	[tilespmem:$0x1BC50] =	vst v63  }
0x33c: {  	s1 =	sld [smem:$0x7D7]  }
0x33d: {  	[tilespmem:s22], [sflag:$0x1] =	stream.indirect.gather [spmem:s2], $0x10, s0, s7, $0xb8;
	[tilespmem:$0x1BC50] =	vst v63  }
0x33e: {  	s3 =	sld [smem:$0x7D8]  }
0x33f: {  	[tilespmem:s23], [sflag:$0x1] =	stream.indirect.gather [spmem:s2], $0x10, s1, s7, $0xb8;
	[tilespmem:$0x1BC50] =	vst v63  }
0x340: {  	s0 =	sld [smem:$0x7D9]  }
0x341: {  	[tilespmem:s24], [sflag:$0x1] =	stream.indirect.gather [spmem:s2], $0x10, s3, s7, $0xb8;
	[tilespmem:$0x1BC50] =	vst v63  }
0x342: {  	s1 =	sld [smem:$0x7DA]  }
0x343: {  	[tilespmem:s25], [sflag:$0x1] =	stream.indirect.gather [spmem:s2], $0x10, s0, s7, $0xb8;
	[tilespmem:$0x1BC50] =	vst v63  }
0x344: {  	s3 =	sld [smem:$0x7DB]  }
0x345: {  	[tilespmem:s5], [sflag:$0x1] =	stream.indirect.gather [spmem:s2], $0x10, s1, s7, $0xb8;
	[tilespmem:$0x1BC50] =	vst v63  }
0x346: {  	s0 =	sld [smem:$0x7DC]  }
0x347: {  	[tilespmem:s28], [sflag:$0x1] =	stream.indirect.gather [spmem:s2], $0x10, s3, s7, $0xb8;
	[tilespmem:$0x1BC50] =	vst v63  }
0x348: {  	s1 =	sld [smem:$0x7DD]  }
0x349: {  	[tilespmem:s29], [sflag:$0x1] =	stream.indirect.gather [spmem:s2], $0x10, s0, s7, $0xb8;
	[tilespmem:$0x1BC50] =	vst v63  }
0x34a: {  	s3 =	sld [smem:$0x7DE]  }
0x34b: {  	[tilespmem:s30], [sflag:$0x1] =	stream.indirect.gather [spmem:s2], $0x10, s1, s7, $0xb8;
	[tilespmem:$0x1BC50] =	vst v63  }
0x34c: {  	s0 =	sld [smem:$0x7DF]  }
0x34d: {  	[tilespmem:s31], [sflag:$0x1] =	stream.indirect.gather [spmem:s2], $0x10, s3, s7, $0xb8;
	[tilespmem:$0x1BC50] =	vst v63  }
0x34e: {  	s1 =	sld [smem:$0x7E0]  }
0x34f: {  	[tilespmem:s13], [sflag:$0x1] =	stream.indirect.gather [spmem:s2], $0x10, s0, s7, $0xb8;
	[tilespmem:$0x1BC50] =	vst v63  }
0x350: {  	s3 =	sld [smem:$0x7E1]  }
0x351: {  	[tilespmem:s14], [sflag:$0x1] =	stream.indirect.gather [spmem:s2], $0x10, s1, s7, $0xb8;
	[tilespmem:$0x1BC50] =	vst v63  }
0x352: {  	s11 =	sld [smem:$0x7E2];
	s13 =	simm.s32 $0xD450  }
0x353: {  	[tilespmem:s13], [sflag:$0x1] =	stream.indirect.gather [spmem:s2], $0x10, s3, s7, $0xb8;
	[tilespmem:$0x1BC50] =	vst v63  }
0x354: {  	s1 =	sld [smem:$0x7E3]  }
0x355: {  	[tilespmem:s8], [sflag:$0x1] =	stream.indirect.gather [spmem:s2], $0x10, s11, s7, $0xb8;
	[tilespmem:$0x1BC50] =	vst v63  }
0x356: {  	s0 =	sld [smem:$0x7E4]  }
0x357: {  	[tilespmem:s15], [sflag:$0x1] =	stream.indirect.gather [spmem:s2], $0x10, s1, s7, $0xb8;
	[tilespmem:$0x1BC50] =	vst v63  }
0x358: {  	s1 =	sld [smem:$0x7E5]  }
0x359: {  	[tilespmem:s9], [sflag:$0x1] =	stream.indirect.gather [spmem:s2], $0x10, s0, s7, $0xb8;
	[tilespmem:$0x1BC50] =	vst v63  }
0x35a: {  	_ = 	snop  }
0x35b: {  	[tilespmem:s4], [sflag:$0x1] =	stream.indirect.gather [spmem:s2], $0x10, s1, s7, $0xb8;
	[tilespmem:$0x1BC50] =	vst v63  }
0x35c: {  	_ =	swait.ge [sflag:s6], $0x800  }
0x35d: {  	[sflag:s6] =	ssyncset.done $0x0  }
0x35e: {  	[sflag:s6] =	ssyncadd.s32 $0xFFFFF800  }
0x35f: {  	_ =	swait.ge [sflag:s6], $0x800  }
0x360: {  	[sflag:s6] =	ssyncset.done $0x0  }
0x361: {  	[sflag:s6] =	ssyncadd.s32 $0xFFFFF800  }
0x362: {  	_ =	swait.ge [sflag:s6], $0x800  }
0x363: {  	[sflag:s6] =	ssyncset.done $0x0  }
0x364: {  	[sflag:s6] =	ssyncadd.s32 $0xFFFFF800  }
0x365: {  	_ =	swait.ge [sflag:s6], $0x800  }
0x366: {  	[sflag:s6] =	ssyncset.done $0x0  }
0x367: {  	[sflag:s6] =	ssyncadd.s32 $0xFFFFF800  }
0x368: {  	_ =	swait.ge [sflag:s6], $0x800  }
0x369: {  	[sflag:s6] =	ssyncset.done $0x0  }
0x36a: {  	[sflag:s6] =	ssyncadd.s32 $0xFFFFF800  }
0x36b: {  	_ =	swait.ge [sflag:s6], $0x800  }
0x36c: {  	[sflag:s6] =	ssyncset.done $0x0  }
0x36d: {  	[sflag:s6] =	ssyncadd.s32 $0xFFFFF800  }
0x36e: {  	_ =	swait.ge [sflag:s6], $0x800  }
0x36f: {  	[sflag:s6] =	ssyncset.done $0x0  }
0x370: {  	[sflag:s6] =	ssyncadd.s32 $0xFFFFF800  }
0x371: {  	_ =	swait.ge [sflag:s6], $0x800  }
0x372: {  	[sflag:s6] =	ssyncset.done $0x0  }
0x373: {  	[sflag:s6] =	ssyncadd.s32 $0xFFFFF800  }
0x374: {  	_ =	swait.ge [sflag:s6], $0x800  }
0x375: {  	[sflag:s6] =	ssyncset.done $0x0  }
0x376: {  	[sflag:s6] =	ssyncadd.s32 $0xFFFFF800  }
0x377: {  	_ =	swait.ge [sflag:s6], $0x800  }
0x378: {  	[sflag:s6] =	ssyncset.done $0x0  }
0x379: {  	[sflag:s6] =	ssyncadd.s32 $0xFFFFF800  }
0x37a: {  	_ =	swait.ge [sflag:s6], $0x800  }
0x37b: {  	[sflag:s6] =	ssyncset.done $0x0  }
0x37c: {  	[sflag:s6] =	ssyncadd.s32 $0xFFFFF800  }
0x37d: {  	_ =	swait.ge [sflag:s6], $0x800  }
0x37e: {  	[sflag:s6] =	ssyncset.done $0x0  }
0x37f: {  	[sflag:s6] =	ssyncadd.s32 $0xFFFFF800  }
0x380: {  	_ =	swait.ge [sflag:s6], $0x800  }
0x381: {  	[sflag:s6] =	ssyncset.done $0x0  }
0x382: {  	[sflag:s6] =	ssyncadd.s32 $0xFFFFF800  }
0x383: {  	_ =	swait.ge [sflag:s6], $0x800  }
0x384: {  	[sflag:s6] =	ssyncset.done $0x0  }
0x385: {  	[sflag:s6] =	ssyncadd.s32 $0xFFFFF800  }
0x386: {  	_ =	swait.ge [sflag:s6], $0x800  }
0x387: {  	[sflag:s6] =	ssyncset.done $0x0  }
0x388: {  	[sflag:s6] =	ssyncadd.s32 $0xFFFFF800  }
0x389: {  	_ =	swait.ge [sflag:s6], $0x800  }
0x38a: {  	[sflag:s6] =	ssyncset.done $0x0  }
0x38b: {  	[sflag:s6] =	ssyncadd.s32 $0xFFFFF800  }
0x38c: {  	_ =	swait.ge [sflag:s6], $0x800  }
0x38d: {  	[sflag:s6] =	ssyncset.done $0x0  }
0x38e: {  	[sflag:s6] =	ssyncadd.s32 $0xFFFFF800  }
0x38f: {  	_ =	swait.ge [sflag:s6], $0x800  }
0x390: {  	[sflag:s6] =	ssyncset.done $0x0  }
0x391: {  	[sflag:s6] =	ssyncadd.s32 $0xFFFFF800  }
0x392: {  	_ =	swait.ge [sflag:s6], $0x800  }
0x393: {  	[sflag:s6] =	ssyncset.done $0x0  }
0x394: {  	[sflag:s6] =	ssyncadd.s32 $0xFFFFF800  }
0x395: {  	_ =	swait.ge [sflag:s6], $0x800  }
0x396: {  	[sflag:s6] =	ssyncset.done $0x0  }
0x397: {  	[sflag:s6] =	ssyncadd.s32 $0xFFFFF800  }
0x398: {  	_ =	swait.ge [sflag:s6], $0x800  }
0x399: {  	[sflag:s6] =	ssyncset.done $0x0  }
0x39a: {  	[sflag:s6] =	ssyncadd.s32 $0xFFFFF800  }
0x39b: {  	_ =	swait.ge [sflag:s6], $0x800  }
0x39c: {  	[sflag:s6] =	ssyncset.done $0x0  }
0x39d: {  	[sflag:s6] =	ssyncadd.s32 $0xFFFFF800  }
0x39e: {  	_ =	swait.ge [sflag:s6], $0x800  }
0x39f: {  	[sflag:s6] =	ssyncset.done $0x0  }
0x3a0: {  	[sflag:s6] =	ssyncadd.s32 $0xFFFFF800  }
0x3a1: {  	_ =	swait.ge [sflag:s6], $0x800  }
0x3a2: {  	s3 =	simm.s32 $0x2;
	s13 =	simm.s32 $0x0;
	[sflag:s6] =	ssyncset.done $0x0  }
0x3a3: {  	s0 =	simm.s32 $0xFC50;
	s12 =	rddreg [dreg:$0x6];
	[sflag:s6] =	ssyncadd.s32 $0xFFFFF800  }
0x3a4: {  	[hbm4b:s12+s13] =	stream.linear.scatter [tilespmem:s0], [sflag:$0x2], $0xC000, $0x38;
	[tilespmem:$0x1BC50] =	vst v63  }
0x3a5: {  	_ =	swait.ge [sflag:s3], $0xC000  }
0x3a6: {  	s1 =	sld [smem:$0x7E6]  }
0x3a7: {  	[sflag:s3] =	ssyncset.done $0x0  }
0x3a8: {  	s12 =	sld [smem:$0x7E7];
	[sflag:s3] =	ssyncadd.s32 $0xFFFF4000  }
0x3a9: {  	[tilespmem:s0], [sflag:$0x1] =	stream.indirect.gather [spmem:s2], $0x10, s1, s7, $0xb8;
	[tilespmem:$0x1BC50] =	vst v63  }
0x3aa: {  	s11 =	sld [smem:$0x7E8];
	s1 =	simm.s32 $0x10450  }
0x3ab: {  	[tilespmem:s1], [sflag:$0x1] =	stream.indirect.gather [spmem:s2], $0x10, s12, s7, $0xb8;
	[tilespmem:$0x1BC50] =	vst v63  }
0x3ac: {  	s12 =	sld [smem:$0x7E9];
	s1 =	simm.s32 $0x10C50  }
0x3ad: {  	[tilespmem:s1], [sflag:$0x1] =	stream.indirect.gather [spmem:s2], $0x10, s11, s7, $0xb8;
	[tilespmem:$0x1BC50] =	vst v63  }
0x3ae: {  	s11 =	sld [smem:$0x7EA];
	s1 =	simm.s32 $0x11450  }
0x3af: {  	[tilespmem:s1], [sflag:$0x1] =	stream.indirect.gather [spmem:s2], $0x10, s12, s7, $0xb8;
	[tilespmem:$0x1BC50] =	vst v63  }
0x3b0: {  	s12 =	sld [smem:$0x7EB];
	s1 =	simm.s32 $0x11C50  }
0x3b1: {  	[tilespmem:s1], [sflag:$0x1] =	stream.indirect.gather [spmem:s2], $0x10, s11, s7, $0xb8;
	[tilespmem:$0x1BC50] =	vst v63  }
0x3b2: {  	s11 =	sld [smem:$0x7EC];
	s1 =	simm.s32 $0x12450  }
0x3b3: {  	[tilespmem:s1], [sflag:$0x1] =	stream.indirect.gather [spmem:s2], $0x10, s12, s7, $0xb8;
	[tilespmem:$0x1BC50] =	vst v63  }
0x3b4: {  	s12 =	sld [smem:$0x7ED];
	s1 =	simm.s32 $0x12C50  }
0x3b5: {  	[tilespmem:s1], [sflag:$0x1] =	stream.indirect.gather [spmem:s2], $0x10, s11, s7, $0xb8;
	[tilespmem:$0x1BC50] =	vst v63  }
0x3b6: {  	s11 =	sld [smem:$0x7EE];
	s1 =	simm.s32 $0x13450  }
0x3b7: {  	[tilespmem:s1], [sflag:$0x1] =	stream.indirect.gather [spmem:s2], $0x10, s12, s7, $0xb8;
	[tilespmem:$0x1BC50] =	vst v63  }
0x3b8: {  	s12 =	sld [smem:$0x7EF];
	s1 =	simm.s32 $0x13C50  }
0x3b9: {  	[tilespmem:s1], [sflag:$0x1] =	stream.indirect.gather [spmem:s2], $0x10, s11, s7, $0xb8;
	[tilespmem:$0x1BC50] =	vst v63  }
0x3ba: {  	s11 =	sld [smem:$0x7F0];
	s1 =	simm.s32 $0x14450  }
0x3bb: {  	[tilespmem:s1], [sflag:$0x1] =	stream.indirect.gather [spmem:s2], $0x10, s12, s7, $0xb8;
	[tilespmem:$0x1BC50] =	vst v63  }
0x3bc: {  	s12 =	sld [smem:$0x7F1];
	s1 =	simm.s32 $0x14C50  }
0x3bd: {  	[tilespmem:s1], [sflag:$0x1] =	stream.indirect.gather [spmem:s2], $0x10, s11, s7, $0xb8;
	[tilespmem:$0x1BC50] =	vst v63  }
0x3be: {  	s11 =	sld [smem:$0x7F2];
	s1 =	simm.s32 $0x15450  }
0x3bf: {  	[tilespmem:s1], [sflag:$0x1] =	stream.indirect.gather [spmem:s2], $0x10, s12, s7, $0xb8;
	[tilespmem:$0x1BC50] =	vst v63  }
0x3c0: {  	s12 =	sld [smem:$0x7F3];
	s1 =	simm.s32 $0x15C50  }
0x3c1: {  	[tilespmem:s1], [sflag:$0x1] =	stream.indirect.gather [spmem:s2], $0x10, s11, s7, $0xb8;
	[tilespmem:$0x1BC50] =	vst v63  }
0x3c2: {  	s11 =	sld [smem:$0x7F4];
	s1 =	simm.s32 $0x16450  }
0x3c3: {  	[tilespmem:s1], [sflag:$0x1] =	stream.indirect.gather [spmem:s2], $0x10, s12, s7, $0xb8;
	[tilespmem:$0x1BC50] =	vst v63  }
0x3c4: {  	s12 =	sld [smem:$0x7F5];
	s1 =	simm.s32 $0x16C50  }
0x3c5: {  	[tilespmem:s1], [sflag:$0x1] =	stream.indirect.gather [spmem:s2], $0x10, s11, s7, $0xb8;
	[tilespmem:$0x1BC50] =	vst v63  }
0x3c6: {  	s11 =	sld [smem:$0x7F6];
	s1 =	simm.s32 $0x17450  }
0x3c7: {  	[tilespmem:s1], [sflag:$0x1] =	stream.indirect.gather [spmem:s2], $0x10, s12, s7, $0xb8;
	[tilespmem:$0x1BC50] =	vst v63  }
0x3c8: {  	s12 =	sld [smem:$0x7F7];
	s1 =	simm.s32 $0x17C50  }
0x3c9: {  	[tilespmem:s1], [sflag:$0x1] =	stream.indirect.gather [spmem:s2], $0x10, s11, s7, $0xb8;
	[tilespmem:$0x1BC50] =	vst v63  }
0x3ca: {  	s11 =	sld [smem:$0x7F8];
	s1 =	simm.s32 $0x18450  }
0x3cb: {  	[tilespmem:s1], [sflag:$0x1] =	stream.indirect.gather [spmem:s2], $0x10, s12, s7, $0xb8;
	[tilespmem:$0x1BC50] =	vst v63  }
0x3cc: {  	s12 =	sld [smem:$0x7F9];
	s1 =	simm.s32 $0x18C50  }
0x3cd: {  	[tilespmem:s1], [sflag:$0x1] =	stream.indirect.gather [spmem:s2], $0x10, s11, s7, $0xb8;
	[tilespmem:$0x1BC50] =	vst v63  }
0x3ce: {  	s11 =	sld [smem:$0x7FA];
	s1 =	simm.s32 $0x19450  }
0x3cf: {  	[tilespmem:s1], [sflag:$0x1] =	stream.indirect.gather [spmem:s2], $0x10, s12, s7, $0xb8;
	[tilespmem:$0x1BC50] =	vst v63  }
0x3d0: {  	s12 =	sld [smem:$0x7FB];
	s1 =	simm.s32 $0x19C50  }
0x3d1: {  	[tilespmem:s1], [sflag:$0x1] =	stream.indirect.gather [spmem:s2], $0x10, s11, s7, $0xb8;
	[tilespmem:$0x1BC50] =	vst v63  }
0x3d2: {  	s11 =	sld [smem:$0x7FC];
	s1 =	simm.s32 $0x1A450  }
0x3d3: {  	[tilespmem:s1], [sflag:$0x1] =	stream.indirect.gather [spmem:s2], $0x10, s12, s7, $0xb8;
	[tilespmem:$0x1BC50] =	vst v63  }
0x3d4: {  	s12 =	sld [smem:$0x7FD];
	s1 =	simm.s32 $0x1AC50  }
0x3d5: {  	[tilespmem:s1], [sflag:$0x1] =	stream.indirect.gather [spmem:s2], $0x10, s11, s7, $0xb8;
	[tilespmem:$0x1BC50] =	vst v63  }
0x3d6: {  	s11 =	simm.s32 $0x1B450  }
0x3d7: {  	[tilespmem:s11], [sflag:$0x1] =	stream.indirect.gather [spmem:s2], $0x10, s12, s7, $0xb8;
	[tilespmem:$0x1BC50] =	vst v63  }
0x3d8: {  	_ =	swait.ge [sflag:s6], $0x800  }
0x3d9: {  	[sflag:s6] =	ssyncset.done $0x0  }
0x3da: {  	[sflag:s6] =	ssyncadd.s32 $0xFFFFF800  }
0x3db: {  	_ =	swait.ge [sflag:s6], $0x800  }
0x3dc: {  	[sflag:s6] =	ssyncset.done $0x0  }
0x3dd: {  	[sflag:s6] =	ssyncadd.s32 $0xFFFFF800  }
0x3de: {  	_ =	swait.ge [sflag:s6], $0x800  }
0x3df: {  	[sflag:s6] =	ssyncset.done $0x0  }
0x3e0: {  	[sflag:s6] =	ssyncadd.s32 $0xFFFFF800  }
0x3e1: {  	_ =	swait.ge [sflag:s6], $0x800  }
0x3e2: {  	[sflag:s6] =	ssyncset.done $0x0  }
0x3e3: {  	[sflag:s6] =	ssyncadd.s32 $0xFFFFF800  }
0x3e4: {  	_ =	swait.ge [sflag:s6], $0x800  }
0x3e5: {  	[sflag:s6] =	ssyncset.done $0x0  }
0x3e6: {  	[sflag:s6] =	ssyncadd.s32 $0xFFFFF800  }
0x3e7: {  	_ =	swait.ge [sflag:s6], $0x800  }
0x3e8: {  	[sflag:s6] =	ssyncset.done $0x0  }
0x3e9: {  	[sflag:s6] =	ssyncadd.s32 $0xFFFFF800  }
0x3ea: {  	_ =	swait.ge [sflag:s6], $0x800  }
0x3eb: {  	[sflag:s6] =	ssyncset.done $0x0  }
0x3ec: {  	[sflag:s6] =	ssyncadd.s32 $0xFFFFF800  }
0x3ed: {  	_ =	swait.ge [sflag:s6], $0x800  }
0x3ee: {  	[sflag:s6] =	ssyncset.done $0x0  }
0x3ef: {  	[sflag:s6] =	ssyncadd.s32 $0xFFFFF800  }
0x3f0: {  	_ =	swait.ge [sflag:s6], $0x800  }
0x3f1: {  	[sflag:s6] =	ssyncset.done $0x0  }
0x3f2: {  	[sflag:s6] =	ssyncadd.s32 $0xFFFFF800  }
0x3f3: {  	_ =	swait.ge [sflag:s6], $0x800  }
0x3f4: {  	[sflag:s6] =	ssyncset.done $0x0  }
0x3f5: {  	[sflag:s6] =	ssyncadd.s32 $0xFFFFF800  }
0x3f6: {  	_ =	swait.ge [sflag:s6], $0x800  }
0x3f7: {  	[sflag:s6] =	ssyncset.done $0x0  }
0x3f8: {  	[sflag:s6] =	ssyncadd.s32 $0xFFFFF800  }
0x3f9: {  	_ =	swait.ge [sflag:s6], $0x800  }
0x3fa: {  	[sflag:s6] =	ssyncset.done $0x0  }
0x3fb: {  	[sflag:s6] =	ssyncadd.s32 $0xFFFFF800  }
0x3fc: {  	_ =	swait.ge [sflag:s6], $0x800  }
0x3fd: {  	[sflag:s6] =	ssyncset.done $0x0  }
0x3fe: {  	[sflag:s6] =	ssyncadd.s32 $0xFFFFF800  }
0x3ff: {  	_ =	swait.ge [sflag:s6], $0x800  }
0x400: {  	[sflag:s6] =	ssyncset.done $0x0  }
0x401: {  	[sflag:s6] =	ssyncadd.s32 $0xFFFFF800  }
0x402: {  	_ =	swait.ge [sflag:s6], $0x800  }
0x403: {  	[sflag:s6] =	ssyncset.done $0x0  }
0x404: {  	[sflag:s6] =	ssyncadd.s32 $0xFFFFF800  }
0x405: {  	_ =	swait.ge [sflag:s6], $0x800  }
0x406: {  	[sflag:s6] =	ssyncset.done $0x0  }
0x407: {  	[sflag:s6] =	ssyncadd.s32 $0xFFFFF800  }
0x408: {  	_ =	swait.ge [sflag:s6], $0x800  }
0x409: {  	[sflag:s6] =	ssyncset.done $0x0  }
0x40a: {  	[sflag:s6] =	ssyncadd.s32 $0xFFFFF800  }
0x40b: {  	_ =	swait.ge [sflag:s6], $0x800  }
0x40c: {  	[sflag:s6] =	ssyncset.done $0x0  }
0x40d: {  	[sflag:s6] =	ssyncadd.s32 $0xFFFFF800  }
0x40e: {  	_ =	swait.ge [sflag:s6], $0x800  }
0x40f: {  	[sflag:s6] =	ssyncset.done $0x0  }
0x410: {  	[sflag:s6] =	ssyncadd.s32 $0xFFFFF800  }
0x411: {  	_ =	swait.ge [sflag:s6], $0x800  }
0x412: {  	[sflag:s6] =	ssyncset.done $0x0  }
0x413: {  	[sflag:s6] =	ssyncadd.s32 $0xFFFFF800  }
0x414: {  	_ =	swait.ge [sflag:s6], $0x800  }
0x415: {  	[sflag:s6] =	ssyncset.done $0x0  }
0x416: {  	[sflag:s6] =	ssyncadd.s32 $0xFFFFF800  }
0x417: {  	_ =	swait.ge [sflag:s6], $0x800  }
0x418: {  	[sflag:s6] =	ssyncset.done $0x0  }
0x419: {  	[sflag:s6] =	ssyncadd.s32 $0xFFFFF800  }
0x41a: {  	_ =	swait.ge [sflag:s6], $0x800  }
0x41b: {  	[sflag:s6] =	ssyncset.done $0x0  }
0x41c: {  	[sflag:s6] =	ssyncadd.s32 $0xFFFFF800  }
0x41d: {  	_ =	swait.ge [sflag:s6], $0x800  }
0x41e: {  	[sflag:s6] =	ssyncset.done $0x0  }
0x41f: {  	s5 =	simm.s32 $0x3C50;
	s1 =	rddreg [dreg:$0x7];
	[sflag:s6] =	ssyncadd.s32 $0xFFFFF800  }
0x420: {  	[hbm4b:s1+s13] =	stream.linear.scatter [tilespmem:s5], [sflag:$0x2], $0xC000, $0x38;
	[tilespmem:$0x1BC50] =	vst v63  }
0x421: {  	_ =	swait.ge [sflag:s3], $0xC000  }
0x422: {  	[sflag:s3] =	ssyncset.done $0x0  }
0x423: {  	[sflag:s3] =	ssyncadd.s32 $0xFFFF4000  }
0x424: {  	_ =	swait.ge [sflag:s6], $0x800  }
0x425: {  	[sflag:s6] =	ssyncset.done $0x0  }
0x426: {  	[sflag:s6] =	ssyncadd.s32 $0xFFFFF800  }
0x427: {  	_ =	swait.ge [sflag:s6], $0x800  }
0x428: {  	[sflag:s6] =	ssyncset.done $0x0  }
0x429: {  	[sflag:s6] =	ssyncadd.s32 $0xFFFFF800  }
0x42a: {  	_ =	swait.ge [sflag:s6], $0x800  }
0x42b: {  	[sflag:s6] =	ssyncset.done $0x0  }
0x42c: {  	[sflag:s6] =	ssyncadd.s32 $0xFFFFF800  }
0x42d: {  	_ =	swait.ge [sflag:s6], $0x800  }
0x42e: {  	[sflag:s6] =	ssyncset.done $0x0  }
0x42f: {  	[sflag:s6] =	ssyncadd.s32 $0xFFFFF800  }
0x430: {  	_ =	swait.ge [sflag:s6], $0x800  }
0x431: {  	[sflag:s6] =	ssyncset.done $0x0  }
0x432: {  	[sflag:s6] =	ssyncadd.s32 $0xFFFFF800  }
0x433: {  	_ =	swait.ge [sflag:s6], $0x800  }
0x434: {  	[sflag:s6] =	ssyncset.done $0x0  }
0x435: {  	[sflag:s6] =	ssyncadd.s32 $0xFFFFF800  }
0x436: {  	_ =	swait.ge [sflag:s6], $0x800  }
0x437: {  	[sflag:s6] =	ssyncset.done $0x0  }
0x438: {  	[sflag:s6] =	ssyncadd.s32 $0xFFFFF800  }
0x439: {  	_ =	swait.ge [sflag:s6], $0x800  }
0x43a: {  	[sflag:s6] =	ssyncset.done $0x0  }
0x43b: {  	[sflag:s6] =	ssyncadd.s32 $0xFFFFF800  }
0x43c: {  	_ =	swait.ge [sflag:s6], $0x800  }
0x43d: {  	[sflag:s6] =	ssyncset.done $0x0  }
0x43e: {  	[sflag:s6] =	ssyncadd.s32 $0xFFFFF800  }
0x43f: {  	_ =	swait.ge [sflag:s6], $0x800  }
0x440: {  	[sflag:s6] =	ssyncset.done $0x0  }
0x441: {  	[sflag:s6] =	ssyncadd.s32 $0xFFFFF800  }
0x442: {  	_ =	swait.ge [sflag:s6], $0x800  }
0x443: {  	[sflag:s6] =	ssyncset.done $0x0  }
0x444: {  	[sflag:s6] =	ssyncadd.s32 $0xFFFFF800  }
0x445: {  	_ =	swait.ge [sflag:s6], $0x800  }
0x446: {  	[sflag:s6] =	ssyncset.done $0x0  }
0x447: {  	[sflag:s6] =	ssyncadd.s32 $0xFFFFF800  }
0x448: {  	_ =	swait.ge [sflag:s6], $0x800  }
0x449: {  	[sflag:s6] =	ssyncset.done $0x0  }
0x44a: {  	[sflag:s6] =	ssyncadd.s32 $0xFFFFF800  }
0x44b: {  	_ =	swait.ge [sflag:s6], $0x800  }
0x44c: {  	[sflag:s6] =	ssyncset.done $0x0  }
0x44d: {  	[sflag:s6] =	ssyncadd.s32 $0xFFFFF800  }
0x44e: {  	_ =	swait.ge [sflag:s6], $0x800  }
0x44f: {  	[sflag:s6] =	ssyncset.done $0x0  }
0x450: {  	[sflag:s6] =	ssyncadd.s32 $0xFFFFF800  }
0x451: {  	_ =	swait.ge [sflag:s6], $0x800  }
0x452: {  	[sflag:s6] =	ssyncset.done $0x0  }
0x453: {  	[sflag:s6] =	ssyncadd.s32 $0xFFFFF800  }
0x454: {  	_ =	swait.ge [sflag:s6], $0x800  }
0x455: {  	[sflag:s6] =	ssyncset.done $0x0  }
0x456: {  	[sflag:s6] =	ssyncadd.s32 $0xFFFFF800  }
0x457: {  	_ =	swait.ge [sflag:s6], $0x800  }
0x458: {  	[sflag:s6] =	ssyncset.done $0x0  }
0x459: {  	[sflag:s6] =	ssyncadd.s32 $0xFFFFF800  }
0x45a: {  	_ =	swait.ge [sflag:s6], $0x800  }
0x45b: {  	[sflag:s6] =	ssyncset.done $0x0  }
0x45c: {  	[sflag:s6] =	ssyncadd.s32 $0xFFFFF800  }
0x45d: {  	_ =	swait.ge [sflag:s6], $0x800  }
0x45e: {  	[sflag:s6] =	ssyncset.done $0x0  }
0x45f: {  	[sflag:s6] =	ssyncadd.s32 $0xFFFFF800  }
0x460: {  	_ =	swait.ge [sflag:s6], $0x800  }
0x461: {  	[sflag:s6] =	ssyncset.done $0x0  }
0x462: {  	[sflag:s6] =	ssyncadd.s32 $0xFFFFF800  }
0x463: {  	_ =	swait.ge [sflag:s6], $0x800  }
0x464: {  	[sflag:s6] =	ssyncset.done $0x0  }
0x465: {  	[sflag:s6] =	ssyncadd.s32 $0xFFFFF800  }
0x466: {  	_ =	swait.ge [sflag:s6], $0x800  }
0x467: {  	[sflag:s6] =	ssyncset.done $0x0  }
0x468: {  	s10 =	sadd.s32 $0xFFFFFFFF, s10;
	[sflag:s6] =	ssyncadd.s32 $0xFFFFF800  }
0x469: {  	p2 =	sne.s32 s10, $0x0;
	_ =	swait.ge [sflag:s6], $0x800  }
.Ltmp2:
0x46a: {  	[sflag:s6] =	ssyncset.done $0x0;
	(pc) =	sbr.rel @p2 .LBB2_4-.Ltmp2, $4  }
0x46b: {  	s0 =	simm.s32 $0xFC50;
	s12 =	rddreg [dreg:$0x8];
	[sflag:s6] =	ssyncadd.s32 $0xFFFFF800  }
0x46c: {  	[hbm4b:s12+s13] =	stream.linear.scatter [tilespmem:s0], [sflag:$0x2], $0xC000, $0x38;
	[tilespmem:$0x1BC50] =	vst v63  }
0x46d: {  	_ =	swait.ge [sflag:s3], $0xC000  }
0x46e: {  	s11 =	rddreg [dreg:$0x4];
	[sflag:s3] =	ssyncset.done $0x0  }
0x46f: {  	s14 =	sld [smem:$0x7B5];
	s12 =	simm.s32 $0x1AC50  }
0x470: {  	s1 =	simm.s32 $0x1B450;
	s15 =	simm.s32 $0x1A450;
	s16 =	simm.s32 $0x19C50  }
0x471: {  	s17 =	simm.s32 $0x19450;
	s18 =	simm.s32 $0x18C50;
	s19 =	simm.s32 $0x18450  }
0x472: {  	s20 =	simm.s32 $0x17C50;
	s21 =	simm.s32 $0x17450;
	s22 =	simm.s32 $0x16C50  }
0x473: {  	s23 =	simm.s32 $0x16450;
	s24 =	simm.s32 $0x15C50;
	s25 =	simm.s32 $0x15450  }
0x474: {  	s26 =	simm.s32 $0x14C50;
	s28 =	simm.s32 $0x14450;
	s29 =	simm.s32 $0x13C50  }
0x475: {  	s30 =	simm.s32 $0x13450;
	s31 =	simm.s32 $0x12C50;
	s10 =	simm.s32 $0x10C50  }
.LBB2_6:
0x476: {  	[sflag:s3] =	ssyncadd.s32 @p1 $0xFFFF4000;
	s8 =	simm.s32 @!p0 $0x0;
	s9 =	simm.s32 @!p0 $0x2  }
0x477: {  	[tilespmem:s8], [sflag:$0x2] =	stream.linear.gather @!p0 [hbm4b:s11+s8], $0xB90, $0x38;
	[tilespmem:$0x1BC50] =	vst v63  }
0x478: {  	_ =	swait.ge @!p0 [sflag:s9], $0xB90  }
0x479: {  	[sflag:s9] =	ssyncset.done @!p0 $0x0  }
0x47a: {  	[sflag:s9] =	ssyncadd.s32 @!p0 $0xFFFFF470  }
0x47b: {  	[spmem:s2] =	stream.linear.scatter @!p0 [tilespmem:s8], [sflag:$0x2], $0xB90, $0x38;
	[tilespmem:$0x1BC50] =	vst v63  }
0x47c: {  	_ =	swait.ge @!p0 [sflag:s9], $0xB90  }
0x47d: {  	[sflag:s9] =	ssyncset.done @!p0 $0x0  }
0x47e: {  	[sflag:s9] =	ssyncadd.s32 @!p0 $0xFFFFF470  }
0x47f: {  	[bflag:$0x0] =	sbarrier.arrive $0xFFFF  }
0x480: {  	s0 =	simm.s32 $0xC50;
	s4 =	rddreg [dreg:$0x5]  }
0x481: {  	[tilespmem:s0], [sflag:$0x2] =	stream.linear.gather [hbm4b:s4+s13], $0x3000, $0x38;
	[tilespmem:$0x1BC50] =	vst v63  }
0x482: {  	_ =	swait.ge [sflag:s3], $0x3000  }
0x483: {  	[sflag:s3] =	ssyncset.done $0x0  }
0x484: {  	s9 =	rddreg [dreg:$0x9];
	[sflag:s3] =	ssyncadd.s32 $0xFFFFD000  }
0x485: {  	[tilespmem:s5], [sflag:$0x1] =	stream.indirect.gather [spmem:s2], $0x10, s0, s7, $0xb8;
	[tilespmem:$0x1BC50] =	vst v63  }
0x486: {  	s4 =	simm.s32 $0x4450;
	s11 =	rddreg [dreg:$0xa]  }
0x487: {  	[tilespmem:s4], [sflag:$0x1] =	stream.indirect.gather [spmem:s2], $0x10, s9, s7, $0xb8;
	[tilespmem:$0x1BC50] =	vst v63  }
0x488: {  	s8 =	rddreg [dreg:$0xb];
	s9 =	simm.s32 $0x4C50  }
0x489: {  	[tilespmem:s9], [sflag:$0x1] =	stream.indirect.gather [spmem:s2], $0x10, s11, s7, $0xb8;
	[tilespmem:$0x1BC50] =	vst v63  }
0x48a: {  	s0 =	rddreg [dreg:$0xc];
	s11 =	simm.s32 $0x5450  }
0x48b: {  	[tilespmem:s11], [sflag:$0x1] =	stream.indirect.gather [spmem:s2], $0x10, s8, s7, $0xb8;
	[tilespmem:$0x1BC50] =	vst v63  }
0x48c: {  	s9 =	simm.s32 $0x5C50;
	s8 =	rddreg [dreg:$0xd]  }
0x48d: {  	[tilespmem:s9], [sflag:$0x1] =	stream.indirect.gather [spmem:s2], $0x10, s0, s7, $0xb8;
	[tilespmem:$0x1BC50] =	vst v63  }
0x48e: {  	s11 =	simm.s32 $0x6450;
	s0 =	rddreg [dreg:$0xe]  }
0x48f: {  	[tilespmem:s11], [sflag:$0x1] =	stream.indirect.gather [spmem:s2], $0x10, s8, s7, $0xb8;
	[tilespmem:$0x1BC50] =	vst v63  }
0x490: {  	s9 =	simm.s32 $0x6C50;
	s8 =	rddreg [dreg:$0xf]  }
0x491: {  	[tilespmem:s9], [sflag:$0x1] =	stream.indirect.gather [spmem:s2], $0x10, s0, s7, $0xb8;
	[tilespmem:$0x1BC50] =	vst v63  }
0x492: {  	s11 =	simm.s32 $0x7450;
	s0 =	rddreg [dreg:$0x10]  }
0x493: {  	[tilespmem:s11], [sflag:$0x1] =	stream.indirect.gather [spmem:s2], $0x10, s8, s7, $0xb8;
	[tilespmem:$0x1BC50] =	vst v63  }
0x494: {  	s9 =	simm.s32 $0x7C50;
	s8 =	rddreg [dreg:$0x11]  }
0x495: {  	[tilespmem:s9], [sflag:$0x1] =	stream.indirect.gather [spmem:s2], $0x10, s0, s7, $0xb8;
	[tilespmem:$0x1BC50] =	vst v63  }
0x496: {  	s11 =	simm.s32 $0x8450;
	s0 =	rddreg [dreg:$0x12]  }
0x497: {  	[tilespmem:s11], [sflag:$0x1] =	stream.indirect.gather [spmem:s2], $0x10, s8, s7, $0xb8;
	[tilespmem:$0x1BC50] =	vst v63  }
0x498: {  	s9 =	simm.s32 $0x8C50;
	s8 =	rddreg [dreg:$0x13]  }
0x499: {  	[tilespmem:s9], [sflag:$0x1] =	stream.indirect.gather [spmem:s2], $0x10, s0, s7, $0xb8;
	[tilespmem:$0x1BC50] =	vst v63  }
0x49a: {  	s11 =	simm.s32 $0x9450;
	s0 =	rddreg [dreg:$0x14]  }
0x49b: {  	[tilespmem:s11], [sflag:$0x1] =	stream.indirect.gather [spmem:s2], $0x10, s8, s7, $0xb8;
	[tilespmem:$0x1BC50] =	vst v63  }
0x49c: {  	s9 =	simm.s32 $0x9C50;
	s8 =	rddreg [dreg:$0x15]  }
0x49d: {  	[tilespmem:s9], [sflag:$0x1] =	stream.indirect.gather [spmem:s2], $0x10, s0, s7, $0xb8;
	[tilespmem:$0x1BC50] =	vst v63  }
0x49e: {  	s11 =	simm.s32 $0xA450;
	s0 =	rddreg [dreg:$0x16]  }
0x49f: {  	[tilespmem:s11], [sflag:$0x1] =	stream.indirect.gather [spmem:s2], $0x10, s8, s7, $0xb8;
	[tilespmem:$0x1BC50] =	vst v63  }
0x4a0: {  	s9 =	simm.s32 $0xAC50;
	s8 =	rddreg [dreg:$0x17]  }
0x4a1: {  	[tilespmem:s9], [sflag:$0x1] =	stream.indirect.gather [spmem:s2], $0x10, s0, s7, $0xb8;
	[tilespmem:$0x1BC50] =	vst v63  }
0x4a2: {  	s11 =	simm.s32 $0xB450;
	s0 =	rddreg [dreg:$0x18]  }
0x4a3: {  	[tilespmem:s11], [sflag:$0x1] =	stream.indirect.gather [spmem:s2], $0x10, s8, s7, $0xb8;
	[tilespmem:$0x1BC50] =	vst v63  }
0x4a4: {  	s9 =	simm.s32 $0xBC50;
	s8 =	rddreg [dreg:$0x19]  }
0x4a5: {  	[tilespmem:s9], [sflag:$0x1] =	stream.indirect.gather [spmem:s2], $0x10, s0, s7, $0xb8;
	[tilespmem:$0x1BC50] =	vst v63  }
0x4a6: {  	s11 =	rddreg [dreg:$0x1a];
	s9 =	simm.s32 $0xC450  }
0x4a7: {  	[tilespmem:s9], [sflag:$0x1] =	stream.indirect.gather [spmem:s2], $0x10, s8, s7, $0xb8;
	[tilespmem:$0x1BC50] =	vst v63  }
0x4a8: {  	s4 =	simm.s32 $0xCC50;
	s0 =	rddreg [dreg:$0x1c]  }
0x4a9: {  	[tilespmem:s4], [sflag:$0x1] =	stream.indirect.gather [spmem:s2], $0x10, s11, s7, $0xb8;
	[tilespmem:$0x1BC50] =	vst v63  }
0x4aa: {  	s8 =	rddreg [dreg:$0x1b];
	s11 =	simm.s32 $0xD450  }
0x4ab: {  	[tilespmem:s11], [sflag:$0x1] =	stream.indirect.gather [spmem:s2], $0x10, s8, s7, $0xb8;
	[tilespmem:$0x1BC50] =	vst v63  }
0x4ac: {  	s8 =	rddreg [dreg:$0x1d];
	s11 =	simm.s32 $0xDC50  }
0x4ad: {  	[tilespmem:s11], [sflag:$0x1] =	stream.indirect.gather [spmem:s2], $0x10, s0, s7, $0xb8;
	[tilespmem:$0x1BC50] =	vst v63  }
0x4ae: {  	s0 =	rddreg [dreg:$0x1e];
	s11 =	simm.s32 $0xE450  }
0x4af: {  	[tilespmem:s11], [sflag:$0x1] =	stream.indirect.gather [spmem:s2], $0x10, s8, s7, $0xb8;
	[tilespmem:$0x1BC50] =	vst v63  }
0x4b0: {  	s8 =	rddreg [dreg:$0x1f];
	s11 =	simm.s32 $0xEC50  }
0x4b1: {  	[tilespmem:s11], [sflag:$0x1] =	stream.indirect.gather [spmem:s2], $0x10, s0, s7, $0xb8;
	[tilespmem:$0x1BC50] =	vst v63  }
0x4b2: {  	s0 =	sld [smem:$0x7B6];
	s11 =	simm.s32 $0xF450  }
0x4b3: {  	[tilespmem:s11], [sflag:$0x1] =	stream.indirect.gather [spmem:s2], $0x10, s8, s7, $0xb8;
	[tilespmem:$0x1BC50] =	vst v63  }
0x4b4: {  	s8 =	sld [smem:$0x7B7];
	s11 =	simm.s32 $0xFC50  }
0x4b5: {  	[tilespmem:s11], [sflag:$0x1] =	stream.indirect.gather [spmem:s2], $0x10, s0, s7, $0xb8;
	[tilespmem:$0x1BC50] =	vst v63  }
0x4b6: {  	s0 =	sld [smem:$0x7B8];
	s11 =	simm.s32 $0x10450  }
0x4b7: {  	[tilespmem:s11], [sflag:$0x1] =	stream.indirect.gather [spmem:s2], $0x10, s8, s7, $0xb8;
	[tilespmem:$0x1BC50] =	vst v63  }
0x4b8: {  	s11 =	sld [smem:$0x7B9]  }
0x4b9: {  	[tilespmem:s10], [sflag:$0x1] =	stream.indirect.gather [spmem:s2], $0x10, s0, s7, $0xb8;
	[tilespmem:$0x1BC50] =	vst v63  }
0x4ba: {  	s0 =	sld [smem:$0x7BA];
	s10 =	simm.s32 $0x11450  }
0x4bb: {  	[tilespmem:s10], [sflag:$0x1] =	stream.indirect.gather [spmem:s2], $0x10, s11, s7, $0xb8;
	[tilespmem:$0x1BC50] =	vst v63  }
0x4bc: {  	s8 =	sld [smem:$0x7BB];
	s11 =	simm.s32 $0x11C50  }
0x4bd: {  	[tilespmem:s11], [sflag:$0x1] =	stream.indirect.gather [spmem:s2], $0x10, s0, s7, $0xb8;
	[tilespmem:$0x1BC50] =	vst v63  }
0x4be: {  	s0 =	sld [smem:$0x7BC];
	s11 =	simm.s32 $0x12450  }
0x4bf: {  	[tilespmem:s11], [sflag:$0x1] =	stream.indirect.gather [spmem:s2], $0x10, s8, s7, $0xb8;
	[tilespmem:$0x1BC50] =	vst v63  }
0x4c0: {  	s8 =	sld [smem:$0x7BD]  }
0x4c1: {  	[tilespmem:s31], [sflag:$0x1] =	stream.indirect.gather [spmem:s2], $0x10, s0, s7, $0xb8;
	[tilespmem:$0x1BC50] =	vst v63  }
0x4c2: {  	s0 =	sld [smem:$0x7BE]  }
0x4c3: {  	[tilespmem:s30], [sflag:$0x1] =	stream.indirect.gather [spmem:s2], $0x10, s8, s7, $0xb8;
	[tilespmem:$0x1BC50] =	vst v63  }
0x4c4: {  	s8 =	sld [smem:$0x7BF]  }
0x4c5: {  	[tilespmem:s29], [sflag:$0x1] =	stream.indirect.gather [spmem:s2], $0x10, s0, s7, $0xb8;
	[tilespmem:$0x1BC50] =	vst v63  }
0x4c6: {  	s0 =	sld [smem:$0x7C0]  }
0x4c7: {  	[tilespmem:s28], [sflag:$0x1] =	stream.indirect.gather [spmem:s2], $0x10, s8, s7, $0xb8;
	[tilespmem:$0x1BC50] =	vst v63  }
0x4c8: {  	s8 =	sld [smem:$0x7C1]  }
0x4c9: {  	[tilespmem:s26], [sflag:$0x1] =	stream.indirect.gather [spmem:s2], $0x10, s0, s7, $0xb8;
	[tilespmem:$0x1BC50] =	vst v63  }
0x4ca: {  	s0 =	sld [smem:$0x7C2]  }
0x4cb: {  	[tilespmem:s25], [sflag:$0x1] =	stream.indirect.gather [spmem:s2], $0x10, s8, s7, $0xb8;
	[tilespmem:$0x1BC50] =	vst v63  }
0x4cc: {  	s8 =	sld [smem:$0x7C3]  }
0x4cd: {  	[tilespmem:s24], [sflag:$0x1] =	stream.indirect.gather [spmem:s2], $0x10, s0, s7, $0xb8;
	[tilespmem:$0x1BC50] =	vst v63  }
0x4ce: {  	s0 =	sld [smem:$0x7C4]  }
0x4cf: {  	[tilespmem:s23], [sflag:$0x1] =	stream.indirect.gather [spmem:s2], $0x10, s8, s7, $0xb8;
	[tilespmem:$0x1BC50] =	vst v63  }
0x4d0: {  	s8 =	sld [smem:$0x7C5]  }
0x4d1: {  	[tilespmem:s22], [sflag:$0x1] =	stream.indirect.gather [spmem:s2], $0x10, s0, s7, $0xb8;
	[tilespmem:$0x1BC50] =	vst v63  }
0x4d2: {  	s0 =	sld [smem:$0x7C6]  }
0x4d3: {  	[tilespmem:s21], [sflag:$0x1] =	stream.indirect.gather [spmem:s2], $0x10, s8, s7, $0xb8;
	[tilespmem:$0x1BC50] =	vst v63  }
0x4d4: {  	s8 =	sld [smem:$0x7C7]  }
0x4d5: {  	[tilespmem:s20], [sflag:$0x1] =	stream.indirect.gather [spmem:s2], $0x10, s0, s7, $0xb8;
	[tilespmem:$0x1BC50] =	vst v63  }
0x4d6: {  	s0 =	sld [smem:$0x7C8]  }
0x4d7: {  	[tilespmem:s19], [sflag:$0x1] =	stream.indirect.gather [spmem:s2], $0x10, s8, s7, $0xb8;
	[tilespmem:$0x1BC50] =	vst v63  }
0x4d8: {  	s8 =	sld [smem:$0x7C9]  }
0x4d9: {  	[tilespmem:s18], [sflag:$0x1] =	stream.indirect.gather [spmem:s2], $0x10, s0, s7, $0xb8;
	[tilespmem:$0x1BC50] =	vst v63  }
0x4da: {  	s0 =	sld [smem:$0x7CA]  }
0x4db: {  	[tilespmem:s17], [sflag:$0x1] =	stream.indirect.gather [spmem:s2], $0x10, s8, s7, $0xb8;
	[tilespmem:$0x1BC50] =	vst v63  }
0x4dc: {  	s8 =	sld [smem:$0x7CB]  }
0x4dd: {  	[tilespmem:s16], [sflag:$0x1] =	stream.indirect.gather [spmem:s2], $0x10, s0, s7, $0xb8;
	[tilespmem:$0x1BC50] =	vst v63  }
0x4de: {  	s0 =	sld [smem:$0x7CC]  }
0x4df: {  	[tilespmem:s15], [sflag:$0x1] =	stream.indirect.gather [spmem:s2], $0x10, s8, s7, $0xb8;
	[tilespmem:$0x1BC50] =	vst v63  }
0x4e0: {  	s8 =	sld [smem:$0x7CD]  }
0x4e1: {  	[tilespmem:s12], [sflag:$0x1] =	stream.indirect.gather [spmem:s2], $0x10, s0, s7, $0xb8;
	[tilespmem:$0x1BC50] =	vst v63  }
0x4e2: {  	_ = 	snop  }
0x4e3: {  	[tilespmem:s1], [sflag:$0x1] =	stream.indirect.gather [spmem:s2], $0x10, s8, s7, $0xb8;
	[tilespmem:$0x1BC50] =	vst v63  }
0x4e4: {  	_ =	swait.ge [sflag:s6], $0x800  }
0x4e5: {  	[sflag:s6] =	ssyncset.done $0x0  }
0x4e6: {  	[sflag:s6] =	ssyncadd.s32 $0xFFFFF800  }
0x4e7: {  	_ =	swait.ge [sflag:s6], $0x800  }
0x4e8: {  	[sflag:s6] =	ssyncset.done $0x0  }
0x4e9: {  	[sflag:s6] =	ssyncadd.s32 $0xFFFFF800  }
0x4ea: {  	_ =	swait.ge [sflag:s6], $0x800  }
0x4eb: {  	[sflag:s6] =	ssyncset.done $0x0  }
0x4ec: {  	[sflag:s6] =	ssyncadd.s32 $0xFFFFF800  }
0x4ed: {  	_ =	swait.ge [sflag:s6], $0x800  }
0x4ee: {  	[sflag:s6] =	ssyncset.done $0x0  }
0x4ef: {  	[sflag:s6] =	ssyncadd.s32 $0xFFFFF800  }
0x4f0: {  	_ =	swait.ge [sflag:s6], $0x800  }
0x4f1: {  	[sflag:s6] =	ssyncset.done $0x0  }
0x4f2: {  	[sflag:s6] =	ssyncadd.s32 $0xFFFFF800  }
0x4f3: {  	_ =	swait.ge [sflag:s6], $0x800  }
0x4f4: {  	[sflag:s6] =	ssyncset.done $0x0  }
0x4f5: {  	[sflag:s6] =	ssyncadd.s32 $0xFFFFF800  }
0x4f6: {  	_ =	swait.ge [sflag:s6], $0x800  }
0x4f7: {  	[sflag:s6] =	ssyncset.done $0x0  }
0x4f8: {  	[sflag:s6] =	ssyncadd.s32 $0xFFFFF800  }
0x4f9: {  	_ =	swait.ge [sflag:s6], $0x800  }
0x4fa: {  	[sflag:s6] =	ssyncset.done $0x0  }
0x4fb: {  	[sflag:s6] =	ssyncadd.s32 $0xFFFFF800  }
0x4fc: {  	_ =	swait.ge [sflag:s6], $0x800  }
0x4fd: {  	[sflag:s6] =	ssyncset.done $0x0  }
0x4fe: {  	[sflag:s6] =	ssyncadd.s32 $0xFFFFF800  }
0x4ff: {  	_ =	swait.ge [sflag:s6], $0x800  }
0x500: {  	[sflag:s6] =	ssyncset.done $0x0  }
0x501: {  	[sflag:s6] =	ssyncadd.s32 $0xFFFFF800  }
0x502: {  	_ =	swait.ge [sflag:s6], $0x800  }
0x503: {  	[sflag:s6] =	ssyncset.done $0x0  }
0x504: {  	[sflag:s6] =	ssyncadd.s32 $0xFFFFF800  }
0x505: {  	_ =	swait.ge [sflag:s6], $0x800  }
0x506: {  	[sflag:s6] =	ssyncset.done $0x0  }
0x507: {  	[sflag:s6] =	ssyncadd.s32 $0xFFFFF800  }
0x508: {  	_ =	swait.ge [sflag:s6], $0x800  }
0x509: {  	[sflag:s6] =	ssyncset.done $0x0  }
0x50a: {  	[sflag:s6] =	ssyncadd.s32 $0xFFFFF800  }
0x50b: {  	_ =	swait.ge [sflag:s6], $0x800  }
0x50c: {  	[sflag:s6] =	ssyncset.done $0x0  }
0x50d: {  	[sflag:s6] =	ssyncadd.s32 $0xFFFFF800  }
0x50e: {  	_ =	swait.ge [sflag:s6], $0x800  }
0x50f: {  	[sflag:s6] =	ssyncset.done $0x0  }
0x510: {  	[sflag:s6] =	ssyncadd.s32 $0xFFFFF800  }
0x511: {  	_ =	swait.ge [sflag:s6], $0x800  }
0x512: {  	[sflag:s6] =	ssyncset.done $0x0  }
0x513: {  	[sflag:s6] =	ssyncadd.s32 $0xFFFFF800  }
0x514: {  	_ =	swait.ge [sflag:s6], $0x800  }
0x515: {  	[sflag:s6] =	ssyncset.done $0x0  }
0x516: {  	[sflag:s6] =	ssyncadd.s32 $0xFFFFF800  }
0x517: {  	_ =	swait.ge [sflag:s6], $0x800  }
0x518: {  	[sflag:s6] =	ssyncset.done $0x0  }
0x519: {  	[sflag:s6] =	ssyncadd.s32 $0xFFFFF800  }
0x51a: {  	_ =	swait.ge [sflag:s6], $0x800  }
0x51b: {  	[sflag:s6] =	ssyncset.done $0x0  }
0x51c: {  	[sflag:s6] =	ssyncadd.s32 $0xFFFFF800  }
0x51d: {  	_ =	swait.ge [sflag:s6], $0x800  }
0x51e: {  	[sflag:s6] =	ssyncset.done $0x0  }
0x51f: {  	[sflag:s6] =	ssyncadd.s32 $0xFFFFF800  }
0x520: {  	_ =	swait.ge [sflag:s6], $0x800  }
0x521: {  	[sflag:s6] =	ssyncset.done $0x0  }
0x522: {  	[sflag:s6] =	ssyncadd.s32 $0xFFFFF800  }
0x523: {  	_ =	swait.ge [sflag:s6], $0x800  }
0x524: {  	[sflag:s6] =	ssyncset.done $0x0  }
0x525: {  	[sflag:s6] =	ssyncadd.s32 $0xFFFFF800  }
0x526: {  	_ =	swait.ge [sflag:s6], $0x800  }
0x527: {  	[sflag:s6] =	ssyncset.done $0x0  }
0x528: {  	[sflag:s6] =	ssyncadd.s32 $0xFFFFF800  }
0x529: {  	_ =	swait.ge [sflag:s6], $0x800  }
0x52a: {  	[sflag:s6] =	ssyncset.done $0x0  }
0x52b: {  	[sflag:s6] =	ssyncadd.s32 $0xFFFFF800  }
0x52c: {  	[hbm4b:s14+s13] =	stream.linear.scatter [tilespmem:s5], [sflag:$0x2], $0xC000, $0x38;
	[tilespmem:$0x1BC50] =	vst v63  }
0x52d: {  	_ =	swait.ge [sflag:s3], $0xC000  }
0x52e: {  	s14 =	sld [smem:$0x7CE]  }
0x52f: {  	[sflag:s3] =	ssyncset.done $0x0  }
0x530: {  	s8 =	sld [smem:$0x7CF];
	[sflag:s3] =	ssyncadd.s32 $0xFFFF4000  }
0x531: {  	[tilespmem:s5], [sflag:$0x1] =	stream.indirect.gather [spmem:s2], $0x10, s14, s7, $0xb8;
	[tilespmem:$0x1BC50] =	vst v63  }
0x532: {  	s0 =	sld [smem:$0x7D0];
	s14 =	simm.s32 $0x4450  }
0x533: {  	[tilespmem:s14], [sflag:$0x1] =	stream.indirect.gather [spmem:s2], $0x10, s8, s7, $0xb8;
	[tilespmem:$0x1BC50] =	vst v63  }
0x534: {  	s8 =	sld [smem:$0x7D1];
	s14 =	simm.s32 $0x4C50  }
0x535: {  	[tilespmem:s14], [sflag:$0x1] =	stream.indirect.gather [spmem:s2], $0x10, s0, s7, $0xb8;
	[tilespmem:$0x1BC50] =	vst v63  }
0x536: {  	s0 =	sld [smem:$0x7D2];
	s14 =	simm.s32 $0x5450  }
0x537: {  	[tilespmem:s14], [sflag:$0x1] =	stream.indirect.gather [spmem:s2], $0x10, s8, s7, $0xb8;
	[tilespmem:$0x1BC50] =	vst v63  }
0x538: {  	s8 =	sld [smem:$0x7D3];
	s14 =	simm.s32 $0x5C50  }
0x539: {  	[tilespmem:s14], [sflag:$0x1] =	stream.indirect.gather [spmem:s2], $0x10, s0, s7, $0xb8;
	[tilespmem:$0x1BC50] =	vst v63  }
0x53a: {  	s0 =	sld [smem:$0x7D4];
	s14 =	simm.s32 $0x6450  }
0x53b: {  	[tilespmem:s14], [sflag:$0x1] =	stream.indirect.gather [spmem:s2], $0x10, s8, s7, $0xb8;
	[tilespmem:$0x1BC50] =	vst v63  }
0x53c: {  	s8 =	sld [smem:$0x7D5];
	s14 =	simm.s32 $0x6C50  }
0x53d: {  	[tilespmem:s14], [sflag:$0x1] =	stream.indirect.gather [spmem:s2], $0x10, s0, s7, $0xb8;
	[tilespmem:$0x1BC50] =	vst v63  }
0x53e: {  	s0 =	sld [smem:$0x7D6];
	s14 =	simm.s32 $0x7450  }
0x53f: {  	[tilespmem:s14], [sflag:$0x1] =	stream.indirect.gather [spmem:s2], $0x10, s8, s7, $0xb8;
	[tilespmem:$0x1BC50] =	vst v63  }
0x540: {  	s8 =	sld [smem:$0x7D7];
	s14 =	simm.s32 $0x7C50  }
0x541: {  	[tilespmem:s14], [sflag:$0x1] =	stream.indirect.gather [spmem:s2], $0x10, s0, s7, $0xb8;
	[tilespmem:$0x1BC50] =	vst v63  }
0x542: {  	s0 =	sld [smem:$0x7D8];
	s14 =	simm.s32 $0x8450  }
0x543: {  	[tilespmem:s14], [sflag:$0x1] =	stream.indirect.gather [spmem:s2], $0x10, s8, s7, $0xb8;
	[tilespmem:$0x1BC50] =	vst v63  }
0x544: {  	s8 =	sld [smem:$0x7D9];
	s14 =	simm.s32 $0x8C50  }
0x545: {  	[tilespmem:s14], [sflag:$0x1] =	stream.indirect.gather [spmem:s2], $0x10, s0, s7, $0xb8;
	[tilespmem:$0x1BC50] =	vst v63  }
0x546: {  	s0 =	sld [smem:$0x7DA];
	s14 =	simm.s32 $0x9450  }
0x547: {  	[tilespmem:s14], [sflag:$0x1] =	stream.indirect.gather [spmem:s2], $0x10, s8, s7, $0xb8;
	[tilespmem:$0x1BC50] =	vst v63  }
0x548: {  	s8 =	sld [smem:$0x7DB];
	s14 =	simm.s32 $0x9C50  }
0x549: {  	[tilespmem:s14], [sflag:$0x1] =	stream.indirect.gather [spmem:s2], $0x10, s0, s7, $0xb8;
	[tilespmem:$0x1BC50] =	vst v63  }
0x54a: {  	s0 =	sld [smem:$0x7DC];
	s14 =	simm.s32 $0xA450  }
0x54b: {  	[tilespmem:s14], [sflag:$0x1] =	stream.indirect.gather [spmem:s2], $0x10, s8, s7, $0xb8;
	[tilespmem:$0x1BC50] =	vst v63  }
0x54c: {  	s8 =	sld [smem:$0x7DD];
	s14 =	simm.s32 $0xAC50  }
0x54d: {  	[tilespmem:s14], [sflag:$0x1] =	stream.indirect.gather [spmem:s2], $0x10, s0, s7, $0xb8;
	[tilespmem:$0x1BC50] =	vst v63  }
0x54e: {  	s0 =	sld [smem:$0x7DE];
	s14 =	simm.s32 $0xB450  }
0x54f: {  	[tilespmem:s14], [sflag:$0x1] =	stream.indirect.gather [spmem:s2], $0x10, s8, s7, $0xb8;
	[tilespmem:$0x1BC50] =	vst v63  }
0x550: {  	s8 =	sld [smem:$0x7DF];
	s14 =	simm.s32 $0xBC50  }
0x551: {  	[tilespmem:s14], [sflag:$0x1] =	stream.indirect.gather [spmem:s2], $0x10, s0, s7, $0xb8;
	[tilespmem:$0x1BC50] =	vst v63  }
0x552: {  	s14 =	sld [smem:$0x7E0]  }
0x553: {  	[tilespmem:s9], [sflag:$0x1] =	stream.indirect.gather [spmem:s2], $0x10, s8, s7, $0xb8;
	[tilespmem:$0x1BC50] =	vst v63  }
0x554: {  	s9 =	sld [smem:$0x7E1]  }
0x555: {  	[tilespmem:s4], [sflag:$0x1] =	stream.indirect.gather [spmem:s2], $0x10, s14, s7, $0xb8;
	[tilespmem:$0x1BC50] =	vst v63  }
0x556: {  	s0 =	sld [smem:$0x7E2];
	s14 =	simm.s32 $0xD450  }
0x557: {  	[tilespmem:s14], [sflag:$0x1] =	stream.indirect.gather [spmem:s2], $0x10, s9, s7, $0xb8;
	[tilespmem:$0x1BC50] =	vst v63  }
0x558: {  	s8 =	sld [smem:$0x7E3];
	s9 =	simm.s32 $0xDC50  }
0x559: {  	[tilespmem:s9], [sflag:$0x1] =	stream.indirect.gather [spmem:s2], $0x10, s0, s7, $0xb8;
	[tilespmem:$0x1BC50] =	vst v63  }
0x55a: {  	s14 =	simm.s32 $0xE450;
	s0 =	sld [smem:$0x7E4]  }
0x55b: {  	[tilespmem:s14], [sflag:$0x1] =	stream.indirect.gather [spmem:s2], $0x10, s8, s7, $0xb8;
	[tilespmem:$0x1BC50] =	vst v63  }
0x55c: {  	s9 =	sld [smem:$0x7E5];
	s14 =	simm.s32 $0xEC50  }
0x55d: {  	[tilespmem:s14], [sflag:$0x1] =	stream.indirect.gather [spmem:s2], $0x10, s0, s7, $0xb8;
	[tilespmem:$0x1BC50] =	vst v63  }
0x55e: {  	s4 =	simm.s32 $0xF450  }
0x55f: {  	[tilespmem:s4], [sflag:$0x1] =	stream.indirect.gather [spmem:s2], $0x10, s9, s7, $0xb8;
	[tilespmem:$0x1BC50] =	vst v63  }
0x560: {  	_ =	swait.ge [sflag:s6], $0x800  }
0x561: {  	[sflag:s6] =	ssyncset.done $0x0  }
0x562: {  	[sflag:s6] =	ssyncadd.s32 $0xFFFFF800  }
0x563: {  	_ =	swait.ge [sflag:s6], $0x800  }
0x564: {  	[sflag:s6] =	ssyncset.done $0x0  }
0x565: {  	[sflag:s6] =	ssyncadd.s32 $0xFFFFF800  }
0x566: {  	_ =	swait.ge [sflag:s6], $0x800  }
0x567: {  	[sflag:s6] =	ssyncset.done $0x0  }
0x568: {  	[sflag:s6] =	ssyncadd.s32 $0xFFFFF800  }
0x569: {  	_ =	swait.ge [sflag:s6], $0x800  }
0x56a: {  	[sflag:s6] =	ssyncset.done $0x0  }
0x56b: {  	[sflag:s6] =	ssyncadd.s32 $0xFFFFF800  }
0x56c: {  	_ =	swait.ge [sflag:s6], $0x800  }
0x56d: {  	[sflag:s6] =	ssyncset.done $0x0  }
0x56e: {  	[sflag:s6] =	ssyncadd.s32 $0xFFFFF800  }
0x56f: {  	_ =	swait.ge [sflag:s6], $0x800  }
0x570: {  	[sflag:s6] =	ssyncset.done $0x0  }
0x571: {  	[sflag:s6] =	ssyncadd.s32 $0xFFFFF800  }
0x572: {  	_ =	swait.ge [sflag:s6], $0x800  }
0x573: {  	[sflag:s6] =	ssyncset.done $0x0  }
0x574: {  	[sflag:s6] =	ssyncadd.s32 $0xFFFFF800  }
0x575: {  	_ =	swait.ge [sflag:s6], $0x800  }
0x576: {  	[sflag:s6] =	ssyncset.done $0x0  }
0x577: {  	[sflag:s6] =	ssyncadd.s32 $0xFFFFF800  }
0x578: {  	_ =	swait.ge [sflag:s6], $0x800  }
0x579: {  	[sflag:s6] =	ssyncset.done $0x0  }
0x57a: {  	[sflag:s6] =	ssyncadd.s32 $0xFFFFF800  }
0x57b: {  	_ =	swait.ge [sflag:s6], $0x800  }
0x57c: {  	[sflag:s6] =	ssyncset.done $0x0  }
0x57d: {  	[sflag:s6] =	ssyncadd.s32 $0xFFFFF800  }
0x57e: {  	_ =	swait.ge [sflag:s6], $0x800  }
0x57f: {  	[sflag:s6] =	ssyncset.done $0x0  }
0x580: {  	[sflag:s6] =	ssyncadd.s32 $0xFFFFF800  }
0x581: {  	_ =	swait.ge [sflag:s6], $0x800  }
0x582: {  	[sflag:s6] =	ssyncset.done $0x0  }
0x583: {  	[sflag:s6] =	ssyncadd.s32 $0xFFFFF800  }
0x584: {  	_ =	swait.ge [sflag:s6], $0x800  }
0x585: {  	[sflag:s6] =	ssyncset.done $0x0  }
0x586: {  	[sflag:s6] =	ssyncadd.s32 $0xFFFFF800  }
0x587: {  	_ =	swait.ge [sflag:s6], $0x800  }
0x588: {  	[sflag:s6] =	ssyncset.done $0x0  }
0x589: {  	[sflag:s6] =	ssyncadd.s32 $0xFFFFF800  }
0x58a: {  	_ =	swait.ge [sflag:s6], $0x800  }
0x58b: {  	[sflag:s6] =	ssyncset.done $0x0  }
0x58c: {  	[sflag:s6] =	ssyncadd.s32 $0xFFFFF800  }
0x58d: {  	_ =	swait.ge [sflag:s6], $0x800  }
0x58e: {  	[sflag:s6] =	ssyncset.done $0x0  }
0x58f: {  	[sflag:s6] =	ssyncadd.s32 $0xFFFFF800  }
0x590: {  	_ =	swait.ge [sflag:s6], $0x800  }
0x591: {  	[sflag:s6] =	ssyncset.done $0x0  }
0x592: {  	[sflag:s6] =	ssyncadd.s32 $0xFFFFF800  }
0x593: {  	_ =	swait.ge [sflag:s6], $0x800  }
0x594: {  	[sflag:s6] =	ssyncset.done $0x0  }
0x595: {  	[sflag:s6] =	ssyncadd.s32 $0xFFFFF800  }
0x596: {  	_ =	swait.ge [sflag:s6], $0x800  }
0x597: {  	[sflag:s6] =	ssyncset.done $0x0  }
0x598: {  	[sflag:s6] =	ssyncadd.s32 $0xFFFFF800  }
0x599: {  	_ =	swait.ge [sflag:s6], $0x800  }
0x59a: {  	[sflag:s6] =	ssyncset.done $0x0  }
0x59b: {  	[sflag:s6] =	ssyncadd.s32 $0xFFFFF800  }
0x59c: {  	_ =	swait.ge [sflag:s6], $0x800  }
0x59d: {  	[sflag:s6] =	ssyncset.done $0x0  }
0x59e: {  	[sflag:s6] =	ssyncadd.s32 $0xFFFFF800  }
0x59f: {  	_ =	swait.ge [sflag:s6], $0x800  }
0x5a0: {  	[sflag:s6] =	ssyncset.done $0x0  }
0x5a1: {  	[sflag:s6] =	ssyncadd.s32 $0xFFFFF800  }
0x5a2: {  	_ =	swait.ge [sflag:s6], $0x800  }
0x5a3: {  	[sflag:s6] =	ssyncset.done $0x0  }
0x5a4: {  	[sflag:s6] =	ssyncadd.s32 $0xFFFFF800  }
0x5a5: {  	_ =	swait.ge [sflag:s6], $0x800  }
0x5a6: {  	[sflag:s6] =	ssyncset.done $0x0  }
0x5a7: {  	s14 =	simm.s32 $0xFC50;
	s9 =	rddreg [dreg:$0x6];
	[sflag:s6] =	ssyncadd.s32 $0xFFFFF800  }
0x5a8: {  	[hbm4b:s9+s13] =	stream.linear.scatter [tilespmem:s14], [sflag:$0x2], $0xC000, $0x38;
	[tilespmem:$0x1BC50] =	vst v63  }
0x5a9: {  	_ =	swait.ge [sflag:s3], $0xC000  }
0x5aa: {  	s8 =	sld [smem:$0x7E6]  }
0x5ab: {  	[sflag:s3] =	ssyncset.done $0x0  }
0x5ac: {  	s9 =	sld [smem:$0x7E7];
	[sflag:s3] =	ssyncadd.s32 $0xFFFF4000  }
0x5ad: {  	[tilespmem:s14], [sflag:$0x1] =	stream.indirect.gather [spmem:s2], $0x10, s8, s7, $0xb8;
	[tilespmem:$0x1BC50] =	vst v63  }
0x5ae: {  	s0 =	sld [smem:$0x7E8];
	s14 =	simm.s32 $0x10450  }
0x5af: {  	[tilespmem:s14], [sflag:$0x1] =	stream.indirect.gather [spmem:s2], $0x10, s9, s7, $0xb8;
	[tilespmem:$0x1BC50] =	vst v63  }
0x5b0: {  	s8 =	sld [smem:$0x7E9];
	s14 =	simm.s32 $0x10C50  }
0x5b1: {  	[tilespmem:s14], [sflag:$0x1] =	stream.indirect.gather [spmem:s2], $0x10, s0, s7, $0xb8;
	[tilespmem:$0x1BC50] =	vst v63  }
0x5b2: {  	s9 =	sld [smem:$0x7EA]  }
0x5b3: {  	[tilespmem:s10], [sflag:$0x1] =	stream.indirect.gather [spmem:s2], $0x10, s8, s7, $0xb8;
	[tilespmem:$0x1BC50] =	vst v63  }
0x5b4: {  	s14 =	simm.s32 $0x11C50;
	s10 =	sld [smem:$0x7EB]  }
0x5b5: {  	[tilespmem:s14], [sflag:$0x1] =	stream.indirect.gather [spmem:s2], $0x10, s9, s7, $0xb8;
	[tilespmem:$0x1BC50] =	vst v63  }
0x5b6: {  	s9 =	sld [smem:$0x7EC]  }
0x5b7: {  	[tilespmem:s11], [sflag:$0x1] =	stream.indirect.gather [spmem:s2], $0x10, s10, s7, $0xb8;
	[tilespmem:$0x1BC50] =	vst v63  }
0x5b8: {  	s10 =	sld [smem:$0x7ED]  }
0x5b9: {  	[tilespmem:s31], [sflag:$0x1] =	stream.indirect.gather [spmem:s2], $0x10, s9, s7, $0xb8;
	[tilespmem:$0x1BC50] =	vst v63  }
0x5ba: {  	s11 =	sld [smem:$0x7EE]  }
0x5bb: {  	[tilespmem:s30], [sflag:$0x1] =	stream.indirect.gather [spmem:s2], $0x10, s10, s7, $0xb8;
	[tilespmem:$0x1BC50] =	vst v63  }
0x5bc: {  	s14 =	sld [smem:$0x7EF]  }
0x5bd: {  	[tilespmem:s29], [sflag:$0x1] =	stream.indirect.gather [spmem:s2], $0x10, s11, s7, $0xb8;
	[tilespmem:$0x1BC50] =	vst v63  }
0x5be: {  	s29 =	sld [smem:$0x7F0]  }
0x5bf: {  	[tilespmem:s28], [sflag:$0x1] =	stream.indirect.gather [spmem:s2], $0x10, s14, s7, $0xb8;
	[tilespmem:$0x1BC50] =	vst v63  }
0x5c0: {  	s30 =	sld [smem:$0x7F1]  }
0x5c1: {  	[tilespmem:s26], [sflag:$0x1] =	stream.indirect.gather [spmem:s2], $0x10, s29, s7, $0xb8;
	[tilespmem:$0x1BC50] =	vst v63  }
0x5c2: {  	s31 =	sld [smem:$0x7F2]  }
0x5c3: {  	[tilespmem:s25], [sflag:$0x1] =	stream.indirect.gather [spmem:s2], $0x10, s30, s7, $0xb8;
	[tilespmem:$0x1BC50] =	vst v63  }
0x5c4: {  	s9 =	sld [smem:$0x7F3]  }
0x5c5: {  	[tilespmem:s24], [sflag:$0x1] =	stream.indirect.gather [spmem:s2], $0x10, s31, s7, $0xb8;
	[tilespmem:$0x1BC50] =	vst v63  }
0x5c6: {  	s10 =	sld [smem:$0x7F4]  }
0x5c7: {  	[tilespmem:s23], [sflag:$0x1] =	stream.indirect.gather [spmem:s2], $0x10, s9, s7, $0xb8;
	[tilespmem:$0x1BC50] =	vst v63  }
0x5c8: {  	s11 =	sld [smem:$0x7F5]  }
0x5c9: {  	[tilespmem:s22], [sflag:$0x1] =	stream.indirect.gather [spmem:s2], $0x10, s10, s7, $0xb8;
	[tilespmem:$0x1BC50] =	vst v63  }
0x5ca: {  	s14 =	sld [smem:$0x7F6]  }
0x5cb: {  	[tilespmem:s21], [sflag:$0x1] =	stream.indirect.gather [spmem:s2], $0x10, s11, s7, $0xb8;
	[tilespmem:$0x1BC50] =	vst v63  }
0x5cc: {  	s22 =	sld [smem:$0x7F7]  }
0x5cd: {  	[tilespmem:s20], [sflag:$0x1] =	stream.indirect.gather [spmem:s2], $0x10, s14, s7, $0xb8;
	[tilespmem:$0x1BC50] =	vst v63  }
0x5ce: {  	s23 =	sld [smem:$0x7F8]  }
0x5cf: {  	[tilespmem:s19], [sflag:$0x1] =	stream.indirect.gather [spmem:s2], $0x10, s22, s7, $0xb8;
	[tilespmem:$0x1BC50] =	vst v63  }
0x5d0: {  	s24 =	sld [smem:$0x7F9]  }
0x5d1: {  	[tilespmem:s18], [sflag:$0x1] =	stream.indirect.gather [spmem:s2], $0x10, s23, s7, $0xb8;
	[tilespmem:$0x1BC50] =	vst v63  }
0x5d2: {  	s25 =	sld [smem:$0x7FA]  }
0x5d3: {  	[tilespmem:s17], [sflag:$0x1] =	stream.indirect.gather [spmem:s2], $0x10, s24, s7, $0xb8;
	[tilespmem:$0x1BC50] =	vst v63  }
0x5d4: {  	s26 =	sld [smem:$0x7FB]  }
0x5d5: {  	[tilespmem:s16], [sflag:$0x1] =	stream.indirect.gather [spmem:s2], $0x10, s25, s7, $0xb8;
	[tilespmem:$0x1BC50] =	vst v63  }
0x5d6: {  	s28 =	sld [smem:$0x7FC]  }
0x5d7: {  	[tilespmem:s15], [sflag:$0x1] =	stream.indirect.gather [spmem:s2], $0x10, s26, s7, $0xb8;
	[tilespmem:$0x1BC50] =	vst v63  }
0x5d8: {  	s29 =	sld [smem:$0x7FD]  }
0x5d9: {  	[tilespmem:s12], [sflag:$0x1] =	stream.indirect.gather [spmem:s2], $0x10, s28, s7, $0xb8;
	[tilespmem:$0x1BC50] =	vst v63  }
0x5da: {  	_ = 	snop  }
0x5db: {  	[tilespmem:s1], [sflag:$0x1] =	stream.indirect.gather [spmem:s2], $0x10, s29, s7, $0xb8;
	[tilespmem:$0x1BC50] =	vst v63  }
0x5dc: {  	_ =	swait.ge [sflag:s6], $0x800  }
0x5dd: {  	[sflag:s6] =	ssyncset.done $0x0  }
0x5de: {  	[sflag:s6] =	ssyncadd.s32 $0xFFFFF800  }
0x5df: {  	_ =	swait.ge [sflag:s6], $0x800  }
0x5e0: {  	[sflag:s6] =	ssyncset.done $0x0  }
0x5e1: {  	[sflag:s6] =	ssyncadd.s32 $0xFFFFF800  }
0x5e2: {  	_ =	swait.ge [sflag:s6], $0x800  }
0x5e3: {  	[sflag:s6] =	ssyncset.done $0x0  }
0x5e4: {  	[sflag:s6] =	ssyncadd.s32 $0xFFFFF800  }
0x5e5: {  	_ =	swait.ge [sflag:s6], $0x800  }
0x5e6: {  	[sflag:s6] =	ssyncset.done $0x0  }
0x5e7: {  	[sflag:s6] =	ssyncadd.s32 $0xFFFFF800  }
0x5e8: {  	_ =	swait.ge [sflag:s6], $0x800  }
0x5e9: {  	[sflag:s6] =	ssyncset.done $0x0  }
0x5ea: {  	[sflag:s6] =	ssyncadd.s32 $0xFFFFF800  }
0x5eb: {  	_ =	swait.ge [sflag:s6], $0x800  }
0x5ec: {  	[sflag:s6] =	ssyncset.done $0x0  }
0x5ed: {  	[sflag:s6] =	ssyncadd.s32 $0xFFFFF800  }
0x5ee: {  	_ =	swait.ge [sflag:s6], $0x800  }
0x5ef: {  	[sflag:s6] =	ssyncset.done $0x0  }
0x5f0: {  	[sflag:s6] =	ssyncadd.s32 $0xFFFFF800  }
0x5f1: {  	_ =	swait.ge [sflag:s6], $0x800  }
0x5f2: {  	[sflag:s6] =	ssyncset.done $0x0  }
0x5f3: {  	[sflag:s6] =	ssyncadd.s32 $0xFFFFF800  }
0x5f4: {  	_ =	swait.ge [sflag:s6], $0x800  }
0x5f5: {  	[sflag:s6] =	ssyncset.done $0x0  }
0x5f6: {  	[sflag:s6] =	ssyncadd.s32 $0xFFFFF800  }
0x5f7: {  	_ =	swait.ge [sflag:s6], $0x800  }
0x5f8: {  	[sflag:s6] =	ssyncset.done $0x0  }
0x5f9: {  	[sflag:s6] =	ssyncadd.s32 $0xFFFFF800  }
0x5fa: {  	_ =	swait.ge [sflag:s6], $0x800  }
0x5fb: {  	[sflag:s6] =	ssyncset.done $0x0  }
0x5fc: {  	[sflag:s6] =	ssyncadd.s32 $0xFFFFF800  }
0x5fd: {  	_ =	swait.ge [sflag:s6], $0x800  }
0x5fe: {  	[sflag:s6] =	ssyncset.done $0x0  }
0x5ff: {  	[sflag:s6] =	ssyncadd.s32 $0xFFFFF800  }
0x600: {  	_ =	swait.ge [sflag:s6], $0x800  }
0x601: {  	[sflag:s6] =	ssyncset.done $0x0  }
0x602: {  	[sflag:s6] =	ssyncadd.s32 $0xFFFFF800  }
0x603: {  	_ =	swait.ge [sflag:s6], $0x800  }
0x604: {  	[sflag:s6] =	ssyncset.done $0x0  }
0x605: {  	[sflag:s6] =	ssyncadd.s32 $0xFFFFF800  }
0x606: {  	_ =	swait.ge [sflag:s6], $0x800  }
0x607: {  	[sflag:s6] =	ssyncset.done $0x0  }
0x608: {  	[sflag:s6] =	ssyncadd.s32 $0xFFFFF800  }
0x609: {  	_ =	swait.ge [sflag:s6], $0x800  }
0x60a: {  	[sflag:s6] =	ssyncset.done $0x0  }
0x60b: {  	[sflag:s6] =	ssyncadd.s32 $0xFFFFF800  }
0x60c: {  	_ =	swait.ge [sflag:s6], $0x800  }
0x60d: {  	[sflag:s6] =	ssyncset.done $0x0  }
0x60e: {  	[sflag:s6] =	ssyncadd.s32 $0xFFFFF800  }
0x60f: {  	_ =	swait.ge [sflag:s6], $0x800  }
0x610: {  	[sflag:s6] =	ssyncset.done $0x0  }
0x611: {  	[sflag:s6] =	ssyncadd.s32 $0xFFFFF800  }
0x612: {  	_ =	swait.ge [sflag:s6], $0x800  }
0x613: {  	[sflag:s6] =	ssyncset.done $0x0  }
0x614: {  	[sflag:s6] =	ssyncadd.s32 $0xFFFFF800  }
0x615: {  	_ =	swait.ge [sflag:s6], $0x800  }
0x616: {  	[sflag:s6] =	ssyncset.done $0x0  }
0x617: {  	[sflag:s6] =	ssyncadd.s32 $0xFFFFF800  }
0x618: {  	_ =	swait.ge [sflag:s6], $0x800  }
0x619: {  	[sflag:s6] =	ssyncset.done $0x0  }
0x61a: {  	[sflag:s6] =	ssyncadd.s32 $0xFFFFF800  }
0x61b: {  	_ =	swait.ge [sflag:s6], $0x800  }
0x61c: {  	[sflag:s6] =	ssyncset.done $0x0  }
0x61d: {  	[sflag:s6] =	ssyncadd.s32 $0xFFFFF800  }
0x61e: {  	_ =	swait.ge [sflag:s6], $0x800  }
0x61f: {  	[sflag:s6] =	ssyncset.done $0x0  }
0x620: {  	[sflag:s6] =	ssyncadd.s32 $0xFFFFF800  }
0x621: {  	_ =	swait.ge [sflag:s6], $0x800  }
0x622: {  	[sflag:s6] =	ssyncset.done $0x0  }
0x623: {  	s30 =	rddreg [dreg:$0x7];
	[sflag:s6] =	ssyncadd.s32 $0xFFFFF800  }
0x624: {  	[hbm4b:s30+s13] =	stream.linear.scatter [tilespmem:s5], [sflag:$0x2], $0xC000, $0x38;
	[tilespmem:$0x1BC50] =	vst v63  }
0x625: {  	_ =	swait.ge [sflag:s3], $0xC000  }
0x626: {  	[sflag:s3] =	ssyncset.done $0x0  }
0x627: {  	[sflag:s3] =	ssyncadd.s32 $0xFFFF4000  }
0x628: {  	_ =	swait.ge [sflag:s6], $0x800  }
0x629: {  	[sflag:s6] =	ssyncset.done $0x0  }
0x62a: {  	[sflag:s6] =	ssyncadd.s32 $0xFFFFF800  }
0x62b: {  	_ =	swait.ge [sflag:s6], $0x800  }
0x62c: {  	[sflag:s6] =	ssyncset.done $0x0  }
0x62d: {  	[sflag:s6] =	ssyncadd.s32 $0xFFFFF800  }
0x62e: {  	_ =	swait.ge [sflag:s6], $0x800  }
0x62f: {  	[sflag:s6] =	ssyncset.done $0x0  }
0x630: {  	[sflag:s6] =	ssyncadd.s32 $0xFFFFF800  }
0x631: {  	_ =	swait.ge [sflag:s6], $0x800  }
0x632: {  	[sflag:s6] =	ssyncset.done $0x0  }
0x633: {  	[sflag:s6] =	ssyncadd.s32 $0xFFFFF800  }
0x634: {  	_ =	swait.ge [sflag:s6], $0x800  }
0x635: {  	[sflag:s6] =	ssyncset.done $0x0  }
0x636: {  	[sflag:s6] =	ssyncadd.s32 $0xFFFFF800  }
0x637: {  	_ =	swait.ge [sflag:s6], $0x800  }
0x638: {  	[sflag:s6] =	ssyncset.done $0x0  }
0x639: {  	[sflag:s6] =	ssyncadd.s32 $0xFFFFF800  }
0x63a: {  	_ =	swait.ge [sflag:s6], $0x800  }
0x63b: {  	[sflag:s6] =	ssyncset.done $0x0  }
0x63c: {  	[sflag:s6] =	ssyncadd.s32 $0xFFFFF800  }
0x63d: {  	_ =	swait.ge [sflag:s6], $0x800  }
0x63e: {  	[sflag:s6] =	ssyncset.done $0x0  }
0x63f: {  	[sflag:s6] =	ssyncadd.s32 $0xFFFFF800  }
0x640: {  	_ =	swait.ge [sflag:s6], $0x800  }
0x641: {  	[sflag:s6] =	ssyncset.done $0x0  }
0x642: {  	[sflag:s6] =	ssyncadd.s32 $0xFFFFF800  }
0x643: {  	_ =	swait.ge [sflag:s6], $0x800  }
0x644: {  	[sflag:s6] =	ssyncset.done $0x0  }
0x645: {  	[sflag:s6] =	ssyncadd.s32 $0xFFFFF800  }
0x646: {  	_ =	swait.ge [sflag:s6], $0x800  }
0x647: {  	[sflag:s6] =	ssyncset.done $0x0  }
0x648: {  	[sflag:s6] =	ssyncadd.s32 $0xFFFFF800  }
0x649: {  	_ =	swait.ge [sflag:s6], $0x800  }
0x64a: {  	[sflag:s6] =	ssyncset.done $0x0  }
0x64b: {  	[sflag:s6] =	ssyncadd.s32 $0xFFFFF800  }
0x64c: {  	_ =	swait.ge [sflag:s6], $0x800  }
0x64d: {  	[sflag:s6] =	ssyncset.done $0x0  }
0x64e: {  	[sflag:s6] =	ssyncadd.s32 $0xFFFFF800  }
0x64f: {  	_ =	swait.ge [sflag:s6], $0x800  }
0x650: {  	[sflag:s6] =	ssyncset.done $0x0  }
0x651: {  	[sflag:s6] =	ssyncadd.s32 $0xFFFFF800  }
0x652: {  	_ =	swait.ge [sflag:s6], $0x800  }
0x653: {  	[sflag:s6] =	ssyncset.done $0x0  }
0x654: {  	[sflag:s6] =	ssyncadd.s32 $0xFFFFF800  }
0x655: {  	_ =	swait.ge [sflag:s6], $0x800  }
0x656: {  	[sflag:s6] =	ssyncset.done $0x0  }
0x657: {  	[sflag:s6] =	ssyncadd.s32 $0xFFFFF800  }
0x658: {  	_ =	swait.ge [sflag:s6], $0x800  }
0x659: {  	[sflag:s6] =	ssyncset.done $0x0  }
0x65a: {  	[sflag:s6] =	ssyncadd.s32 $0xFFFFF800  }
0x65b: {  	_ =	swait.ge [sflag:s6], $0x800  }
0x65c: {  	[sflag:s6] =	ssyncset.done $0x0  }
0x65d: {  	[sflag:s6] =	ssyncadd.s32 $0xFFFFF800  }
0x65e: {  	_ =	swait.ge [sflag:s6], $0x800  }
0x65f: {  	[sflag:s6] =	ssyncset.done $0x0  }
0x660: {  	[sflag:s6] =	ssyncadd.s32 $0xFFFFF800  }
0x661: {  	_ =	swait.ge [sflag:s6], $0x800  }
0x662: {  	[sflag:s6] =	ssyncset.done $0x0  }
0x663: {  	[sflag:s6] =	ssyncadd.s32 $0xFFFFF800  }
0x664: {  	_ =	swait.ge [sflag:s6], $0x800  }
0x665: {  	[sflag:s6] =	ssyncset.done $0x0  }
0x666: {  	[sflag:s6] =	ssyncadd.s32 $0xFFFFF800  }
0x667: {  	_ =	swait.ge [sflag:s6], $0x800  }
0x668: {  	[sflag:s6] =	ssyncset.done $0x0  }
0x669: {  	[sflag:s6] =	ssyncadd.s32 $0xFFFFF800  }
0x66a: {  	_ =	swait.ge [sflag:s6], $0x800  }
0x66b: {  	[sflag:s6] =	ssyncset.done $0x0  }
0x66c: {  	[sflag:s6] =	ssyncadd.s32 $0xFFFFF800  }
0x66d: {  	_ =	swait.ge [sflag:s6], $0x800  }
0x66e: {  	[sflag:s6] =	ssyncset.done $0x0  }
0x66f: {  	s4 =	simm.s32 $0xFC50;
	s31 =	rddreg [dreg:$0x8];
	[sflag:s6] =	ssyncadd.s32 $0xFFFFF800  }
0x670: {  	[hbm4b:s31+s13] =	stream.linear.scatter [tilespmem:s4], [sflag:$0x2], $0xC000, $0x38;
	[tilespmem:$0x1BC50] =	vst v63  }
0x671: {  	_ =	swait.ge [sflag:s3], $0xC000  }
0x672: {  	[sflag:s3] =	ssyncset.done $0x0  }
0x673: {  	[sflag:s3] =	ssyncadd.s32 $0xFFFF4000  }
0x674: {  	_ =	sfence.sel $0x180000  }
0x675: {  	[bflag:$0x0] =	sbarrier.arrive $0xFFFF  }
0x676: {  	_ =	strace $0x90000047  }
0x677: {  	[bflag:$0x2] =	sbarrier.arrive $0xFFFF  }
0x678: {  	s0 =	rddreg [dreg:$0x3]  }
0x679: {  	s0 =	sadd.s32 @!p0 $0x100000, s0  }
0x67a: {  	[sflag:s0] =	ssyncadd.tile.s32 @!p0 $0x1;
	_ =	shalt  }
.LBB2_1:
.Ltmp3:
0x67b: {  	(pc) =	sbr.rel .LBB2_6-.Ltmp3, $2  }
0x67c: {  	_ =	sdelay $0x2  }
0x67d: {  	s14 =	smov.u32 s8  }
.LBB2_7:
0x67e: {  	s14 =	sld [smem:$0x7B5];
	s12 =	simm.s32 $0x1AC50;
	s1 =	simm.s32 $0x1B450  }
0x67f: {  	s15 =	simm.s32 $0x1A450;
	s16 =	simm.s32 $0x19C50;
	s17 =	simm.s32 $0x19450  }
.Ltmp4:
0x680: {  	s18 =	simm.s32 $0x18C50;
	s19 =	simm.s32 $0x18450;
	(pc) =	sbr.rel .LBB2_6-.Ltmp4, $4  }
0x681: {  	s20 =	simm.s32 $0x17C50;
	s21 =	simm.s32 $0x17450;
	s22 =	simm.s32 $0x16C50  }
0x682: {  	s23 =	simm.s32 $0x16450;
	s24 =	simm.s32 $0x15C50;
	s25 =	simm.s32 $0x15450  }
0x683: {  	s26 =	simm.s32 $0x14C50;
	s28 =	simm.s32 $0x14450;
	s29 =	simm.s32 $0x13C50  }
0x684: {  	s30 =	simm.s32 $0x13450;
	s31 =	simm.s32 $0x12C50;
	s10 =	simm.s32 $0x10C50  }
.Lfunc_end2:
_tile_overlayer_lowered:
.L_overlay_start_2:
0x685: {  	(tag) =	ssettag $0x2  }
0x686: {  	s0 =	rddreg [dreg:$0x0];
	s2 =	stileid.u32  }
0x687: {  	s1 =	rddreg [dreg:$0x1];
	p0 =	sne.s32 s2, $0x0  }
0x688: {  	s3 =	rddreg [dreg:$0x2];
	[bflag:$0x3] =	sbarrier.arrive $0xFFFF;
	s2 =	simm.s32 @!p0 $0x1C02  }
0x689: {  	[timem:s3], [sflag:s2] =	dma.local @!p0 [hbm:s0], s1  }
0x68a: {  	s0 =	simm.s32 @!p0 $0x2  }
0x68b: {  	_ =	swait.ge @!p0 [sflag:s0], s1  }
0x68c: {  	s1 =	ssub.s32 @!p0 $0x0, s1;
	[sflag:s0] =	ssyncset.done @!p0 $0x0  }
0x68d: {  	[sflag:s0] =	ssyncadd.s32 @!p0 s1  }
0x68e: {  	[bflag:$0x3] =	sbarrier.arrive $0xFFFF  }
0x68f: {  	_ =	shalt  }

</sc_bundles>
